<compile_context>
chip_gen: v7x
topology: tpu7x:2x2x1
jax: 0.10.2.dev20260603
libtpu: 0.0.44.dev20260713+nightly
codegen_flags: <defaults>
</compile_context>

<pallas_src>
import functools

import jax
import jax.numpy as jnp
from jax import lax
from jax.experimental import pallas as pl
from jax.experimental.pallas import tpu as pltpu
from jax.experimental.pallas import tpu_sc as plsc

_EPS = 1e-12
_L = 16


def _rsqrt_newton(x_v):
    i = lax.bitcast_convert_type(x_v, jnp.int32)
    i = jnp.int32(0x5F3759DF) - lax.shift_right_logical(i, 1)
    y = lax.bitcast_convert_type(i, jnp.float32)
    half = x_v * 0.5
    y = y * (1.5 - half * y * y)
    return y


def kernel(input_ids, token_type_ids, word_table, pos_table, type_table, ln_gamma, ln_beta):
    B, S = input_ids.shape
    V, D = word_table.shape
    N = B * S
    NJ = D // _L

    ids = input_ids.T.reshape(N).astype(jnp.int32)
    ttf = token_type_ids.T.reshape(N).astype(jnp.int32)

    info = plsc.get_sparse_core_info()
    NW = info.num_cores * info.num_subcores
    TPW = N // NW
    PW = S // NW
    C = 128
    R = 4
    NCHUNK = TPW // C
    CPR = B // C

    mesh = plsc.VectorSubcoreMesh(core_axis_name="c", subcore_axis_name="s")

    @functools.partial(
        pl.kernel,
        out_type=jax.ShapeDtypeStruct((B, S, D), jnp.float32),
        mesh=mesh,
        compiler_params=pltpu.CompilerParams(needs_layout_passes=False),
        scratch_types=[
            pltpu.VMEM((2, D), jnp.float32),
            pltpu.VMEM((D,), jnp.float32),
            pltpu.VMEM((D,), jnp.float32),
            [pltpu.VMEM((C, D), jnp.float32)] * R,
            [pltpu.VMEM((C,), jnp.int32)] * R,
            [pltpu.VMEM((C + _L,), jnp.int32)] * R,
            [pltpu.VMEM((D,), jnp.float32)] * R,
            [pltpu.SemaphoreType.DMA] * R,
            [pltpu.SemaphoreType.DMA] * R,
            [pltpu.SemaphoreType.DMA] * R,
            [pltpu.SemaphoreType.DMA] * R,
            [pltpu.SemaphoreType.DMA] * R,
        ],
    )
    def run(wtab, idsr, ttr, posr, typr, gr, br, out,
            typ_v, g_v, b_v, wbufs, ibufs, tbufs, pbufs,
            gsems, osems, isems, tsems, psems):
        wid = lax.axis_index("s") * info.num_cores + lax.axis_index("c")
        base = wid * TPW
        pbase = wid * PW

        pltpu.sync_copy(typr, typ_v)
        pltpu.sync_copy(gr, g_v)
        pltpu.sync_copy(br, b_v)

        gv = [g_v[pl.ds(_L * j, _L)] for j in range(NJ)]
        bv = [b_v[pl.ds(_L * j, _L)] for j in range(NJ)]

        def issue_idx(c, k):
            tok0 = base + c * C
            p = pbase + lax.div(c, CPR)
            pltpu.async_copy(idsr.at[pl.ds(tok0, C)], ibufs[k], isems[k])
            pltpu.async_copy(ttr.at[pl.ds(tok0, C)], tbufs[k].at[pl.ds(0, C)], tsems[k])
            pltpu.async_copy(posr.at[p], pbufs[k], psems[k])

        def wait_idx(c, k):
            tok0 = base + c * C
            p = pbase + lax.div(c, CPR)
            pltpu.make_async_copy(idsr.at[pl.ds(tok0, C)], ibufs[k], isems[k]).wait()
            pltpu.make_async_copy(ttr.at[pl.ds(tok0, C)], tbufs[k].at[pl.ds(0, C)], tsems[k]).wait()
            pltpu.make_async_copy(posr.at[p], pbufs[k], psems[k]).wait()

        def issue_gather(k):
            pltpu.async_copy(wtab.at[ibufs[k]], wbufs[k], gsems[k])

        def wait_gather(k):
            pltpu.make_async_copy(wtab.at[ibufs[k]], wbufs[k], gsems[k]).wait()

        def out_slice(c):
            b0 = lax.rem(c, CPR) * C
            p = pbase + lax.div(c, CPR)
            return out.at[pl.ds(b0, C), p]

        def issue_out(c, k):
            pltpu.async_copy(wbufs[k], out_slice(c), osems[k])

        def wait_out(c, k):
            pltpu.make_async_copy(wbufs[k], out_slice(c), osems[k]).wait()

        def compute_chunk(c, k):
            w_v = wbufs[k]
            t_v = tbufs[k]
            p_v = pbufs[k]
            pp0 = [p_v[pl.ds(_L * j, _L)] + typ_v[0, pl.ds(_L * j, _L)] for j in range(NJ)]
            pp1 = [p_v[pl.ds(_L * j, _L)] + typ_v[1, pl.ds(_L * j, _L)] for j in range(NJ)]

            @plsc.parallel_loop(0, C, unroll=4)
            def tok_body(t):
                is1 = t_v[pl.ds(t, _L)][0] == 1
                e = [
                    w_v[t, pl.ds(_L * j, _L)]
                    + jnp.where(is1, pp1[j], pp0[j])
                    for j in range(NJ)
                ]
                s = e[0]
                q = e[0] * e[0]
                for j in range(1, NJ):
                    s = s + e[j]
                    q = q + e[j] * e[j]
                mean = jnp.sum(s) * (1.0 / D)
                var = jnp.sum(q) * (1.0 / D) - mean * mean
                mean_v = jnp.full((_L,), mean, jnp.float32)
                var_v = jnp.maximum(jnp.full((_L,), var, jnp.float32), 0.0) + _EPS
                a_v = _rsqrt_newton(var_v)
                for j in range(NJ):
                    w_v[t, pl.ds(_L * j, _L)] = (e[j] - mean_v) * a_v * gv[j] + bv[j]

        issue_idx(0, 0)
        wait_idx(0, 0)
        issue_gather(0)
        issue_idx(1, 1)

        def outer(i, carry):
            for r in range(R):
                c = i * R + r
                kn = (r + 1) % R
                kn2 = (r + 2) % R
                nc = c + 1

                @pl.when(nc < NCHUNK)
                def _():
                    wait_idx(nc, kn)

                    @pl.when(nc >= R)
                    def _():
                        wait_out(nc - R, kn)
                    issue_gather(kn)

                @pl.when(c + 2 < NCHUNK)
                def _():
                    issue_idx(c + 2, kn2)

                wait_gather(r)
                compute_chunk(c, r)
                issue_out(c, r)
            return carry

        lax.fori_loop(0, NCHUNK // R, outer, 0)
        for r in range(R):
            wait_out(NCHUNK - R + r, r)

    return run(word_table, ids, ttf, pos_table, type_table, ln_gamma, ln_beta)

# --- scband reference (transcript-rebuilt; emitter-appended) ---
"""Pipeline reference for scband-albert-embeddings-26456998543742 (READ-ONLY COPY).

The authoritative reference and input builder live on the scoring server;
editing this copy changes nothing except your own understanding.
"""

import jax, jax.numpy as jnp
import numpy as np

VOCAB = 100000
EMB = 128
MAX_POS = 512
TYPE_VOCAB = 2
B, S = 1024, 512
EPS = 1e-12

def setup_inputs(seed: int = 0) -> dict:
    key = jax.random.key(seed)
    k1, k2, k3, k4, k5 = jax.random.split(key, 5)
    input_ids = jax.random.randint(k1, (B, S), 0, VOCAB)
    token_type_ids = jax.random.randint(k2, (B, S), 0, TYPE_VOCAB)
    word_table = jax.random.normal(k3, (VOCAB, EMB), dtype=jnp.float32) * 0.02
    # padding_idx=0 in nn.Embedding -> row 0 is zeros
    word_table = word_table.at[0].set(0.0)
    pos_table = jax.random.normal(k4, (MAX_POS, EMB), dtype=jnp.float32) * 0.02
    type_table = jax.random.normal(k5, (TYPE_VOCAB, EMB), dtype=jnp.float32) * 0.02
    ln_gamma = jnp.ones((EMB,), dtype=jnp.float32)
    ln_beta = jnp.zeros((EMB,), dtype=jnp.float32)
    return {
        'input_ids': input_ids,
        'token_type_ids': token_type_ids,
        'word_table': word_table,
        'pos_table': pos_table,
        'type_table': type_table,
        'ln_gamma': ln_gamma,
        'ln_beta': ln_beta,
    }

def reference(input_ids, token_type_ids, word_table, pos_table, type_table, ln_gamma, ln_beta):
    # AlbertEmbeddings.forward: word + position + token_type embeddings -> LayerNorm -> dropout (identity in eval)
    seq_len = input_ids.shape[1]
    position_ids = jnp.arange(seq_len, dtype=jnp.int32)[None, :]  # broadcast over batch
    words = jnp.take(word_table, input_ids, axis=0)               # gather [B, S, EMB]
    positions = jnp.take(pos_table, position_ids, axis=0)        # [1, S, EMB]
    types = jnp.take(type_table, token_type_ids, axis=0)         # [B, S, EMB]
    emb = words + positions + types
    mean = jnp.mean(emb, axis=-1, keepdims=True)
    var = jnp.mean(jnp.square(emb - mean), axis=-1, keepdims=True)
    normed = (emb - mean) / jnp.sqrt(var + EPS)
    out = normed * ln_gamma + ln_beta
    return out

if __name__ == "__main__":
    import jax
    _d = setup_inputs()
    print(jax.jit(kernel)(*tuple(_d.values())))

</pallas_src>

<mosaic_0001>
#map = affine_map<(d0, d1) -> (0, 0)>
#map1 = affine_map<(d0, d1) -> (0)>
#map2 = affine_map<(d0, d1) -> (0, 0, 0)>
module attributes {stable_mosaic.version = 14 : i64} {
  func.func @run(%arg0: i32, %arg1: i32, %arg2: memref<100000x128xf32, #tpu.memory_space<hbm>>, %arg3: memref<524288xi32, #tpu.memory_space<hbm>>, %arg4: memref<524288xi32, #tpu.memory_space<hbm>>, %arg5: memref<512x128xf32, #tpu.memory_space<hbm>>, %arg6: memref<2x128xf32, #tpu.memory_space<hbm>>, %arg7: memref<128xf32, #tpu.memory_space<hbm>>, %arg8: memref<128xf32, #tpu.memory_space<hbm>>, %arg9: memref<1024x512x128xf32, #tpu.memory_space<hbm>>, %arg10: memref<2x128xf32, #tpu.memory_space<vmem>>, %arg11: memref<128xf32, #tpu.memory_space<vmem>>, %arg12: memref<128xf32, #tpu.memory_space<vmem>>, %arg13: memref<128x128xf32, #tpu.memory_space<vmem>>, %arg14: memref<128x128xf32, #tpu.memory_space<vmem>>, %arg15: memref<128x128xf32, #tpu.memory_space<vmem>>, %arg16: memref<128x128xf32, #tpu.memory_space<vmem>>, %arg17: memref<128xi32, #tpu.memory_space<vmem>>, %arg18: memref<128xi32, #tpu.memory_space<vmem>>, %arg19: memref<128xi32, #tpu.memory_space<vmem>>, %arg20: memref<128xi32, #tpu.memory_space<vmem>>, %arg21: memref<144xi32, #tpu.memory_space<vmem>>, %arg22: memref<144xi32, #tpu.memory_space<vmem>>, %arg23: memref<144xi32, #tpu.memory_space<vmem>>, %arg24: memref<144xi32, #tpu.memory_space<vmem>>, %arg25: memref<128xf32, #tpu.memory_space<vmem>>, %arg26: memref<128xf32, #tpu.memory_space<vmem>>, %arg27: memref<128xf32, #tpu.memory_space<vmem>>, %arg28: memref<128xf32, #tpu.memory_space<vmem>>, %arg29: memref<!tpu.dma_semaphore, #tpu.memory_space<semaphore_mem>>, %arg30: memref<!tpu.dma_semaphore, #tpu.memory_space<semaphore_mem>>, %arg31: memref<!tpu.dma_semaphore, #tpu.memory_space<semaphore_mem>>, %arg32: memref<!tpu.dma_semaphore, #tpu.memory_space<semaphore_mem>>, %arg33: memref<!tpu.dma_semaphore, #tpu.memory_space<semaphore_mem>>, %arg34: memref<!tpu.dma_semaphore, #tpu.memory_space<semaphore_mem>>, %arg35: memref<!tpu.dma_semaphore, #tpu.memory_space<semaphore_mem>>, %arg36: memref<!tpu.dma_semaphore, #tpu.memory_space<semaphore_mem>>, %arg37: memref<!tpu.dma_semaphore, #tpu.memory_space<semaphore_mem>>, %arg38: memref<!tpu.dma_semaphore, #tpu.memory_space<semaphore_mem>>, %arg39: memref<!tpu.dma_semaphore, #tpu.memory_space<semaphore_mem>>, %arg40: memref<!tpu.dma_semaphore, #tpu.memory_space<semaphore_mem>>, %arg41: memref<!tpu.dma_semaphore, #tpu.memory_space<semaphore_mem>>, %arg42: memref<!tpu.dma_semaphore, #tpu.memory_space<semaphore_mem>>, %arg43: memref<!tpu.dma_semaphore, #tpu.memory_space<semaphore_mem>>, %arg44: memref<!tpu.dma_semaphore, #tpu.memory_space<semaphore_mem>>, %arg45: memref<!tpu.dma_semaphore, #tpu.memory_space<semaphore_mem>>, %arg46: memref<!tpu.dma_semaphore, #tpu.memory_space<semaphore_mem>>, %arg47: memref<!tpu.dma_semaphore, #tpu.memory_space<semaphore_mem>>, %arg48: memref<!tpu.dma_semaphore, #tpu.memory_space<semaphore_mem>>) attributes {dimension_semantics = [#tpu.dimension_semantics<core_parallel>, #tpu.dimension_semantics<subcore_parallel>], iteration_bounds = array<i64: 2, 16>, scalar_prefetch = 0 : i64, scratch_operands = 39 : i64, tpu.core_type = #tpu.core_type<sc_vector_subcore>, window_params = [{transform_indices = #map}, {transform_indices = #map1}, {transform_indices = #map1}, {transform_indices = #map}, {transform_indices = #map}, {transform_indices = #map1}, {transform_indices = #map1}, {transform_indices = #map2}]} {
    %mul3A = arith.constant 2 : i32
    %mul3A_0 = arith.muli %arg1, %mul3A : i32
    %add3A = arith.addi %mul3A_0, %arg0 : i32
    %mul3A_1 = arith.constant 16384 : i32
    %mul3A_2 = arith.muli %add3A, %mul3A_1 : i32
    %mul3A_3 = arith.constant 16 : i32
    %mul3A_4 = arith.muli %add3A, %mul3A_3 : i32
    "tpu.region"() ({
      %run_scoped3A = tpu.sem_alloc : memref<!tpu.dma_semaphore, #tpu.memory_space<semaphore_mem>>
      tpu.enqueue_dma source(%arg6 : memref<2x128xf32, #tpu.memory_space<hbm>>) target(%arg10 : memref<2x128xf32, #tpu.memory_space<vmem>>) target_semaphore(%run_scoped3A : memref<!tpu.dma_semaphore, #tpu.memory_space<semaphore_mem>>)
      tpu.wait_dma2 semaphore(%run_scoped3A : memref<!tpu.dma_semaphore, #tpu.memory_space<semaphore_mem>>) src(%arg6 : memref<2x128xf32, #tpu.memory_space<hbm>>) dst(%arg10 : memref<2x128xf32, #tpu.memory_space<vmem>>)
      tpu.yield
    }) : () -> ()
    "tpu.region"() ({
      %run_scoped3A = tpu.sem_alloc : memref<!tpu.dma_semaphore, #tpu.memory_space<semaphore_mem>>
      tpu.enqueue_dma source(%arg7 : memref<128xf32, #tpu.memory_space<hbm>>) target(%arg11 : memref<128xf32, #tpu.memory_space<vmem>>) target_semaphore(%run_scoped3A : memref<!tpu.dma_semaphore, #tpu.memory_space<semaphore_mem>>)
      tpu.wait_dma2 semaphore(%run_scoped3A : memref<!tpu.dma_semaphore, #tpu.memory_space<semaphore_mem>>) src(%arg7 : memref<128xf32, #tpu.memory_space<hbm>>) dst(%arg11 : memref<128xf32, #tpu.memory_space<vmem>>)
      tpu.yield
    }) : () -> ()
    "tpu.region"() ({
      %run_scoped3A = tpu.sem_alloc : memref<!tpu.dma_semaphore, #tpu.memory_space<semaphore_mem>>
      tpu.enqueue_dma source(%arg8 : memref<128xf32, #tpu.memory_space<hbm>>) target(%arg12 : memref<128xf32, #tpu.memory_space<vmem>>) target_semaphore(%run_scoped3A : memref<!tpu.dma_semaphore, #tpu.memory_space<semaphore_mem>>)
      tpu.wait_dma2 semaphore(%run_scoped3A : memref<!tpu.dma_semaphore, #tpu.memory_space<semaphore_mem>>) src(%arg8 : memref<128xf32, #tpu.memory_space<hbm>>) dst(%arg12 : memref<128xf32, #tpu.memory_space<vmem>>)
      tpu.yield
    }) : () -> ()
    %get3A = arith.constant 0 : index
    %get3A_5 = tpu.vector_load %arg11[%get3A] {strides = array<i32>} : memref<128xf32, #tpu.memory_space<vmem>>, vector<16xf32>,
    %get3A_6 = arith.constant 16 : index
    %get3A_7 = tpu.vector_load %arg11[%get3A_6] {strides = array<i32>} : memref<128xf32, #tpu.memory_space<vmem>>, vector<16xf32>,
    %get3A_8 = arith.constant 32 : index
    %get3A_9 = tpu.vector_load %arg11[%get3A_8] {strides = array<i32>} : memref<128xf32, #tpu.memory_space<vmem>>, vector<16xf32>,
    %get3A_10 = arith.constant 48 : index
    %get3A_11 = tpu.vector_load %arg11[%get3A_10] {strides = array<i32>} : memref<128xf32, #tpu.memory_space<vmem>>, vector<16xf32>,
    %get3A_12 = arith.constant 64 : index
    %get3A_13 = tpu.vector_load %arg11[%get3A_12] {strides = array<i32>} : memref<128xf32, #tpu.memory_space<vmem>>, vector<16xf32>,
    %get3A_14 = arith.constant 80 : index
    %get3A_15 = tpu.vector_load %arg11[%get3A_14] {strides = array<i32>} : memref<128xf32, #tpu.memory_space<vmem>>, vector<16xf32>,
    %get3A_16 = arith.constant 96 : index
    %get3A_17 = tpu.vector_load %arg11[%get3A_16] {strides = array<i32>} : memref<128xf32, #tpu.memory_space<vmem>>, vector<16xf32>,
    %get3A_18 = arith.constant 112 : index
    %get3A_19 = tpu.vector_load %arg11[%get3A_18] {strides = array<i32>} : memref<128xf32, #tpu.memory_space<vmem>>, vector<16xf32>,
    %get3A_20 = arith.constant 0 : index
    %get3A_21 = tpu.vector_load %arg12[%get3A_20] {strides = array<i32>} : memref<128xf32, #tpu.memory_space<vmem>>, vector<16xf32>,
    %get3A_22 = arith.constant 16 : index
    %get3A_23 = tpu.vector_load %arg12[%get3A_22] {strides = array<i32>} : memref<128xf32, #tpu.memory_space<vmem>>, vector<16xf32>,
    %get3A_24 = arith.constant 32 : index
    %get3A_25 = tpu.vector_load %arg12[%get3A_24] {strides = array<i32>} : memref<128xf32, #tpu.memory_space<vmem>>, vector<16xf32>,
    %get3A_26 = arith.constant 48 : index
    %get3A_27 = tpu.vector_load %arg12[%get3A_26] {strides = array<i32>} : memref<128xf32, #tpu.memory_space<vmem>>, vector<16xf32>,
    %get3A_28 = arith.constant 64 : index
    %get3A_29 = tpu.vector_load %arg12[%get3A_28] {strides = array<i32>} : memref<128xf32, #tpu.memory_space<vmem>>, vector<16xf32>,
    %get3A_30 = arith.constant 80 : index
    %get3A_31 = tpu.vector_load %arg12[%get3A_30] {strides = array<i32>} : memref<128xf32, #tpu.memory_space<vmem>>, vector<16xf32>,
    %get3A_32 = arith.constant 96 : index
    %get3A_33 = tpu.vector_load %arg12[%get3A_32] {strides = array<i32>} : memref<128xf32, #tpu.memory_space<vmem>>, vector<16xf32>,
    %get3A_34 = arith.constant 112 : index
    %get3A_35 = tpu.vector_load %arg12[%get3A_34] {strides = array<i32>} : memref<128xf32, #tpu.memory_space<vmem>>, vector<16xf32>,
    %add3A_36 = arith.constant 0 : i32
    %add3A_37 = arith.addi %mul3A_2, %add3A_36 : i32
    %div3A = arith.constant 0 : i32
    %div3A_38 = arith.constant 8 : i32
    %div3A_39 = arith.divsi %div3A, %div3A_38 : i32
    %add3A_40 = arith.addi %mul3A_4, %div3A_39 : i32
    %dma_start3A = tpu.memref_slice %arg3[%add3A_37] : memref<524288xi32, #tpu.memory_space<hbm>> -> memref<128xi32, #tpu.memory_space<hbm>>
    %dma_start3A_41 = tpu.memref_slice %arg3[%add3A_37] : memref<524288xi32, #tpu.memory_space<hbm>> -> memref<128xi32, #tpu.memory_space<hbm>>
    tpu.enqueue_dma source(%dma_start3A_41 : memref<128xi32, #tpu.memory_space<hbm>>) target(%arg17 : memref<128xi32, #tpu.memory_space<vmem>>) target_semaphore(%arg37 : memref<!tpu.dma_semaphore, #tpu.memory_space<semaphore_mem>>)
    %dma_start3A_42 = arith.constant 0 : i32
    %dma_start3A_43 = tpu.memref_slice %arg21[%dma_start3A_42] : memref<144xi32, #tpu.memory_space<vmem>> -> memref<128xi32, #tpu.memory_space<vmem>>
    %dma_start3A_44 = tpu.memref_slice %arg4[%add3A_37] : memref<524288xi32, #tpu.memory_space<hbm>> -> memref<128xi32, #tpu.memory_space<hbm>>
    %dma_start3A_45 = arith.constant 0 : i32
    %dma_start3A_46 = tpu.memref_slice %arg21[%dma_start3A_45] : memref<144xi32, #tpu.memory_space<vmem>> -> memref<128xi32, #tpu.memory_space<vmem>>
    %dma_start3A_47 = tpu.memref_slice %arg4[%add3A_37] : memref<524288xi32, #tpu.memory_space<hbm>> -> memref<128xi32, #tpu.memory_space<hbm>>
    tpu.enqueue_dma source(%dma_start3A_47 : memref<128xi32, #tpu.memory_space<hbm>>) target(%dma_start3A_46 : memref<128xi32, #tpu.memory_space<vmem>>) target_semaphore(%arg41 : memref<!tpu.dma_semaphore, #tpu.memory_space<semaphore_mem>>)
    %dma_start3A_48 = arith.constant 0 : i32
    %dma_start3A_49 = tpu.memref_slice %arg5[%add3A_40, %dma_start3A_48] : memref<512x128xf32, #tpu.memory_space<hbm>> -> memref<1x128xf32, #tpu.memory_space<hbm>>
    %dma_start3A_50 = tpu.memref_squeeze %dma_start3A_49 : memref<1x128xf32, #tpu.memory_space<hbm>> -> memref<128xf32, #tpu.memory_space<hbm>>
    %dma_start3A_51 = arith.constant 0 : i32
    %dma_start3A_52 = tpu.memref_slice %arg5[%add3A_40, %dma_start3A_51] : memref<512x128xf32, #tpu.memory_space<hbm>> -> memref<1x128xf32, #tpu.memory_space<hbm>>
    %dma_start3A_53 = tpu.memref_squeeze %dma_start3A_52 : memref<1x128xf32, #tpu.memory_space<hbm>> -> memref<128xf32, #tpu.memory_space<hbm>>
    tpu.enqueue_dma source(%dma_start3A_53 : memref<128xf32, #tpu.memory_space<hbm>>) target(%arg25 : memref<128xf32, #tpu.memory_space<vmem>>) target_semaphore(%arg45 : memref<!tpu.dma_semaphore, #tpu.memory_space<semaphore_mem>>)
    %add3A_54 = arith.constant 0 : i32
    %add3A_55 = arith.addi %mul3A_2, %add3A_54 : i32
    %div3A_56 = arith.constant 0 : i32
    %div3A_57 = arith.constant 8 : i32
    %div3A_58 = arith.divsi %div3A_56, %div3A_57 : i32
    %add3A_59 = arith.addi %mul3A_4, %div3A_58 : i32
    %dma_wait3A = tpu.memref_slice %arg3[%add3A_55] : memref<524288xi32, #tpu.memory_space<hbm>> -> memref<128xi32, #tpu.memory_space<hbm>>
    %dma_wait3A_60 = tpu.memref_slice %arg3[%add3A_55] : memref<524288xi32, #tpu.memory_space<hbm>> -> memref<128xi32, #tpu.memory_space<hbm>>
    tpu.wait_dma2 semaphore(%arg37 : memref<!tpu.dma_semaphore, #tpu.memory_space<semaphore_mem>>) src(%dma_wait3A_60 : memref<128xi32, #tpu.memory_space<hbm>>) dst(%arg17 : memref<128xi32, #tpu.memory_space<vmem>>)
    %dma_wait3A_61 = arith.constant 0 : i32
    %dma_wait3A_62 = tpu.memref_slice %arg21[%dma_wait3A_61] : memref<144xi32, #tpu.memory_space<vmem>> -> memref<128xi32, #tpu.memory_space<vmem>>
    %dma_wait3A_63 = tpu.memref_slice %arg4[%add3A_55] : memref<524288xi32, #tpu.memory_space<hbm>> -> memref<128xi32, #tpu.memory_space<hbm>>
    %dma_wait3A_64 = arith.constant 0 : i32
    %dma_wait3A_65 = tpu.memref_slice %arg21[%dma_wait3A_64] : memref<144xi32, #tpu.memory_space<vmem>> -> memref<128xi32, #tpu.memory_space<vmem>>
    %dma_wait3A_66 = tpu.memref_slice %arg4[%add3A_55] : memref<524288xi32, #tpu.memory_space<hbm>> -> memref<128xi32, #tpu.memory_space<hbm>>
    tpu.wait_dma2 semaphore(%arg41 : memref<!tpu.dma_semaphore, #tpu.memory_space<semaphore_mem>>) src(%dma_wait3A_66 : memref<128xi32, #tpu.memory_space<hbm>>) dst(%dma_wait3A_65 : memref<128xi32, #tpu.memory_space<vmem>>)
    %dma_wait3A_67 = arith.constant 0 : i32
    %dma_wait3A_68 = tpu.memref_slice %arg5[%add3A_59, %dma_wait3A_67] : memref<512x128xf32, #tpu.memory_space<hbm>> -> memref<1x128xf32, #tpu.memory_space<hbm>>
    %dma_wait3A_69 = tpu.memref_squeeze %dma_wait3A_68 : memref<1x128xf32, #tpu.memory_space<hbm>> -> memref<128xf32, #tpu.memory_space<hbm>>
    %dma_wait3A_70 = arith.constant 0 : i32
    %dma_wait3A_71 = tpu.memref_slice %arg5[%add3A_59, %dma_wait3A_70] : memref<512x128xf32, #tpu.memory_space<hbm>> -> memref<1x128xf32, #tpu.memory_space<hbm>>
    %dma_wait3A_72 = tpu.memref_squeeze %dma_wait3A_71 : memref<1x128xf32, #tpu.memory_space<hbm>> -> memref<128xf32, #tpu.memory_space<hbm>>
    tpu.wait_dma2 semaphore(%arg45 : memref<!tpu.dma_semaphore, #tpu.memory_space<semaphore_mem>>) src(%dma_wait3A_72 : memref<128xf32, #tpu.memory_space<hbm>>) dst(%arg25 : memref<128xf32, #tpu.memory_space<vmem>>)
    %dma_start3A_73 = arith.constant 0 : i32
    %dma_start3A_74 = arith.constant 0 : i32
    %dma_start3A_75 = tpu.memref_slice %arg2[%dma_start3A_73, %dma_start3A_74] : memref<100000x128xf32, #tpu.memory_space<hbm>> -> memref<100000x128xf32, #tpu.memory_space<hbm>>
    tpu.enqueue_indirect_dma source(%dma_start3A_75 : memref<100000x128xf32, #tpu.memory_space<hbm>>) target(%arg13 : memref<128x128xf32, #tpu.memory_space<vmem>>) offsets(%arg17 : memref<128xi32, #tpu.memory_space<vmem>>) semaphore(%arg29 : memref<!tpu.dma_semaphore, #tpu.memory_space<semaphore_mem>>)
    %add3A_76 = arith.constant 128 : i32
    %add3A_77 = arith.addi %mul3A_2, %add3A_76 : i32
    %div3A_78 = arith.constant 1 : i32
    %div3A_79 = arith.constant 8 : i32
    %div3A_80 = arith.divsi %div3A_78, %div3A_79 : i32
    %add3A_81 = arith.addi %mul3A_4, %div3A_80 : i32
    %dma_start3A_82 = tpu.memref_slice %arg3[%add3A_77] : memref<524288xi32, #tpu.memory_space<hbm>> -> memref<128xi32, #tpu.memory_space<hbm>>
    %dma_start3A_83 = tpu.memref_slice %arg3[%add3A_77] : memref<524288xi32, #tpu.memory_space<hbm>> -> memref<128xi32, #tpu.memory_space<hbm>>
    tpu.enqueue_dma source(%dma_start3A_83 : memref<128xi32, #tpu.memory_space<hbm>>) target(%arg18 : memref<128xi32, #tpu.memory_space<vmem>>) target_semaphore(%arg38 : memref<!tpu.dma_semaphore, #tpu.memory_space<semaphore_mem>>)
    %dma_start3A_84 = arith.constant 0 : i32
    %dma_start3A_85 = tpu.memref_slice %arg22[%dma_start3A_84] : memref<144xi32, #tpu.memory_space<vmem>> -> memref<128xi32, #tpu.memory_space<vmem>>
    %dma_start3A_86 = tpu.memref_slice %arg4[%add3A_77] : memref<524288xi32, #tpu.memory_space<hbm>> -> memref<128xi32, #tpu.memory_space<hbm>>
    %dma_start3A_87 = arith.constant 0 : i32
    %dma_start3A_88 = tpu.memref_slice %arg22[%dma_start3A_87] : memref<144xi32, #tpu.memory_space<vmem>> -> memref<128xi32, #tpu.memory_space<vmem>>
    %dma_start3A_89 = tpu.memref_slice %arg4[%add3A_77] : memref<524288xi32, #tpu.memory_space<hbm>> -> memref<128xi32, #tpu.memory_space<hbm>>
    tpu.enqueue_dma source(%dma_start3A_89 : memref<128xi32, #tpu.memory_space<hbm>>) target(%dma_start3A_88 : memref<128xi32, #tpu.memory_space<vmem>>) target_semaphore(%arg42 : memref<!tpu.dma_semaphore, #tpu.memory_space<semaphore_mem>>)
    %dma_start3A_90 = arith.constant 0 : i32
    %dma_start3A_91 = tpu.memref_slice %arg5[%add3A_81, %dma_start3A_90] : memref<512x128xf32, #tpu.memory_space<hbm>> -> memref<1x128xf32, #tpu.memory_space<hbm>>
    %dma_start3A_92 = tpu.memref_squeeze %dma_start3A_91 : memref<1x128xf32, #tpu.memory_space<hbm>> -> memref<128xf32, #tpu.memory_space<hbm>>
    %dma_start3A_93 = arith.constant 0 : i32
    %dma_start3A_94 = tpu.memref_slice %arg5[%add3A_81, %dma_start3A_93] : memref<512x128xf32, #tpu.memory_space<hbm>> -> memref<1x128xf32, #tpu.memory_space<hbm>>
    %dma_start3A_95 = tpu.memref_squeeze %dma_start3A_94 : memref<1x128xf32, #tpu.memory_space<hbm>> -> memref<128xf32, #tpu.memory_space<hbm>>
    tpu.enqueue_dma source(%dma_start3A_95 : memref<128xf32, #tpu.memory_space<hbm>>) target(%arg26 : memref<128xf32, #tpu.memory_space<vmem>>) target_semaphore(%arg46 : memref<!tpu.dma_semaphore, #tpu.memory_space<semaphore_mem>>)
    %scan3A = arith.constant 0 : i32
    %scan3A_96 = arith.constant 0 : i32
    %scan3A_97 = arith.constant 32 : i32
    %scan3A_98 = arith.addi %scan3A_96, %scan3A_97 : i32
    %scan3A_99 = arith.constant 1 : i32
    scf.for %scan3A_160 = %scan3A_96 to %scan3A_98 step %scan3A_99  : i32 {
      %mul3A_161 = arith.constant 4 : i32
      %mul3A_162 = arith.muli %scan3A_160, %mul3A_161 : i32
      %add3A_163 = arith.constant 0 : i32
      %add3A_164 = arith.addi %mul3A_162, %add3A_163 : i32
      %add3A_165 = arith.constant 1 : i32
      %add3A_166 = arith.addi %add3A_164, %add3A_165 : i32
      %lt3A = arith.constant 128 : i32
      %lt3A_167 = arith.cmpi slt, %add3A_166, %lt3A : i32
      %convert_element_type3A = arith.extui %lt3A_167 : i1 to i32
      %cond3A = arith.constant 0 : i32
      %cond3A_168 = arith.cmpi ne, %convert_element_type3A, %cond3A : i32
      scf.if %cond3A_168 {
        %mul3A_753 = arith.constant 128 : i32
        %mul3A_754 = arith.muli %add3A_166, %mul3A_753 : i32
        %add3A_755 = arith.addi %mul3A_2, %mul3A_754 : i32
        %div3A_756 = arith.constant 8 : i32
        %div3A_757 = arith.divsi %add3A_166, %div3A_756 : i32
        %add3A_758 = arith.addi %mul3A_4, %div3A_757 : i32
        %dma_wait3A_759 = tpu.memref_slice %arg3[%add3A_755] : memref<524288xi32, #tpu.memory_space<hbm>> -> memref<128xi32, #tpu.memory_space<hbm>>
        %dma_wait3A_760 = tpu.memref_slice %arg3[%add3A_755] : memref<524288xi32, #tpu.memory_space<hbm>> -> memref<128xi32, #tpu.memory_space<hbm>>
        tpu.wait_dma2 semaphore(%arg38 : memref<!tpu.dma_semaphore, #tpu.memory_space<semaphore_mem>>) src(%dma_wait3A_760 : memref<128xi32, #tpu.memory_space<hbm>>) dst(%arg18 : memref<128xi32, #tpu.memory_space<vmem>>)
        %dma_wait3A_761 = arith.constant 0 : i32
        %dma_wait3A_762 = tpu.memref_slice %arg22[%dma_wait3A_761] : memref<144xi32, #tpu.memory_space<vmem>> -> memref<128xi32, #tpu.memory_space<vmem>>
        %dma_wait3A_763 = tpu.memref_slice %arg4[%add3A_755] : memref<524288xi32, #tpu.memory_space<hbm>> -> memref<128xi32, #tpu.memory_space<hbm>>
        %dma_wait3A_764 = arith.constant 0 : i32
        %dma_wait3A_765 = tpu.memref_slice %arg22[%dma_wait3A_764] : memref<144xi32, #tpu.memory_space<vmem>> -> memref<128xi32, #tpu.memory_space<vmem>>
        %dma_wait3A_766 = tpu.memref_slice %arg4[%add3A_755] : memref<524288xi32, #tpu.memory_space<hbm>> -> memref<128xi32, #tpu.memory_space<hbm>>
        tpu.wait_dma2 semaphore(%arg42 : memref<!tpu.dma_semaphore, #tpu.memory_space<semaphore_mem>>) src(%dma_wait3A_766 : memref<128xi32, #tpu.memory_space<hbm>>) dst(%dma_wait3A_765 : memref<128xi32, #tpu.memory_space<vmem>>)
        %dma_wait3A_767 = arith.constant 0 : i32
        %dma_wait3A_768 = tpu.memref_slice %arg5[%add3A_758, %dma_wait3A_767] : memref<512x128xf32, #tpu.memory_space<hbm>> -> memref<1x128xf32, #tpu.memory_space<hbm>>
        %dma_wait3A_769 = tpu.memref_squeeze %dma_wait3A_768 : memref<1x128xf32, #tpu.memory_space<hbm>> -> memref<128xf32, #tpu.memory_space<hbm>>
        %dma_wait3A_770 = arith.constant 0 : i32
        %dma_wait3A_771 = tpu.memref_slice %arg5[%add3A_758, %dma_wait3A_770] : memref<512x128xf32, #tpu.memory_space<hbm>> -> memref<1x128xf32, #tpu.memory_space<hbm>>
        %dma_wait3A_772 = tpu.memref_squeeze %dma_wait3A_771 : memref<1x128xf32, #tpu.memory_space<hbm>> -> memref<128xf32, #tpu.memory_space<hbm>>
        tpu.wait_dma2 semaphore(%arg46 : memref<!tpu.dma_semaphore, #tpu.memory_space<semaphore_mem>>) src(%dma_wait3A_772 : memref<128xf32, #tpu.memory_space<hbm>>) dst(%arg26 : memref<128xf32, #tpu.memory_space<vmem>>)
        %ge3A = arith.constant 4 : i32
        %ge3A_773 = arith.cmpi sge, %add3A_166, %ge3A : i32
        %convert_element_type3A_774 = arith.extui %ge3A_773 : i1 to i32
        %cond3A_775 = arith.constant 0 : i32
        %cond3A_776 = arith.cmpi ne, %convert_element_type3A_774, %cond3A_775 : i32
        scf.if %cond3A_776 {
          %sub3A = arith.constant 4 : i32
          %sub3A_780 = arith.subi %add3A_166, %sub3A : i32
          %rem3A_781 = arith.constant 8 : i32
          %rem3A_782 = arith.remsi %sub3A_780, %rem3A_781 : i32
          %mul3A_783 = arith.constant 128 : i32
          %mul3A_784 = arith.muli %rem3A_782, %mul3A_783 : i32
          %div3A_785 = arith.constant 8 : i32
          %div3A_786 = arith.divsi %sub3A_780, %div3A_785 : i32
          %add3A_787 = arith.addi %mul3A_4, %div3A_786 : i32
          %dma_wait3A_788 = arith.constant 0 : i32
          %dma_wait3A_789 = tpu.memref_slice %arg9[%mul3A_784, %add3A_787, %dma_wait3A_788] : memref<1024x512x128xf32, #tpu.memory_space<hbm>> -> memref<128x1x128xf32, #tpu.memory_space<hbm>>
          %dma_wait3A_790 = tpu.memref_squeeze %dma_wait3A_789 : memref<128x1x128xf32, #tpu.memory_space<hbm>> -> memref<128x128xf32, #tpu.memory_space<hbm>>
          %dma_wait3A_791 = arith.constant 0 : i32
          %dma_wait3A_792 = tpu.memref_slice %arg9[%mul3A_784, %add3A_787, %dma_wait3A_791] : memref<1024x512x128xf32, #tpu.memory_space<hbm>> -> memref<128x1x128xf32, #tpu.memory_space<hbm>>
          %dma_wait3A_793 = tpu.memref_squeeze %dma_wait3A_792 : memref<128x1x128xf32, #tpu.memory_space<hbm>> -> memref<128x128xf32, #tpu.memory_space<hbm>>
          tpu.wait_dma2 semaphore(%arg34 : memref<!tpu.dma_semaphore, #tpu.memory_space<semaphore_mem>>) src(%arg14 : memref<128x128xf32, #tpu.memory_space<vmem>>) dst(%dma_wait3A_793 : memref<128x128xf32, #tpu.memory_space<hbm>>)
        } else {
        }
        %dma_start3A_777 = arith.constant 0 : i32
        %dma_start3A_778 = arith.constant 0 : i32
        %dma_start3A_779 = tpu.memref_slice %arg2[%dma_start3A_777, %dma_start3A_778] : memref<100000x128xf32, #tpu.memory_space<hbm>> -> memref<100000x128xf32, #tpu.memory_space<hbm>>
        tpu.enqueue_indirect_dma source(%dma_start3A_779 : memref<100000x128xf32, #tpu.memory_space<hbm>>) target(%arg14 : memref<128x128xf32, #tpu.memory_space<vmem>>) offsets(%arg18 : memref<128xi32, #tpu.memory_space<vmem>>) semaphore(%arg30 : memref<!tpu.dma_semaphore, #tpu.memory_space<semaphore_mem>>)
      } else {
      }
      %add3A_169 = arith.constant 2 : i32
      %add3A_170 = arith.addi %add3A_164, %add3A_169 : i32
      %lt3A_171 = arith.constant 128 : i32
      %lt3A_172 = arith.cmpi slt, %add3A_170, %lt3A_171 : i32
      %convert_element_type3A_173 = arith.extui %lt3A_172 : i1 to i32
      %cond3A_174 = arith.constant 0 : i32
      %cond3A_175 = arith.cmpi ne, %convert_element_type3A_173, %cond3A_174 : i32
      scf.if %cond3A_175 {
        %add3A_753 = arith.constant 2 : i32
        %add3A_754 = arith.addi %add3A_164, %add3A_753 : i32
        %mul3A_755 = arith.constant 128 : i32
        %mul3A_756 = arith.muli %add3A_754, %mul3A_755 : i32
        %add3A_757 = arith.addi %mul3A_2, %mul3A_756 : i32
        %div3A_758 = arith.constant 8 : i32
        %div3A_759 = arith.divsi %add3A_754, %div3A_758 : i32
        %add3A_760 = arith.addi %mul3A_4, %div3A_759 : i32
        %dma_start3A_761 = tpu.memref_slice %arg3[%add3A_757] : memref<524288xi32, #tpu.memory_space<hbm>> -> memref<128xi32, #tpu.memory_space<hbm>>
        %dma_start3A_762 = tpu.memref_slice %arg3[%add3A_757] : memref<524288xi32, #tpu.memory_space<hbm>> -> memref<128xi32, #tpu.memory_space<hbm>>
        tpu.enqueue_dma source(%dma_start3A_762 : memref<128xi32, #tpu.memory_space<hbm>>) target(%arg19 : memref<128xi32, #tpu.memory_space<vmem>>) target_semaphore(%arg39 : memref<!tpu.dma_semaphore, #tpu.memory_space<semaphore_mem>>)
        %dma_start3A_763 = arith.constant 0 : i32
        %dma_start3A_764 = tpu.memref_slice %arg23[%dma_start3A_763] : memref<144xi32, #tpu.memory_space<vmem>> -> memref<128xi32, #tpu.memory_space<vmem>>
        %dma_start3A_765 = tpu.memref_slice %arg4[%add3A_757] : memref<524288xi32, #tpu.memory_space<hbm>> -> memref<128xi32, #tpu.memory_space<hbm>>
        %dma_start3A_766 = arith.constant 0 : i32
        %dma_start3A_767 = tpu.memref_slice %arg23[%dma_start3A_766] : memref<144xi32, #tpu.memory_space<vmem>> -> memref<128xi32, #tpu.memory_space<vmem>>
        %dma_start3A_768 = tpu.memref_slice %arg4[%add3A_757] : memref<524288xi32, #tpu.memory_space<hbm>> -> memref<128xi32, #tpu.memory_space<hbm>>
        tpu.enqueue_dma source(%dma_start3A_768 : memref<128xi32, #tpu.memory_space<hbm>>) target(%dma_start3A_767 : memref<128xi32, #tpu.memory_space<vmem>>) target_semaphore(%arg43 : memref<!tpu.dma_semaphore, #tpu.memory_space<semaphore_mem>>)
        %dma_start3A_769 = arith.constant 0 : i32
        %dma_start3A_770 = tpu.memref_slice %arg5[%add3A_760, %dma_start3A_769] : memref<512x128xf32, #tpu.memory_space<hbm>> -> memref<1x128xf32, #tpu.memory_space<hbm>>
        %dma_start3A_771 = tpu.memref_squeeze %dma_start3A_770 : memref<1x128xf32, #tpu.memory_space<hbm>> -> memref<128xf32, #tpu.memory_space<hbm>>
        %dma_start3A_772 = arith.constant 0 : i32
        %dma_start3A_773 = tpu.memref_slice %arg5[%add3A_760, %dma_start3A_772] : memref<512x128xf32, #tpu.memory_space<hbm>> -> memref<1x128xf32, #tpu.memory_space<hbm>>
        %dma_start3A_774 = tpu.memref_squeeze %dma_start3A_773 : memref<1x128xf32, #tpu.memory_space<hbm>> -> memref<128xf32, #tpu.memory_space<hbm>>
        tpu.enqueue_dma source(%dma_start3A_774 : memref<128xf32, #tpu.memory_space<hbm>>) target(%arg27 : memref<128xf32, #tpu.memory_space<vmem>>) target_semaphore(%arg47 : memref<!tpu.dma_semaphore, #tpu.memory_space<semaphore_mem>>)
      } else {
      }
      %dma_wait3A_176 = arith.constant 0 : i32
      %dma_wait3A_177 = arith.constant 0 : i32
      %dma_wait3A_178 = tpu.memref_slice %arg2[%dma_wait3A_176, %dma_wait3A_177] : memref<100000x128xf32, #tpu.memory_space<hbm>> -> memref<100000x128xf32, #tpu.memory_space<hbm>>
      tpu.wait_indirect_dma semaphore(%arg29 : memref<!tpu.dma_semaphore, #tpu.memory_space<semaphore_mem>>) src(%dma_wait3A_178 : memref<100000x128xf32, #tpu.memory_space<hbm>>) dst(%arg13 : memref<128x128xf32, #tpu.memory_space<vmem>>)
      %get3A_179 = arith.constant 0 : index
      %get3A_180 = tpu.vector_load %arg25[%get3A_179] {strides = array<i32>} : memref<128xf32, #tpu.memory_space<vmem>>, vector<16xf32>,
      %get3A_181 = arith.constant 0 : i32
      %get3A_182 = arith.index_cast %get3A_181 : i32 to index
      %get3A_183 = arith.constant 0 : index
      %get3A_184 = tpu.vector_load %arg10[%get3A_182, %get3A_183] {strides = array<i32>} : memref<2x128xf32, #tpu.memory_space<vmem>>, vector<16xf32>,
      %add3A_185 = arith.addf %get3A_180, %get3A_184 : vector<16xf32>
      %get3A_186 = arith.constant 16 : index
      %get3A_187 = tpu.vector_load %arg25[%get3A_186] {strides = array<i32>} : memref<128xf32, #tpu.memory_space<vmem>>, vector<16xf32>,
      %get3A_188 = arith.constant 0 : i32
      %get3A_189 = arith.index_cast %get3A_188 : i32 to index
      %get3A_190 = arith.constant 16 : index
      %get3A_191 = tpu.vector_load %arg10[%get3A_189, %get3A_190] {strides = array<i32>} : memref<2x128xf32, #tpu.memory_space<vmem>>, vector<16xf32>,
      %add3A_192 = arith.addf %get3A_187, %get3A_191 : vector<16xf32>
      %get3A_193 = arith.constant 32 : index
      %get3A_194 = tpu.vector_load %arg25[%get3A_193] {strides = array<i32>} : memref<128xf32, #tpu.memory_space<vmem>>, vector<16xf32>,
      %get3A_195 = arith.constant 0 : i32
      %get3A_196 = arith.index_cast %get3A_195 : i32 to index
      %get3A_197 = arith.constant 32 : index
      %get3A_198 = tpu.vector_load %arg10[%get3A_196, %get3A_197] {strides = array<i32>} : memref<2x128xf32, #tpu.memory_space<vmem>>, vector<16xf32>,
      %add3A_199 = arith.addf %get3A_194, %get3A_198 : vector<16xf32>
      %get3A_200 = arith.constant 48 : index
      %get3A_201 = tpu.vector_load %arg25[%get3A_200] {strides = array<i32>} : memref<128xf32, #tpu.memory_space<vmem>>, vector<16xf32>,
      %get3A_202 = arith.constant 0 : i32
      %get3A_203 = arith.index_cast %get3A_202 : i32 to index
      %get3A_204 = arith.constant 48 : index
      %get3A_205 = tpu.vector_load %arg10[%get3A_203, %get3A_204] {strides = array<i32>} : memref<2x128xf32, #tpu.memory_space<vmem>>, vector<16xf32>,
      %add3A_206 = arith.addf %get3A_201, %get3A_205 : vector<16xf32>
      %get3A_207 = arith.constant 64 : index
      %get3A_208 = tpu.vector_load %arg25[%get3A_207] {strides = array<i32>} : memref<128xf32, #tpu.memory_space<vmem>>, vector<16xf32>,
      %get3A_209 = arith.constant 0 : i32
      %get3A_210 = arith.index_cast %get3A_209 : i32 to index
      %get3A_211 = arith.constant 64 : index
      %get3A_212 = tpu.vector_load %arg10[%get3A_210, %get3A_211] {strides = array<i32>} : memref<2x128xf32, #tpu.memory_space<vmem>>, vector<16xf32>,
      %add3A_213 = arith.addf %get3A_208, %get3A_212 : vector<16xf32>
      %get3A_214 = arith.constant 80 : index
      %get3A_215 = tpu.vector_load %arg25[%get3A_214] {strides = array<i32>} : memref<128xf32, #tpu.memory_space<vmem>>, vector<16xf32>,
      %get3A_216 = arith.constant 0 : i32
      %get3A_217 = arith.index_cast %get3A_216 : i32 to index
      %get3A_218 = arith.constant 80 : index
      %get3A_219 = tpu.vector_load %arg10[%get3A_217, %get3A_218] {strides = array<i32>} : memref<2x128xf32, #tpu.memory_space<vmem>>, vector<16xf32>,
      %add3A_220 = arith.addf %get3A_215, %get3A_219 : vector<16xf32>
      %get3A_221 = arith.constant 96 : index
      %get3A_222 = tpu.vector_load %arg25[%get3A_221] {strides = array<i32>} : memref<128xf32, #tpu.memory_space<vmem>>, vector<16xf32>,
      %get3A_223 = arith.constant 0 : i32
      %get3A_224 = arith.index_cast %get3A_223 : i32 to index
      %get3A_225 = arith.constant 96 : index
      %get3A_226 = tpu.vector_load %arg10[%get3A_224, %get3A_225] {strides = array<i32>} : memref<2x128xf32, #tpu.memory_space<vmem>>, vector<16xf32>,
      %add3A_227 = arith.addf %get3A_222, %get3A_226 : vector<16xf32>
      %get3A_228 = arith.constant 112 : index
      %get3A_229 = tpu.vector_load %arg25[%get3A_228] {strides = array<i32>} : memref<128xf32, #tpu.memory_space<vmem>>, vector<16xf32>,
      %get3A_230 = arith.constant 0 : i32
      %get3A_231 = arith.index_cast %get3A_230 : i32 to index
      %get3A_232 = arith.constant 112 : index
      %get3A_233 = tpu.vector_load %arg10[%get3A_231, %get3A_232] {strides = array<i32>} : memref<2x128xf32, #tpu.memory_space<vmem>>, vector<16xf32>,
      %add3A_234 = arith.addf %get3A_229, %get3A_233 : vector<16xf32>
      %get3A_235 = arith.constant 0 : index
      %get3A_236 = tpu.vector_load %arg25[%get3A_235] {strides = array<i32>} : memref<128xf32, #tpu.memory_space<vmem>>, vector<16xf32>,
      %get3A_237 = arith.constant 1 : i32
      %get3A_238 = arith.index_cast %get3A_237 : i32 to index
      %get3A_239 = arith.constant 0 : index
      %get3A_240 = tpu.vector_load %arg10[%get3A_238, %get3A_239] {strides = array<i32>} : memref<2x128xf32, #tpu.memory_space<vmem>>, vector<16xf32>,
      %add3A_241 = arith.addf %get3A_236, %get3A_240 : vector<16xf32>
      %get3A_242 = arith.constant 16 : index
      %get3A_243 = tpu.vector_load %arg25[%get3A_242] {strides = array<i32>} : memref<128xf32, #tpu.memory_space<vmem>>, vector<16xf32>,
      %get3A_244 = arith.constant 1 : i32
      %get3A_245 = arith.index_cast %get3A_244 : i32 to index
      %get3A_246 = arith.constant 16 : index
      %get3A_247 = tpu.vector_load %arg10[%get3A_245, %get3A_246] {strides = array<i32>} : memref<2x128xf32, #tpu.memory_space<vmem>>, vector<16xf32>,
      %add3A_248 = arith.addf %get3A_243, %get3A_247 : vector<16xf32>
      %get3A_249 = arith.constant 32 : index
      %get3A_250 = tpu.vector_load %arg25[%get3A_249] {strides = array<i32>} : memref<128xf32, #tpu.memory_space<vmem>>, vector<16xf32>,
      %get3A_251 = arith.constant 1 : i32
      %get3A_252 = arith.index_cast %get3A_251 : i32 to index
      %get3A_253 = arith.constant 32 : index
      %get3A_254 = tpu.vector_load %arg10[%get3A_252, %get3A_253] {strides = array<i32>} : memref<2x128xf32, #tpu.memory_space<vmem>>, vector<16xf32>,
      %add3A_255 = arith.addf %get3A_250, %get3A_254 : vector<16xf32>
      %get3A_256 = arith.constant 48 : index
      %get3A_257 = tpu.vector_load %arg25[%get3A_256] {strides = array<i32>} : memref<128xf32, #tpu.memory_space<vmem>>, vector<16xf32>,
      %get3A_258 = arith.constant 1 : i32
      %get3A_259 = arith.index_cast %get3A_258 : i32 to index
      %get3A_260 = arith.constant 48 : index
      %get3A_261 = tpu.vector_load %arg10[%get3A_259, %get3A_260] {strides = array<i32>} : memref<2x128xf32, #tpu.memory_space<vmem>>, vector<16xf32>,
      %add3A_262 = arith.addf %get3A_257, %get3A_261 : vector<16xf32>
      %get3A_263 = arith.constant 64 : index
      %get3A_264 = tpu.vector_load %arg25[%get3A_263] {strides = array<i32>} : memref<128xf32, #tpu.memory_space<vmem>>, vector<16xf32>,
      %get3A_265 = arith.constant 1 : i32
      %get3A_266 = arith.index_cast %get3A_265 : i32 to index
      %get3A_267 = arith.constant 64 : index
      %get3A_268 = tpu.vector_load %arg10[%get3A_266, %get3A_267] {strides = array<i32>} : memref<2x128xf32, #tpu.memory_space<vmem>>, vector<16xf32>,
      %add3A_269 = arith.addf %get3A_264, %get3A_268 : vector<16xf32>
      %get3A_270 = arith.constant 80 : index
      %get3A_271 = tpu.vector_load %arg25[%get3A_270] {strides = array<i32>} : memref<128xf32, #tpu.memory_space<vmem>>, vector<16xf32>,
      %get3A_272 = arith.constant 1 : i32
      %get3A_273 = arith.index_cast %get3A_272 : i32 to index
      %get3A_274 = arith.constant 80 : index
      %get3A_275 = tpu.vector_load %arg10[%get3A_273, %get3A_274] {strides = array<i32>} : memref<2x128xf32, #tpu.memory_space<vmem>>, vector<16xf32>,
      %add3A_276 = arith.addf %get3A_271, %get3A_275 : vector<16xf32>
      %get3A_277 = arith.constant 96 : index
      %get3A_278 = tpu.vector_load %arg25[%get3A_277] {strides = array<i32>} : memref<128xf32, #tpu.memory_space<vmem>>, vector<16xf32>,
      %get3A_279 = arith.constant 1 : i32
      %get3A_280 = arith.index_cast %get3A_279 : i32 to index
      %get3A_281 = arith.constant 96 : index
      %get3A_282 = tpu.vector_load %arg10[%get3A_280, %get3A_281] {strides = array<i32>} : memref<2x128xf32, #tpu.memory_space<vmem>>, vector<16xf32>,
      %add3A_283 = arith.addf %get3A_278, %get3A_282 : vector<16xf32>
      %get3A_284 = arith.constant 112 : index
      %get3A_285 = tpu.vector_load %arg25[%get3A_284] {strides = array<i32>} : memref<128xf32, #tpu.memory_space<vmem>>, vector<16xf32>,
      %get3A_286 = arith.constant 1 : i32
      %get3A_287 = arith.index_cast %get3A_286 : i32 to index
      %get3A_288 = arith.constant 112 : index
      %get3A_289 = tpu.vector_load %arg10[%get3A_287, %get3A_288] {strides = array<i32>} : memref<2x128xf32, #tpu.memory_space<vmem>>, vector<16xf32>,
      %add3A_290 = arith.addf %get3A_285, %get3A_289 : vector<16xf32>
      %parallel_loop3A = arith.constant 0 : i32
      %parallel_loop3A_291 = arith.constant 128 : i32
      %parallel_loop3A_292 = arith.constant 1 : i32
      scf.for %parallel_loop3A_753 = %parallel_loop3A to %parallel_loop3A_291 step %parallel_loop3A_292  : i32 {
        %parallel_loop3A_754 = arith.index_cast %parallel_loop3A_753 : i32 to index
        %parallel_loop3A_755 = tpu.vector_load %arg21[%parallel_loop3A_754] {strides = array<i32>} : memref<144xi32, #tpu.memory_space<vmem>>, vector<16xi32>,
        %parallel_loop3A_756 = vector.extract_strided_slice %parallel_loop3A_755 {offsets = [0], sizes = [1], strides = [1]} : vector<16xi32> to vector<1xi32>
        %parallel_loop3A_757 = vector.extract %parallel_loop3A_756[0] : i32 from vector<1xi32>
        %parallel_loop3A_758 = arith.constant 1 : i32
        %parallel_loop3A_759 = arith.cmpi eq, %parallel_loop3A_757, %parallel_loop3A_758 : i32
        %parallel_loop3A_760 = arith.index_cast %parallel_loop3A_753 : i32 to index
        %parallel_loop3A_761 = arith.constant 0 : index
        %parallel_loop3A_762 = tpu.vector_load %arg13[%parallel_loop3A_760, %parallel_loop3A_761] {strides = array<i32>} : memref<128x128xf32, #tpu.memory_space<vmem>>, vector<16xf32>,
        %parallel_loop3A_763 = arith.select %parallel_loop3A_759, %add3A_241, %add3A_185 : vector<16xf32>
        %parallel_loop3A_764 = arith.addf %parallel_loop3A_762, %parallel_loop3A_763 : vector<16xf32>
        %parallel_loop3A_765 = arith.index_cast %parallel_loop3A_753 : i32 to index
        %parallel_loop3A_766 = arith.constant 16 : index
        %parallel_loop3A_767 = tpu.vector_load %arg13[%parallel_loop3A_765, %parallel_loop3A_766] {strides = array<i32>} : memref<128x128xf32, #tpu.memory_space<vmem>>, vector<16xf32>,
        %parallel_loop3A_768 = arith.select %parallel_loop3A_759, %add3A_248, %add3A_192 : vector<16xf32>
        %parallel_loop3A_769 = arith.addf %parallel_loop3A_767, %parallel_loop3A_768 : vector<16xf32>
        %parallel_loop3A_770 = arith.index_cast %parallel_loop3A_753 : i32 to index
        %parallel_loop3A_771 = arith.constant 32 : index
        %parallel_loop3A_772 = tpu.vector_load %arg13[%parallel_loop3A_770, %parallel_loop3A_771] {strides = array<i32>} : memref<128x128xf32, #tpu.memory_space<vmem>>, vector<16xf32>,
        %parallel_loop3A_773 = arith.select %parallel_loop3A_759, %add3A_255, %add3A_199 : vector<16xf32>
        %parallel_loop3A_774 = arith.addf %parallel_loop3A_772, %parallel_loop3A_773 : vector<16xf32>
        %parallel_loop3A_775 = arith.index_cast %parallel_loop3A_753 : i32 to index
        %parallel_loop3A_776 = arith.constant 48 : index
        %parallel_loop3A_777 = tpu.vector_load %arg13[%parallel_loop3A_775, %parallel_loop3A_776] {strides = array<i32>} : memref<128x128xf32, #tpu.memory_space<vmem>>, vector<16xf32>,
        %parallel_loop3A_778 = arith.select %parallel_loop3A_759, %add3A_262, %add3A_206 : vector<16xf32>
        %parallel_loop3A_779 = arith.addf %parallel_loop3A_777, %parallel_loop3A_778 : vector<16xf32>
        %parallel_loop3A_780 = arith.index_cast %parallel_loop3A_753 : i32 to index
        %parallel_loop3A_781 = arith.constant 64 : index
        %parallel_loop3A_782 = tpu.vector_load %arg13[%parallel_loop3A_780, %parallel_loop3A_781] {strides = array<i32>} : memref<128x128xf32, #tpu.memory_space<vmem>>, vector<16xf32>,
        %parallel_loop3A_783 = arith.select %parallel_loop3A_759, %add3A_269, %add3A_213 : vector<16xf32>
        %parallel_loop3A_784 = arith.addf %parallel_loop3A_782, %parallel_loop3A_783 : vector<16xf32>
        %parallel_loop3A_785 = arith.index_cast %parallel_loop3A_753 : i32 to index
        %parallel_loop3A_786 = arith.constant 80 : index
        %parallel_loop3A_787 = tpu.vector_load %arg13[%parallel_loop3A_785, %parallel_loop3A_786] {strides = array<i32>} : memref<128x128xf32, #tpu.memory_space<vmem>>, vector<16xf32>,
        %parallel_loop3A_788 = arith.select %parallel_loop3A_759, %add3A_276, %add3A_220 : vector<16xf32>
        %parallel_loop3A_789 = arith.addf %parallel_loop3A_787, %parallel_loop3A_788 : vector<16xf32>
        %parallel_loop3A_790 = arith.index_cast %parallel_loop3A_753 : i32 to index
        %parallel_loop3A_791 = arith.constant 96 : index
        %parallel_loop3A_792 = tpu.vector_load %arg13[%parallel_loop3A_790, %parallel_loop3A_791] {strides = array<i32>} : memref<128x128xf32, #tpu.memory_space<vmem>>, vector<16xf32>,
        %parallel_loop3A_793 = arith.select %parallel_loop3A_759, %add3A_283, %add3A_227 : vector<16xf32>
        %parallel_loop3A_794 = arith.addf %parallel_loop3A_792, %parallel_loop3A_793 : vector<16xf32>
        %parallel_loop3A_795 = arith.index_cast %parallel_loop3A_753 : i32 to index
        %parallel_loop3A_796 = arith.constant 112 : index
        %parallel_loop3A_797 = tpu.vector_load %arg13[%parallel_loop3A_795, %parallel_loop3A_796] {strides = array<i32>} : memref<128x128xf32, #tpu.memory_space<vmem>>, vector<16xf32>,
        %parallel_loop3A_798 = arith.select %parallel_loop3A_759, %add3A_290, %add3A_234 : vector<16xf32>
        %parallel_loop3A_799 = arith.addf %parallel_loop3A_797, %parallel_loop3A_798 : vector<16xf32>
        %parallel_loop3A_800 = arith.mulf %parallel_loop3A_764, %parallel_loop3A_764 : vector<16xf32>
        %parallel_loop3A_801 = arith.addf %parallel_loop3A_764, %parallel_loop3A_769 : vector<16xf32>
        %parallel_loop3A_802 = arith.mulf %parallel_loop3A_769, %parallel_loop3A_769 : vector<16xf32>
        %parallel_loop3A_803 = arith.addf %parallel_loop3A_800, %parallel_loop3A_802 : vector<16xf32>
        %parallel_loop3A_804 = arith.addf %parallel_loop3A_801, %parallel_loop3A_774 : vector<16xf32>
        %parallel_loop3A_805 = arith.mulf %parallel_loop3A_774, %parallel_loop3A_774 : vector<16xf32>
        %parallel_loop3A_806 = arith.addf %parallel_loop3A_803, %parallel_loop3A_805 : vector<16xf32>
        %parallel_loop3A_807 = arith.addf %parallel_loop3A_804, %parallel_loop3A_779 : vector<16xf32>
        %parallel_loop3A_808 = arith.mulf %parallel_loop3A_779, %parallel_loop3A_779 : vector<16xf32>
        %parallel_loop3A_809 = arith.addf %parallel_loop3A_806, %parallel_loop3A_808 : vector<16xf32>
        %parallel_loop3A_810 = arith.addf %parallel_loop3A_807, %parallel_loop3A_784 : vector<16xf32>
        %parallel_loop3A_811 = arith.mulf %parallel_loop3A_784, %parallel_loop3A_784 : vector<16xf32>
        %parallel_loop3A_812 = arith.addf %parallel_loop3A_809, %parallel_loop3A_811 : vector<16xf32>
        %parallel_loop3A_813 = arith.addf %parallel_loop3A_810, %parallel_loop3A_789 : vector<16xf32>
        %parallel_loop3A_814 = arith.mulf %parallel_loop3A_789, %parallel_loop3A_789 : vector<16xf32>
        %parallel_loop3A_815 = arith.addf %parallel_loop3A_812, %parallel_loop3A_814 : vector<16xf32>
        %parallel_loop3A_816 = arith.addf %parallel_loop3A_813, %parallel_loop3A_794 : vector<16xf32>
        %parallel_loop3A_817 = arith.mulf %parallel_loop3A_794, %parallel_loop3A_794 : vector<16xf32>
        %parallel_loop3A_818 = arith.addf %parallel_loop3A_815, %parallel_loop3A_817 : vector<16xf32>
        %parallel_loop3A_819 = arith.addf %parallel_loop3A_816, %parallel_loop3A_799 : vector<16xf32>
        %parallel_loop3A_820 = arith.mulf %parallel_loop3A_799, %parallel_loop3A_799 : vector<16xf32>
        %parallel_loop3A_821 = arith.addf %parallel_loop3A_818, %parallel_loop3A_820 : vector<16xf32>
        %parallel_loop3A_822 = arith.constant true
        %parallel_loop3A_823 = vector.broadcast %parallel_loop3A_822 : i1 to vector<16xi1>
        %parallel_loop3A_824 = tpu.scan <sum>, %parallel_loop3A_819 masked %parallel_loop3A_823 : vector<16xf32>, vector<16xi1> -> vector<16xf32>
        %parallel_loop3A_825 = vector.extract %parallel_loop3A_824[15] : f32 from vector<16xf32>
        %parallel_loop3A_826 = arith.constant 7.812500e-03 : f32
        %parallel_loop3A_827 = arith.mulf %parallel_loop3A_825, %parallel_loop3A_826 : f32
        %parallel_loop3A_828 = arith.constant true
        %parallel_loop3A_829 = vector.broadcast %parallel_loop3A_828 : i1 to vector<16xi1>
        %parallel_loop3A_830 = tpu.scan <sum>, %parallel_loop3A_821 masked %parallel_loop3A_829 : vector<16xf32>, vector<16xi1> -> vector<16xf32>
        %parallel_loop3A_831 = vector.extract %parallel_loop3A_830[15] : f32 from vector<16xf32>
        %parallel_loop3A_832 = arith.constant 7.812500e-03 : f32
        %parallel_loop3A_833 = arith.mulf %parallel_loop3A_831, %parallel_loop3A_832 : f32
        %parallel_loop3A_834 = arith.mulf %parallel_loop3A_827, %parallel_loop3A_827 : f32
        %parallel_loop3A_835 = arith.subf %parallel_loop3A_833, %parallel_loop3A_834 : f32
        %parallel_loop3A_836 = vector.broadcast %parallel_loop3A_827 : f32 to vector<16xf32>
        %parallel_loop3A_837 = vector.broadcast %parallel_loop3A_835 : f32 to vector<16xf32>
        %parallel_loop3A_838 = arith.constant 0.000000e+00 : f32
        %parallel_loop3A_839 = vector.broadcast %parallel_loop3A_838 : f32 to vector<16xf32>
        %parallel_loop3A_840 = arith.maximumf %parallel_loop3A_837, %parallel_loop3A_839 : vector<16xf32>
        %parallel_loop3A_841 = arith.constant 9.99999996E-13 : f32
        %parallel_loop3A_842 = vector.broadcast %parallel_loop3A_841 : f32 to vector<16xf32>
        %parallel_loop3A_843 = arith.addf %parallel_loop3A_840, %parallel_loop3A_842 : vector<16xf32>
        %parallel_loop3A_844 = tpu.bitcast %parallel_loop3A_843 : vector<16xf32> -> vector<16xi32>
        %parallel_loop3A_845 = arith.constant 1 : i32
        %parallel_loop3A_846 = vector.broadcast %parallel_loop3A_845 : i32 to vector<16xi32>
        %parallel_loop3A_847 = arith.shrui %parallel_loop3A_844, %parallel_loop3A_846 : vector<16xi32>
        %parallel_loop3A_848 = arith.constant 1597463007 : i32
        %parallel_loop3A_849 = vector.broadcast %parallel_loop3A_848 : i32 to vector<16xi32>
        %parallel_loop3A_850 = arith.subi %parallel_loop3A_849, %parallel_loop3A_847 : vector<16xi32>
        %parallel_loop3A_851 = tpu.bitcast %parallel_loop3A_850 : vector<16xi32> -> vector<16xf32>
        %parallel_loop3A_852 = arith.constant 5.000000e-01 : f32
        %parallel_loop3A_853 = vector.broadcast %parallel_loop3A_852 : f32 to vector<16xf32>
        %parallel_loop3A_854 = arith.mulf %parallel_loop3A_843, %parallel_loop3A_853 : vector<16xf32>
        %parallel_loop3A_855 = arith.mulf %parallel_loop3A_854, %parallel_loop3A_851 : vector<16xf32>
        %parallel_loop3A_856 = arith.mulf %parallel_loop3A_855, %parallel_loop3A_851 : vector<16xf32>
        %parallel_loop3A_857 = arith.constant 1.500000e+00 : f32
        %parallel_loop3A_858 = vector.broadcast %parallel_loop3A_857 : f32 to vector<16xf32>
        %parallel_loop3A_859 = arith.subf %parallel_loop3A_858, %parallel_loop3A_856 : vector<16xf32>
        %parallel_loop3A_860 = arith.mulf %parallel_loop3A_851, %parallel_loop3A_859 : vector<16xf32>
        %parallel_loop3A_861 = arith.subf %parallel_loop3A_764, %parallel_loop3A_836 : vector<16xf32>
        %parallel_loop3A_862 = arith.mulf %parallel_loop3A_861, %parallel_loop3A_860 : vector<16xf32>
        %parallel_loop3A_863 = arith.mulf %parallel_loop3A_862, %get3A_5 : vector<16xf32>
        %parallel_loop3A_864 = arith.addf %parallel_loop3A_863, %get3A_21 : vector<16xf32>
        %parallel_loop3A_865 = arith.index_cast %parallel_loop3A_753 : i32 to index
        %parallel_loop3A_866 = arith.constant 0 : index
        %parallel_loop3A_867 = tpu.vector_load %arg13[%parallel_loop3A_865, %parallel_loop3A_866] {strides = array<i32>} : memref<128x128xf32, #tpu.memory_space<vmem>>, vector<16xf32>,
        tpu.vector_store %arg13[%parallel_loop3A_865, %parallel_loop3A_866], %parallel_loop3A_864 {strides = array<i32>} : memref<128x128xf32, #tpu.memory_space<vmem>>, vector<16xf32>,
        %parallel_loop3A_868 = arith.subf %parallel_loop3A_769, %parallel_loop3A_836 : vector<16xf32>
        %parallel_loop3A_869 = arith.mulf %parallel_loop3A_868, %parallel_loop3A_860 : vector<16xf32>
        %parallel_loop3A_870 = arith.mulf %parallel_loop3A_869, %get3A_7 : vector<16xf32>
        %parallel_loop3A_871 = arith.addf %parallel_loop3A_870, %get3A_23 : vector<16xf32>
        %parallel_loop3A_872 = arith.index_cast %parallel_loop3A_753 : i32 to index
        %parallel_loop3A_873 = arith.constant 16 : index
        %parallel_loop3A_874 = tpu.vector_load %arg13[%parallel_loop3A_872, %parallel_loop3A_873] {strides = array<i32>} : memref<128x128xf32, #tpu.memory_space<vmem>>, vector<16xf32>,
        tpu.vector_store %arg13[%parallel_loop3A_872, %parallel_loop3A_873], %parallel_loop3A_871 {strides = array<i32>} : memref<128x128xf32, #tpu.memory_space<vmem>>, vector<16xf32>,
        %parallel_loop3A_875 = arith.subf %parallel_loop3A_774, %parallel_loop3A_836 : vector<16xf32>
        %parallel_loop3A_876 = arith.mulf %parallel_loop3A_875, %parallel_loop3A_860 : vector<16xf32>
        %parallel_loop3A_877 = arith.mulf %parallel_loop3A_876, %get3A_9 : vector<16xf32>
        %parallel_loop3A_878 = arith.addf %parallel_loop3A_877, %get3A_25 : vector<16xf32>
        %parallel_loop3A_879 = arith.index_cast %parallel_loop3A_753 : i32 to index
        %parallel_loop3A_880 = arith.constant 32 : index
        %parallel_loop3A_881 = tpu.vector_load %arg13[%parallel_loop3A_879, %parallel_loop3A_880] {strides = array<i32>} : memref<128x128xf32, #tpu.memory_space<vmem>>, vector<16xf32>,
        tpu.vector_store %arg13[%parallel_loop3A_879, %parallel_loop3A_880], %parallel_loop3A_878 {strides = array<i32>} : memref<128x128xf32, #tpu.memory_space<vmem>>, vector<16xf32>,
        %parallel_loop3A_882 = arith.subf %parallel_loop3A_779, %parallel_loop3A_836 : vector<16xf32>
        %parallel_loop3A_883 = arith.mulf %parallel_loop3A_882, %parallel_loop3A_860 : vector<16xf32>
        %parallel_loop3A_884 = arith.mulf %parallel_loop3A_883, %get3A_11 : vector<16xf32>
        %parallel_loop3A_885 = arith.addf %parallel_loop3A_884, %get3A_27 : vector<16xf32>
        %parallel_loop3A_886 = arith.index_cast %parallel_loop3A_753 : i32 to index
        %parallel_loop3A_887 = arith.constant 48 : index
        %parallel_loop3A_888 = tpu.vector_load %arg13[%parallel_loop3A_886, %parallel_loop3A_887] {strides = array<i32>} : memref<128x128xf32, #tpu.memory_space<vmem>>, vector<16xf32>,
        tpu.vector_store %arg13[%parallel_loop3A_886, %parallel_loop3A_887], %parallel_loop3A_885 {strides = array<i32>} : memref<128x128xf32, #tpu.memory_space<vmem>>, vector<16xf32>,
        %parallel_loop3A_889 = arith.subf %parallel_loop3A_784, %parallel_loop3A_836 : vector<16xf32>
        %parallel_loop3A_890 = arith.mulf %parallel_loop3A_889, %parallel_loop3A_860 : vector<16xf32>
        %parallel_loop3A_891 = arith.mulf %parallel_loop3A_890, %get3A_13 : vector<16xf32>
        %parallel_loop3A_892 = arith.addf %parallel_loop3A_891, %get3A_29 : vector<16xf32>
        %parallel_loop3A_893 = arith.index_cast %parallel_loop3A_753 : i32 to index
        %parallel_loop3A_894 = arith.constant 64 : index
        %parallel_loop3A_895 = tpu.vector_load %arg13[%parallel_loop3A_893, %parallel_loop3A_894] {strides = array<i32>} : memref<128x128xf32, #tpu.memory_space<vmem>>, vector<16xf32>,
        tpu.vector_store %arg13[%parallel_loop3A_893, %parallel_loop3A_894], %parallel_loop3A_892 {strides = array<i32>} : memref<128x128xf32, #tpu.memory_space<vmem>>, vector<16xf32>,
        %parallel_loop3A_896 = arith.subf %parallel_loop3A_789, %parallel_loop3A_836 : vector<16xf32>
        %parallel_loop3A_897 = arith.mulf %parallel_loop3A_896, %parallel_loop3A_860 : vector<16xf32>
        %parallel_loop3A_898 = arith.mulf %parallel_loop3A_897, %get3A_15 : vector<16xf32>
        %parallel_loop3A_899 = arith.addf %parallel_loop3A_898, %get3A_31 : vector<16xf32>
        %parallel_loop3A_900 = arith.index_cast %parallel_loop3A_753 : i32 to index
        %parallel_loop3A_901 = arith.constant 80 : index
        %parallel_loop3A_902 = tpu.vector_load %arg13[%parallel_loop3A_900, %parallel_loop3A_901] {strides = array<i32>} : memref<128x128xf32, #tpu.memory_space<vmem>>, vector<16xf32>,
        tpu.vector_store %arg13[%parallel_loop3A_900, %parallel_loop3A_901], %parallel_loop3A_899 {strides = array<i32>} : memref<128x128xf32, #tpu.memory_space<vmem>>, vector<16xf32>,
        %parallel_loop3A_903 = arith.subf %parallel_loop3A_794, %parallel_loop3A_836 : vector<16xf32>
        %parallel_loop3A_904 = arith.mulf %parallel_loop3A_903, %parallel_loop3A_860 : vector<16xf32>
        %parallel_loop3A_905 = arith.mulf %parallel_loop3A_904, %get3A_17 : vector<16xf32>
        %parallel_loop3A_906 = arith.addf %parallel_loop3A_905, %get3A_33 : vector<16xf32>
        %parallel_loop3A_907 = arith.index_cast %parallel_loop3A_753 : i32 to index
        %parallel_loop3A_908 = arith.constant 96 : index
        %parallel_loop3A_909 = tpu.vector_load %arg13[%parallel_loop3A_907, %parallel_loop3A_908] {strides = array<i32>} : memref<128x128xf32, #tpu.memory_space<vmem>>, vector<16xf32>,
        tpu.vector_store %arg13[%parallel_loop3A_907, %parallel_loop3A_908], %parallel_loop3A_906 {strides = array<i32>} : memref<128x128xf32, #tpu.memory_space<vmem>>, vector<16xf32>,
        %parallel_loop3A_910 = arith.subf %parallel_loop3A_799, %parallel_loop3A_836 : vector<16xf32>
        %parallel_loop3A_911 = arith.mulf %parallel_loop3A_910, %parallel_loop3A_860 : vector<16xf32>
        %parallel_loop3A_912 = arith.mulf %parallel_loop3A_911, %get3A_19 : vector<16xf32>
        %parallel_loop3A_913 = arith.addf %parallel_loop3A_912, %get3A_35 : vector<16xf32>
        %parallel_loop3A_914 = arith.index_cast %parallel_loop3A_753 : i32 to index
        %parallel_loop3A_915 = arith.constant 112 : index
        %parallel_loop3A_916 = tpu.vector_load %arg13[%parallel_loop3A_914, %parallel_loop3A_915] {strides = array<i32>} : memref<128x128xf32, #tpu.memory_space<vmem>>, vector<16xf32>,
        tpu.vector_store %arg13[%parallel_loop3A_914, %parallel_loop3A_915], %parallel_loop3A_913 {strides = array<i32>} : memref<128x128xf32, #tpu.memory_space<vmem>>, vector<16xf32>,
      } {sc.loop_unroll_factor = 4 : i64, sc.parallel_access}
      %rem3A_293 = arith.constant 8 : i32
      %rem3A_294 = arith.remsi %add3A_164, %rem3A_293 : i32
      %mul3A_295 = arith.constant 128 : i32
      %mul3A_296 = arith.muli %rem3A_294, %mul3A_295 : i32
      %div3A_297 = arith.constant 8 : i32
      %div3A_298 = arith.divsi %add3A_164, %div3A_297 : i32
      %add3A_299 = arith.addi %mul3A_4, %div3A_298 : i32
      %dma_start3A_300 = arith.constant 0 : i32
      %dma_start3A_301 = tpu.memref_slice %arg9[%mul3A_296, %add3A_299, %dma_start3A_300] : memref<1024x512x128xf32, #tpu.memory_space<hbm>> -> memref<128x1x128xf32, #tpu.memory_space<hbm>>
      %dma_start3A_302 = tpu.memref_squeeze %dma_start3A_301 : memref<128x1x128xf32, #tpu.memory_space<hbm>> -> memref<128x128xf32, #tpu.memory_space<hbm>>
      %dma_start3A_303 = arith.constant 0 : i32
      %dma_start3A_304 = tpu.memref_slice %arg9[%mul3A_296, %add3A_299, %dma_start3A_303] : memref<1024x512x128xf32, #tpu.memory_space<hbm>> -> memref<128x1x128xf32, #tpu.memory_space<hbm>>
      %dma_start3A_305 = tpu.memref_squeeze %dma_start3A_304 : memref<128x1x128xf32, #tpu.memory_space<hbm>> -> memref<128x128xf32, #tpu.memory_space<hbm>>
      tpu.enqueue_dma source(%arg13 : memref<128x128xf32, #tpu.memory_space<vmem>>) target(%dma_start3A_305 : memref<128x128xf32, #tpu.memory_space<hbm>>) target_semaphore(%arg33 : memref<!tpu.dma_semaphore, #tpu.memory_space<semaphore_mem>>)
      %mul3A_306 = arith.constant 4 : i32
      %mul3A_307 = arith.muli %scan3A_160, %mul3A_306 : i32
      %add3A_308 = arith.constant 1 : i32
      %add3A_309 = arith.addi %mul3A_307, %add3A_308 : i32
      %add3A_310 = arith.constant 1 : i32
      %add3A_311 = arith.addi %add3A_309, %add3A_310 : i32
      %lt3A_312 = arith.constant 128 : i32
      %lt3A_313 = arith.cmpi slt, %add3A_311, %lt3A_312 : i32
      %convert_element_type3A_314 = arith.extui %lt3A_313 : i1 to i32
      %cond3A_315 = arith.constant 0 : i32
      %cond3A_316 = arith.cmpi ne, %convert_element_type3A_314, %cond3A_315 : i32
      scf.if %cond3A_316 {
        %mul3A_753 = arith.constant 128 : i32
        %mul3A_754 = arith.muli %add3A_311, %mul3A_753 : i32
        %add3A_755 = arith.addi %mul3A_2, %mul3A_754 : i32
        %div3A_756 = arith.constant 8 : i32
        %div3A_757 = arith.divsi %add3A_311, %div3A_756 : i32
        %add3A_758 = arith.addi %mul3A_4, %div3A_757 : i32
        %dma_wait3A_759 = tpu.memref_slice %arg3[%add3A_755] : memref<524288xi32, #tpu.memory_space<hbm>> -> memref<128xi32, #tpu.memory_space<hbm>>
        %dma_wait3A_760 = tpu.memref_slice %arg3[%add3A_755] : memref<524288xi32, #tpu.memory_space<hbm>> -> memref<128xi32, #tpu.memory_space<hbm>>
        tpu.wait_dma2 semaphore(%arg39 : memref<!tpu.dma_semaphore, #tpu.memory_space<semaphore_mem>>) src(%dma_wait3A_760 : memref<128xi32, #tpu.memory_space<hbm>>) dst(%arg19 : memref<128xi32, #tpu.memory_space<vmem>>)
        %dma_wait3A_761 = arith.constant 0 : i32
        %dma_wait3A_762 = tpu.memref_slice %arg23[%dma_wait3A_761] : memref<144xi32, #tpu.memory_space<vmem>> -> memref<128xi32, #tpu.memory_space<vmem>>
        %dma_wait3A_763 = tpu.memref_slice %arg4[%add3A_755] : memref<524288xi32, #tpu.memory_space<hbm>> -> memref<128xi32, #tpu.memory_space<hbm>>
        %dma_wait3A_764 = arith.constant 0 : i32
        %dma_wait3A_765 = tpu.memref_slice %arg23[%dma_wait3A_764] : memref<144xi32, #tpu.memory_space<vmem>> -> memref<128xi32, #tpu.memory_space<vmem>>
        %dma_wait3A_766 = tpu.memref_slice %arg4[%add3A_755] : memref<524288xi32, #tpu.memory_space<hbm>> -> memref<128xi32, #tpu.memory_space<hbm>>
        tpu.wait_dma2 semaphore(%arg43 : memref<!tpu.dma_semaphore, #tpu.memory_space<semaphore_mem>>) src(%dma_wait3A_766 : memref<128xi32, #tpu.memory_space<hbm>>) dst(%dma_wait3A_765 : memref<128xi32, #tpu.memory_space<vmem>>)
        %dma_wait3A_767 = arith.constant 0 : i32
        %dma_wait3A_768 = tpu.memref_slice %arg5[%add3A_758, %dma_wait3A_767] : memref<512x128xf32, #tpu.memory_space<hbm>> -> memref<1x128xf32, #tpu.memory_space<hbm>>
        %dma_wait3A_769 = tpu.memref_squeeze %dma_wait3A_768 : memref<1x128xf32, #tpu.memory_space<hbm>> -> memref<128xf32, #tpu.memory_space<hbm>>
        %dma_wait3A_770 = arith.constant 0 : i32
        %dma_wait3A_771 = tpu.memref_slice %arg5[%add3A_758, %dma_wait3A_770] : memref<512x128xf32, #tpu.memory_space<hbm>> -> memref<1x128xf32, #tpu.memory_space<hbm>>
        %dma_wait3A_772 = tpu.memref_squeeze %dma_wait3A_771 : memref<1x128xf32, #tpu.memory_space<hbm>> -> memref<128xf32, #tpu.memory_space<hbm>>
        tpu.wait_dma2 semaphore(%arg47 : memref<!tpu.dma_semaphore, #tpu.memory_space<semaphore_mem>>) src(%dma_wait3A_772 : memref<128xf32, #tpu.memory_space<hbm>>) dst(%arg27 : memref<128xf32, #tpu.memory_space<vmem>>)
        %ge3A = arith.constant 4 : i32
        %ge3A_773 = arith.cmpi sge, %add3A_311, %ge3A : i32
        %convert_element_type3A_774 = arith.extui %ge3A_773 : i1 to i32
        %cond3A_775 = arith.constant 0 : i32
        %cond3A_776 = arith.cmpi ne, %convert_element_type3A_774, %cond3A_775 : i32
        scf.if %cond3A_776 {
          %sub3A = arith.constant 4 : i32
          %sub3A_780 = arith.subi %add3A_311, %sub3A : i32
          %rem3A_781 = arith.constant 8 : i32
          %rem3A_782 = arith.remsi %sub3A_780, %rem3A_781 : i32
          %mul3A_783 = arith.constant 128 : i32
          %mul3A_784 = arith.muli %rem3A_782, %mul3A_783 : i32
          %div3A_785 = arith.constant 8 : i32
          %div3A_786 = arith.divsi %sub3A_780, %div3A_785 : i32
          %add3A_787 = arith.addi %mul3A_4, %div3A_786 : i32
          %dma_wait3A_788 = arith.constant 0 : i32
          %dma_wait3A_789 = tpu.memref_slice %arg9[%mul3A_784, %add3A_787, %dma_wait3A_788] : memref<1024x512x128xf32, #tpu.memory_space<hbm>> -> memref<128x1x128xf32, #tpu.memory_space<hbm>>
          %dma_wait3A_790 = tpu.memref_squeeze %dma_wait3A_789 : memref<128x1x128xf32, #tpu.memory_space<hbm>> -> memref<128x128xf32, #tpu.memory_space<hbm>>
          %dma_wait3A_791 = arith.constant 0 : i32
          %dma_wait3A_792 = tpu.memref_slice %arg9[%mul3A_784, %add3A_787, %dma_wait3A_791] : memref<1024x512x128xf32, #tpu.memory_space<hbm>> -> memref<128x1x128xf32, #tpu.memory_space<hbm>>
          %dma_wait3A_793 = tpu.memref_squeeze %dma_wait3A_792 : memref<128x1x128xf32, #tpu.memory_space<hbm>> -> memref<128x128xf32, #tpu.memory_space<hbm>>
          tpu.wait_dma2 semaphore(%arg35 : memref<!tpu.dma_semaphore, #tpu.memory_space<semaphore_mem>>) src(%arg15 : memref<128x128xf32, #tpu.memory_space<vmem>>) dst(%dma_wait3A_793 : memref<128x128xf32, #tpu.memory_space<hbm>>)
        } else {
        }
        %dma_start3A_777 = arith.constant 0 : i32
        %dma_start3A_778 = arith.constant 0 : i32
        %dma_start3A_779 = tpu.memref_slice %arg2[%dma_start3A_777, %dma_start3A_778] : memref<100000x128xf32, #tpu.memory_space<hbm>> -> memref<100000x128xf32, #tpu.memory_space<hbm>>
        tpu.enqueue_indirect_dma source(%dma_start3A_779 : memref<100000x128xf32, #tpu.memory_space<hbm>>) target(%arg15 : memref<128x128xf32, #tpu.memory_space<vmem>>) offsets(%arg19 : memref<128xi32, #tpu.memory_space<vmem>>) semaphore(%arg31 : memref<!tpu.dma_semaphore, #tpu.memory_space<semaphore_mem>>)
      } else {
      }
      %add3A_317 = arith.constant 2 : i32
      %add3A_318 = arith.addi %add3A_309, %add3A_317 : i32
      %lt3A_319 = arith.constant 128 : i32
      %lt3A_320 = arith.cmpi slt, %add3A_318, %lt3A_319 : i32
      %convert_element_type3A_321 = arith.extui %lt3A_320 : i1 to i32
      %cond3A_322 = arith.constant 0 : i32
      %cond3A_323 = arith.cmpi ne, %convert_element_type3A_321, %cond3A_322 : i32
      scf.if %cond3A_323 {
        %add3A_753 = arith.constant 2 : i32
        %add3A_754 = arith.addi %add3A_309, %add3A_753 : i32
        %mul3A_755 = arith.constant 128 : i32
        %mul3A_756 = arith.muli %add3A_754, %mul3A_755 : i32
        %add3A_757 = arith.addi %mul3A_2, %mul3A_756 : i32
        %div3A_758 = arith.constant 8 : i32
        %div3A_759 = arith.divsi %add3A_754, %div3A_758 : i32
        %add3A_760 = arith.addi %mul3A_4, %div3A_759 : i32
        %dma_start3A_761 = tpu.memref_slice %arg3[%add3A_757] : memref<524288xi32, #tpu.memory_space<hbm>> -> memref<128xi32, #tpu.memory_space<hbm>>
        %dma_start3A_762 = tpu.memref_slice %arg3[%add3A_757] : memref<524288xi32, #tpu.memory_space<hbm>> -> memref<128xi32, #tpu.memory_space<hbm>>
        tpu.enqueue_dma source(%dma_start3A_762 : memref<128xi32, #tpu.memory_space<hbm>>) target(%arg20 : memref<128xi32, #tpu.memory_space<vmem>>) target_semaphore(%arg40 : memref<!tpu.dma_semaphore, #tpu.memory_space<semaphore_mem>>)
        %dma_start3A_763 = arith.constant 0 : i32
        %dma_start3A_764 = tpu.memref_slice %arg24[%dma_start3A_763] : memref<144xi32, #tpu.memory_space<vmem>> -> memref<128xi32, #tpu.memory_space<vmem>>
        %dma_start3A_765 = tpu.memref_slice %arg4[%add3A_757] : memref<524288xi32, #tpu.memory_space<hbm>> -> memref<128xi32, #tpu.memory_space<hbm>>
        %dma_start3A_766 = arith.constant 0 : i32
        %dma_start3A_767 = tpu.memref_slice %arg24[%dma_start3A_766] : memref<144xi32, #tpu.memory_space<vmem>> -> memref<128xi32, #tpu.memory_space<vmem>>
        %dma_start3A_768 = tpu.memref_slice %arg4[%add3A_757] : memref<524288xi32, #tpu.memory_space<hbm>> -> memref<128xi32, #tpu.memory_space<hbm>>
        tpu.enqueue_dma source(%dma_start3A_768 : memref<128xi32, #tpu.memory_space<hbm>>) target(%dma_start3A_767 : memref<128xi32, #tpu.memory_space<vmem>>) target_semaphore(%arg44 : memref<!tpu.dma_semaphore, #tpu.memory_space<semaphore_mem>>)
        %dma_start3A_769 = arith.constant 0 : i32
        %dma_start3A_770 = tpu.memref_slice %arg5[%add3A_760, %dma_start3A_769] : memref<512x128xf32, #tpu.memory_space<hbm>> -> memref<1x128xf32, #tpu.memory_space<hbm>>
        %dma_start3A_771 = tpu.memref_squeeze %dma_start3A_770 : memref<1x128xf32, #tpu.memory_space<hbm>> -> memref<128xf32, #tpu.memory_space<hbm>>
        %dma_start3A_772 = arith.constant 0 : i32
        %dma_start3A_773 = tpu.memref_slice %arg5[%add3A_760, %dma_start3A_772] : memref<512x128xf32, #tpu.memory_space<hbm>> -> memref<1x128xf32, #tpu.memory_space<hbm>>
        %dma_start3A_774 = tpu.memref_squeeze %dma_start3A_773 : memref<1x128xf32, #tpu.memory_space<hbm>> -> memref<128xf32, #tpu.memory_space<hbm>>
        tpu.enqueue_dma source(%dma_start3A_774 : memref<128xf32, #tpu.memory_space<hbm>>) target(%arg28 : memref<128xf32, #tpu.memory_space<vmem>>) target_semaphore(%arg48 : memref<!tpu.dma_semaphore, #tpu.memory_space<semaphore_mem>>)
      } else {
      }
      %dma_wait3A_324 = arith.constant 0 : i32
      %dma_wait3A_325 = arith.constant 0 : i32
      %dma_wait3A_326 = tpu.memref_slice %arg2[%dma_wait3A_324, %dma_wait3A_325] : memref<100000x128xf32, #tpu.memory_space<hbm>> -> memref<100000x128xf32, #tpu.memory_space<hbm>>
      tpu.wait_indirect_dma semaphore(%arg30 : memref<!tpu.dma_semaphore, #tpu.memory_space<semaphore_mem>>) src(%dma_wait3A_326 : memref<100000x128xf32, #tpu.memory_space<hbm>>) dst(%arg14 : memref<128x128xf32, #tpu.memory_space<vmem>>)
      %get3A_327 = arith.constant 0 : index
      %get3A_328 = tpu.vector_load %arg26[%get3A_327] {strides = array<i32>} : memref<128xf32, #tpu.memory_space<vmem>>, vector<16xf32>,
      %get3A_329 = arith.constant 0 : i32
      %get3A_330 = arith.index_cast %get3A_329 : i32 to index
      %get3A_331 = arith.constant 0 : index
      %get3A_332 = tpu.vector_load %arg10[%get3A_330, %get3A_331] {strides = array<i32>} : memref<2x128xf32, #tpu.memory_space<vmem>>, vector<16xf32>,
      %add3A_333 = arith.addf %get3A_328, %get3A_332 : vector<16xf32>
      %get3A_334 = arith.constant 16 : index
      %get3A_335 = tpu.vector_load %arg26[%get3A_334] {strides = array<i32>} : memref<128xf32, #tpu.memory_space<vmem>>, vector<16xf32>,
      %get3A_336 = arith.constant 0 : i32
      %get3A_337 = arith.index_cast %get3A_336 : i32 to index
      %get3A_338 = arith.constant 16 : index
      %get3A_339 = tpu.vector_load %arg10[%get3A_337, %get3A_338] {strides = array<i32>} : memref<2x128xf32, #tpu.memory_space<vmem>>, vector<16xf32>,
      %add3A_340 = arith.addf %get3A_335, %get3A_339 : vector<16xf32>
      %get3A_341 = arith.constant 32 : index
      %get3A_342 = tpu.vector_load %arg26[%get3A_341] {strides = array<i32>} : memref<128xf32, #tpu.memory_space<vmem>>, vector<16xf32>,
      %get3A_343 = arith.constant 0 : i32
      %get3A_344 = arith.index_cast %get3A_343 : i32 to index
      %get3A_345 = arith.constant 32 : index
      %get3A_346 = tpu.vector_load %arg10[%get3A_344, %get3A_345] {strides = array<i32>} : memref<2x128xf32, #tpu.memory_space<vmem>>, vector<16xf32>,
      %add3A_347 = arith.addf %get3A_342, %get3A_346 : vector<16xf32>
      %get3A_348 = arith.constant 48 : index
      %get3A_349 = tpu.vector_load %arg26[%get3A_348] {strides = array<i32>} : memref<128xf32, #tpu.memory_space<vmem>>, vector<16xf32>,
      %get3A_350 = arith.constant 0 : i32
      %get3A_351 = arith.index_cast %get3A_350 : i32 to index
      %get3A_352 = arith.constant 48 : index
      %get3A_353 = tpu.vector_load %arg10[%get3A_351, %get3A_352] {strides = array<i32>} : memref<2x128xf32, #tpu.memory_space<vmem>>, vector<16xf32>,
      %add3A_354 = arith.addf %get3A_349, %get3A_353 : vector<16xf32>
      %get3A_355 = arith.constant 64 : index
      %get3A_356 = tpu.vector_load %arg26[%get3A_355] {strides = array<i32>} : memref<128xf32, #tpu.memory_space<vmem>>, vector<16xf32>,
      %get3A_357 = arith.constant 0 : i32
      %get3A_358 = arith.index_cast %get3A_357 : i32 to index
      %get3A_359 = arith.constant 64 : index
      %get3A_360 = tpu.vector_load %arg10[%get3A_358, %get3A_359] {strides = array<i32>} : memref<2x128xf32, #tpu.memory_space<vmem>>, vector<16xf32>,
      %add3A_361 = arith.addf %get3A_356, %get3A_360 : vector<16xf32>
      %get3A_362 = arith.constant 80 : index
      %get3A_363 = tpu.vector_load %arg26[%get3A_362] {strides = array<i32>} : memref<128xf32, #tpu.memory_space<vmem>>, vector<16xf32>,
      %get3A_364 = arith.constant 0 : i32
      %get3A_365 = arith.index_cast %get3A_364 : i32 to index
      %get3A_366 = arith.constant 80 : index
      %get3A_367 = tpu.vector_load %arg10[%get3A_365, %get3A_366] {strides = array<i32>} : memref<2x128xf32, #tpu.memory_space<vmem>>, vector<16xf32>,
      %add3A_368 = arith.addf %get3A_363, %get3A_367 : vector<16xf32>
      %get3A_369 = arith.constant 96 : index
      %get3A_370 = tpu.vector_load %arg26[%get3A_369] {strides = array<i32>} : memref<128xf32, #tpu.memory_space<vmem>>, vector<16xf32>,
      %get3A_371 = arith.constant 0 : i32
      %get3A_372 = arith.index_cast %get3A_371 : i32 to index
      %get3A_373 = arith.constant 96 : index
      %get3A_374 = tpu.vector_load %arg10[%get3A_372, %get3A_373] {strides = array<i32>} : memref<2x128xf32, #tpu.memory_space<vmem>>, vector<16xf32>,
      %add3A_375 = arith.addf %get3A_370, %get3A_374 : vector<16xf32>
      %get3A_376 = arith.constant 112 : index
      %get3A_377 = tpu.vector_load %arg26[%get3A_376] {strides = array<i32>} : memref<128xf32, #tpu.memory_space<vmem>>, vector<16xf32>,
      %get3A_378 = arith.constant 0 : i32
      %get3A_379 = arith.index_cast %get3A_378 : i32 to index
      %get3A_380 = arith.constant 112 : index
      %get3A_381 = tpu.vector_load %arg10[%get3A_379, %get3A_380] {strides = array<i32>} : memref<2x128xf32, #tpu.memory_space<vmem>>, vector<16xf32>,
      %add3A_382 = arith.addf %get3A_377, %get3A_381 : vector<16xf32>
      %get3A_383 = arith.constant 0 : index
      %get3A_384 = tpu.vector_load %arg26[%get3A_383] {strides = array<i32>} : memref<128xf32, #tpu.memory_space<vmem>>, vector<16xf32>,
      %get3A_385 = arith.constant 1 : i32
      %get3A_386 = arith.index_cast %get3A_385 : i32 to index
      %get3A_387 = arith.constant 0 : index
      %get3A_388 = tpu.vector_load %arg10[%get3A_386, %get3A_387] {strides = array<i32>} : memref<2x128xf32, #tpu.memory_space<vmem>>, vector<16xf32>,
      %add3A_389 = arith.addf %get3A_384, %get3A_388 : vector<16xf32>
      %get3A_390 = arith.constant 16 : index
      %get3A_391 = tpu.vector_load %arg26[%get3A_390] {strides = array<i32>} : memref<128xf32, #tpu.memory_space<vmem>>, vector<16xf32>,
      %get3A_392 = arith.constant 1 : i32
      %get3A_393 = arith.index_cast %get3A_392 : i32 to index
      %get3A_394 = arith.constant 16 : index
      %get3A_395 = tpu.vector_load %arg10[%get3A_393, %get3A_394] {strides = array<i32>} : memref<2x128xf32, #tpu.memory_space<vmem>>, vector<16xf32>,
      %add3A_396 = arith.addf %get3A_391, %get3A_395 : vector<16xf32>
      %get3A_397 = arith.constant 32 : index
      %get3A_398 = tpu.vector_load %arg26[%get3A_397] {strides = array<i32>} : memref<128xf32, #tpu.memory_space<vmem>>, vector<16xf32>,
      %get3A_399 = arith.constant 1 : i32
      %get3A_400 = arith.index_cast %get3A_399 : i32 to index
      %get3A_401 = arith.constant 32 : index
      %get3A_402 = tpu.vector_load %arg10[%get3A_400, %get3A_401] {strides = array<i32>} : memref<2x128xf32, #tpu.memory_space<vmem>>, vector<16xf32>,
      %add3A_403 = arith.addf %get3A_398, %get3A_402 : vector<16xf32>
      %get3A_404 = arith.constant 48 : index
      %get3A_405 = tpu.vector_load %arg26[%get3A_404] {strides = array<i32>} : memref<128xf32, #tpu.memory_space<vmem>>, vector<16xf32>,
      %get3A_406 = arith.constant 1 : i32
      %get3A_407 = arith.index_cast %get3A_406 : i32 to index
      %get3A_408 = arith.constant 48 : index
      %get3A_409 = tpu.vector_load %arg10[%get3A_407, %get3A_408] {strides = array<i32>} : memref<2x128xf32, #tpu.memory_space<vmem>>, vector<16xf32>,
      %add3A_410 = arith.addf %get3A_405, %get3A_409 : vector<16xf32>
      %get3A_411 = arith.constant 64 : index
      %get3A_412 = tpu.vector_load %arg26[%get3A_411] {strides = array<i32>} : memref<128xf32, #tpu.memory_space<vmem>>, vector<16xf32>,
      %get3A_413 = arith.constant 1 : i32
      %get3A_414 = arith.index_cast %get3A_413 : i32 to index
      %get3A_415 = arith.constant 64 : index
      %get3A_416 = tpu.vector_load %arg10[%get3A_414, %get3A_415] {strides = array<i32>} : memref<2x128xf32, #tpu.memory_space<vmem>>, vector<16xf32>,
      %add3A_417 = arith.addf %get3A_412, %get3A_416 : vector<16xf32>
      %get3A_418 = arith.constant 80 : index
      %get3A_419 = tpu.vector_load %arg26[%get3A_418] {strides = array<i32>} : memref<128xf32, #tpu.memory_space<vmem>>, vector<16xf32>,
      %get3A_420 = arith.constant 1 : i32
      %get3A_421 = arith.index_cast %get3A_420 : i32 to index
      %get3A_422 = arith.constant 80 : index
      %get3A_423 = tpu.vector_load %arg10[%get3A_421, %get3A_422] {strides = array<i32>} : memref<2x128xf32, #tpu.memory_space<vmem>>, vector<16xf32>,
      %add3A_424 = arith.addf %get3A_419, %get3A_423 : vector<16xf32>
      %get3A_425 = arith.constant 96 : index
      %get3A_426 = tpu.vector_load %arg26[%get3A_425] {strides = array<i32>} : memref<128xf32, #tpu.memory_space<vmem>>, vector<16xf32>,
      %get3A_427 = arith.constant 1 : i32
      %get3A_428 = arith.index_cast %get3A_427 : i32 to index
      %get3A_429 = arith.constant 96 : index
      %get3A_430 = tpu.vector_load %arg10[%get3A_428, %get3A_429] {strides = array<i32>} : memref<2x128xf32, #tpu.memory_space<vmem>>, vector<16xf32>,
      %add3A_431 = arith.addf %get3A_426, %get3A_430 : vector<16xf32>
      %get3A_432 = arith.constant 112 : index
      %get3A_433 = tpu.vector_load %arg26[%get3A_432] {strides = array<i32>} : memref<128xf32, #tpu.memory_space<vmem>>, vector<16xf32>,
      %get3A_434 = arith.constant 1 : i32
      %get3A_435 = arith.index_cast %get3A_434 : i32 to index
      %get3A_436 = arith.constant 112 : index
      %get3A_437 = tpu.vector_load %arg10[%get3A_435, %get3A_436] {strides = array<i32>} : memref<2x128xf32, #tpu.memory_space<vmem>>, vector<16xf32>,
      %add3A_438 = arith.addf %get3A_433, %get3A_437 : vector<16xf32>
      %parallel_loop3A_439 = arith.constant 0 : i32
      %parallel_loop3A_440 = arith.constant 128 : i32
      %parallel_loop3A_441 = arith.constant 1 : i32
      scf.for %parallel_loop3A_753 = %parallel_loop3A_439 to %parallel_loop3A_440 step %parallel_loop3A_441  : i32 {
        %parallel_loop3A_754 = arith.index_cast %parallel_loop3A_753 : i32 to index
        %parallel_loop3A_755 = tpu.vector_load %arg22[%parallel_loop3A_754] {strides = array<i32>} : memref<144xi32, #tpu.memory_space<vmem>>, vector<16xi32>,
        %parallel_loop3A_756 = vector.extract_strided_slice %parallel_loop3A_755 {offsets = [0], sizes = [1], strides = [1]} : vector<16xi32> to vector<1xi32>
        %parallel_loop3A_757 = vector.extract %parallel_loop3A_756[0] : i32 from vector<1xi32>
        %parallel_loop3A_758 = arith.constant 1 : i32
        %parallel_loop3A_759 = arith.cmpi eq, %parallel_loop3A_757, %parallel_loop3A_758 : i32
        %parallel_loop3A_760 = arith.index_cast %parallel_loop3A_753 : i32 to index
        %parallel_loop3A_761 = arith.constant 0 : index
        %parallel_loop3A_762 = tpu.vector_load %arg14[%parallel_loop3A_760, %parallel_loop3A_761] {strides = array<i32>} : memref<128x128xf32, #tpu.memory_space<vmem>>, vector<16xf32>,
        %parallel_loop3A_763 = arith.select %parallel_loop3A_759, %add3A_389, %add3A_333 : vector<16xf32>
        %parallel_loop3A_764 = arith.addf %parallel_loop3A_762, %parallel_loop3A_763 : vector<16xf32>
        %parallel_loop3A_765 = arith.index_cast %parallel_loop3A_753 : i32 to index
        %parallel_loop3A_766 = arith.constant 16 : index
        %parallel_loop3A_767 = tpu.vector_load %arg14[%parallel_loop3A_765, %parallel_loop3A_766] {strides = array<i32>} : memref<128x128xf32, #tpu.memory_space<vmem>>, vector<16xf32>,
        %parallel_loop3A_768 = arith.select %parallel_loop3A_759, %add3A_396, %add3A_340 : vector<16xf32>
        %parallel_loop3A_769 = arith.addf %parallel_loop3A_767, %parallel_loop3A_768 : vector<16xf32>
        %parallel_loop3A_770 = arith.index_cast %parallel_loop3A_753 : i32 to index
        %parallel_loop3A_771 = arith.constant 32 : index
        %parallel_loop3A_772 = tpu.vector_load %arg14[%parallel_loop3A_770, %parallel_loop3A_771] {strides = array<i32>} : memref<128x128xf32, #tpu.memory_space<vmem>>, vector<16xf32>,
        %parallel_loop3A_773 = arith.select %parallel_loop3A_759, %add3A_403, %add3A_347 : vector<16xf32>
        %parallel_loop3A_774 = arith.addf %parallel_loop3A_772, %parallel_loop3A_773 : vector<16xf32>
        %parallel_loop3A_775 = arith.index_cast %parallel_loop3A_753 : i32 to index
        %parallel_loop3A_776 = arith.constant 48 : index
        %parallel_loop3A_777 = tpu.vector_load %arg14[%parallel_loop3A_775, %parallel_loop3A_776] {strides = array<i32>} : memref<128x128xf32, #tpu.memory_space<vmem>>, vector<16xf32>,
        %parallel_loop3A_778 = arith.select %parallel_loop3A_759, %add3A_410, %add3A_354 : vector<16xf32>
        %parallel_loop3A_779 = arith.addf %parallel_loop3A_777, %parallel_loop3A_778 : vector<16xf32>
        %parallel_loop3A_780 = arith.index_cast %parallel_loop3A_753 : i32 to index
        %parallel_loop3A_781 = arith.constant 64 : index
        %parallel_loop3A_782 = tpu.vector_load %arg14[%parallel_loop3A_780, %parallel_loop3A_781] {strides = array<i32>} : memref<128x128xf32, #tpu.memory_space<vmem>>, vector<16xf32>,
        %parallel_loop3A_783 = arith.select %parallel_loop3A_759, %add3A_417, %add3A_361 : vector<16xf32>
        %parallel_loop3A_784 = arith.addf %parallel_loop3A_782, %parallel_loop3A_783 : vector<16xf32>
        %parallel_loop3A_785 = arith.index_cast %parallel_loop3A_753 : i32 to index
        %parallel_loop3A_786 = arith.constant 80 : index
        %parallel_loop3A_787 = tpu.vector_load %arg14[%parallel_loop3A_785, %parallel_loop3A_786] {strides = array<i32>} : memref<128x128xf32, #tpu.memory_space<vmem>>, vector<16xf32>,
        %parallel_loop3A_788 = arith.select %parallel_loop3A_759, %add3A_424, %add3A_368 : vector<16xf32>
        %parallel_loop3A_789 = arith.addf %parallel_loop3A_787, %parallel_loop3A_788 : vector<16xf32>
        %parallel_loop3A_790 = arith.index_cast %parallel_loop3A_753 : i32 to index
        %parallel_loop3A_791 = arith.constant 96 : index
        %parallel_loop3A_792 = tpu.vector_load %arg14[%parallel_loop3A_790, %parallel_loop3A_791] {strides = array<i32>} : memref<128x128xf32, #tpu.memory_space<vmem>>, vector<16xf32>,
        %parallel_loop3A_793 = arith.select %parallel_loop3A_759, %add3A_431, %add3A_375 : vector<16xf32>
        %parallel_loop3A_794 = arith.addf %parallel_loop3A_792, %parallel_loop3A_793 : vector<16xf32>
        %parallel_loop3A_795 = arith.index_cast %parallel_loop3A_753 : i32 to index
        %parallel_loop3A_796 = arith.constant 112 : index
        %parallel_loop3A_797 = tpu.vector_load %arg14[%parallel_loop3A_795, %parallel_loop3A_796] {strides = array<i32>} : memref<128x128xf32, #tpu.memory_space<vmem>>, vector<16xf32>,
        %parallel_loop3A_798 = arith.select %parallel_loop3A_759, %add3A_438, %add3A_382 : vector<16xf32>
        %parallel_loop3A_799 = arith.addf %parallel_loop3A_797, %parallel_loop3A_798 : vector<16xf32>
        %parallel_loop3A_800 = arith.mulf %parallel_loop3A_764, %parallel_loop3A_764 : vector<16xf32>
        %parallel_loop3A_801 = arith.addf %parallel_loop3A_764, %parallel_loop3A_769 : vector<16xf32>
        %parallel_loop3A_802 = arith.mulf %parallel_loop3A_769, %parallel_loop3A_769 : vector<16xf32>
        %parallel_loop3A_803 = arith.addf %parallel_loop3A_800, %parallel_loop3A_802 : vector<16xf32>
        %parallel_loop3A_804 = arith.addf %parallel_loop3A_801, %parallel_loop3A_774 : vector<16xf32>
        %parallel_loop3A_805 = arith.mulf %parallel_loop3A_774, %parallel_loop3A_774 : vector<16xf32>
        %parallel_loop3A_806 = arith.addf %parallel_loop3A_803, %parallel_loop3A_805 : vector<16xf32>
        %parallel_loop3A_807 = arith.addf %parallel_loop3A_804, %parallel_loop3A_779 : vector<16xf32>
        %parallel_loop3A_808 = arith.mulf %parallel_loop3A_779, %parallel_loop3A_779 : vector<16xf32>
        %parallel_loop3A_809 = arith.addf %parallel_loop3A_806, %parallel_loop3A_808 : vector<16xf32>
        %parallel_loop3A_810 = arith.addf %parallel_loop3A_807, %parallel_loop3A_784 : vector<16xf32>
        %parallel_loop3A_811 = arith.mulf %parallel_loop3A_784, %parallel_loop3A_784 : vector<16xf32>
        %parallel_loop3A_812 = arith.addf %parallel_loop3A_809, %parallel_loop3A_811 : vector<16xf32>
        %parallel_loop3A_813 = arith.addf %parallel_loop3A_810, %parallel_loop3A_789 : vector<16xf32>
        %parallel_loop3A_814 = arith.mulf %parallel_loop3A_789, %parallel_loop3A_789 : vector<16xf32>
        %parallel_loop3A_815 = arith.addf %parallel_loop3A_812, %parallel_loop3A_814 : vector<16xf32>
        %parallel_loop3A_816 = arith.addf %parallel_loop3A_813, %parallel_loop3A_794 : vector<16xf32>
        %parallel_loop3A_817 = arith.mulf %parallel_loop3A_794, %parallel_loop3A_794 : vector<16xf32>
        %parallel_loop3A_818 = arith.addf %parallel_loop3A_815, %parallel_loop3A_817 : vector<16xf32>
        %parallel_loop3A_819 = arith.addf %parallel_loop3A_816, %parallel_loop3A_799 : vector<16xf32>
        %parallel_loop3A_820 = arith.mulf %parallel_loop3A_799, %parallel_loop3A_799 : vector<16xf32>
        %parallel_loop3A_821 = arith.addf %parallel_loop3A_818, %parallel_loop3A_820 : vector<16xf32>
        %parallel_loop3A_822 = arith.constant true
        %parallel_loop3A_823 = vector.broadcast %parallel_loop3A_822 : i1 to vector<16xi1>
        %parallel_loop3A_824 = tpu.scan <sum>, %parallel_loop3A_819 masked %parallel_loop3A_823 : vector<16xf32>, vector<16xi1> -> vector<16xf32>
        %parallel_loop3A_825 = vector.extract %parallel_loop3A_824[15] : f32 from vector<16xf32>
        %parallel_loop3A_826 = arith.constant 7.812500e-03 : f32
        %parallel_loop3A_827 = arith.mulf %parallel_loop3A_825, %parallel_loop3A_826 : f32
        %parallel_loop3A_828 = arith.constant true
        %parallel_loop3A_829 = vector.broadcast %parallel_loop3A_828 : i1 to vector<16xi1>
        %parallel_loop3A_830 = tpu.scan <sum>, %parallel_loop3A_821 masked %parallel_loop3A_829 : vector<16xf32>, vector<16xi1> -> vector<16xf32>
        %parallel_loop3A_831 = vector.extract %parallel_loop3A_830[15] : f32 from vector<16xf32>
        %parallel_loop3A_832 = arith.constant 7.812500e-03 : f32
        %parallel_loop3A_833 = arith.mulf %parallel_loop3A_831, %parallel_loop3A_832 : f32
        %parallel_loop3A_834 = arith.mulf %parallel_loop3A_827, %parallel_loop3A_827 : f32
        %parallel_loop3A_835 = arith.subf %parallel_loop3A_833, %parallel_loop3A_834 : f32
        %parallel_loop3A_836 = vector.broadcast %parallel_loop3A_827 : f32 to vector<16xf32>
        %parallel_loop3A_837 = vector.broadcast %parallel_loop3A_835 : f32 to vector<16xf32>
        %parallel_loop3A_838 = arith.constant 0.000000e+00 : f32
        %parallel_loop3A_839 = vector.broadcast %parallel_loop3A_838 : f32 to vector<16xf32>
        %parallel_loop3A_840 = arith.maximumf %parallel_loop3A_837, %parallel_loop3A_839 : vector<16xf32>
        %parallel_loop3A_841 = arith.constant 9.99999996E-13 : f32
        %parallel_loop3A_842 = vector.broadcast %parallel_loop3A_841 : f32 to vector<16xf32>
        %parallel_loop3A_843 = arith.addf %parallel_loop3A_840, %parallel_loop3A_842 : vector<16xf32>
        %parallel_loop3A_844 = tpu.bitcast %parallel_loop3A_843 : vector<16xf32> -> vector<16xi32>
        %parallel_loop3A_845 = arith.constant 1 : i32
        %parallel_loop3A_846 = vector.broadcast %parallel_loop3A_845 : i32 to vector<16xi32>
        %parallel_loop3A_847 = arith.shrui %parallel_loop3A_844, %parallel_loop3A_846 : vector<16xi32>
        %parallel_loop3A_848 = arith.constant 1597463007 : i32
        %parallel_loop3A_849 = vector.broadcast %parallel_loop3A_848 : i32 to vector<16xi32>
        %parallel_loop3A_850 = arith.subi %parallel_loop3A_849, %parallel_loop3A_847 : vector<16xi32>
        %parallel_loop3A_851 = tpu.bitcast %parallel_loop3A_850 : vector<16xi32> -> vector<16xf32>
        %parallel_loop3A_852 = arith.constant 5.000000e-01 : f32
        %parallel_loop3A_853 = vector.broadcast %parallel_loop3A_852 : f32 to vector<16xf32>
        %parallel_loop3A_854 = arith.mulf %parallel_loop3A_843, %parallel_loop3A_853 : vector<16xf32>
        %parallel_loop3A_855 = arith.mulf %parallel_loop3A_854, %parallel_loop3A_851 : vector<16xf32>
        %parallel_loop3A_856 = arith.mulf %parallel_loop3A_855, %parallel_loop3A_851 : vector<16xf32>
        %parallel_loop3A_857 = arith.constant 1.500000e+00 : f32
        %parallel_loop3A_858 = vector.broadcast %parallel_loop3A_857 : f32 to vector<16xf32>
        %parallel_loop3A_859 = arith.subf %parallel_loop3A_858, %parallel_loop3A_856 : vector<16xf32>
        %parallel_loop3A_860 = arith.mulf %parallel_loop3A_851, %parallel_loop3A_859 : vector<16xf32>
        %parallel_loop3A_861 = arith.subf %parallel_loop3A_764, %parallel_loop3A_836 : vector<16xf32>
        %parallel_loop3A_862 = arith.mulf %parallel_loop3A_861, %parallel_loop3A_860 : vector<16xf32>
        %parallel_loop3A_863 = arith.mulf %parallel_loop3A_862, %get3A_5 : vector<16xf32>
        %parallel_loop3A_864 = arith.addf %parallel_loop3A_863, %get3A_21 : vector<16xf32>
        %parallel_loop3A_865 = arith.index_cast %parallel_loop3A_753 : i32 to index
        %parallel_loop3A_866 = arith.constant 0 : index
        %parallel_loop3A_867 = tpu.vector_load %arg14[%parallel_loop3A_865, %parallel_loop3A_866] {strides = array<i32>} : memref<128x128xf32, #tpu.memory_space<vmem>>, vector<16xf32>,
        tpu.vector_store %arg14[%parallel_loop3A_865, %parallel_loop3A_866], %parallel_loop3A_864 {strides = array<i32>} : memref<128x128xf32, #tpu.memory_space<vmem>>, vector<16xf32>,
        %parallel_loop3A_868 = arith.subf %parallel_loop3A_769, %parallel_loop3A_836 : vector<16xf32>
        %parallel_loop3A_869 = arith.mulf %parallel_loop3A_868, %parallel_loop3A_860 : vector<16xf32>
        %parallel_loop3A_870 = arith.mulf %parallel_loop3A_869, %get3A_7 : vector<16xf32>
        %parallel_loop3A_871 = arith.addf %parallel_loop3A_870, %get3A_23 : vector<16xf32>
        %parallel_loop3A_872 = arith.index_cast %parallel_loop3A_753 : i32 to index
        %parallel_loop3A_873 = arith.constant 16 : index
        %parallel_loop3A_874 = tpu.vector_load %arg14[%parallel_loop3A_872, %parallel_loop3A_873] {strides = array<i32>} : memref<128x128xf32, #tpu.memory_space<vmem>>, vector<16xf32>,
        tpu.vector_store %arg14[%parallel_loop3A_872, %parallel_loop3A_873], %parallel_loop3A_871 {strides = array<i32>} : memref<128x128xf32, #tpu.memory_space<vmem>>, vector<16xf32>,
        %parallel_loop3A_875 = arith.subf %parallel_loop3A_774, %parallel_loop3A_836 : vector<16xf32>
        %parallel_loop3A_876 = arith.mulf %parallel_loop3A_875, %parallel_loop3A_860 : vector<16xf32>
        %parallel_loop3A_877 = arith.mulf %parallel_loop3A_876, %get3A_9 : vector<16xf32>
        %parallel_loop3A_878 = arith.addf %parallel_loop3A_877, %get3A_25 : vector<16xf32>
        %parallel_loop3A_879 = arith.index_cast %parallel_loop3A_753 : i32 to index
        %parallel_loop3A_880 = arith.constant 32 : index
        %parallel_loop3A_881 = tpu.vector_load %arg14[%parallel_loop3A_879, %parallel_loop3A_880] {strides = array<i32>} : memref<128x128xf32, #tpu.memory_space<vmem>>, vector<16xf32>,
        tpu.vector_store %arg14[%parallel_loop3A_879, %parallel_loop3A_880], %parallel_loop3A_878 {strides = array<i32>} : memref<128x128xf32, #tpu.memory_space<vmem>>, vector<16xf32>,
        %parallel_loop3A_882 = arith.subf %parallel_loop3A_779, %parallel_loop3A_836 : vector<16xf32>
        %parallel_loop3A_883 = arith.mulf %parallel_loop3A_882, %parallel_loop3A_860 : vector<16xf32>
        %parallel_loop3A_884 = arith.mulf %parallel_loop3A_883, %get3A_11 : vector<16xf32>
        %parallel_loop3A_885 = arith.addf %parallel_loop3A_884, %get3A_27 : vector<16xf32>
        %parallel_loop3A_886 = arith.index_cast %parallel_loop3A_753 : i32 to index
        %parallel_loop3A_887 = arith.constant 48 : index
        %parallel_loop3A_888 = tpu.vector_load %arg14[%parallel_loop3A_886, %parallel_loop3A_887] {strides = array<i32>} : memref<128x128xf32, #tpu.memory_space<vmem>>, vector<16xf32>,
        tpu.vector_store %arg14[%parallel_loop3A_886, %parallel_loop3A_887], %parallel_loop3A_885 {strides = array<i32>} : memref<128x128xf32, #tpu.memory_space<vmem>>, vector<16xf32>,
        %parallel_loop3A_889 = arith.subf %parallel_loop3A_784, %parallel_loop3A_836 : vector<16xf32>
        %parallel_loop3A_890 = arith.mulf %parallel_loop3A_889, %parallel_loop3A_860 : vector<16xf32>
        %parallel_loop3A_891 = arith.mulf %parallel_loop3A_890, %get3A_13 : vector<16xf32>
        %parallel_loop3A_892 = arith.addf %parallel_loop3A_891, %get3A_29 : vector<16xf32>
        %parallel_loop3A_893 = arith.index_cast %parallel_loop3A_753 : i32 to index
        %parallel_loop3A_894 = arith.constant 64 : index
        %parallel_loop3A_895 = tpu.vector_load %arg14[%parallel_loop3A_893, %parallel_loop3A_894] {strides = array<i32>} : memref<128x128xf32, #tpu.memory_space<vmem>>, vector<16xf32>,
        tpu.vector_store %arg14[%parallel_loop3A_893, %parallel_loop3A_894], %parallel_loop3A_892 {strides = array<i32>} : memref<128x128xf32, #tpu.memory_space<vmem>>, vector<16xf32>,
        %parallel_loop3A_896 = arith.subf %parallel_loop3A_789, %parallel_loop3A_836 : vector<16xf32>
        %parallel_loop3A_897 = arith.mulf %parallel_loop3A_896, %parallel_loop3A_860 : vector<16xf32>
        %parallel_loop3A_898 = arith.mulf %parallel_loop3A_897, %get3A_15 : vector<16xf32>
        %parallel_loop3A_899 = arith.addf %parallel_loop3A_898, %get3A_31 : vector<16xf32>
        %parallel_loop3A_900 = arith.index_cast %parallel_loop3A_753 : i32 to index
        %parallel_loop3A_901 = arith.constant 80 : index
        %parallel_loop3A_902 = tpu.vector_load %arg14[%parallel_loop3A_900, %parallel_loop3A_901] {strides = array<i32>} : memref<128x128xf32, #tpu.memory_space<vmem>>, vector<16xf32>,
        tpu.vector_store %arg14[%parallel_loop3A_900, %parallel_loop3A_901], %parallel_loop3A_899 {strides = array<i32>} : memref<128x128xf32, #tpu.memory_space<vmem>>, vector<16xf32>,
        %parallel_loop3A_903 = arith.subf %parallel_loop3A_794, %parallel_loop3A_836 : vector<16xf32>
        %parallel_loop3A_904 = arith.mulf %parallel_loop3A_903, %parallel_loop3A_860 : vector<16xf32>
        %parallel_loop3A_905 = arith.mulf %parallel_loop3A_904, %get3A_17 : vector<16xf32>
        %parallel_loop3A_906 = arith.addf %parallel_loop3A_905, %get3A_33 : vector<16xf32>
        %parallel_loop3A_907 = arith.index_cast %parallel_loop3A_753 : i32 to index
        %parallel_loop3A_908 = arith.constant 96 : index
        %parallel_loop3A_909 = tpu.vector_load %arg14[%parallel_loop3A_907, %parallel_loop3A_908] {strides = array<i32>} : memref<128x128xf32, #tpu.memory_space<vmem>>, vector<16xf32>,
        tpu.vector_store %arg14[%parallel_loop3A_907, %parallel_loop3A_908], %parallel_loop3A_906 {strides = array<i32>} : memref<128x128xf32, #tpu.memory_space<vmem>>, vector<16xf32>,
        %parallel_loop3A_910 = arith.subf %parallel_loop3A_799, %parallel_loop3A_836 : vector<16xf32>
        %parallel_loop3A_911 = arith.mulf %parallel_loop3A_910, %parallel_loop3A_860 : vector<16xf32>
        %parallel_loop3A_912 = arith.mulf %parallel_loop3A_911, %get3A_19 : vector<16xf32>
        %parallel_loop3A_913 = arith.addf %parallel_loop3A_912, %get3A_35 : vector<16xf32>
        %parallel_loop3A_914 = arith.index_cast %parallel_loop3A_753 : i32 to index
        %parallel_loop3A_915 = arith.constant 112 : index
        %parallel_loop3A_916 = tpu.vector_load %arg14[%parallel_loop3A_914, %parallel_loop3A_915] {strides = array<i32>} : memref<128x128xf32, #tpu.memory_space<vmem>>, vector<16xf32>,
        tpu.vector_store %arg14[%parallel_loop3A_914, %parallel_loop3A_915], %parallel_loop3A_913 {strides = array<i32>} : memref<128x128xf32, #tpu.memory_space<vmem>>, vector<16xf32>,
      } {sc.loop_unroll_factor = 4 : i64, sc.parallel_access}
      %rem3A_442 = arith.constant 8 : i32
      %rem3A_443 = arith.remsi %add3A_309, %rem3A_442 : i32
      %mul3A_444 = arith.constant 128 : i32
      %mul3A_445 = arith.muli %rem3A_443, %mul3A_444 : i32
      %div3A_446 = arith.constant 8 : i32
      %div3A_447 = arith.divsi %add3A_309, %div3A_446 : i32
      %add3A_448 = arith.addi %mul3A_4, %div3A_447 : i32
      %dma_start3A_449 = arith.constant 0 : i32
      %dma_start3A_450 = tpu.memref_slice %arg9[%mul3A_445, %add3A_448, %dma_start3A_449] : memref<1024x512x128xf32, #tpu.memory_space<hbm>> -> memref<128x1x128xf32, #tpu.memory_space<hbm>>
      %dma_start3A_451 = tpu.memref_squeeze %dma_start3A_450 : memref<128x1x128xf32, #tpu.memory_space<hbm>> -> memref<128x128xf32, #tpu.memory_space<hbm>>
      %dma_start3A_452 = arith.constant 0 : i32
      %dma_start3A_453 = tpu.memref_slice %arg9[%mul3A_445, %add3A_448, %dma_start3A_452] : memref<1024x512x128xf32, #tpu.memory_space<hbm>> -> memref<128x1x128xf32, #tpu.memory_space<hbm>>
      %dma_start3A_454 = tpu.memref_squeeze %dma_start3A_453 : memref<128x1x128xf32, #tpu.memory_space<hbm>> -> memref<128x128xf32, #tpu.memory_space<hbm>>
      tpu.enqueue_dma source(%arg14 : memref<128x128xf32, #tpu.memory_space<vmem>>) target(%dma_start3A_454 : memref<128x128xf32, #tpu.memory_space<hbm>>) target_semaphore(%arg34 : memref<!tpu.dma_semaphore, #tpu.memory_space<semaphore_mem>>)
      %mul3A_455 = arith.constant 4 : i32
      %mul3A_456 = arith.muli %scan3A_160, %mul3A_455 : i32
      %add3A_457 = arith.constant 2 : i32
      %add3A_458 = arith.addi %mul3A_456, %add3A_457 : i32
      %add3A_459 = arith.constant 1 : i32
      %add3A_460 = arith.addi %add3A_458, %add3A_459 : i32
      %lt3A_461 = arith.constant 128 : i32
      %lt3A_462 = arith.cmpi slt, %add3A_460, %lt3A_461 : i32
      %convert_element_type3A_463 = arith.extui %lt3A_462 : i1 to i32
      %cond3A_464 = arith.constant 0 : i32
      %cond3A_465 = arith.cmpi ne, %convert_element_type3A_463, %cond3A_464 : i32
      scf.if %cond3A_465 {
        %mul3A_753 = arith.constant 128 : i32
        %mul3A_754 = arith.muli %add3A_460, %mul3A_753 : i32
        %add3A_755 = arith.addi %mul3A_2, %mul3A_754 : i32
        %div3A_756 = arith.constant 8 : i32
        %div3A_757 = arith.divsi %add3A_460, %div3A_756 : i32
        %add3A_758 = arith.addi %mul3A_4, %div3A_757 : i32
        %dma_wait3A_759 = tpu.memref_slice %arg3[%add3A_755] : memref<524288xi32, #tpu.memory_space<hbm>> -> memref<128xi32, #tpu.memory_space<hbm>>
        %dma_wait3A_760 = tpu.memref_slice %arg3[%add3A_755] : memref<524288xi32, #tpu.memory_space<hbm>> -> memref<128xi32, #tpu.memory_space<hbm>>
        tpu.wait_dma2 semaphore(%arg40 : memref<!tpu.dma_semaphore, #tpu.memory_space<semaphore_mem>>) src(%dma_wait3A_760 : memref<128xi32, #tpu.memory_space<hbm>>) dst(%arg20 : memref<128xi32, #tpu.memory_space<vmem>>)
        %dma_wait3A_761 = arith.constant 0 : i32
        %dma_wait3A_762 = tpu.memref_slice %arg24[%dma_wait3A_761] : memref<144xi32, #tpu.memory_space<vmem>> -> memref<128xi32, #tpu.memory_space<vmem>>
        %dma_wait3A_763 = tpu.memref_slice %arg4[%add3A_755] : memref<524288xi32, #tpu.memory_space<hbm>> -> memref<128xi32, #tpu.memory_space<hbm>>
        %dma_wait3A_764 = arith.constant 0 : i32
        %dma_wait3A_765 = tpu.memref_slice %arg24[%dma_wait3A_764] : memref<144xi32, #tpu.memory_space<vmem>> -> memref<128xi32, #tpu.memory_space<vmem>>
        %dma_wait3A_766 = tpu.memref_slice %arg4[%add3A_755] : memref<524288xi32, #tpu.memory_space<hbm>> -> memref<128xi32, #tpu.memory_space<hbm>>
        tpu.wait_dma2 semaphore(%arg44 : memref<!tpu.dma_semaphore, #tpu.memory_space<semaphore_mem>>) src(%dma_wait3A_766 : memref<128xi32, #tpu.memory_space<hbm>>) dst(%dma_wait3A_765 : memref<128xi32, #tpu.memory_space<vmem>>)
        %dma_wait3A_767 = arith.constant 0 : i32
        %dma_wait3A_768 = tpu.memref_slice %arg5[%add3A_758, %dma_wait3A_767] : memref<512x128xf32, #tpu.memory_space<hbm>> -> memref<1x128xf32, #tpu.memory_space<hbm>>
        %dma_wait3A_769 = tpu.memref_squeeze %dma_wait3A_768 : memref<1x128xf32, #tpu.memory_space<hbm>> -> memref<128xf32, #tpu.memory_space<hbm>>
        %dma_wait3A_770 = arith.constant 0 : i32
        %dma_wait3A_771 = tpu.memref_slice %arg5[%add3A_758, %dma_wait3A_770] : memref<512x128xf32, #tpu.memory_space<hbm>> -> memref<1x128xf32, #tpu.memory_space<hbm>>
        %dma_wait3A_772 = tpu.memref_squeeze %dma_wait3A_771 : memref<1x128xf32, #tpu.memory_space<hbm>> -> memref<128xf32, #tpu.memory_space<hbm>>
        tpu.wait_dma2 semaphore(%arg48 : memref<!tpu.dma_semaphore, #tpu.memory_space<semaphore_mem>>) src(%dma_wait3A_772 : memref<128xf32, #tpu.memory_space<hbm>>) dst(%arg28 : memref<128xf32, #tpu.memory_space<vmem>>)
        %ge3A = arith.constant 4 : i32
        %ge3A_773 = arith.cmpi sge, %add3A_460, %ge3A : i32
        %convert_element_type3A_774 = arith.extui %ge3A_773 : i1 to i32
        %cond3A_775 = arith.constant 0 : i32
        %cond3A_776 = arith.cmpi ne, %convert_element_type3A_774, %cond3A_775 : i32
        scf.if %cond3A_776 {
          %sub3A = arith.constant 4 : i32
          %sub3A_780 = arith.subi %add3A_460, %sub3A : i32
          %rem3A_781 = arith.constant 8 : i32
          %rem3A_782 = arith.remsi %sub3A_780, %rem3A_781 : i32
          %mul3A_783 = arith.constant 128 : i32
          %mul3A_784 = arith.muli %rem3A_782, %mul3A_783 : i32
          %div3A_785 = arith.constant 8 : i32
          %div3A_786 = arith.divsi %sub3A_780, %div3A_785 : i32
          %add3A_787 = arith.addi %mul3A_4, %div3A_786 : i32
          %dma_wait3A_788 = arith.constant 0 : i32
          %dma_wait3A_789 = tpu.memref_slice %arg9[%mul3A_784, %add3A_787, %dma_wait3A_788] : memref<1024x512x128xf32, #tpu.memory_space<hbm>> -> memref<128x1x128xf32, #tpu.memory_space<hbm>>
          %dma_wait3A_790 = tpu.memref_squeeze %dma_wait3A_789 : memref<128x1x128xf32, #tpu.memory_space<hbm>> -> memref<128x128xf32, #tpu.memory_space<hbm>>
          %dma_wait3A_791 = arith.constant 0 : i32
          %dma_wait3A_792 = tpu.memref_slice %arg9[%mul3A_784, %add3A_787, %dma_wait3A_791] : memref<1024x512x128xf32, #tpu.memory_space<hbm>> -> memref<128x1x128xf32, #tpu.memory_space<hbm>>
          %dma_wait3A_793 = tpu.memref_squeeze %dma_wait3A_792 : memref<128x1x128xf32, #tpu.memory_space<hbm>> -> memref<128x128xf32, #tpu.memory_space<hbm>>
          tpu.wait_dma2 semaphore(%arg36 : memref<!tpu.dma_semaphore, #tpu.memory_space<semaphore_mem>>) src(%arg16 : memref<128x128xf32, #tpu.memory_space<vmem>>) dst(%dma_wait3A_793 : memref<128x128xf32, #tpu.memory_space<hbm>>)
        } else {
        }
        %dma_start3A_777 = arith.constant 0 : i32
        %dma_start3A_778 = arith.constant 0 : i32
        %dma_start3A_779 = tpu.memref_slice %arg2[%dma_start3A_777, %dma_start3A_778] : memref<100000x128xf32, #tpu.memory_space<hbm>> -> memref<100000x128xf32, #tpu.memory_space<hbm>>
        tpu.enqueue_indirect_dma source(%dma_start3A_779 : memref<100000x128xf32, #tpu.memory_space<hbm>>) target(%arg16 : memref<128x128xf32, #tpu.memory_space<vmem>>) offsets(%arg20 : memref<128xi32, #tpu.memory_space<vmem>>) semaphore(%arg32 : memref<!tpu.dma_semaphore, #tpu.memory_space<semaphore_mem>>)
      } else {
      }
      %add3A_466 = arith.constant 2 : i32
      %add3A_467 = arith.addi %add3A_458, %add3A_466 : i32
      %lt3A_468 = arith.constant 128 : i32
      %lt3A_469 = arith.cmpi slt, %add3A_467, %lt3A_468 : i32
      %convert_element_type3A_470 = arith.extui %lt3A_469 : i1 to i32
      %cond3A_471 = arith.constant 0 : i32
      %cond3A_472 = arith.cmpi ne, %convert_element_type3A_470, %cond3A_471 : i32
      scf.if %cond3A_472 {
        %add3A_753 = arith.constant 2 : i32
        %add3A_754 = arith.addi %add3A_458, %add3A_753 : i32
        %mul3A_755 = arith.constant 128 : i32
        %mul3A_756 = arith.muli %add3A_754, %mul3A_755 : i32
        %add3A_757 = arith.addi %mul3A_2, %mul3A_756 : i32
        %div3A_758 = arith.constant 8 : i32
        %div3A_759 = arith.divsi %add3A_754, %div3A_758 : i32
        %add3A_760 = arith.addi %mul3A_4, %div3A_759 : i32
        %dma_start3A_761 = tpu.memref_slice %arg3[%add3A_757] : memref<524288xi32, #tpu.memory_space<hbm>> -> memref<128xi32, #tpu.memory_space<hbm>>
        %dma_start3A_762 = tpu.memref_slice %arg3[%add3A_757] : memref<524288xi32, #tpu.memory_space<hbm>> -> memref<128xi32, #tpu.memory_space<hbm>>
        tpu.enqueue_dma source(%dma_start3A_762 : memref<128xi32, #tpu.memory_space<hbm>>) target(%arg17 : memref<128xi32, #tpu.memory_space<vmem>>) target_semaphore(%arg37 : memref<!tpu.dma_semaphore, #tpu.memory_space<semaphore_mem>>)
        %dma_start3A_763 = arith.constant 0 : i32
        %dma_start3A_764 = tpu.memref_slice %arg21[%dma_start3A_763] : memref<144xi32, #tpu.memory_space<vmem>> -> memref<128xi32, #tpu.memory_space<vmem>>
        %dma_start3A_765 = tpu.memref_slice %arg4[%add3A_757] : memref<524288xi32, #tpu.memory_space<hbm>> -> memref<128xi32, #tpu.memory_space<hbm>>
        %dma_start3A_766 = arith.constant 0 : i32
        %dma_start3A_767 = tpu.memref_slice %arg21[%dma_start3A_766] : memref<144xi32, #tpu.memory_space<vmem>> -> memref<128xi32, #tpu.memory_space<vmem>>
        %dma_start3A_768 = tpu.memref_slice %arg4[%add3A_757] : memref<524288xi32, #tpu.memory_space<hbm>> -> memref<128xi32, #tpu.memory_space<hbm>>
        tpu.enqueue_dma source(%dma_start3A_768 : memref<128xi32, #tpu.memory_space<hbm>>) target(%dma_start3A_767 : memref<128xi32, #tpu.memory_space<vmem>>) target_semaphore(%arg41 : memref<!tpu.dma_semaphore, #tpu.memory_space<semaphore_mem>>)
        %dma_start3A_769 = arith.constant 0 : i32
        %dma_start3A_770 = tpu.memref_slice %arg5[%add3A_760, %dma_start3A_769] : memref<512x128xf32, #tpu.memory_space<hbm>> -> memref<1x128xf32, #tpu.memory_space<hbm>>
        %dma_start3A_771 = tpu.memref_squeeze %dma_start3A_770 : memref<1x128xf32, #tpu.memory_space<hbm>> -> memref<128xf32, #tpu.memory_space<hbm>>
        %dma_start3A_772 = arith.constant 0 : i32
        %dma_start3A_773 = tpu.memref_slice %arg5[%add3A_760, %dma_start3A_772] : memref<512x128xf32, #tpu.memory_space<hbm>> -> memref<1x128xf32, #tpu.memory_space<hbm>>
        %dma_start3A_774 = tpu.memref_squeeze %dma_start3A_773 : memref<1x128xf32, #tpu.memory_space<hbm>> -> memref<128xf32, #tpu.memory_space<hbm>>
        tpu.enqueue_dma source(%dma_start3A_774 : memref<128xf32, #tpu.memory_space<hbm>>) target(%arg25 : memref<128xf32, #tpu.memory_space<vmem>>) target_semaphore(%arg45 : memref<!tpu.dma_semaphore, #tpu.memory_space<semaphore_mem>>)
      } else {
      }
      %dma_wait3A_473 = arith.constant 0 : i32
      %dma_wait3A_474 = arith.constant 0 : i32
      %dma_wait3A_475 = tpu.memref_slice %arg2[%dma_wait3A_473, %dma_wait3A_474] : memref<100000x128xf32, #tpu.memory_space<hbm>> -> memref<100000x128xf32, #tpu.memory_space<hbm>>
      tpu.wait_indirect_dma semaphore(%arg31 : memref<!tpu.dma_semaphore, #tpu.memory_space<semaphore_mem>>) src(%dma_wait3A_475 : memref<100000x128xf32, #tpu.memory_space<hbm>>) dst(%arg15 : memref<128x128xf32, #tpu.memory_space<vmem>>)
      %get3A_476 = arith.constant 0 : index
      %get3A_477 = tpu.vector_load %arg27[%get3A_476] {strides = array<i32>} : memref<128xf32, #tpu.memory_space<vmem>>, vector<16xf32>,
      %get3A_478 = arith.constant 0 : i32
      %get3A_479 = arith.index_cast %get3A_478 : i32 to index
      %get3A_480 = arith.constant 0 : index
      %get3A_481 = tpu.vector_load %arg10[%get3A_479, %get3A_480] {strides = array<i32>} : memref<2x128xf32, #tpu.memory_space<vmem>>, vector<16xf32>,
      %add3A_482 = arith.addf %get3A_477, %get3A_481 : vector<16xf32>
      %get3A_483 = arith.constant 16 : index
      %get3A_484 = tpu.vector_load %arg27[%get3A_483] {strides = array<i32>} : memref<128xf32, #tpu.memory_space<vmem>>, vector<16xf32>,
      %get3A_485 = arith.constant 0 : i32
      %get3A_486 = arith.index_cast %get3A_485 : i32 to index
      %get3A_487 = arith.constant 16 : index
      %get3A_488 = tpu.vector_load %arg10[%get3A_486, %get3A_487] {strides = array<i32>} : memref<2x128xf32, #tpu.memory_space<vmem>>, vector<16xf32>,
      %add3A_489 = arith.addf %get3A_484, %get3A_488 : vector<16xf32>
      %get3A_490 = arith.constant 32 : index
      %get3A_491 = tpu.vector_load %arg27[%get3A_490] {strides = array<i32>} : memref<128xf32, #tpu.memory_space<vmem>>, vector<16xf32>,
      %get3A_492 = arith.constant 0 : i32
      %get3A_493 = arith.index_cast %get3A_492 : i32 to index
      %get3A_494 = arith.constant 32 : index
      %get3A_495 = tpu.vector_load %arg10[%get3A_493, %get3A_494] {strides = array<i32>} : memref<2x128xf32, #tpu.memory_space<vmem>>, vector<16xf32>,
      %add3A_496 = arith.addf %get3A_491, %get3A_495 : vector<16xf32>
      %get3A_497 = arith.constant 48 : index
      %get3A_498 = tpu.vector_load %arg27[%get3A_497] {strides = array<i32>} : memref<128xf32, #tpu.memory_space<vmem>>, vector<16xf32>,
      %get3A_499 = arith.constant 0 : i32
      %get3A_500 = arith.index_cast %get3A_499 : i32 to index
      %get3A_501 = arith.constant 48 : index
      %get3A_502 = tpu.vector_load %arg10[%get3A_500, %get3A_501] {strides = array<i32>} : memref<2x128xf32, #tpu.memory_space<vmem>>, vector<16xf32>,
      %add3A_503 = arith.addf %get3A_498, %get3A_502 : vector<16xf32>
      %get3A_504 = arith.constant 64 : index
      %get3A_505 = tpu.vector_load %arg27[%get3A_504] {strides = array<i32>} : memref<128xf32, #tpu.memory_space<vmem>>, vector<16xf32>,
      %get3A_506 = arith.constant 0 : i32
      %get3A_507 = arith.index_cast %get3A_506 : i32 to index
      %get3A_508 = arith.constant 64 : index
      %get3A_509 = tpu.vector_load %arg10[%get3A_507, %get3A_508] {strides = array<i32>} : memref<2x128xf32, #tpu.memory_space<vmem>>, vector<16xf32>,
      %add3A_510 = arith.addf %get3A_505, %get3A_509 : vector<16xf32>
      %get3A_511 = arith.constant 80 : index
      %get3A_512 = tpu.vector_load %arg27[%get3A_511] {strides = array<i32>} : memref<128xf32, #tpu.memory_space<vmem>>, vector<16xf32>,
      %get3A_513 = arith.constant 0 : i32
      %get3A_514 = arith.index_cast %get3A_513 : i32 to index
      %get3A_515 = arith.constant 80 : index
      %get3A_516 = tpu.vector_load %arg10[%get3A_514, %get3A_515] {strides = array<i32>} : memref<2x128xf32, #tpu.memory_space<vmem>>, vector<16xf32>,
      %add3A_517 = arith.addf %get3A_512, %get3A_516 : vector<16xf32>
      %get3A_518 = arith.constant 96 : index
      %get3A_519 = tpu.vector_load %arg27[%get3A_518] {strides = array<i32>} : memref<128xf32, #tpu.memory_space<vmem>>, vector<16xf32>,
      %get3A_520 = arith.constant 0 : i32
      %get3A_521 = arith.index_cast %get3A_520 : i32 to index
      %get3A_522 = arith.constant 96 : index
      %get3A_523 = tpu.vector_load %arg10[%get3A_521, %get3A_522] {strides = array<i32>} : memref<2x128xf32, #tpu.memory_space<vmem>>, vector<16xf32>,
      %add3A_524 = arith.addf %get3A_519, %get3A_523 : vector<16xf32>
      %get3A_525 = arith.constant 112 : index
      %get3A_526 = tpu.vector_load %arg27[%get3A_525] {strides = array<i32>} : memref<128xf32, #tpu.memory_space<vmem>>, vector<16xf32>,
      %get3A_527 = arith.constant 0 : i32
      %get3A_528 = arith.index_cast %get3A_527 : i32 to index
      %get3A_529 = arith.constant 112 : index
      %get3A_530 = tpu.vector_load %arg10[%get3A_528, %get3A_529] {strides = array<i32>} : memref<2x128xf32, #tpu.memory_space<vmem>>, vector<16xf32>,
      %add3A_531 = arith.addf %get3A_526, %get3A_530 : vector<16xf32>
      %get3A_532 = arith.constant 0 : index
      %get3A_533 = tpu.vector_load %arg27[%get3A_532] {strides = array<i32>} : memref<128xf32, #tpu.memory_space<vmem>>, vector<16xf32>,
      %get3A_534 = arith.constant 1 : i32
      %get3A_535 = arith.index_cast %get3A_534 : i32 to index
      %get3A_536 = arith.constant 0 : index
      %get3A_537 = tpu.vector_load %arg10[%get3A_535, %get3A_536] {strides = array<i32>} : memref<2x128xf32, #tpu.memory_space<vmem>>, vector<16xf32>,
      %add3A_538 = arith.addf %get3A_533, %get3A_537 : vector<16xf32>
      %get3A_539 = arith.constant 16 : index
      %get3A_540 = tpu.vector_load %arg27[%get3A_539] {strides = array<i32>} : memref<128xf32, #tpu.memory_space<vmem>>, vector<16xf32>,
      %get3A_541 = arith.constant 1 : i32
      %get3A_542 = arith.index_cast %get3A_541 : i32 to index
      %get3A_543 = arith.constant 16 : index
      %get3A_544 = tpu.vector_load %arg10[%get3A_542, %get3A_543] {strides = array<i32>} : memref<2x128xf32, #tpu.memory_space<vmem>>, vector<16xf32>,
      %add3A_545 = arith.addf %get3A_540, %get3A_544 : vector<16xf32>
      %get3A_546 = arith.constant 32 : index
      %get3A_547 = tpu.vector_load %arg27[%get3A_546] {strides = array<i32>} : memref<128xf32, #tpu.memory_space<vmem>>, vector<16xf32>,
      %get3A_548 = arith.constant 1 : i32
      %get3A_549 = arith.index_cast %get3A_548 : i32 to index
      %get3A_550 = arith.constant 32 : index
      %get3A_551 = tpu.vector_load %arg10[%get3A_549, %get3A_550] {strides = array<i32>} : memref<2x128xf32, #tpu.memory_space<vmem>>, vector<16xf32>,
      %add3A_552 = arith.addf %get3A_547, %get3A_551 : vector<16xf32>
      %get3A_553 = arith.constant 48 : index
      %get3A_554 = tpu.vector_load %arg27[%get3A_553] {strides = array<i32>} : memref<128xf32, #tpu.memory_space<vmem>>, vector<16xf32>,
      %get3A_555 = arith.constant 1 : i32
      %get3A_556 = arith.index_cast %get3A_555 : i32 to index
      %get3A_557 = arith.constant 48 : index
      %get3A_558 = tpu.vector_load %arg10[%get3A_556, %get3A_557] {strides = array<i32>} : memref<2x128xf32, #tpu.memory_space<vmem>>, vector<16xf32>,
      %add3A_559 = arith.addf %get3A_554, %get3A_558 : vector<16xf32>
      %get3A_560 = arith.constant 64 : index
      %get3A_561 = tpu.vector_load %arg27[%get3A_560] {strides = array<i32>} : memref<128xf32, #tpu.memory_space<vmem>>, vector<16xf32>,
      %get3A_562 = arith.constant 1 : i32
      %get3A_563 = arith.index_cast %get3A_562 : i32 to index
      %get3A_564 = arith.constant 64 : index
      %get3A_565 = tpu.vector_load %arg10[%get3A_563, %get3A_564] {strides = array<i32>} : memref<2x128xf32, #tpu.memory_space<vmem>>, vector<16xf32>,
      %add3A_566 = arith.addf %get3A_561, %get3A_565 : vector<16xf32>
      %get3A_567 = arith.constant 80 : index
      %get3A_568 = tpu.vector_load %arg27[%get3A_567] {strides = array<i32>} : memref<128xf32, #tpu.memory_space<vmem>>, vector<16xf32>,
      %get3A_569 = arith.constant 1 : i32
      %get3A_570 = arith.index_cast %get3A_569 : i32 to index
      %get3A_571 = arith.constant 80 : index
      %get3A_572 = tpu.vector_load %arg10[%get3A_570, %get3A_571] {strides = array<i32>} : memref<2x128xf32, #tpu.memory_space<vmem>>, vector<16xf32>,
      %add3A_573 = arith.addf %get3A_568, %get3A_572 : vector<16xf32>
      %get3A_574 = arith.constant 96 : index
      %get3A_575 = tpu.vector_load %arg27[%get3A_574] {strides = array<i32>} : memref<128xf32, #tpu.memory_space<vmem>>, vector<16xf32>,
      %get3A_576 = arith.constant 1 : i32
      %get3A_577 = arith.index_cast %get3A_576 : i32 to index
      %get3A_578 = arith.constant 96 : index
      %get3A_579 = tpu.vector_load %arg10[%get3A_577, %get3A_578] {strides = array<i32>} : memref<2x128xf32, #tpu.memory_space<vmem>>, vector<16xf32>,
      %add3A_580 = arith.addf %get3A_575, %get3A_579 : vector<16xf32>
      %get3A_581 = arith.constant 112 : index
      %get3A_582 = tpu.vector_load %arg27[%get3A_581] {strides = array<i32>} : memref<128xf32, #tpu.memory_space<vmem>>, vector<16xf32>,
      %get3A_583 = arith.constant 1 : i32
      %get3A_584 = arith.index_cast %get3A_583 : i32 to index
      %get3A_585 = arith.constant 112 : index
      %get3A_586 = tpu.vector_load %arg10[%get3A_584, %get3A_585] {strides = array<i32>} : memref<2x128xf32, #tpu.memory_space<vmem>>, vector<16xf32>,
      %add3A_587 = arith.addf %get3A_582, %get3A_586 : vector<16xf32>
      %parallel_loop3A_588 = arith.constant 0 : i32
      %parallel_loop3A_589 = arith.constant 128 : i32
      %parallel_loop3A_590 = arith.constant 1 : i32
      scf.for %parallel_loop3A_753 = %parallel_loop3A_588 to %parallel_loop3A_589 step %parallel_loop3A_590  : i32 {
        %parallel_loop3A_754 = arith.index_cast %parallel_loop3A_753 : i32 to index
        %parallel_loop3A_755 = tpu.vector_load %arg23[%parallel_loop3A_754] {strides = array<i32>} : memref<144xi32, #tpu.memory_space<vmem>>, vector<16xi32>,
        %parallel_loop3A_756 = vector.extract_strided_slice %parallel_loop3A_755 {offsets = [0], sizes = [1], strides = [1]} : vector<16xi32> to vector<1xi32>
        %parallel_loop3A_757 = vector.extract %parallel_loop3A_756[0] : i32 from vector<1xi32>
        %parallel_loop3A_758 = arith.constant 1 : i32
        %parallel_loop3A_759 = arith.cmpi eq, %parallel_loop3A_757, %parallel_loop3A_758 : i32
        %parallel_loop3A_760 = arith.index_cast %parallel_loop3A_753 : i32 to index
        %parallel_loop3A_761 = arith.constant 0 : index
        %parallel_loop3A_762 = tpu.vector_load %arg15[%parallel_loop3A_760, %parallel_loop3A_761] {strides = array<i32>} : memref<128x128xf32, #tpu.memory_space<vmem>>, vector<16xf32>,
        %parallel_loop3A_763 = arith.select %parallel_loop3A_759, %add3A_538, %add3A_482 : vector<16xf32>
        %parallel_loop3A_764 = arith.addf %parallel_loop3A_762, %parallel_loop3A_763 : vector<16xf32>
        %parallel_loop3A_765 = arith.index_cast %parallel_loop3A_753 : i32 to index
        %parallel_loop3A_766 = arith.constant 16 : index
        %parallel_loop3A_767 = tpu.vector_load %arg15[%parallel_loop3A_765, %parallel_loop3A_766] {strides = array<i32>} : memref<128x128xf32, #tpu.memory_space<vmem>>, vector<16xf32>,
        %parallel_loop3A_768 = arith.select %parallel_loop3A_759, %add3A_545, %add3A_489 : vector<16xf32>
        %parallel_loop3A_769 = arith.addf %parallel_loop3A_767, %parallel_loop3A_768 : vector<16xf32>
        %parallel_loop3A_770 = arith.index_cast %parallel_loop3A_753 : i32 to index
        %parallel_loop3A_771 = arith.constant 32 : index
        %parallel_loop3A_772 = tpu.vector_load %arg15[%parallel_loop3A_770, %parallel_loop3A_771] {strides = array<i32>} : memref<128x128xf32, #tpu.memory_space<vmem>>, vector<16xf32>,
        %parallel_loop3A_773 = arith.select %parallel_loop3A_759, %add3A_552, %add3A_496 : vector<16xf32>
        %parallel_loop3A_774 = arith.addf %parallel_loop3A_772, %parallel_loop3A_773 : vector<16xf32>
        %parallel_loop3A_775 = arith.index_cast %parallel_loop3A_753 : i32 to index
        %parallel_loop3A_776 = arith.constant 48 : index
        %parallel_loop3A_777 = tpu.vector_load %arg15[%parallel_loop3A_775, %parallel_loop3A_776] {strides = array<i32>} : memref<128x128xf32, #tpu.memory_space<vmem>>, vector<16xf32>,
        %parallel_loop3A_778 = arith.select %parallel_loop3A_759, %add3A_559, %add3A_503 : vector<16xf32>
        %parallel_loop3A_779 = arith.addf %parallel_loop3A_777, %parallel_loop3A_778 : vector<16xf32>
        %parallel_loop3A_780 = arith.index_cast %parallel_loop3A_753 : i32 to index
        %parallel_loop3A_781 = arith.constant 64 : index
        %parallel_loop3A_782 = tpu.vector_load %arg15[%parallel_loop3A_780, %parallel_loop3A_781] {strides = array<i32>} : memref<128x128xf32, #tpu.memory_space<vmem>>, vector<16xf32>,
        %parallel_loop3A_783 = arith.select %parallel_loop3A_759, %add3A_566, %add3A_510 : vector<16xf32>
        %parallel_loop3A_784 = arith.addf %parallel_loop3A_782, %parallel_loop3A_783 : vector<16xf32>
        %parallel_loop3A_785 = arith.index_cast %parallel_loop3A_753 : i32 to index
        %parallel_loop3A_786 = arith.constant 80 : index
        %parallel_loop3A_787 = tpu.vector_load %arg15[%parallel_loop3A_785, %parallel_loop3A_786] {strides = array<i32>} : memref<128x128xf32, #tpu.memory_space<vmem>>, vector<16xf32>,
        %parallel_loop3A_788 = arith.select %parallel_loop3A_759, %add3A_573, %add3A_517 : vector<16xf32>
        %parallel_loop3A_789 = arith.addf %parallel_loop3A_787, %parallel_loop3A_788 : vector<16xf32>
        %parallel_loop3A_790 = arith.index_cast %parallel_loop3A_753 : i32 to index
        %parallel_loop3A_791 = arith.constant 96 : index
        %parallel_loop3A_792 = tpu.vector_load %arg15[%parallel_loop3A_790, %parallel_loop3A_791] {strides = array<i32>} : memref<128x128xf32, #tpu.memory_space<vmem>>, vector<16xf32>,
        %parallel_loop3A_793 = arith.select %parallel_loop3A_759, %add3A_580, %add3A_524 : vector<16xf32>
        %parallel_loop3A_794 = arith.addf %parallel_loop3A_792, %parallel_loop3A_793 : vector<16xf32>
        %parallel_loop3A_795 = arith.index_cast %parallel_loop3A_753 : i32 to index
        %parallel_loop3A_796 = arith.constant 112 : index
        %parallel_loop3A_797 = tpu.vector_load %arg15[%parallel_loop3A_795, %parallel_loop3A_796] {strides = array<i32>} : memref<128x128xf32, #tpu.memory_space<vmem>>, vector<16xf32>,
        %parallel_loop3A_798 = arith.select %parallel_loop3A_759, %add3A_587, %add3A_531 : vector<16xf32>
        %parallel_loop3A_799 = arith.addf %parallel_loop3A_797, %parallel_loop3A_798 : vector<16xf32>
        %parallel_loop3A_800 = arith.mulf %parallel_loop3A_764, %parallel_loop3A_764 : vector<16xf32>
        %parallel_loop3A_801 = arith.addf %parallel_loop3A_764, %parallel_loop3A_769 : vector<16xf32>
        %parallel_loop3A_802 = arith.mulf %parallel_loop3A_769, %parallel_loop3A_769 : vector<16xf32>
        %parallel_loop3A_803 = arith.addf %parallel_loop3A_800, %parallel_loop3A_802 : vector<16xf32>
        %parallel_loop3A_804 = arith.addf %parallel_loop3A_801, %parallel_loop3A_774 : vector<16xf32>
        %parallel_loop3A_805 = arith.mulf %parallel_loop3A_774, %parallel_loop3A_774 : vector<16xf32>
        %parallel_loop3A_806 = arith.addf %parallel_loop3A_803, %parallel_loop3A_805 : vector<16xf32>
        %parallel_loop3A_807 = arith.addf %parallel_loop3A_804, %parallel_loop3A_779 : vector<16xf32>
        %parallel_loop3A_808 = arith.mulf %parallel_loop3A_779, %parallel_loop3A_779 : vector<16xf32>
        %parallel_loop3A_809 = arith.addf %parallel_loop3A_806, %parallel_loop3A_808 : vector<16xf32>
        %parallel_loop3A_810 = arith.addf %parallel_loop3A_807, %parallel_loop3A_784 : vector<16xf32>
        %parallel_loop3A_811 = arith.mulf %parallel_loop3A_784, %parallel_loop3A_784 : vector<16xf32>
        %parallel_loop3A_812 = arith.addf %parallel_loop3A_809, %parallel_loop3A_811 : vector<16xf32>
        %parallel_loop3A_813 = arith.addf %parallel_loop3A_810, %parallel_loop3A_789 : vector<16xf32>
        %parallel_loop3A_814 = arith.mulf %parallel_loop3A_789, %parallel_loop3A_789 : vector<16xf32>
        %parallel_loop3A_815 = arith.addf %parallel_loop3A_812, %parallel_loop3A_814 : vector<16xf32>
        %parallel_loop3A_816 = arith.addf %parallel_loop3A_813, %parallel_loop3A_794 : vector<16xf32>
        %parallel_loop3A_817 = arith.mulf %parallel_loop3A_794, %parallel_loop3A_794 : vector<16xf32>
        %parallel_loop3A_818 = arith.addf %parallel_loop3A_815, %parallel_loop3A_817 : vector<16xf32>
        %parallel_loop3A_819 = arith.addf %parallel_loop3A_816, %parallel_loop3A_799 : vector<16xf32>
        %parallel_loop3A_820 = arith.mulf %parallel_loop3A_799, %parallel_loop3A_799 : vector<16xf32>
        %parallel_loop3A_821 = arith.addf %parallel_loop3A_818, %parallel_loop3A_820 : vector<16xf32>
        %parallel_loop3A_822 = arith.constant true
        %parallel_loop3A_823 = vector.broadcast %parallel_loop3A_822 : i1 to vector<16xi1>
        %parallel_loop3A_824 = tpu.scan <sum>, %parallel_loop3A_819 masked %parallel_loop3A_823 : vector<16xf32>, vector<16xi1> -> vector<16xf32>
        %parallel_loop3A_825 = vector.extract %parallel_loop3A_824[15] : f32 from vector<16xf32>
        %parallel_loop3A_826 = arith.constant 7.812500e-03 : f32
        %parallel_loop3A_827 = arith.mulf %parallel_loop3A_825, %parallel_loop3A_826 : f32
        %parallel_loop3A_828 = arith.constant true
        %parallel_loop3A_829 = vector.broadcast %parallel_loop3A_828 : i1 to vector<16xi1>
        %parallel_loop3A_830 = tpu.scan <sum>, %parallel_loop3A_821 masked %parallel_loop3A_829 : vector<16xf32>, vector<16xi1> -> vector<16xf32>
        %parallel_loop3A_831 = vector.extract %parallel_loop3A_830[15] : f32 from vector<16xf32>
        %parallel_loop3A_832 = arith.constant 7.812500e-03 : f32
        %parallel_loop3A_833 = arith.mulf %parallel_loop3A_831, %parallel_loop3A_832 : f32
        %parallel_loop3A_834 = arith.mulf %parallel_loop3A_827, %parallel_loop3A_827 : f32
        %parallel_loop3A_835 = arith.subf %parallel_loop3A_833, %parallel_loop3A_834 : f32
        %parallel_loop3A_836 = vector.broadcast %parallel_loop3A_827 : f32 to vector<16xf32>
        %parallel_loop3A_837 = vector.broadcast %parallel_loop3A_835 : f32 to vector<16xf32>
        %parallel_loop3A_838 = arith.constant 0.000000e+00 : f32
        %parallel_loop3A_839 = vector.broadcast %parallel_loop3A_838 : f32 to vector<16xf32>
        %parallel_loop3A_840 = arith.maximumf %parallel_loop3A_837, %parallel_loop3A_839 : vector<16xf32>
        %parallel_loop3A_841 = arith.constant 9.99999996E-13 : f32
        %parallel_loop3A_842 = vector.broadcast %parallel_loop3A_841 : f32 to vector<16xf32>
        %parallel_loop3A_843 = arith.addf %parallel_loop3A_840, %parallel_loop3A_842 : vector<16xf32>
        %parallel_loop3A_844 = tpu.bitcast %parallel_loop3A_843 : vector<16xf32> -> vector<16xi32>
        %parallel_loop3A_845 = arith.constant 1 : i32
        %parallel_loop3A_846 = vector.broadcast %parallel_loop3A_845 : i32 to vector<16xi32>
        %parallel_loop3A_847 = arith.shrui %parallel_loop3A_844, %parallel_loop3A_846 : vector<16xi32>
        %parallel_loop3A_848 = arith.constant 1597463007 : i32
        %parallel_loop3A_849 = vector.broadcast %parallel_loop3A_848 : i32 to vector<16xi32>
        %parallel_loop3A_850 = arith.subi %parallel_loop3A_849, %parallel_loop3A_847 : vector<16xi32>
        %parallel_loop3A_851 = tpu.bitcast %parallel_loop3A_850 : vector<16xi32> -> vector<16xf32>
        %parallel_loop3A_852 = arith.constant 5.000000e-01 : f32
        %parallel_loop3A_853 = vector.broadcast %parallel_loop3A_852 : f32 to vector<16xf32>
        %parallel_loop3A_854 = arith.mulf %parallel_loop3A_843, %parallel_loop3A_853 : vector<16xf32>
        %parallel_loop3A_855 = arith.mulf %parallel_loop3A_854, %parallel_loop3A_851 : vector<16xf32>
        %parallel_loop3A_856 = arith.mulf %parallel_loop3A_855, %parallel_loop3A_851 : vector<16xf32>
        %parallel_loop3A_857 = arith.constant 1.500000e+00 : f32
        %parallel_loop3A_858 = vector.broadcast %parallel_loop3A_857 : f32 to vector<16xf32>
        %parallel_loop3A_859 = arith.subf %parallel_loop3A_858, %parallel_loop3A_856 : vector<16xf32>
        %parallel_loop3A_860 = arith.mulf %parallel_loop3A_851, %parallel_loop3A_859 : vector<16xf32>
        %parallel_loop3A_861 = arith.subf %parallel_loop3A_764, %parallel_loop3A_836 : vector<16xf32>
        %parallel_loop3A_862 = arith.mulf %parallel_loop3A_861, %parallel_loop3A_860 : vector<16xf32>
        %parallel_loop3A_863 = arith.mulf %parallel_loop3A_862, %get3A_5 : vector<16xf32>
        %parallel_loop3A_864 = arith.addf %parallel_loop3A_863, %get3A_21 : vector<16xf32>
        %parallel_loop3A_865 = arith.index_cast %parallel_loop3A_753 : i32 to index
        %parallel_loop3A_866 = arith.constant 0 : index
        %parallel_loop3A_867 = tpu.vector_load %arg15[%parallel_loop3A_865, %parallel_loop3A_866] {strides = array<i32>} : memref<128x128xf32, #tpu.memory_space<vmem>>, vector<16xf32>,
        tpu.vector_store %arg15[%parallel_loop3A_865, %parallel_loop3A_866], %parallel_loop3A_864 {strides = array<i32>} : memref<128x128xf32, #tpu.memory_space<vmem>>, vector<16xf32>,
        %parallel_loop3A_868 = arith.subf %parallel_loop3A_769, %parallel_loop3A_836 : vector<16xf32>
        %parallel_loop3A_869 = arith.mulf %parallel_loop3A_868, %parallel_loop3A_860 : vector<16xf32>
        %parallel_loop3A_870 = arith.mulf %parallel_loop3A_869, %get3A_7 : vector<16xf32>
        %parallel_loop3A_871 = arith.addf %parallel_loop3A_870, %get3A_23 : vector<16xf32>
        %parallel_loop3A_872 = arith.index_cast %parallel_loop3A_753 : i32 to index
        %parallel_loop3A_873 = arith.constant 16 : index
        %parallel_loop3A_874 = tpu.vector_load %arg15[%parallel_loop3A_872, %parallel_loop3A_873] {strides = array<i32>} : memref<128x128xf32, #tpu.memory_space<vmem>>, vector<16xf32>,
        tpu.vector_store %arg15[%parallel_loop3A_872, %parallel_loop3A_873], %parallel_loop3A_871 {strides = array<i32>} : memref<128x128xf32, #tpu.memory_space<vmem>>, vector<16xf32>,
        %parallel_loop3A_875 = arith.subf %parallel_loop3A_774, %parallel_loop3A_836 : vector<16xf32>
        %parallel_loop3A_876 = arith.mulf %parallel_loop3A_875, %parallel_loop3A_860 : vector<16xf32>
        %parallel_loop3A_877 = arith.mulf %parallel_loop3A_876, %get3A_9 : vector<16xf32>
        %parallel_loop3A_878 = arith.addf %parallel_loop3A_877, %get3A_25 : vector<16xf32>
        %parallel_loop3A_879 = arith.index_cast %parallel_loop3A_753 : i32 to index
        %parallel_loop3A_880 = arith.constant 32 : index
        %parallel_loop3A_881 = tpu.vector_load %arg15[%parallel_loop3A_879, %parallel_loop3A_880] {strides = array<i32>} : memref<128x128xf32, #tpu.memory_space<vmem>>, vector<16xf32>,
        tpu.vector_store %arg15[%parallel_loop3A_879, %parallel_loop3A_880], %parallel_loop3A_878 {strides = array<i32>} : memref<128x128xf32, #tpu.memory_space<vmem>>, vector<16xf32>,
        %parallel_loop3A_882 = arith.subf %parallel_loop3A_779, %parallel_loop3A_836 : vector<16xf32>
        %parallel_loop3A_883 = arith.mulf %parallel_loop3A_882, %parallel_loop3A_860 : vector<16xf32>
        %parallel_loop3A_884 = arith.mulf %parallel_loop3A_883, %get3A_11 : vector<16xf32>
        %parallel_loop3A_885 = arith.addf %parallel_loop3A_884, %get3A_27 : vector<16xf32>
        %parallel_loop3A_886 = arith.index_cast %parallel_loop3A_753 : i32 to index
        %parallel_loop3A_887 = arith.constant 48 : index
        %parallel_loop3A_888 = tpu.vector_load %arg15[%parallel_loop3A_886, %parallel_loop3A_887] {strides = array<i32>} : memref<128x128xf32, #tpu.memory_space<vmem>>, vector<16xf32>,
        tpu.vector_store %arg15[%parallel_loop3A_886, %parallel_loop3A_887], %parallel_loop3A_885 {strides = array<i32>} : memref<128x128xf32, #tpu.memory_space<vmem>>, vector<16xf32>,
        %parallel_loop3A_889 = arith.subf %parallel_loop3A_784, %parallel_loop3A_836 : vector<16xf32>
        %parallel_loop3A_890 = arith.mulf %parallel_loop3A_889, %parallel_loop3A_860 : vector<16xf32>
        %parallel_loop3A_891 = arith.mulf %parallel_loop3A_890, %get3A_13 : vector<16xf32>
        %parallel_loop3A_892 = arith.addf %parallel_loop3A_891, %get3A_29 : vector<16xf32>
        %parallel_loop3A_893 = arith.index_cast %parallel_loop3A_753 : i32 to index
        %parallel_loop3A_894 = arith.constant 64 : index
        %parallel_loop3A_895 = tpu.vector_load %arg15[%parallel_loop3A_893, %parallel_loop3A_894] {strides = array<i32>} : memref<128x128xf32, #tpu.memory_space<vmem>>, vector<16xf32>,
        tpu.vector_store %arg15[%parallel_loop3A_893, %parallel_loop3A_894], %parallel_loop3A_892 {strides = array<i32>} : memref<128x128xf32, #tpu.memory_space<vmem>>, vector<16xf32>,
        %parallel_loop3A_896 = arith.subf %parallel_loop3A_789, %parallel_loop3A_836 : vector<16xf32>
        %parallel_loop3A_897 = arith.mulf %parallel_loop3A_896, %parallel_loop3A_860 : vector<16xf32>
        %parallel_loop3A_898 = arith.mulf %parallel_loop3A_897, %get3A_15 : vector<16xf32>
        %parallel_loop3A_899 = arith.addf %parallel_loop3A_898, %get3A_31 : vector<16xf32>
        %parallel_loop3A_900 = arith.index_cast %parallel_loop3A_753 : i32 to index
        %parallel_loop3A_901 = arith.constant 80 : index
        %parallel_loop3A_902 = tpu.vector_load %arg15[%parallel_loop3A_900, %parallel_loop3A_901] {strides = array<i32>} : memref<128x128xf32, #tpu.memory_space<vmem>>, vector<16xf32>,
        tpu.vector_store %arg15[%parallel_loop3A_900, %parallel_loop3A_901], %parallel_loop3A_899 {strides = array<i32>} : memref<128x128xf32, #tpu.memory_space<vmem>>, vector<16xf32>,
        %parallel_loop3A_903 = arith.subf %parallel_loop3A_794, %parallel_loop3A_836 : vector<16xf32>
        %parallel_loop3A_904 = arith.mulf %parallel_loop3A_903, %parallel_loop3A_860 : vector<16xf32>
        %parallel_loop3A_905 = arith.mulf %parallel_loop3A_904, %get3A_17 : vector<16xf32>
        %parallel_loop3A_906 = arith.addf %parallel_loop3A_905, %get3A_33 : vector<16xf32>
        %parallel_loop3A_907 = arith.index_cast %parallel_loop3A_753 : i32 to index
        %parallel_loop3A_908 = arith.constant 96 : index
        %parallel_loop3A_909 = tpu.vector_load %arg15[%parallel_loop3A_907, %parallel_loop3A_908] {strides = array<i32>} : memref<128x128xf32, #tpu.memory_space<vmem>>, vector<16xf32>,
        tpu.vector_store %arg15[%parallel_loop3A_907, %parallel_loop3A_908], %parallel_loop3A_906 {strides = array<i32>} : memref<128x128xf32, #tpu.memory_space<vmem>>, vector<16xf32>,
        %parallel_loop3A_910 = arith.subf %parallel_loop3A_799, %parallel_loop3A_836 : vector<16xf32>
        %parallel_loop3A_911 = arith.mulf %parallel_loop3A_910, %parallel_loop3A_860 : vector<16xf32>
        %parallel_loop3A_912 = arith.mulf %parallel_loop3A_911, %get3A_19 : vector<16xf32>
        %parallel_loop3A_913 = arith.addf %parallel_loop3A_912, %get3A_35 : vector<16xf32>
        %parallel_loop3A_914 = arith.index_cast %parallel_loop3A_753 : i32 to index
        %parallel_loop3A_915 = arith.constant 112 : index
        %parallel_loop3A_916 = tpu.vector_load %arg15[%parallel_loop3A_914, %parallel_loop3A_915] {strides = array<i32>} : memref<128x128xf32, #tpu.memory_space<vmem>>, vector<16xf32>,
        tpu.vector_store %arg15[%parallel_loop3A_914, %parallel_loop3A_915], %parallel_loop3A_913 {strides = array<i32>} : memref<128x128xf32, #tpu.memory_space<vmem>>, vector<16xf32>,
      } {sc.loop_unroll_factor = 4 : i64, sc.parallel_access}
      %rem3A_591 = arith.constant 8 : i32
      %rem3A_592 = arith.remsi %add3A_458, %rem3A_591 : i32
      %mul3A_593 = arith.constant 128 : i32
      %mul3A_594 = arith.muli %rem3A_592, %mul3A_593 : i32
      %div3A_595 = arith.constant 8 : i32
      %div3A_596 = arith.divsi %add3A_458, %div3A_595 : i32
      %add3A_597 = arith.addi %mul3A_4, %div3A_596 : i32
      %dma_start3A_598 = arith.constant 0 : i32
      %dma_start3A_599 = tpu.memref_slice %arg9[%mul3A_594, %add3A_597, %dma_start3A_598] : memref<1024x512x128xf32, #tpu.memory_space<hbm>> -> memref<128x1x128xf32, #tpu.memory_space<hbm>>
      %dma_start3A_600 = tpu.memref_squeeze %dma_start3A_599 : memref<128x1x128xf32, #tpu.memory_space<hbm>> -> memref<128x128xf32, #tpu.memory_space<hbm>>
      %dma_start3A_601 = arith.constant 0 : i32
      %dma_start3A_602 = tpu.memref_slice %arg9[%mul3A_594, %add3A_597, %dma_start3A_601] : memref<1024x512x128xf32, #tpu.memory_space<hbm>> -> memref<128x1x128xf32, #tpu.memory_space<hbm>>
      %dma_start3A_603 = tpu.memref_squeeze %dma_start3A_602 : memref<128x1x128xf32, #tpu.memory_space<hbm>> -> memref<128x128xf32, #tpu.memory_space<hbm>>
      tpu.enqueue_dma source(%arg15 : memref<128x128xf32, #tpu.memory_space<vmem>>) target(%dma_start3A_603 : memref<128x128xf32, #tpu.memory_space<hbm>>) target_semaphore(%arg35 : memref<!tpu.dma_semaphore, #tpu.memory_space<semaphore_mem>>)
      %mul3A_604 = arith.constant 4 : i32
      %mul3A_605 = arith.muli %scan3A_160, %mul3A_604 : i32
      %add3A_606 = arith.constant 3 : i32
      %add3A_607 = arith.addi %mul3A_605, %add3A_606 : i32
      %add3A_608 = arith.constant 1 : i32
      %add3A_609 = arith.addi %add3A_607, %add3A_608 : i32
      %lt3A_610 = arith.constant 128 : i32
      %lt3A_611 = arith.cmpi slt, %add3A_609, %lt3A_610 : i32
      %convert_element_type3A_612 = arith.extui %lt3A_611 : i1 to i32
      %cond3A_613 = arith.constant 0 : i32
      %cond3A_614 = arith.cmpi ne, %convert_element_type3A_612, %cond3A_613 : i32
      scf.if %cond3A_614 {
        %mul3A_753 = arith.constant 128 : i32
        %mul3A_754 = arith.muli %add3A_609, %mul3A_753 : i32
        %add3A_755 = arith.addi %mul3A_2, %mul3A_754 : i32
        %div3A_756 = arith.constant 8 : i32
        %div3A_757 = arith.divsi %add3A_609, %div3A_756 : i32
        %add3A_758 = arith.addi %mul3A_4, %div3A_757 : i32
        %dma_wait3A_759 = tpu.memref_slice %arg3[%add3A_755] : memref<524288xi32, #tpu.memory_space<hbm>> -> memref<128xi32, #tpu.memory_space<hbm>>
        %dma_wait3A_760 = tpu.memref_slice %arg3[%add3A_755] : memref<524288xi32, #tpu.memory_space<hbm>> -> memref<128xi32, #tpu.memory_space<hbm>>
        tpu.wait_dma2 semaphore(%arg37 : memref<!tpu.dma_semaphore, #tpu.memory_space<semaphore_mem>>) src(%dma_wait3A_760 : memref<128xi32, #tpu.memory_space<hbm>>) dst(%arg17 : memref<128xi32, #tpu.memory_space<vmem>>)
        %dma_wait3A_761 = arith.constant 0 : i32
        %dma_wait3A_762 = tpu.memref_slice %arg21[%dma_wait3A_761] : memref<144xi32, #tpu.memory_space<vmem>> -> memref<128xi32, #tpu.memory_space<vmem>>
        %dma_wait3A_763 = tpu.memref_slice %arg4[%add3A_755] : memref<524288xi32, #tpu.memory_space<hbm>> -> memref<128xi32, #tpu.memory_space<hbm>>
        %dma_wait3A_764 = arith.constant 0 : i32
        %dma_wait3A_765 = tpu.memref_slice %arg21[%dma_wait3A_764] : memref<144xi32, #tpu.memory_space<vmem>> -> memref<128xi32, #tpu.memory_space<vmem>>
        %dma_wait3A_766 = tpu.memref_slice %arg4[%add3A_755] : memref<524288xi32, #tpu.memory_space<hbm>> -> memref<128xi32, #tpu.memory_space<hbm>>
        tpu.wait_dma2 semaphore(%arg41 : memref<!tpu.dma_semaphore, #tpu.memory_space<semaphore_mem>>) src(%dma_wait3A_766 : memref<128xi32, #tpu.memory_space<hbm>>) dst(%dma_wait3A_765 : memref<128xi32, #tpu.memory_space<vmem>>)
        %dma_wait3A_767 = arith.constant 0 : i32
        %dma_wait3A_768 = tpu.memref_slice %arg5[%add3A_758, %dma_wait3A_767] : memref<512x128xf32, #tpu.memory_space<hbm>> -> memref<1x128xf32, #tpu.memory_space<hbm>>
        %dma_wait3A_769 = tpu.memref_squeeze %dma_wait3A_768 : memref<1x128xf32, #tpu.memory_space<hbm>> -> memref<128xf32, #tpu.memory_space<hbm>>
        %dma_wait3A_770 = arith.constant 0 : i32
        %dma_wait3A_771 = tpu.memref_slice %arg5[%add3A_758, %dma_wait3A_770] : memref<512x128xf32, #tpu.memory_space<hbm>> -> memref<1x128xf32, #tpu.memory_space<hbm>>
        %dma_wait3A_772 = tpu.memref_squeeze %dma_wait3A_771 : memref<1x128xf32, #tpu.memory_space<hbm>> -> memref<128xf32, #tpu.memory_space<hbm>>
        tpu.wait_dma2 semaphore(%arg45 : memref<!tpu.dma_semaphore, #tpu.memory_space<semaphore_mem>>) src(%dma_wait3A_772 : memref<128xf32, #tpu.memory_space<hbm>>) dst(%arg25 : memref<128xf32, #tpu.memory_space<vmem>>)
        %ge3A = arith.constant 4 : i32
        %ge3A_773 = arith.cmpi sge, %add3A_609, %ge3A : i32
        %convert_element_type3A_774 = arith.extui %ge3A_773 : i1 to i32
        %cond3A_775 = arith.constant 0 : i32
        %cond3A_776 = arith.cmpi ne, %convert_element_type3A_774, %cond3A_775 : i32
        scf.if %cond3A_776 {
          %sub3A = arith.constant 4 : i32
          %sub3A_780 = arith.subi %add3A_609, %sub3A : i32
          %rem3A_781 = arith.constant 8 : i32
          %rem3A_782 = arith.remsi %sub3A_780, %rem3A_781 : i32
          %mul3A_783 = arith.constant 128 : i32
          %mul3A_784 = arith.muli %rem3A_782, %mul3A_783 : i32
          %div3A_785 = arith.constant 8 : i32
          %div3A_786 = arith.divsi %sub3A_780, %div3A_785 : i32
          %add3A_787 = arith.addi %mul3A_4, %div3A_786 : i32
          %dma_wait3A_788 = arith.constant 0 : i32
          %dma_wait3A_789 = tpu.memref_slice %arg9[%mul3A_784, %add3A_787, %dma_wait3A_788] : memref<1024x512x128xf32, #tpu.memory_space<hbm>> -> memref<128x1x128xf32, #tpu.memory_space<hbm>>
          %dma_wait3A_790 = tpu.memref_squeeze %dma_wait3A_789 : memref<128x1x128xf32, #tpu.memory_space<hbm>> -> memref<128x128xf32, #tpu.memory_space<hbm>>
          %dma_wait3A_791 = arith.constant 0 : i32
          %dma_wait3A_792 = tpu.memref_slice %arg9[%mul3A_784, %add3A_787, %dma_wait3A_791] : memref<1024x512x128xf32, #tpu.memory_space<hbm>> -> memref<128x1x128xf32, #tpu.memory_space<hbm>>
          %dma_wait3A_793 = tpu.memref_squeeze %dma_wait3A_792 : memref<128x1x128xf32, #tpu.memory_space<hbm>> -> memref<128x128xf32, #tpu.memory_space<hbm>>
          tpu.wait_dma2 semaphore(%arg33 : memref<!tpu.dma_semaphore, #tpu.memory_space<semaphore_mem>>) src(%arg13 : memref<128x128xf32, #tpu.memory_space<vmem>>) dst(%dma_wait3A_793 : memref<128x128xf32, #tpu.memory_space<hbm>>)
        } else {
        }
        %dma_start3A_777 = arith.constant 0 : i32
        %dma_start3A_778 = arith.constant 0 : i32
        %dma_start3A_779 = tpu.memref_slice %arg2[%dma_start3A_777, %dma_start3A_778] : memref<100000x128xf32, #tpu.memory_space<hbm>> -> memref<100000x128xf32, #tpu.memory_space<hbm>>
        tpu.enqueue_indirect_dma source(%dma_start3A_779 : memref<100000x128xf32, #tpu.memory_space<hbm>>) target(%arg13 : memref<128x128xf32, #tpu.memory_space<vmem>>) offsets(%arg17 : memref<128xi32, #tpu.memory_space<vmem>>) semaphore(%arg29 : memref<!tpu.dma_semaphore, #tpu.memory_space<semaphore_mem>>)
      } else {
      }
      %add3A_615 = arith.constant 2 : i32
      %add3A_616 = arith.addi %add3A_607, %add3A_615 : i32
      %lt3A_617 = arith.constant 128 : i32
      %lt3A_618 = arith.cmpi slt, %add3A_616, %lt3A_617 : i32
      %convert_element_type3A_619 = arith.extui %lt3A_618 : i1 to i32
      %cond3A_620 = arith.constant 0 : i32
      %cond3A_621 = arith.cmpi ne, %convert_element_type3A_619, %cond3A_620 : i32
      scf.if %cond3A_621 {
        %add3A_753 = arith.constant 2 : i32
        %add3A_754 = arith.addi %add3A_607, %add3A_753 : i32
        %mul3A_755 = arith.constant 128 : i32
        %mul3A_756 = arith.muli %add3A_754, %mul3A_755 : i32
        %add3A_757 = arith.addi %mul3A_2, %mul3A_756 : i32
        %div3A_758 = arith.constant 8 : i32
        %div3A_759 = arith.divsi %add3A_754, %div3A_758 : i32
        %add3A_760 = arith.addi %mul3A_4, %div3A_759 : i32
        %dma_start3A_761 = tpu.memref_slice %arg3[%add3A_757] : memref<524288xi32, #tpu.memory_space<hbm>> -> memref<128xi32, #tpu.memory_space<hbm>>
        %dma_start3A_762 = tpu.memref_slice %arg3[%add3A_757] : memref<524288xi32, #tpu.memory_space<hbm>> -> memref<128xi32, #tpu.memory_space<hbm>>
        tpu.enqueue_dma source(%dma_start3A_762 : memref<128xi32, #tpu.memory_space<hbm>>) target(%arg18 : memref<128xi32, #tpu.memory_space<vmem>>) target_semaphore(%arg38 : memref<!tpu.dma_semaphore, #tpu.memory_space<semaphore_mem>>)
        %dma_start3A_763 = arith.constant 0 : i32
        %dma_start3A_764 = tpu.memref_slice %arg22[%dma_start3A_763] : memref<144xi32, #tpu.memory_space<vmem>> -> memref<128xi32, #tpu.memory_space<vmem>>
        %dma_start3A_765 = tpu.memref_slice %arg4[%add3A_757] : memref<524288xi32, #tpu.memory_space<hbm>> -> memref<128xi32, #tpu.memory_space<hbm>>
        %dma_start3A_766 = arith.constant 0 : i32
        %dma_start3A_767 = tpu.memref_slice %arg22[%dma_start3A_766] : memref<144xi32, #tpu.memory_space<vmem>> -> memref<128xi32, #tpu.memory_space<vmem>>
        %dma_start3A_768 = tpu.memref_slice %arg4[%add3A_757] : memref<524288xi32, #tpu.memory_space<hbm>> -> memref<128xi32, #tpu.memory_space<hbm>>
        tpu.enqueue_dma source(%dma_start3A_768 : memref<128xi32, #tpu.memory_space<hbm>>) target(%dma_start3A_767 : memref<128xi32, #tpu.memory_space<vmem>>) target_semaphore(%arg42 : memref<!tpu.dma_semaphore, #tpu.memory_space<semaphore_mem>>)
        %dma_start3A_769 = arith.constant 0 : i32
        %dma_start3A_770 = tpu.memref_slice %arg5[%add3A_760, %dma_start3A_769] : memref<512x128xf32, #tpu.memory_space<hbm>> -> memref<1x128xf32, #tpu.memory_space<hbm>>
        %dma_start3A_771 = tpu.memref_squeeze %dma_start3A_770 : memref<1x128xf32, #tpu.memory_space<hbm>> -> memref<128xf32, #tpu.memory_space<hbm>>
        %dma_start3A_772 = arith.constant 0 : i32
        %dma_start3A_773 = tpu.memref_slice %arg5[%add3A_760, %dma_start3A_772] : memref<512x128xf32, #tpu.memory_space<hbm>> -> memref<1x128xf32, #tpu.memory_space<hbm>>
        %dma_start3A_774 = tpu.memref_squeeze %dma_start3A_773 : memref<1x128xf32, #tpu.memory_space<hbm>> -> memref<128xf32, #tpu.memory_space<hbm>>
        tpu.enqueue_dma source(%dma_start3A_774 : memref<128xf32, #tpu.memory_space<hbm>>) target(%arg26 : memref<128xf32, #tpu.memory_space<vmem>>) target_semaphore(%arg46 : memref<!tpu.dma_semaphore, #tpu.memory_space<semaphore_mem>>)
      } else {
      }
      %dma_wait3A_622 = arith.constant 0 : i32
      %dma_wait3A_623 = arith.constant 0 : i32
      %dma_wait3A_624 = tpu.memref_slice %arg2[%dma_wait3A_622, %dma_wait3A_623] : memref<100000x128xf32, #tpu.memory_space<hbm>> -> memref<100000x128xf32, #tpu.memory_space<hbm>>
      tpu.wait_indirect_dma semaphore(%arg32 : memref<!tpu.dma_semaphore, #tpu.memory_space<semaphore_mem>>) src(%dma_wait3A_624 : memref<100000x128xf32, #tpu.memory_space<hbm>>) dst(%arg16 : memref<128x128xf32, #tpu.memory_space<vmem>>)
      %get3A_625 = arith.constant 0 : index
      %get3A_626 = tpu.vector_load %arg28[%get3A_625] {strides = array<i32>} : memref<128xf32, #tpu.memory_space<vmem>>, vector<16xf32>,
      %get3A_627 = arith.constant 0 : i32
      %get3A_628 = arith.index_cast %get3A_627 : i32 to index
      %get3A_629 = arith.constant 0 : index
      %get3A_630 = tpu.vector_load %arg10[%get3A_628, %get3A_629] {strides = array<i32>} : memref<2x128xf32, #tpu.memory_space<vmem>>, vector<16xf32>,
      %add3A_631 = arith.addf %get3A_626, %get3A_630 : vector<16xf32>
      %get3A_632 = arith.constant 16 : index
      %get3A_633 = tpu.vector_load %arg28[%get3A_632] {strides = array<i32>} : memref<128xf32, #tpu.memory_space<vmem>>, vector<16xf32>,
      %get3A_634 = arith.constant 0 : i32
      %get3A_635 = arith.index_cast %get3A_634 : i32 to index
      %get3A_636 = arith.constant 16 : index
      %get3A_637 = tpu.vector_load %arg10[%get3A_635, %get3A_636] {strides = array<i32>} : memref<2x128xf32, #tpu.memory_space<vmem>>, vector<16xf32>,
      %add3A_638 = arith.addf %get3A_633, %get3A_637 : vector<16xf32>
      %get3A_639 = arith.constant 32 : index
      %get3A_640 = tpu.vector_load %arg28[%get3A_639] {strides = array<i32>} : memref<128xf32, #tpu.memory_space<vmem>>, vector<16xf32>,
      %get3A_641 = arith.constant 0 : i32
      %get3A_642 = arith.index_cast %get3A_641 : i32 to index
      %get3A_643 = arith.constant 32 : index
      %get3A_644 = tpu.vector_load %arg10[%get3A_642, %get3A_643] {strides = array<i32>} : memref<2x128xf32, #tpu.memory_space<vmem>>, vector<16xf32>,
      %add3A_645 = arith.addf %get3A_640, %get3A_644 : vector<16xf32>
      %get3A_646 = arith.constant 48 : index
      %get3A_647 = tpu.vector_load %arg28[%get3A_646] {strides = array<i32>} : memref<128xf32, #tpu.memory_space<vmem>>, vector<16xf32>,
      %get3A_648 = arith.constant 0 : i32
      %get3A_649 = arith.index_cast %get3A_648 : i32 to index
      %get3A_650 = arith.constant 48 : index
      %get3A_651 = tpu.vector_load %arg10[%get3A_649, %get3A_650] {strides = array<i32>} : memref<2x128xf32, #tpu.memory_space<vmem>>, vector<16xf32>,
      %add3A_652 = arith.addf %get3A_647, %get3A_651 : vector<16xf32>
      %get3A_653 = arith.constant 64 : index
      %get3A_654 = tpu.vector_load %arg28[%get3A_653] {strides = array<i32>} : memref<128xf32, #tpu.memory_space<vmem>>, vector<16xf32>,
      %get3A_655 = arith.constant 0 : i32
      %get3A_656 = arith.index_cast %get3A_655 : i32 to index
      %get3A_657 = arith.constant 64 : index
      %get3A_658 = tpu.vector_load %arg10[%get3A_656, %get3A_657] {strides = array<i32>} : memref<2x128xf32, #tpu.memory_space<vmem>>, vector<16xf32>,
      %add3A_659 = arith.addf %get3A_654, %get3A_658 : vector<16xf32>
      %get3A_660 = arith.constant 80 : index
      %get3A_661 = tpu.vector_load %arg28[%get3A_660] {strides = array<i32>} : memref<128xf32, #tpu.memory_space<vmem>>, vector<16xf32>,
      %get3A_662 = arith.constant 0 : i32
      %get3A_663 = arith.index_cast %get3A_662 : i32 to index
      %get3A_664 = arith.constant 80 : index
      %get3A_665 = tpu.vector_load %arg10[%get3A_663, %get3A_664] {strides = array<i32>} : memref<2x128xf32, #tpu.memory_space<vmem>>, vector<16xf32>,
      %add3A_666 = arith.addf %get3A_661, %get3A_665 : vector<16xf32>
      %get3A_667 = arith.constant 96 : index
      %get3A_668 = tpu.vector_load %arg28[%get3A_667] {strides = array<i32>} : memref<128xf32, #tpu.memory_space<vmem>>, vector<16xf32>,
      %get3A_669 = arith.constant 0 : i32
      %get3A_670 = arith.index_cast %get3A_669 : i32 to index
      %get3A_671 = arith.constant 96 : index
      %get3A_672 = tpu.vector_load %arg10[%get3A_670, %get3A_671] {strides = array<i32>} : memref<2x128xf32, #tpu.memory_space<vmem>>, vector<16xf32>,
      %add3A_673 = arith.addf %get3A_668, %get3A_672 : vector<16xf32>
      %get3A_674 = arith.constant 112 : index
      %get3A_675 = tpu.vector_load %arg28[%get3A_674] {strides = array<i32>} : memref<128xf32, #tpu.memory_space<vmem>>, vector<16xf32>,
      %get3A_676 = arith.constant 0 : i32
      %get3A_677 = arith.index_cast %get3A_676 : i32 to index
      %get3A_678 = arith.constant 112 : index
      %get3A_679 = tpu.vector_load %arg10[%get3A_677, %get3A_678] {strides = array<i32>} : memref<2x128xf32, #tpu.memory_space<vmem>>, vector<16xf32>,
      %add3A_680 = arith.addf %get3A_675, %get3A_679 : vector<16xf32>
      %get3A_681 = arith.constant 0 : index
      %get3A_682 = tpu.vector_load %arg28[%get3A_681] {strides = array<i32>} : memref<128xf32, #tpu.memory_space<vmem>>, vector<16xf32>,
      %get3A_683 = arith.constant 1 : i32
      %get3A_684 = arith.index_cast %get3A_683 : i32 to index
      %get3A_685 = arith.constant 0 : index
      %get3A_686 = tpu.vector_load %arg10[%get3A_684, %get3A_685] {strides = array<i32>} : memref<2x128xf32, #tpu.memory_space<vmem>>, vector<16xf32>,
      %add3A_687 = arith.addf %get3A_682, %get3A_686 : vector<16xf32>
      %get3A_688 = arith.constant 16 : index
      %get3A_689 = tpu.vector_load %arg28[%get3A_688] {strides = array<i32>} : memref<128xf32, #tpu.memory_space<vmem>>, vector<16xf32>,
      %get3A_690 = arith.constant 1 : i32
      %get3A_691 = arith.index_cast %get3A_690 : i32 to index
      %get3A_692 = arith.constant 16 : index
      %get3A_693 = tpu.vector_load %arg10[%get3A_691, %get3A_692] {strides = array<i32>} : memref<2x128xf32, #tpu.memory_space<vmem>>, vector<16xf32>,
      %add3A_694 = arith.addf %get3A_689, %get3A_693 : vector<16xf32>
      %get3A_695 = arith.constant 32 : index
      %get3A_696 = tpu.vector_load %arg28[%get3A_695] {strides = array<i32>} : memref<128xf32, #tpu.memory_space<vmem>>, vector<16xf32>,
      %get3A_697 = arith.constant 1 : i32
      %get3A_698 = arith.index_cast %get3A_697 : i32 to index
      %get3A_699 = arith.constant 32 : index
      %get3A_700 = tpu.vector_load %arg10[%get3A_698, %get3A_699] {strides = array<i32>} : memref<2x128xf32, #tpu.memory_space<vmem>>, vector<16xf32>,
      %add3A_701 = arith.addf %get3A_696, %get3A_700 : vector<16xf32>
      %get3A_702 = arith.constant 48 : index
      %get3A_703 = tpu.vector_load %arg28[%get3A_702] {strides = array<i32>} : memref<128xf32, #tpu.memory_space<vmem>>, vector<16xf32>,
      %get3A_704 = arith.constant 1 : i32
      %get3A_705 = arith.index_cast %get3A_704 : i32 to index
      %get3A_706 = arith.constant 48 : index
      %get3A_707 = tpu.vector_load %arg10[%get3A_705, %get3A_706] {strides = array<i32>} : memref<2x128xf32, #tpu.memory_space<vmem>>, vector<16xf32>,
      %add3A_708 = arith.addf %get3A_703, %get3A_707 : vector<16xf32>
      %get3A_709 = arith.constant 64 : index
      %get3A_710 = tpu.vector_load %arg28[%get3A_709] {strides = array<i32>} : memref<128xf32, #tpu.memory_space<vmem>>, vector<16xf32>,
      %get3A_711 = arith.constant 1 : i32
      %get3A_712 = arith.index_cast %get3A_711 : i32 to index
      %get3A_713 = arith.constant 64 : index
      %get3A_714 = tpu.vector_load %arg10[%get3A_712, %get3A_713] {strides = array<i32>} : memref<2x128xf32, #tpu.memory_space<vmem>>, vector<16xf32>,
      %add3A_715 = arith.addf %get3A_710, %get3A_714 : vector<16xf32>
      %get3A_716 = arith.constant 80 : index
      %get3A_717 = tpu.vector_load %arg28[%get3A_716] {strides = array<i32>} : memref<128xf32, #tpu.memory_space<vmem>>, vector<16xf32>,
      %get3A_718 = arith.constant 1 : i32
      %get3A_719 = arith.index_cast %get3A_718 : i32 to index
      %get3A_720 = arith.constant 80 : index
      %get3A_721 = tpu.vector_load %arg10[%get3A_719, %get3A_720] {strides = array<i32>} : memref<2x128xf32, #tpu.memory_space<vmem>>, vector<16xf32>,
      %add3A_722 = arith.addf %get3A_717, %get3A_721 : vector<16xf32>
      %get3A_723 = arith.constant 96 : index
      %get3A_724 = tpu.vector_load %arg28[%get3A_723] {strides = array<i32>} : memref<128xf32, #tpu.memory_space<vmem>>, vector<16xf32>,
      %get3A_725 = arith.constant 1 : i32
      %get3A_726 = arith.index_cast %get3A_725 : i32 to index
      %get3A_727 = arith.constant 96 : index
      %get3A_728 = tpu.vector_load %arg10[%get3A_726, %get3A_727] {strides = array<i32>} : memref<2x128xf32, #tpu.memory_space<vmem>>, vector<16xf32>,
      %add3A_729 = arith.addf %get3A_724, %get3A_728 : vector<16xf32>
      %get3A_730 = arith.constant 112 : index
      %get3A_731 = tpu.vector_load %arg28[%get3A_730] {strides = array<i32>} : memref<128xf32, #tpu.memory_space<vmem>>, vector<16xf32>,
      %get3A_732 = arith.constant 1 : i32
      %get3A_733 = arith.index_cast %get3A_732 : i32 to index
      %get3A_734 = arith.constant 112 : index
      %get3A_735 = tpu.vector_load %arg10[%get3A_733, %get3A_734] {strides = array<i32>} : memref<2x128xf32, #tpu.memory_space<vmem>>, vector<16xf32>,
      %add3A_736 = arith.addf %get3A_731, %get3A_735 : vector<16xf32>
      %parallel_loop3A_737 = arith.constant 0 : i32
      %parallel_loop3A_738 = arith.constant 128 : i32
      %parallel_loop3A_739 = arith.constant 1 : i32
      scf.for %parallel_loop3A_753 = %parallel_loop3A_737 to %parallel_loop3A_738 step %parallel_loop3A_739  : i32 {
        %parallel_loop3A_754 = arith.index_cast %parallel_loop3A_753 : i32 to index
        %parallel_loop3A_755 = tpu.vector_load %arg24[%parallel_loop3A_754] {strides = array<i32>} : memref<144xi32, #tpu.memory_space<vmem>>, vector<16xi32>,
        %parallel_loop3A_756 = vector.extract_strided_slice %parallel_loop3A_755 {offsets = [0], sizes = [1], strides = [1]} : vector<16xi32> to vector<1xi32>
        %parallel_loop3A_757 = vector.extract %parallel_loop3A_756[0] : i32 from vector<1xi32>
        %parallel_loop3A_758 = arith.constant 1 : i32
        %parallel_loop3A_759 = arith.cmpi eq, %parallel_loop3A_757, %parallel_loop3A_758 : i32
        %parallel_loop3A_760 = arith.index_cast %parallel_loop3A_753 : i32 to index
        %parallel_loop3A_761 = arith.constant 0 : index
        %parallel_loop3A_762 = tpu.vector_load %arg16[%parallel_loop3A_760, %parallel_loop3A_761] {strides = array<i32>} : memref<128x128xf32, #tpu.memory_space<vmem>>, vector<16xf32>,
        %parallel_loop3A_763 = arith.select %parallel_loop3A_759, %add3A_687, %add3A_631 : vector<16xf32>
        %parallel_loop3A_764 = arith.addf %parallel_loop3A_762, %parallel_loop3A_763 : vector<16xf32>
        %parallel_loop3A_765 = arith.index_cast %parallel_loop3A_753 : i32 to index
        %parallel_loop3A_766 = arith.constant 16 : index
        %parallel_loop3A_767 = tpu.vector_load %arg16[%parallel_loop3A_765, %parallel_loop3A_766] {strides = array<i32>} : memref<128x128xf32, #tpu.memory_space<vmem>>, vector<16xf32>,
        %parallel_loop3A_768 = arith.select %parallel_loop3A_759, %add3A_694, %add3A_638 : vector<16xf32>
        %parallel_loop3A_769 = arith.addf %parallel_loop3A_767, %parallel_loop3A_768 : vector<16xf32>
        %parallel_loop3A_770 = arith.index_cast %parallel_loop3A_753 : i32 to index
        %parallel_loop3A_771 = arith.constant 32 : index
        %parallel_loop3A_772 = tpu.vector_load %arg16[%parallel_loop3A_770, %parallel_loop3A_771] {strides = array<i32>} : memref<128x128xf32, #tpu.memory_space<vmem>>, vector<16xf32>,
        %parallel_loop3A_773 = arith.select %parallel_loop3A_759, %add3A_701, %add3A_645 : vector<16xf32>
        %parallel_loop3A_774 = arith.addf %parallel_loop3A_772, %parallel_loop3A_773 : vector<16xf32>
        %parallel_loop3A_775 = arith.index_cast %parallel_loop3A_753 : i32 to index
        %parallel_loop3A_776 = arith.constant 48 : index
        %parallel_loop3A_777 = tpu.vector_load %arg16[%parallel_loop3A_775, %parallel_loop3A_776] {strides = array<i32>} : memref<128x128xf32, #tpu.memory_space<vmem>>, vector<16xf32>,
        %parallel_loop3A_778 = arith.select %parallel_loop3A_759, %add3A_708, %add3A_652 : vector<16xf32>
        %parallel_loop3A_779 = arith.addf %parallel_loop3A_777, %parallel_loop3A_778 : vector<16xf32>
        %parallel_loop3A_780 = arith.index_cast %parallel_loop3A_753 : i32 to index
        %parallel_loop3A_781 = arith.constant 64 : index
        %parallel_loop3A_782 = tpu.vector_load %arg16[%parallel_loop3A_780, %parallel_loop3A_781] {strides = array<i32>} : memref<128x128xf32, #tpu.memory_space<vmem>>, vector<16xf32>,
        %parallel_loop3A_783 = arith.select %parallel_loop3A_759, %add3A_715, %add3A_659 : vector<16xf32>
        %parallel_loop3A_784 = arith.addf %parallel_loop3A_782, %parallel_loop3A_783 : vector<16xf32>
        %parallel_loop3A_785 = arith.index_cast %parallel_loop3A_753 : i32 to index
        %parallel_loop3A_786 = arith.constant 80 : index
        %parallel_loop3A_787 = tpu.vector_load %arg16[%parallel_loop3A_785, %parallel_loop3A_786] {strides = array<i32>} : memref<128x128xf32, #tpu.memory_space<vmem>>, vector<16xf32>,
        %parallel_loop3A_788 = arith.select %parallel_loop3A_759, %add3A_722, %add3A_666 : vector<16xf32>
        %parallel_loop3A_789 = arith.addf %parallel_loop3A_787, %parallel_loop3A_788 : vector<16xf32>
        %parallel_loop3A_790 = arith.index_cast %parallel_loop3A_753 : i32 to index
        %parallel_loop3A_791 = arith.constant 96 : index
        %parallel_loop3A_792 = tpu.vector_load %arg16[%parallel_loop3A_790, %parallel_loop3A_791] {strides = array<i32>} : memref<128x128xf32, #tpu.memory_space<vmem>>, vector<16xf32>,
        %parallel_loop3A_793 = arith.select %parallel_loop3A_759, %add3A_729, %add3A_673 : vector<16xf32>
        %parallel_loop3A_794 = arith.addf %parallel_loop3A_792, %parallel_loop3A_793 : vector<16xf32>
        %parallel_loop3A_795 = arith.index_cast %parallel_loop3A_753 : i32 to index
        %parallel_loop3A_796 = arith.constant 112 : index
        %parallel_loop3A_797 = tpu.vector_load %arg16[%parallel_loop3A_795, %parallel_loop3A_796] {strides = array<i32>} : memref<128x128xf32, #tpu.memory_space<vmem>>, vector<16xf32>,
        %parallel_loop3A_798 = arith.select %parallel_loop3A_759, %add3A_736, %add3A_680 : vector<16xf32>
        %parallel_loop3A_799 = arith.addf %parallel_loop3A_797, %parallel_loop3A_798 : vector<16xf32>
        %parallel_loop3A_800 = arith.mulf %parallel_loop3A_764, %parallel_loop3A_764 : vector<16xf32>
        %parallel_loop3A_801 = arith.addf %parallel_loop3A_764, %parallel_loop3A_769 : vector<16xf32>
        %parallel_loop3A_802 = arith.mulf %parallel_loop3A_769, %parallel_loop3A_769 : vector<16xf32>
        %parallel_loop3A_803 = arith.addf %parallel_loop3A_800, %parallel_loop3A_802 : vector<16xf32>
        %parallel_loop3A_804 = arith.addf %parallel_loop3A_801, %parallel_loop3A_774 : vector<16xf32>
        %parallel_loop3A_805 = arith.mulf %parallel_loop3A_774, %parallel_loop3A_774 : vector<16xf32>
        %parallel_loop3A_806 = arith.addf %parallel_loop3A_803, %parallel_loop3A_805 : vector<16xf32>
        %parallel_loop3A_807 = arith.addf %parallel_loop3A_804, %parallel_loop3A_779 : vector<16xf32>
        %parallel_loop3A_808 = arith.mulf %parallel_loop3A_779, %parallel_loop3A_779 : vector<16xf32>
        %parallel_loop3A_809 = arith.addf %parallel_loop3A_806, %parallel_loop3A_808 : vector<16xf32>
        %parallel_loop3A_810 = arith.addf %parallel_loop3A_807, %parallel_loop3A_784 : vector<16xf32>
        %parallel_loop3A_811 = arith.mulf %parallel_loop3A_784, %parallel_loop3A_784 : vector<16xf32>
        %parallel_loop3A_812 = arith.addf %parallel_loop3A_809, %parallel_loop3A_811 : vector<16xf32>
        %parallel_loop3A_813 = arith.addf %parallel_loop3A_810, %parallel_loop3A_789 : vector<16xf32>
        %parallel_loop3A_814 = arith.mulf %parallel_loop3A_789, %parallel_loop3A_789 : vector<16xf32>
        %parallel_loop3A_815 = arith.addf %parallel_loop3A_812, %parallel_loop3A_814 : vector<16xf32>
        %parallel_loop3A_816 = arith.addf %parallel_loop3A_813, %parallel_loop3A_794 : vector<16xf32>
        %parallel_loop3A_817 = arith.mulf %parallel_loop3A_794, %parallel_loop3A_794 : vector<16xf32>
        %parallel_loop3A_818 = arith.addf %parallel_loop3A_815, %parallel_loop3A_817 : vector<16xf32>
        %parallel_loop3A_819 = arith.addf %parallel_loop3A_816, %parallel_loop3A_799 : vector<16xf32>
        %parallel_loop3A_820 = arith.mulf %parallel_loop3A_799, %parallel_loop3A_799 : vector<16xf32>
        %parallel_loop3A_821 = arith.addf %parallel_loop3A_818, %parallel_loop3A_820 : vector<16xf32>
        %parallel_loop3A_822 = arith.constant true
        %parallel_loop3A_823 = vector.broadcast %parallel_loop3A_822 : i1 to vector<16xi1>
        %parallel_loop3A_824 = tpu.scan <sum>, %parallel_loop3A_819 masked %parallel_loop3A_823 : vector<16xf32>, vector<16xi1> -> vector<16xf32>
        %parallel_loop3A_825 = vector.extract %parallel_loop3A_824[15] : f32 from vector<16xf32>
        %parallel_loop3A_826 = arith.constant 7.812500e-03 : f32
        %parallel_loop3A_827 = arith.mulf %parallel_loop3A_825, %parallel_loop3A_826 : f32
        %parallel_loop3A_828 = arith.constant true
        %parallel_loop3A_829 = vector.broadcast %parallel_loop3A_828 : i1 to vector<16xi1>
        %parallel_loop3A_830 = tpu.scan <sum>, %parallel_loop3A_821 masked %parallel_loop3A_829 : vector<16xf32>, vector<16xi1> -> vector<16xf32>
        %parallel_loop3A_831 = vector.extract %parallel_loop3A_830[15] : f32 from vector<16xf32>
        %parallel_loop3A_832 = arith.constant 7.812500e-03 : f32
        %parallel_loop3A_833 = arith.mulf %parallel_loop3A_831, %parallel_loop3A_832 : f32
        %parallel_loop3A_834 = arith.mulf %parallel_loop3A_827, %parallel_loop3A_827 : f32
        %parallel_loop3A_835 = arith.subf %parallel_loop3A_833, %parallel_loop3A_834 : f32
        %parallel_loop3A_836 = vector.broadcast %parallel_loop3A_827 : f32 to vector<16xf32>
        %parallel_loop3A_837 = vector.broadcast %parallel_loop3A_835 : f32 to vector<16xf32>
        %parallel_loop3A_838 = arith.constant 0.000000e+00 : f32
        %parallel_loop3A_839 = vector.broadcast %parallel_loop3A_838 : f32 to vector<16xf32>
        %parallel_loop3A_840 = arith.maximumf %parallel_loop3A_837, %parallel_loop3A_839 : vector<16xf32>
        %parallel_loop3A_841 = arith.constant 9.99999996E-13 : f32
        %parallel_loop3A_842 = vector.broadcast %parallel_loop3A_841 : f32 to vector<16xf32>
        %parallel_loop3A_843 = arith.addf %parallel_loop3A_840, %parallel_loop3A_842 : vector<16xf32>
        %parallel_loop3A_844 = tpu.bitcast %parallel_loop3A_843 : vector<16xf32> -> vector<16xi32>
        %parallel_loop3A_845 = arith.constant 1 : i32
        %parallel_loop3A_846 = vector.broadcast %parallel_loop3A_845 : i32 to vector<16xi32>
        %parallel_loop3A_847 = arith.shrui %parallel_loop3A_844, %parallel_loop3A_846 : vector<16xi32>
        %parallel_loop3A_848 = arith.constant 1597463007 : i32
        %parallel_loop3A_849 = vector.broadcast %parallel_loop3A_848 : i32 to vector<16xi32>
        %parallel_loop3A_850 = arith.subi %parallel_loop3A_849, %parallel_loop3A_847 : vector<16xi32>
        %parallel_loop3A_851 = tpu.bitcast %parallel_loop3A_850 : vector<16xi32> -> vector<16xf32>
        %parallel_loop3A_852 = arith.constant 5.000000e-01 : f32
        %parallel_loop3A_853 = vector.broadcast %parallel_loop3A_852 : f32 to vector<16xf32>
        %parallel_loop3A_854 = arith.mulf %parallel_loop3A_843, %parallel_loop3A_853 : vector<16xf32>
        %parallel_loop3A_855 = arith.mulf %parallel_loop3A_854, %parallel_loop3A_851 : vector<16xf32>
        %parallel_loop3A_856 = arith.mulf %parallel_loop3A_855, %parallel_loop3A_851 : vector<16xf32>
        %parallel_loop3A_857 = arith.constant 1.500000e+00 : f32
        %parallel_loop3A_858 = vector.broadcast %parallel_loop3A_857 : f32 to vector<16xf32>
        %parallel_loop3A_859 = arith.subf %parallel_loop3A_858, %parallel_loop3A_856 : vector<16xf32>
        %parallel_loop3A_860 = arith.mulf %parallel_loop3A_851, %parallel_loop3A_859 : vector<16xf32>
        %parallel_loop3A_861 = arith.subf %parallel_loop3A_764, %parallel_loop3A_836 : vector<16xf32>
        %parallel_loop3A_862 = arith.mulf %parallel_loop3A_861, %parallel_loop3A_860 : vector<16xf32>
        %parallel_loop3A_863 = arith.mulf %parallel_loop3A_862, %get3A_5 : vector<16xf32>
        %parallel_loop3A_864 = arith.addf %parallel_loop3A_863, %get3A_21 : vector<16xf32>
        %parallel_loop3A_865 = arith.index_cast %parallel_loop3A_753 : i32 to index
        %parallel_loop3A_866 = arith.constant 0 : index
        %parallel_loop3A_867 = tpu.vector_load %arg16[%parallel_loop3A_865, %parallel_loop3A_866] {strides = array<i32>} : memref<128x128xf32, #tpu.memory_space<vmem>>, vector<16xf32>,
        tpu.vector_store %arg16[%parallel_loop3A_865, %parallel_loop3A_866], %parallel_loop3A_864 {strides = array<i32>} : memref<128x128xf32, #tpu.memory_space<vmem>>, vector<16xf32>,
        %parallel_loop3A_868 = arith.subf %parallel_loop3A_769, %parallel_loop3A_836 : vector<16xf32>
        %parallel_loop3A_869 = arith.mulf %parallel_loop3A_868, %parallel_loop3A_860 : vector<16xf32>
        %parallel_loop3A_870 = arith.mulf %parallel_loop3A_869, %get3A_7 : vector<16xf32>
        %parallel_loop3A_871 = arith.addf %parallel_loop3A_870, %get3A_23 : vector<16xf32>
        %parallel_loop3A_872 = arith.index_cast %parallel_loop3A_753 : i32 to index
        %parallel_loop3A_873 = arith.constant 16 : index
        %parallel_loop3A_874 = tpu.vector_load %arg16[%parallel_loop3A_872, %parallel_loop3A_873] {strides = array<i32>} : memref<128x128xf32, #tpu.memory_space<vmem>>, vector<16xf32>,
        tpu.vector_store %arg16[%parallel_loop3A_872, %parallel_loop3A_873], %parallel_loop3A_871 {strides = array<i32>} : memref<128x128xf32, #tpu.memory_space<vmem>>, vector<16xf32>,
        %parallel_loop3A_875 = arith.subf %parallel_loop3A_774, %parallel_loop3A_836 : vector<16xf32>
        %parallel_loop3A_876 = arith.mulf %parallel_loop3A_875, %parallel_loop3A_860 : vector<16xf32>
        %parallel_loop3A_877 = arith.mulf %parallel_loop3A_876, %get3A_9 : vector<16xf32>
        %parallel_loop3A_878 = arith.addf %parallel_loop3A_877, %get3A_25 : vector<16xf32>
        %parallel_loop3A_879 = arith.index_cast %parallel_loop3A_753 : i32 to index
        %parallel_loop3A_880 = arith.constant 32 : index
        %parallel_loop3A_881 = tpu.vector_load %arg16[%parallel_loop3A_879, %parallel_loop3A_880] {strides = array<i32>} : memref<128x128xf32, #tpu.memory_space<vmem>>, vector<16xf32>,
        tpu.vector_store %arg16[%parallel_loop3A_879, %parallel_loop3A_880], %parallel_loop3A_878 {strides = array<i32>} : memref<128x128xf32, #tpu.memory_space<vmem>>, vector<16xf32>,
        %parallel_loop3A_882 = arith.subf %parallel_loop3A_779, %parallel_loop3A_836 : vector<16xf32>
        %parallel_loop3A_883 = arith.mulf %parallel_loop3A_882, %parallel_loop3A_860 : vector<16xf32>
        %parallel_loop3A_884 = arith.mulf %parallel_loop3A_883, %get3A_11 : vector<16xf32>
        %parallel_loop3A_885 = arith.addf %parallel_loop3A_884, %get3A_27 : vector<16xf32>
        %parallel_loop3A_886 = arith.index_cast %parallel_loop3A_753 : i32 to index
        %parallel_loop3A_887 = arith.constant 48 : index
        %parallel_loop3A_888 = tpu.vector_load %arg16[%parallel_loop3A_886, %parallel_loop3A_887] {strides = array<i32>} : memref<128x128xf32, #tpu.memory_space<vmem>>, vector<16xf32>,
        tpu.vector_store %arg16[%parallel_loop3A_886, %parallel_loop3A_887], %parallel_loop3A_885 {strides = array<i32>} : memref<128x128xf32, #tpu.memory_space<vmem>>, vector<16xf32>,
        %parallel_loop3A_889 = arith.subf %parallel_loop3A_784, %parallel_loop3A_836 : vector<16xf32>
        %parallel_loop3A_890 = arith.mulf %parallel_loop3A_889, %parallel_loop3A_860 : vector<16xf32>
        %parallel_loop3A_891 = arith.mulf %parallel_loop3A_890, %get3A_13 : vector<16xf32>
        %parallel_loop3A_892 = arith.addf %parallel_loop3A_891, %get3A_29 : vector<16xf32>
        %parallel_loop3A_893 = arith.index_cast %parallel_loop3A_753 : i32 to index
        %parallel_loop3A_894 = arith.constant 64 : index
        %parallel_loop3A_895 = tpu.vector_load %arg16[%parallel_loop3A_893, %parallel_loop3A_894] {strides = array<i32>} : memref<128x128xf32, #tpu.memory_space<vmem>>, vector<16xf32>,
        tpu.vector_store %arg16[%parallel_loop3A_893, %parallel_loop3A_894], %parallel_loop3A_892 {strides = array<i32>} : memref<128x128xf32, #tpu.memory_space<vmem>>, vector<16xf32>,
        %parallel_loop3A_896 = arith.subf %parallel_loop3A_789, %parallel_loop3A_836 : vector<16xf32>
        %parallel_loop3A_897 = arith.mulf %parallel_loop3A_896, %parallel_loop3A_860 : vector<16xf32>
        %parallel_loop3A_898 = arith.mulf %parallel_loop3A_897, %get3A_15 : vector<16xf32>
        %parallel_loop3A_899 = arith.addf %parallel_loop3A_898, %get3A_31 : vector<16xf32>
        %parallel_loop3A_900 = arith.index_cast %parallel_loop3A_753 : i32 to index
        %parallel_loop3A_901 = arith.constant 80 : index
        %parallel_loop3A_902 = tpu.vector_load %arg16[%parallel_loop3A_900, %parallel_loop3A_901] {strides = array<i32>} : memref<128x128xf32, #tpu.memory_space<vmem>>, vector<16xf32>,
        tpu.vector_store %arg16[%parallel_loop3A_900, %parallel_loop3A_901], %parallel_loop3A_899 {strides = array<i32>} : memref<128x128xf32, #tpu.memory_space<vmem>>, vector<16xf32>,
        %parallel_loop3A_903 = arith.subf %parallel_loop3A_794, %parallel_loop3A_836 : vector<16xf32>
        %parallel_loop3A_904 = arith.mulf %parallel_loop3A_903, %parallel_loop3A_860 : vector<16xf32>
        %parallel_loop3A_905 = arith.mulf %parallel_loop3A_904, %get3A_17 : vector<16xf32>
        %parallel_loop3A_906 = arith.addf %parallel_loop3A_905, %get3A_33 : vector<16xf32>
        %parallel_loop3A_907 = arith.index_cast %parallel_loop3A_753 : i32 to index
        %parallel_loop3A_908 = arith.constant 96 : index
        %parallel_loop3A_909 = tpu.vector_load %arg16[%parallel_loop3A_907, %parallel_loop3A_908] {strides = array<i32>} : memref<128x128xf32, #tpu.memory_space<vmem>>, vector<16xf32>,
        tpu.vector_store %arg16[%parallel_loop3A_907, %parallel_loop3A_908], %parallel_loop3A_906 {strides = array<i32>} : memref<128x128xf32, #tpu.memory_space<vmem>>, vector<16xf32>,
        %parallel_loop3A_910 = arith.subf %parallel_loop3A_799, %parallel_loop3A_836 : vector<16xf32>
        %parallel_loop3A_911 = arith.mulf %parallel_loop3A_910, %parallel_loop3A_860 : vector<16xf32>
        %parallel_loop3A_912 = arith.mulf %parallel_loop3A_911, %get3A_19 : vector<16xf32>
        %parallel_loop3A_913 = arith.addf %parallel_loop3A_912, %get3A_35 : vector<16xf32>
        %parallel_loop3A_914 = arith.index_cast %parallel_loop3A_753 : i32 to index
        %parallel_loop3A_915 = arith.constant 112 : index
        %parallel_loop3A_916 = tpu.vector_load %arg16[%parallel_loop3A_914, %parallel_loop3A_915] {strides = array<i32>} : memref<128x128xf32, #tpu.memory_space<vmem>>, vector<16xf32>,
        tpu.vector_store %arg16[%parallel_loop3A_914, %parallel_loop3A_915], %parallel_loop3A_913 {strides = array<i32>} : memref<128x128xf32, #tpu.memory_space<vmem>>, vector<16xf32>,
      } {sc.loop_unroll_factor = 4 : i64, sc.parallel_access}
      %rem3A_740 = arith.constant 8 : i32
      %rem3A_741 = arith.remsi %add3A_607, %rem3A_740 : i32
      %mul3A_742 = arith.constant 128 : i32
      %mul3A_743 = arith.muli %rem3A_741, %mul3A_742 : i32
      %div3A_744 = arith.constant 8 : i32
      %div3A_745 = arith.divsi %add3A_607, %div3A_744 : i32
      %add3A_746 = arith.addi %mul3A_4, %div3A_745 : i32
      %dma_start3A_747 = arith.constant 0 : i32
      %dma_start3A_748 = tpu.memref_slice %arg9[%mul3A_743, %add3A_746, %dma_start3A_747] : memref<1024x512x128xf32, #tpu.memory_space<hbm>> -> memref<128x1x128xf32, #tpu.memory_space<hbm>>
      %dma_start3A_749 = tpu.memref_squeeze %dma_start3A_748 : memref<128x1x128xf32, #tpu.memory_space<hbm>> -> memref<128x128xf32, #tpu.memory_space<hbm>>
      %dma_start3A_750 = arith.constant 0 : i32
      %dma_start3A_751 = tpu.memref_slice %arg9[%mul3A_743, %add3A_746, %dma_start3A_750] : memref<1024x512x128xf32, #tpu.memory_space<hbm>> -> memref<128x1x128xf32, #tpu.memory_space<hbm>>
      %dma_start3A_752 = tpu.memref_squeeze %dma_start3A_751 : memref<128x1x128xf32, #tpu.memory_space<hbm>> -> memref<128x128xf32, #tpu.memory_space<hbm>>
      tpu.enqueue_dma source(%arg16 : memref<128x128xf32, #tpu.memory_space<vmem>>) target(%dma_start3A_752 : memref<128x128xf32, #tpu.memory_space<hbm>>) target_semaphore(%arg36 : memref<!tpu.dma_semaphore, #tpu.memory_space<semaphore_mem>>)
    }
    %scan3A_100 = arith.constant 32 : i32
    %rem3A = arith.constant 124 : i32
    %rem3A_101 = arith.constant 8 : i32
    %rem3A_102 = arith.remsi %rem3A, %rem3A_101 : i32
    %mul3A_103 = arith.constant 128 : i32
    %mul3A_104 = arith.muli %rem3A_102, %mul3A_103 : i32
    %div3A_105 = arith.constant 124 : i32
    %div3A_106 = arith.constant 8 : i32
    %div3A_107 = arith.divsi %div3A_105, %div3A_106 : i32
    %add3A_108 = arith.addi %mul3A_4, %div3A_107 : i32
    %dma_wait3A_109 = arith.constant 0 : i32
    %dma_wait3A_110 = tpu.memref_slice %arg9[%mul3A_104, %add3A_108, %dma_wait3A_109] : memref<1024x512x128xf32, #tpu.memory_space<hbm>> -> memref<128x1x128xf32, #tpu.memory_space<hbm>>
    %dma_wait3A_111 = tpu.memref_squeeze %dma_wait3A_110 : memref<128x1x128xf32, #tpu.memory_space<hbm>> -> memref<128x128xf32, #tpu.memory_space<hbm>>
    %dma_wait3A_112 = arith.constant 0 : i32
    %dma_wait3A_113 = tpu.memref_slice %arg9[%mul3A_104, %add3A_108, %dma_wait3A_112] : memref<1024x512x128xf32, #tpu.memory_space<hbm>> -> memref<128x1x128xf32, #tpu.memory_space<hbm>>
    %dma_wait3A_114 = tpu.memref_squeeze %dma_wait3A_113 : memref<128x1x128xf32, #tpu.memory_space<hbm>> -> memref<128x128xf32, #tpu.memory_space<hbm>>
    tpu.wait_dma2 semaphore(%arg33 : memref<!tpu.dma_semaphore, #tpu.memory_space<semaphore_mem>>) src(%arg13 : memref<128x128xf32, #tpu.memory_space<vmem>>) dst(%dma_wait3A_114 : memref<128x128xf32, #tpu.memory_space<hbm>>)
    %rem3A_115 = arith.constant 125 : i32
    %rem3A_116 = arith.constant 8 : i32
    %rem3A_117 = arith.remsi %rem3A_115, %rem3A_116 : i32
    %mul3A_118 = arith.constant 128 : i32
    %mul3A_119 = arith.muli %rem3A_117, %mul3A_118 : i32
    %div3A_120 = arith.constant 125 : i32
    %div3A_121 = arith.constant 8 : i32
    %div3A_122 = arith.divsi %div3A_120, %div3A_121 : i32
    %add3A_123 = arith.addi %mul3A_4, %div3A_122 : i32
    %dma_wait3A_124 = arith.constant 0 : i32
    %dma_wait3A_125 = tpu.memref_slice %arg9[%mul3A_119, %add3A_123, %dma_wait3A_124] : memref<1024x512x128xf32, #tpu.memory_space<hbm>> -> memref<128x1x128xf32, #tpu.memory_space<hbm>>
    %dma_wait3A_126 = tpu.memref_squeeze %dma_wait3A_125 : memref<128x1x128xf32, #tpu.memory_space<hbm>> -> memref<128x128xf32, #tpu.memory_space<hbm>>
    %dma_wait3A_127 = arith.constant 0 : i32
    %dma_wait3A_128 = tpu.memref_slice %arg9[%mul3A_119, %add3A_123, %dma_wait3A_127] : memref<1024x512x128xf32, #tpu.memory_space<hbm>> -> memref<128x1x128xf32, #tpu.memory_space<hbm>>
    %dma_wait3A_129 = tpu.memref_squeeze %dma_wait3A_128 : memref<128x1x128xf32, #tpu.memory_space<hbm>> -> memref<128x128xf32, #tpu.memory_space<hbm>>
    tpu.wait_dma2 semaphore(%arg34 : memref<!tpu.dma_semaphore, #tpu.memory_space<semaphore_mem>>) src(%arg14 : memref<128x128xf32, #tpu.memory_space<vmem>>) dst(%dma_wait3A_129 : memref<128x128xf32, #tpu.memory_space<hbm>>)
    %rem3A_130 = arith.constant 126 : i32
    %rem3A_131 = arith.constant 8 : i32
    %rem3A_132 = arith.remsi %rem3A_130, %rem3A_131 : i32
    %mul3A_133 = arith.constant 128 : i32
    %mul3A_134 = arith.muli %rem3A_132, %mul3A_133 : i32
    %div3A_135 = arith.constant 126 : i32
    %div3A_136 = arith.constant 8 : i32
    %div3A_137 = arith.divsi %div3A_135, %div3A_136 : i32
    %add3A_138 = arith.addi %mul3A_4, %div3A_137 : i32
    %dma_wait3A_139 = arith.constant 0 : i32
    %dma_wait3A_140 = tpu.memref_slice %arg9[%mul3A_134, %add3A_138, %dma_wait3A_139] : memref<1024x512x128xf32, #tpu.memory_space<hbm>> -> memref<128x1x128xf32, #tpu.memory_space<hbm>>
    %dma_wait3A_141 = tpu.memref_squeeze %dma_wait3A_140 : memref<128x1x128xf32, #tpu.memory_space<hbm>> -> memref<128x128xf32, #tpu.memory_space<hbm>>
    %dma_wait3A_142 = arith.constant 0 : i32
    %dma_wait3A_143 = tpu.memref_slice %arg9[%mul3A_134, %add3A_138, %dma_wait3A_142] : memref<1024x512x128xf32, #tpu.memory_space<hbm>> -> memref<128x1x128xf32, #tpu.memory_space<hbm>>
    %dma_wait3A_144 = tpu.memref_squeeze %dma_wait3A_143 : memref<128x1x128xf32, #tpu.memory_space<hbm>> -> memref<128x128xf32, #tpu.memory_space<hbm>>
    tpu.wait_dma2 semaphore(%arg35 : memref<!tpu.dma_semaphore, #tpu.memory_space<semaphore_mem>>) src(%arg15 : memref<128x128xf32, #tpu.memory_space<vmem>>) dst(%dma_wait3A_144 : memref<128x128xf32, #tpu.memory_space<hbm>>)
    %rem3A_145 = arith.constant 127 : i32
    %rem3A_146 = arith.constant 8 : i32
    %rem3A_147 = arith.remsi %rem3A_145, %rem3A_146 : i32
    %mul3A_148 = arith.constant 128 : i32
    %mul3A_149 = arith.muli %rem3A_147, %mul3A_148 : i32
    %div3A_150 = arith.constant 127 : i32
    %div3A_151 = arith.constant 8 : i32
    %div3A_152 = arith.divsi %div3A_150, %div3A_151 : i32
    %add3A_153 = arith.addi %mul3A_4, %div3A_152 : i32
    %dma_wait3A_154 = arith.constant 0 : i32
    %dma_wait3A_155 = tpu.memref_slice %arg9[%mul3A_149, %add3A_153, %dma_wait3A_154] : memref<1024x512x128xf32, #tpu.memory_space<hbm>> -> memref<128x1x128xf32, #tpu.memory_space<hbm>>
    %dma_wait3A_156 = tpu.memref_squeeze %dma_wait3A_155 : memref<128x1x128xf32, #tpu.memory_space<hbm>> -> memref<128x128xf32, #tpu.memory_space<hbm>>
    %dma_wait3A_157 = arith.constant 0 : i32
    %dma_wait3A_158 = tpu.memref_slice %arg9[%mul3A_149, %add3A_153, %dma_wait3A_157] : memref<1024x512x128xf32, #tpu.memory_space<hbm>> -> memref<128x1x128xf32, #tpu.memory_space<hbm>>
    %dma_wait3A_159 = tpu.memref_squeeze %dma_wait3A_158 : memref<128x1x128xf32, #tpu.memory_space<hbm>> -> memref<128x128xf32, #tpu.memory_space<hbm>>
    tpu.wait_dma2 semaphore(%arg36 : memref<!tpu.dma_semaphore, #tpu.memory_space<semaphore_mem>>) src(%arg16 : memref<128x128xf32, #tpu.memory_space<vmem>>) dst(%dma_wait3A_159 : memref<128x128xf32, #tpu.memory_space<hbm>>)
    return
  }
}

</mosaic_0001>

<sc_bundles>
// kernel: kernel.3.cloned.1.call-start
scs
__scs_entry_jumppad:
0x0: {  	(pc) =	sbr.rel $0x88, $3  }
0x1: {  	(tag) =	ssettag $0x0;
	lr =	simm.s32 $0x1  }
0x2: {  	[smem:$0x3F9A] =	sst lr;
	_ =	strace $0xD0000000  }
0x3: {  	_ = 	snop  }
0x4: {  	_ = 	snop  }
0x5: {  	_ = 	snop  }
0x6: {  	_ = 	snop  }
0x7: {  	_ = 	snop  }
__scs_overlays_trampoline_lowered:
0x8: {  	[smem:$0x3FA9] =	sst s0  }
0x9: {  	[smem:$0x3FAA] =	sst s1  }
0xa: {  	[smem:$0x3FAB] =	sst s2  }
0xb: {  	[smem:$0x3FAC] =	sst s3  }
0xc: {  	[smem:$0x3FAD] =	sst s4  }
0xd: {  	[smem:$0x3FAE] =	sst s5  }
0xe: {  	[smem:$0x3FAF] =	sst s6  }
0xf: {  	[smem:$0x3FB0] =	sst s7  }
0x10: {  	[smem:$0x3FB1] =	sst s8  }
0x11: {  	[smem:$0x3FB2] =	sst s9;
	s0 =	simm.s32 @!p0 $0x0  }
0x12: {  	s1 =	sld [smem:$0x3F98];
	s0 =	simm.s32 @p0 $0x1  }
0x13: {  	[smem:$0x3FB3] =	sst s0;
	s0 =	simm.s32 @!p1 $0x0  }
0x14: {  	s2 =	sld [smem:$0x3F97];
	s0 =	simm.s32 @p1 $0x1  }
0x15: {  	[smem:$0x3FB4] =	sst s0;
	s0 =	simm.s32 @!p2 $0x0  }
0x16: {  	s3 =	sld [smem:$0x3FDB];
	s0 =	simm.s32 @p2 $0x1  }
0x17: {  	s4 =	simm.s32 $0x1BF5;
	[smem:$0x3FB6] =	sst s0  }
0x18: {  	s0 =	sld [smem:$0x3F99];
	_ =	swait.ge [sflag:s4], $0x0  }
0x19: {  	s7 =	sld [smem:$0x3F9A]  }
0x1a: {  	s8 =	sadd.s32 $0xFFFFE003, lr  }
0x1b: {  	s9 =	sadd.s32 $0xFFFFFEF7, lr;
	s5 =	simm.s32 $0xFFFFFFFF;
	p2 =	slt.u32 s8, $0xFFFFF086  }
0x1c: {  	p1 =	slt.u32 s9, $0xF7A;
	s5 =	simm.s32 @!p2 $0x0  }
0x1d: {  	s5 =	simm.s32 @p1 $0x1;
	p0 =	seq.s32 s7, s2  }
0x1e: {  	s7 =	smul.u32 @!p0 $0xF7A, s2;
	p2 =	seq.s32 @!p0 s5, $0x0  }
0x1f: {  	s9 =	smul.u32 $0xF7A, s1;
	s8 =	simm.s32 @!p0 $0x1BF5;
	p2 =	por !p2, p0  }
0x20: {  	[sflag:s8] =	ssyncset.s32 @!p0 $0xFFFFF086;
	s6 =	sadd.s32 @!p0 s3, s7;
	s7 =	simm.s32 @!p0 $0x108  }
0x21: {  	s3 =	sadd.s32 s3, s9;
	s6 =	sadd.s32 @!p0 $0x88, s6;
	s7 =	simm.s32 @p2 $0x1082  }
0x22: {  	[simem:s7], [sflag:s8] =	dma.local @!p0 [hbm:s6], $0xF7A  }
0x23: {  	s9 =	sor.u32 $0xD0000000, s2;
	s6 =	simm.s32 $0x108;
	_ =	swait.ge @!p0 [sflag:s8], $0x0  }
0x24: {  	s3 =	sadd.s32 $0x88, s3;
	s6 =	simm.s32 @!p1 $0x1082;
	[sflag:s4] =	ssyncset.s32 $0xFFFFF086  }
0x25: {  	[simem:s6], [sflag:s4] =	dma.local [hbm:s3], $0xF7A  }
0x26: {  	[smem:$0x3F9A] =	sst s1;
	(tag) =	ssettag s2;
	_ =	strace s9  }
0x27: {  	s1 =	sld [smem:$0x3FAA]  }
0x28: {  	s2 =	sld [smem:$0x3FAB]  }
0x29: {  	s4 =	sld [smem:$0x3FAD]  }
0x2a: {  	p0 =	seq.s32 s5, $0x0;
	s5 =	sld [smem:$0x3FAE]  }
0x2b: {  	s6 =	sld [smem:$0x3FAF]  }
0x2c: {  	s7 =	sld [smem:$0x3FB0]  }
0x2d: {  	s3 =	simm.s32 $0x108;
	s8 =	sld [smem:$0x3FB1]  }
0x2e: {  	s3 =	simm.s32 @!p0 $0x1082;
	s9 =	sld [smem:$0x3FB2]  }
0x2f: {  	lr =	sadd.s32 s0, s3;
	s0 =	sld [smem:$0x3FA9]  }
0x30: {  	s3 =	sld [smem:$0x3FAC]  }
0x31: {  	[smem:$0x3FB5] =	sst s10  }
0x32: {  	s10 =	sld [smem:$0x3FB3];
	_ =	sdelay $0x3  }
0x33: {  	p0 =	seq.s32 s10, $0x1;
	s10 =	sld [smem:$0x3FB5];
	_ =	sdelay $0x3  }
0x34: {  	[smem:$0x3FB5] =	sst s10  }
0x35: {  	s10 =	sld [smem:$0x3FB4];
	_ =	sdelay $0x3  }
0x36: {  	p1 =	seq.s32 s10, $0x1;
	s10 =	sld [smem:$0x3FB5];
	_ =	sdelay $0x3  }
0x37: {  	[smem:$0x3FB5] =	sst s10  }
0x38: {  	s10 =	sld [smem:$0x3FB6]  }
0x39: {  	_ = 	snop;
	(pc) =	sbr.ind lr, $3  }
0x3a: {  	_ = 	snop  }
0x3b: {  	_ = 	snop  }
0x3c: {  	p2 =	seq.s32 s10, $0x1;
	s10 =	sld [smem:$0x3FB5]  }
0x3d: {  	_ =	shalt  }
0x3e: {  	_ =	shalt  }
0x3f: {  	_ =	shalt  }
0x40: {  	_ =	shalt  }
0x41: {  	_ =	shalt  }
0x42: {  	_ =	shalt  }
0x43: {  	_ =	shalt  }
0x44: {  	_ =	shalt  }
0x45: {  	_ =	shalt  }
0x46: {  	_ =	shalt  }
0x47: {  	_ =	shalt  }
0x48: {  	_ =	shalt  }
0x49: {  	_ =	shalt  }
0x4a: {  	_ =	shalt  }
0x4b: {  	_ =	shalt  }
0x4c: {  	_ =	shalt  }
0x4d: {  	_ =	shalt  }
0x4e: {  	_ =	shalt  }
0x4f: {  	_ =	shalt  }
0x50: {  	_ =	shalt  }
0x51: {  	_ =	shalt  }
0x52: {  	_ =	shalt  }
0x53: {  	_ =	shalt  }
0x54: {  	_ =	shalt  }
0x55: {  	_ =	shalt  }
0x56: {  	_ =	shalt  }
0x57: {  	_ =	shalt  }
0x58: {  	_ =	shalt  }
0x59: {  	_ =	shalt  }
0x5a: {  	_ =	shalt  }
0x5b: {  	_ =	shalt  }
0x5c: {  	_ =	shalt  }
0x5d: {  	_ =	shalt  }
0x5e: {  	_ =	shalt  }
0x5f: {  	_ =	shalt  }
0x60: {  	_ =	shalt  }
0x61: {  	_ =	shalt  }
0x62: {  	_ =	shalt  }
0x63: {  	_ =	shalt  }
0x64: {  	_ =	shalt  }
0x65: {  	_ =	shalt  }
0x66: {  	_ =	shalt  }
0x67: {  	_ =	shalt  }
0x68: {  	_ =	shalt  }
0x69: {  	_ =	shalt  }
0x6a: {  	_ =	shalt  }
0x6b: {  	_ =	shalt  }
0x6c: {  	_ =	shalt  }
0x6d: {  	_ =	shalt  }
0x6e: {  	_ =	shalt  }
0x6f: {  	_ =	shalt  }
0x70: {  	_ =	shalt  }
0x71: {  	_ =	shalt  }
0x72: {  	_ =	shalt  }
0x73: {  	_ =	shalt  }
0x74: {  	_ =	shalt  }
0x75: {  	_ =	shalt  }
0x76: {  	_ =	shalt  }
0x77: {  	_ =	shalt  }
0x78: {  	_ =	shalt  }
0x79: {  	_ =	shalt  }
0x7a: {  	_ =	shalt  }
0x7b: {  	_ =	shalt  }
0x7c: {  	_ =	shalt  }
0x7d: {  	_ =	shalt  }
0x7e: {  	_ =	shalt  }
0x7f: {  	_ =	shalt  }
0x80: {  	_ =	shalt  }
0x81: {  	_ =	shalt  }
0x82: {  	_ =	shalt  }
0x83: {  	_ =	shalt  }
0x84: {  	_ =	shalt  }
0x85: {  	_ =	shalt  }
0x86: {  	_ =	shalt  }
0x87: {  	_ =	shalt  }
.Lfunc_end0:
.L_simem_size_0:
called_computation_lowered:
.L_overlay_start_0:
0x88: {  	s2 =	sld [smem:$0x3FD9]  }
0x89: {  	s3 =	sld [smem:$0x3FFE];
	_ =	sdelay $0x1  }
0x8a: {  	s1 =	srdreg.scid  }
0x8b: {  	s0 =	sand.u32 $0x1, s1  }
0x8c: {  	s17 =	sshll.u32 s0, $0xA;
	s2 =	sadd.s32 s3, s2  }
0x8d: {  	s2 =	sadd.s32 s2, s17  }
0x8e: {  	[smem:$0x3FC1] =	sst s2  }
0x8f: {  	_ = 	snop  }
0x90: {  	s2 =	sld [smem:$0x3FC7]  }
0x91: {  	s18 =	sld [smem:$0x3FC6]  }
0x92: {  	s4 =	sld [smem:$0x3FC5]  }
0x93: {  	s5 =	sld [smem:$0x3FC4]  }
0x94: {  	s6 =	sld [smem:$0x3FC3]  }
0x95: {  	s7 =	sld [smem:$0x3FD0];
	(tm) =	ssettm $0x1  }
0x96: {  	s8 =	sld [smem:$0x3FFB];
	_ =	sdelay $0x3  }
0x97: {  	_ =	strace s8  }
0x98: {  	s8 =	sld [smem:$0x3FFC];
	_ =	sdelay $0x3  }
0x99: {  	_ =	strace s8  }
0x9a: {  	s8 =	sld [smem:$0x3FFD];
	_ =	sdelay $0x3  }
0x9b: {  	_ =	strace s8  }
0x9c: {  	_ =	strace $0x8FFFFFFF  }
0x9d: {  	s19 =	sld [smem:$0x3FDB];
	_ =	sdelay $0x1  }
0x9e: {  	s9 =	simm.s32 $_scs_section_size  }
0x9f: {  	s10 =	simm.s32 $_size__tile_overlayer_lowered;
	s11 =	simm.s32 $_tile_overlayer_lowered  }
0xa0: {  	s22 =	simm.s32 $0x1BFF;
	s21 =	sshll.u32 s11, $0x1;
	s8 =	sadd.s32 s9, s19  }
0xa1: {  	s12 =	simm.s32 $0x0;
	s20 =	sshll.u32 s10, $0x1;
	s10 =	sadd.s32 s21, s8  }
0xa2: {  	[timem:s12], [sflag:s22] =	dma.local [hbm:s10], s20  }
0xa3: {  	_ =	swait.ge [sflag:s22], s20  }
0xa4: {  	s9 =	ssub.s32 $0x0, s20;
	[sflag:s22] =	ssyncset.done $0x0  }
0xa5: {  	[sflag:s22] =	ssyncadd.s32 s9;
	_ =	sdelay $0x1  }
0xa6: {  	s23 =	simm.s32 $0x1B8B  }
0xa7: {  	_ =	swait.ge [sflag:s23], $0x1  }
0xa8: {  	[sflag:s23] =	ssyncset.done $0x0  }
0xa9: {  	s25 =	simm.s32 $0x1B8E;
	s24 =	sld [smem:$0x3FFE];
	[sflag:s23] =	ssyncadd.s32 $0xFFFFFFFF  }
0xaa: {  	s26 =	simm.s32 $execute0_lowered;
	[smem:$0x3FD2] =	sst s25  }
0xab: {  	s10 =	sshll.u32 s26, $0x1;
	_ =	strace $0x80000046;
	[dreg:$0x1] =	wrdreg $0xFFFFFFFF  }
0xac: {  	s28 =	simm.s32 $_size_execute0_lowered;
	s8 =	sadd.s32 s8, s10;
	[dreg:$0x0] =	wrdreg $0x0  }
0xad: {  	s10 =	sshll.u32 s28, $0x1;
	[dreg:$0x2] =	wrdreg s8  }
0xae: {  	[dreg:$0x3] =	wrdreg s10  }
0xaf: {  	[dreg:$0x4] =	wrdreg $0xC0  }
0xb0: {  	_ =	task [dreg:s12], $0x5FFFF  }
0xb1: {  	[dreg:$0x1] =	wrdreg $0xFFFFFFFF  }
0xb2: {  	[dreg:$0x0] =	wrdreg $0x60  }
0xb3: {  	[dreg:$0x2] =	wrdreg s2  }
0xb4: {  	[dreg:$0x3] =	wrdreg s24  }
0xb5: {  	[dreg:$0x4] =	wrdreg s18  }
0xb6: {  	[dreg:$0x5] =	wrdreg s4  }
0xb7: {  	[dreg:$0x6] =	wrdreg s5  }
0xb8: {  	[dreg:$0x7] =	wrdreg s6  }
0xb9: {  	[dreg:$0x8] =	wrdreg s7  }
0xba: {  	[dreg:$0x9] =	wrdreg $0x9  }
0xbb: {  	_ =	task.clear_ibuf [dreg:s12], $0xAFFFF;
	_ =	strace $0x90000046  }
0xbc: {  	s29 =	simm.s32 $0x9;
	_ =	strace $0x80000048  }
0xbd: {  	_ =	swait.ge [sflag:s29], $0x1  }
0xbe: {  	[sflag:s29] =	ssyncadd.s32 $0xFFFFFFFF  }
0xbf: {  	_ =	strace $0x90000048  }
0xc0: {  	_ =	sfence  }
0xc1: {  	s30 =	sld [smem:$0x0];
	_ =	sdelay $0x2  }
0xc2: {  	s31 =	sshll.u32 s1, $0xD;
	s1 =	sshrl.u32 s1, $0x2  }
0xc3: {  	s3 =	sand.u32 $0x4000, s31;
	s1 =	sadd.s32 s1, s30  }
0xc4: {  	s0 =	sor.u32 s3, s0;
	s1 =	sshll.u32 s1, $0x11  }
0xc5: {  	s0 =	sor.u32 s1, s0  }
0xc6: {  	s0 =	sadd.s32 $0x8F2B, s0  }
0xc7: {  	[sflag:s0] =	ssyncadd.remote.s32 $0x1  }
0xc8: {  	_ =	sfence.sel $0xFFFF  }
0xc9: {  	[dreg:$0x0] =	wrdreg $0xFFFFFFFF;
	(pc) =	sbr.abs _section_cstart, $3  }
0xca: {  	[dreg:$0x1] =	wrdreg $0xFFFFFFFF  }
0xcb: {  	_ =	task.clear_ibuf [dreg:s12], $0x2FFFF;
	_ =	strace $0x9FFFFFFF  }
0xcc: {  	(tm) =	ssettm $0x7FFFFFFF  }
0xcd: {  	_ =	shalt  }
tec
execute0_lowered:
.L_overlay_start_1:
0x0: {  	(tag) =	ssettag $0x1  }
0x1: {  	s0 =	rddreg [dreg:$0x0]  }
0x2: {  	s1 =	rddreg [dreg:$0x1]  }
0x3: {  	s6 =	rddreg [dreg:$0x2]  }
0x4: {  	s8 =	rddreg [dreg:$0x6]  }
0x5: {  	s7 =	simm.s32 $0x0;
	s2 =	srdreg.scid;
	s5 =	stileid.u32  }
0x6: {  	s30 =	simm.s32 $0x80;
	s16 =	simm.s32 $0x10000;
	[smem:$0x7FF] =	sst s7  }
0x7: {  	s2 =	sand.u32 $0x1, s2;
	s9 =	sadd.s32 $0x600, s1;
	s5 =	sshll.u32 s5, $0x1  }
0x8: {  	s10 =	sadd.s32 $0x10600, s1;
	s31 =	sadd.s32 $0x100000, s8;
	_ =	strace $0x80000047  }
0x9: {  	s3 =	ssub.s32 $0x2, s2;
	s2 =	sor.u32 s2, s5;
	[dreg:$0xd] =	wrdreg s31  }
0xa: {  	s4 =	sshrl.u32 s3, $0x1;
	s11 =	sshll.u32 s2, $0xE;
	s24 =	sshll.u32 s2, $0xB  }
0xb: {  	s12 =	sshll.u32 s2, $0x4;
	s2 =	sshll.u32 s2, $0x8;
	s25 =	sadd.s32 s9, s24  }
0xc: {  	s23 =	ssub.s32 s3, s4;
	s3 =	sadd.s32 s10, s24;
	[dreg:$0x8] =	wrdreg s25  }
0xd: {  	s26 =	sor.u32 $0x10, s24;
	s2 =	sadd.s32 s6, s2;
	[dreg:$0x9] =	wrdreg s3  }
0xe: {  	s15 =	simm.s32 $0x3;
	[dreg:$0xa] =	wrdreg s2;
	s28 =	sadd.s32 s9, s26  }
0xf: {  	s20 =	simm.s32 $0x4;
	s29 =	sadd.s32 s10, s26;
	[dreg:$0xb] =	wrdreg s28  }
0x10: {  	s4 =	simm.s32 $0x0;
	s1 =	smax.u32 s23, $0x1;
	[dreg:$0xc] =	wrdreg s29  }
0x11: {  	s23 =	simm.s32 $0x10300;
	s3 =	simm.s32 $0x14;
	[dreg:$0xe] =	wrdreg s1  }
.LBB2_1:
0x12: {  	[dreg:$0xf] =	wrdreg s4  }
0x13: {  	s1 =	rddreg [dreg:$0x3];
	s2 =	simm.s32 $0x15  }
0x14: {  	[tilespmem:s7], [sflag:$0x15] =	stream.linear.gather [hbm4b:s1+s7], $0x100, $0x38;
	[tilespmem:$0x10A00] =	vst v63  }
0x15: {  	_ =	swait.ge [sflag:s2], $0x100  }
0x16: {  	[sflag:s2] =	ssyncset.done $0x0  }
0x17: {  	[sflag:s2] =	ssyncadd.s32 $0xFFFFFF00  }
0x18: {  	s31 =	simm.s32 $0x100;
	s29 =	rddreg [dreg:$0x4]  }
0x19: {  	[tilespmem:s31], [sflag:$0x15] =	stream.linear.gather [hbm4b:s29+s7], $0x80, $0x38;
	[tilespmem:$0x10A00] =	vst v63  }
0x1a: {  	_ =	swait.ge [sflag:s2], $0x80  }
0x1b: {  	[sflag:s2] =	ssyncset.done $0x0  }
0x1c: {  	[sflag:s2] =	ssyncadd.s32 $0xFFFFFF80  }
0x1d: {  	s5 =	simm.s32 $0x180;
	s4 =	rddreg [dreg:$0x5]  }
0x1e: {  	[tilespmem:s5], [sflag:$0x15] =	stream.linear.gather [hbm4b:s4+s7], $0x80, $0x38;
	[tilespmem:$0x10A00] =	vst v63  }
0x1f: {  	_ =	swait.ge [sflag:s2], $0x80  }
0x20: {  	[sflag:s2] =	ssyncset.done $0x0  }
0x21: {  	[sflag:s2] =	ssyncadd.s32 $0xFFFFFF80  }
0x22: {  	v5 =	vld [tilespmem:$0x100]  }
0x23: {  	v6 =	vld [tilespmem:$0x110]  }
0x24: {  	v3 =	vld [tilespmem:$0x120]  }
0x25: {  	v4 =	vld [tilespmem:$0x130]  }
0x26: {  	v2 =	vld [tilespmem:$0x140]  }
0x27: {  	v7 =	vld [tilespmem:$0x150]  }
0x28: {  	v1 =	vld [tilespmem:$0x160]  }
0x29: {  	v8 =	vld [tilespmem:$0x170]  }
0x2a: {  	v37 =	vld [tilespmem:$0x180]  }
0x2b: {  	v38 =	vld [tilespmem:$0x190]  }
0x2c: {  	v36 =	vld [tilespmem:$0x1A0]  }
0x2d: {  	v58 =	vld [tilespmem:$0x1B0]  }
0x2e: {  	v32 =	vld [tilespmem:$0x1C0]  }
0x2f: {  	v35 =	vld [tilespmem:$0x1D0]  }
0x30: {  	s8 =	simm.s32 $0x10200;
	s6 =	rddreg [dreg:$0x8];
	v9 =	vld [tilespmem:$0x1E0]  }
0x31: {  	v0 =	vld [tilespmem:$0x1F0];
	[tilespmem:s8], [sflag:$0x9] =	stream.linear.gather [hbm4b:s6+s7], $0x80, $0x38  }
0x32: {  	s14 =	simm.s32 $0x10400;
	s13 =	rddreg [dreg:$0x9]  }
0x33: {  	[tilespmem:s14], [sflag:$0xD] =	stream.linear.gather [hbm4b:s13+s7], $0x80, $0x38;
	[tilespmem:$0x10A00] =	vst v63  }
0x34: {  	s18 =	simm.s32 $0x10800;
	s19 =	simm.s32 $0x9;
	s17 =	rddreg [dreg:$0xa]  }
0x35: {  	[tilespmem:s18], [sflag:$0x11] =	stream.linear.gather [hbm4b:s17+s7], $0x80, $0x38;
	[tilespmem:$0x10A00] =	vst v63  }
0x36: {  	_ =	swait.ge [sflag:s19], $0x80  }
0x37: {  	[sflag:s19] =	ssyncset.done $0x0  }
0x38: {  	s21 =	simm.s32 $0xD;
	[sflag:s19] =	ssyncadd.s32 $0xFFFFFF80  }
0x39: {  	_ =	swait.ge [sflag:s21], $0x80  }
0x3a: {  	[sflag:s21] =	ssyncset.done $0x0  }
0x3b: {  	s22 =	simm.s32 $0x11;
	[sflag:s21] =	ssyncadd.s32 $0xFFFFFF80  }
0x3c: {  	_ =	swait.ge [sflag:s22], $0x80  }
0x3d: {  	[tilespmem:$0x1FF00] =	vst v5  }
0x3e: {  	[tilespmem:$0x1FF10] =	vst v6  }
0x3f: {  	[tilespmem:$0x1FF20] =	vst v3  }
0x40: {  	[tilespmem:$0x1FF30] =	vst v4  }
0x41: {  	[tilespmem:$0x1FF40] =	vst v2  }
0x42: {  	[tilespmem:$0x1FF50] =	vst v7  }
0x43: {  	[tilespmem:$0x1FF60] =	vst v1  }
0x44: {  	[tilespmem:$0x1FF70] =	vst v8  }
0x45: {  	[tilespmem:$0x1FF80] =	vst v9  }
0x46: {  	[tilespmem:$0x1FF90] =	vst v0  }
0x47: {  	[tilespmem:$0x1FFA0] =	vst v37  }
0x48: {  	[sflag:s22] =	ssyncset.done $0x0;
	[tilespmem:$0x1FFB0] =	vst v38  }
0x49: {  	s24 =	simm.s32 $0x200;
	[tilespmem:$0x1FFC0] =	vst v36;
	[sflag:s22] =	ssyncadd.s32 $0xFFFFFF80  }
0x4a: {  	[tilespmem:s24], [sflag:$0x1] =	stream.indirect.gather [hbm4b:s0+s30], $0x80, s8, s30, $0xb8;
	[tilespmem:$0x10A00] =	vst v63  }
0x4b: {  	s26 =	simm.s32 $0x10280;
	s25 =	rddreg [dreg:$0xb];
	[tilespmem:$0x1FFD0] =	vst v58  }
0x4c: {  	[tilespmem:s26], [sflag:$0xA] =	stream.linear.gather [hbm4b:s25+s7], $0x80, $0x38;
	[tilespmem:$0x10A00] =	vst v63  }
0x4d: {  	s29 =	simm.s32 $0x10500;
	s28 =	rddreg [dreg:$0xc];
	[tilespmem:$0x1FFE0] =	vst v32  }
0x4e: {  	[tilespmem:s29], [sflag:$0xE] =	stream.linear.gather [hbm4b:s28+s7], $0x80, $0x38;
	[tilespmem:$0x10A00] =	vst v63  }
0x4f: {  	s1 =	simm.s32 $0x0;
	s31 =	simm.s32 $0x10880;
	[tilespmem:$0x1FFF0] =	vst v35  }
0x50: {  	[tilespmem:s31], [sflag:$0x12] =	stream.linear.gather [hbm4b:s17+s7], $0x80, $0x38;
	[tilespmem:$0x10A00] =	vst v63  }
.LBB2_2:
0x51: {  	s2 =	simm.s32 $0xA  }
0x52: {  	_ =	swait.ge [sflag:s2], $0x80  }
0x53: {  	[sflag:s2] =	ssyncset.done $0x0  }
0x54: {  	s19 =	simm.s32 $0xE;
	[sflag:s2] =	ssyncadd.s32 $0xFFFFFF80  }
0x55: {  	_ =	swait.ge [sflag:s19], $0x80  }
0x56: {  	[sflag:s19] =	ssyncset.done $0x0  }
0x57: {  	s21 =	simm.s32 $0x12;
	[sflag:s19] =	ssyncadd.s32 $0xFFFFFF80  }
0x58: {  	_ =	swait.ge [sflag:s21], $0x80  }
0x59: {  	p0 =	seq.s32 s1, $0x0;
	[sflag:s21] =	ssyncset.done $0x0  }
0x5a: {  	s31 =	sshll.u32 s1, $0x2;
	s2 =	simm.s32 @!p0 $0x6;
	[sflag:s21] =	ssyncadd.s32 $0xFFFFFF80  }
0x5b: {  	s18 =	sor.u32 $0x2, s31;
	_ =	swait.ge @!p0 [sflag:s2], $0x4000  }
0x5c: {  	s22 =	simm.s32 $0x10280;
	s24 =	sshll.u32 s18, $0x7;
	[sflag:s2] =	ssyncset.done @!p0 $0x0  }
0x5d: {  	s4 =	simm.s32 $0x4200;
	[sflag:s2] =	ssyncadd.s32 @!p0 $0xFFFFC000;
	s2 =	sadd.s32 s11, s24  }
0x5e: {  	[tilespmem:s4], [sflag:$0x2] =	stream.indirect.gather [hbm4b:s0+s30], $0x80, s22, s30, $0xb8;
	[tilespmem:$0x10A00] =	vst v63  }
0x5f: {  	s2 =	sshrl.u32 s2, $0x3  }
0x60: {  	s25 =	sadd.s32 s9, s2  }
0x61: {  	[tilespmem:s23], [sflag:$0xB] =	stream.linear.gather [hbm4b:s25+s7], $0x80, $0x38;
	[tilespmem:$0x10A00] =	vst v63  }
0x62: {  	s26 =	sshrl.u32 s1, $0x1;
	s5 =	simm.s32 $0x10600;
	s2 =	sadd.s32 s10, s2  }
0x63: {  	[tilespmem:s5], [sflag:$0xF] =	stream.linear.gather [hbm4b:s2+s7], $0x80, $0x38;
	[tilespmem:$0x10A00] =	vst v63  }
0x64: {  	s4 =	sadd.s32 s12, s26;
	s5 =	sshll.u32 s1, $0x3  }
0x65: {  	s6 =	rddreg [dreg:$0x2];
	s2 =	sshll.u32 s4, $0x4;
	s8 =	sand.u32 $0x70, s5  }
0x66: {  	s22 =	sand.u32 $0xFFFFF80, s2;
	s2 =	sadd.s32 s6, s8  }
0x67: {  	s13 =	simm.s32 $0x10900;
	s14 =	simm.s32 $0x1;
	s28 =	sadd.s32 s22, s2  }
0x68: {  	[tilespmem:s13], [sflag:$0x13] =	stream.linear.gather [hbm4b:s28+s7], $0x80, $0x38;
	[tilespmem:$0x10A00] =	vst v63  }
0x69: {  	_ =	swait.ge [sflag:s14], $0x4000  }
0x6a: {  	[sflag:s14] =	ssyncset.done $0x0  }
0x6b: {  	[sflag:s14] =	ssyncadd.s32 $0xFFFFC000  }
0x6c: {  	v0 =	vld [tilespmem:$0x10800]  }
0x6d: {  	v1 =	vld [tilespmem:$0x0]  }
0x6e: {  	v2 =	vld [tilespmem:$0x10810]  }
0x6f: {  	v3 =	vld [tilespmem:$0x10]  }
0x70: {  	v4 =	vld [tilespmem:$0x10820]  }
0x71: {  	v5 =	vld [tilespmem:$0x20]  }
0x72: {  	v6 =	vld [tilespmem:$0x10830]  }
0x73: {  	v7 =	vld [tilespmem:$0x30]  }
0x74: {  	v8 =	vld [tilespmem:$0x10840]  }
0x75: {  	s17 =	simm.s32 $0x10402;
	v9 =	vld [tilespmem:$0x40]  }
0x76: {  	v10 =	vld [tilespmem:s17+$0x1]  }
0x77: {  	v11 =	vld [tilespmem:s17+$0xFFFFFFFF]  }
0x78: {  	v12 =	vld [tilespmem:s17+$0x0]  }
0x79: {  	v13 =	vld [tilespmem:s17+$0xFFFFFFFE]  }
0x7a: {  	v14 =	vld [tilespmem:$0x10850]  }
0x7b: {  	v15 =	vld [tilespmem:$0x50];
	(v2sf) =	vpush v10, $0x0  }
0x7c: {  	v16 =	vld [tilespmem:$0x80];
	(v2sf) =	vpush v11, $0x0  }
0x7d: {  	v17 =	vld [tilespmem:$0x90]  }
0x7e: {  	v18 =	vld [tilespmem:$0xA0];
	(v2sf) =	vpush v12, $0x0  }
0x7f: {  	v19 =	vld [tilespmem:$0xB0]  }
0x80: {  	v20 =	vld [tilespmem:$0xC0];
	(v2sf) =	vpush v13, $0x0  }
0x81: {  	v10 =	vld [tilespmem:$0x10860]  }
0x82: {  	v32 =	vadd.f32 v1, v0;
	v1 =	vld [tilespmem:$0xD0]  }
0x83: {  	v51 =	vadd.f32 v3, v2;
	v3 =	vld [tilespmem:$0xE0]  }
0x84: {  	v57 =	vadd.f32 v5, v4;
	v5 =	vld [tilespmem:$0xF0]  }
0x85: {  	v11 =	vld [tilespmem:$0x60]  }
0x86: {  	v61 =	vadd.f32 v7, v6;
	v12 =	vld [tilespmem:$0x10870]  }
0x87: {  	s6 =	simm.s32 $0x300;
	v62 =	vadd.f32 v9, v8;
	v44 =	vadd.f32 v15, v14;
	v13 =	vld [tilespmem:$0x70]  }
0x88: {  	v7 =	vld [tilespmem:s6+$0x80];
	v58 =	vadd.f32 v16, v0;
	v60 =	vadd.f32 v17, v2  }
0x89: {  	v0 =	vld [tilespmem:s6+$0x90];
	v63 =	vadd.f32 v18, v4;
	v52 =	vadd.f32 v19, v6  }
0x8a: {  	v21 =	vld [tilespmem:s6+$0xFFFFFF80];
	v33 =	vadd.f32 v20, v8;
	v34 =	vadd.f32 v1, v14;
	s19 =	spop (v2sf)  }
0x8b: {  	v2 =	vld [tilespmem:s6+$0xA0];
	v35 =	vadd.f32 v3, v10;
	v46 =	vadd.f32 v11, v10;
	s21 =	spop (v2sf)  }
0x8c: {  	v22 =	vld [tilespmem:s6+$0xFFFFFF90];
	v45 =	vadd.f32 v5, v12;
	v48 =	vadd.f32 v13, v12;
	p4 =	seq.s32 s19, $0x1;
	p1 =	seq.s32 s21, $0x1  }
0x8d: {  	v24 =	vld [tilespmem:s6+$0x0];
	s24 =	spop (v2sf);
	v1 =	vpsel p4, v58, v32;
	v3 =	vpsel p4, v60, v51;
	v6 =	vpsel p1, v58, v32  }
0x8e: {  	v4 =	vld [tilespmem:s6+$0xB0];
	p2 =	seq.s32 s24, $0x1;
	v1 =	vadd.f32 v1, v7;
	v0 =	vadd.f32 v3, v0;
	v8 =	vpsel p1, v60, v51  }
0x8f: {  	v25 =	vld [tilespmem:s6+$0x10];
	s25 =	spop (v2sf);
	v3 =	vpsel p4, v63, v57;
	v23 =	vpsel p1, v63, v57;
	v11 =	vpsel p2, v58, v32  }
0x90: {  	v5 =	vld [tilespmem:s6+$0xC0];
	p3 =	seq.s32 s25, $0x1;
	v2 =	vadd.f32 v3, v2;
	v3 =	vpsel p4, v52, v61;
	v17 =	vpsel p2, v60, v51  }
0x91: {  	v15 =	vld [tilespmem:s6+$0xFFFFFF00];
	v6 =	vadd.f32 v6, v21;
	v8 =	vadd.f32 v8, v22;
	v9 =	vpsel p3, v58, v32  }
0x92: {  	v7 =	vadd.f32 v0, v1;
	v12 =	vmul.f32 v1, v1;
	v13 =	vmul.f32 v0, v0  }
0x93: {  	v10 =	vld [tilespmem:s6+$0xD0];
	v14 =	vpsel p3, v60, v51;
	v3 =	vadd.f32 v4, v3;
	v11 =	vadd.f32 v11, v24  }
0x94: {  	v4 =	vpsel p4, v33, v62;
	v36 =	vadd.f32 v17, v25;
	v7 =	vadd.f32 v7, v2  }
0x95: {  	v16 =	vld [tilespmem:s6+$0xE0];
	v4 =	vadd.f32 v5, v4;
	v12 =	vadd.f32 v13, v12;
	v13 =	vmul.f32 v2, v2  }
0x96: {  	v5 =	vpsel p4, v34, v44;
	v9 =	vadd.f32 v9, v15;
	v7 =	vadd.f32 v7, v3  }
0x97: {  	v18 =	vld [tilespmem:s6+$0xF0];
	v27 =	vadd.f32 v8, v6;
	v12 =	vadd.f32 v12, v13;
	v13 =	vmul.f32 v3, v3  }
0x98: {  	v19 =	vld [tilespmem:s6+$0xFFFFFF10];
	v20 =	vpsel p3, v63, v57;
	v5 =	vadd.f32 v10, v5;
	v10 =	vadd.f32 v7, v4  }
0x99: {  	v7 =	vpsel p4, v35, v46;
	v12 =	vadd.f32 v12, v13;
	v13 =	vmul.f32 v4, v4  }
0x9a: {  	v21 =	vld [tilespmem:s6+$0x20];
	v25 =	vmul.f32 v6, v6;
	v7 =	vadd.f32 v16, v7;
	v10 =	vadd.f32 v10, v5  }
0x9b: {  	v28 =	vmul.f32 v8, v8;
	v16 =	vpsel p4, v45, v48;
	v13 =	vadd.f32 v12, v13  }
0x9c: {  	v26 =	vmul.f32 v5, v5;
	v12 =	vadd.f32 v18, v16;
	v18 =	vadd.f32 v10, v7  }
0x9d: {  	v30 =	vmul.f32 v11, v11;
	v16 =	vpsel p2, v63, v57;
	v10 =	vadd.f32 v14, v19;
	v14 =	vld [tilespmem:s6+$0xFFFFFF20]  }
0x9e: {  	v15 =	vmul.f32 v7, v7;
	v13 =	vadd.f32 v13, v26;
	v26 =	vadd.f32 v18, v12;
	v18 =	vld [tilespmem:s6+$0xFFFFFFA0]  }
0x9f: {  	v31 =	vadd.f32 v36, v11;
	v22 =	vmul.f32 v9, v9;
	v49 =	vadd.f32 v16, v21;
	[tilespmem:$0x1FC40] =	vst v11  }
0xa0: {  	v25 =	vadd.f32 v28, v25;
	v13 =	vadd.f32 v13, v15;
	v15 =	vmul.f32 v12, v12;
	[tilespmem:$0x1FC50] =	vst v36  }
0xa1: {  	v16 =	vpsel p2, v52, v61;
	v19 =	vpsel p3, v52, v61;
	v31 =	vadd.f32 v31, v49;
	v29 =	vld [tilespmem:s6+$0xFFFFFF30]  }
0xa2: {  	v17 =	vmul.f32 v10, v10;
	v24 =	vadd.f32 v13, v15;
	v13 =	vadd.f32 v20, v14;
	v14 =	vld [tilespmem:s6+$0xFFFFFFB0]  }
0xa3: {  	v15 =	vadd.f32 v10, v9;
	v11 =	vadd.f32 v23, v18;
	v18 =	vmul.f32 v36, v36;
	v23 =	vld [tilespmem:s6+$0x30]  }
0xa4: {  	v37 =	vmul.f32 v49, v49;
	v21 =	vadd.f32 v17, v22;
	v20 =	vpsel p1, v52, v61  }
0xa5: {  	v22 =	vadd.f32 v15, v13;
	v54 =	vmul.f32 v13, v13;
	v18 =	vadd.f32 v18, v30;
	v30 =	vld [tilespmem:s6+$0xFFFFFF40]  }
0xa6: {  	v17 =	vadd.f32 v29, v19;
	v19 =	vld [tilespmem:s6+$0xFFFFFFC0];
	v29 =	vpsel p3, v33, v62;
	v27 =	vadd.f32 v27, v11  }
0xa7: {  	v28 =	vmul.f32 v11, v11;
	v21 =	vadd.f32 v21, v54;
	v15 =	vadd.f32 v14, v20;
	v20 =	vld [tilespmem:s6+$0x40]  }
0xa8: {  	v14 =	vpsel p1, v33, v62;
	v22 =	vadd.f32 v22, v17;
	v42 =	vadd.f32 v23, v16  }
0xa9: {  	v25 =	vadd.f32 v25, v28;
	v37 =	vadd.f32 v18, v37;
	v23 =	vmul.f32 v17, v17  }
0xaa: {  	v16 =	vpsel p2, v33, v62;
	v27 =	vadd.f32 v27, v15;
	[tilespmem:$0x1FC60] =	vst v42;
	v29 =	vadd.f32 v30, v29  }
0xab: {  	v38 =	vmul.f32 v15, v15;
	v18 =	vadd.f32 v19, v14;
	v19 =	vadd.f32 v21, v23;
	v28 =	vld [tilespmem:s6+$0xFFFFFF50]  }
0xac: {  	v40 =	vmul.f32 v42, v42;
	v39 =	vld [tilespmem:s6+$0xFFFFFFD0];
	v50 =	vadd.f32 v20, v16;
	v20 =	vadd.f32 v22, v29  }
0xad: {  	v41 =	vpsel p3, v34, v44;
	v55 =	vld [tilespmem:s6+$0x50];
	v22 =	vadd.f32 v25, v38;
	v25 =	vadd.f32 v27, v18  }
0xae: {  	v23 =	vld [tilespmem:s6+$0xFFFFFF60];
	v27 =	vmul.f32 v18, v18;
	v30 =	vadd.f32 v37, v40;
	v59 =	vmul.f32 v50, v50  }
0xaf: {  	v43 =	vpsel p3, v35, v46;
	v14 =	vpsel p1, v34, v44;
	v31 =	vadd.f32 v31, v42;
	v56 =	vld [tilespmem:s6+$0xFFFFFFE0]  }
0xb0: {  	v53 =	vld [tilespmem:s6+$0xFFFFFF70];
	v21 =	vmul.f32 v29, v29;
	v22 =	vadd.f32 v22, v27;
	v27 =	vadd.f32 v30, v59  }
0xb1: {  	v16 =	vpsel p2, v34, v44;
	v28 =	vadd.f32 v28, v41;
	v47 =	vadd.f32 v39, v14  }
0xb2: {  	v54 =	vpsel p3, v45, v48;
	v37 =	vadd.f32 v55, v16;
	v16 =	vadd.f32 v19, v21  }
0xb3: {  	v19 =	vpsel p1, v35, v46;
	v30 =	vadd.f32 v23, v43;
	v20 =	vadd.f32 v20, v28  }
0xb4: {  	(xrf2) =	vadd.scan.msk.f32 $0xffff, v26;
	v31 =	vadd.f32 v31, v50;
	v14 =	vld [tilespmem:s6+$0x60];
	v21 =	vpsel p2, v35, v46;
	v43 =	vadd.f32 v56, v19  }
0xb5: {  	v23 =	vld [tilespmem:s6+$0xFFFFFFF0];
	v56 =	vadd.f32 v53, v54;
	v55 =	vmul.f32 v47, v47;
	v20 =	vadd.f32 v20, v30  }
0xb6: {  	v19 =	vld [tilespmem:s6+$0x70];
	v25 =	vadd.f32 v25, v47;
	v31 =	vadd.f32 v31, v37;
	v59 =	vmul.f32 v37, v37  }
0xb7: {  	v26 =	vmul.f32 v28, v28;
	v22 =	vadd.f32 v22, v55;
	v20 =	vadd.f32 v20, v56  }
0xb8: {  	(xrf2) =	vadd.scan.msk.f32 $0xffff, v24;
	v24 =	vmul.f32 v30, v30;
	v25 =	vadd.f32 v25, v43;
	v27 =	vadd.f32 v27, v59  }
0xb9: {  	v38 =	vadd.f32 v14, v21;
	v14 =	vadd.f32 v16, v26;
	v16 =	vpsel p1, v45, v48;
	(xrf2) =	vadd.scan.msk.f32 $0xffff, v20  }
0xba: {  	v21 =	vpsel p2, v45, v48;
	v26 =	vmul.f32 v43, v43;
	v53 =	vadd.f32 v23, v16  }
0xbb: {  	v39 =	vadd.f32 v19, v21;
	v16 =	vadd.f32 v31, v38;
	v20 =	vmul.f32 v38, v38  }
0xbc: {  	v19 =	vmul.f32 v56, v56;
	v14 =	vadd.f32 v14, v24;
	v21 =	vadd.f32 v25, v53  }
0xbd: {  	v25 =	vmul.f32 v39, v39;
	v16 =	vadd.f32 v16, v39;
	v20 =	vadd.f32 v27, v20  }
0xbe: {  	v22 =	vadd.f32 v22, v26;
	v24, _, _ =	vpop (xrf2);
	v23 =	vmul.f32 v53, v53;
	v14 =	vadd.f32 v14, v19;
	(xrf2) =	vadd.scan.msk.f32 $0xffff, v21  }
0xbf: {  	(xrf2) =	vadd.scan.msk.f32 $0xffff, v16;
	v16 =	vadd.f32 v20, v25  }
0xc0: {  	v19 =	vadd.f32 v22, v23  }
0xc1: {  	(v2sf) =	vpush v24, $0xF;
	(xrf2) =	vadd.scan.msk.f32 $0xffff, v14  }
0xc2: {  	(xrf2) =	vadd.scan.msk.f32 $0xffff, v19;
	v14, _, _ =	vpop (xrf2)  }
0xc3: {  	(xrf2) =	vadd.scan.msk.f32 $0xffff, v16;
	(v2sf) =	vpush v14, $0xF;
	v16, _, _ =	vpop (xrf2)  }
0xc4: {  	(v2sf) =	vpush v16, $0xF;
	_ =	sdelay $0xa  }
0xc5: {  	v14, _, _ =	vpop (xrf2)  }
0xc6: {  	s26 =	simm.s32 $0x10406;
	(v2sf) =	vpush v14, $0xF;
	v14, _, _ =	vpop (xrf2);
	s5 =	spop (v2sf)  }
0xc7: {  	v16 =	vld [tilespmem:s26+$0x1];
	(v2sf) =	vpush v14, $0xF;
	v14, _, _ =	vpop (xrf2);
	s17 =	smul.f32 $7.812500000e-03, s5  }
0xc8: {  	(v2sf) =	vpush v14, $0xF;
	v14, _, _ =	vpop (xrf2);
	s19 =	spop (v2sf)  }
0xc9: {  	(v2sf) =	vpush v14, $0xF;
	v24 =	vmov s17;
	s13 =	spop (v2sf)  }
0xca: {  	v25 =	vld [tilespmem:s26+$0xFFFFFFFE];
	v14, _, _ =	vpop (xrf2);
	v20 =	vsub.f32 v0, v24;
	v0 =	vsub.f32 v7, v24;
	s5 =	smul.f32 $7.812500000e-03, s13  }
0xcb: {  	(v2sf) =	vpush v14, $0xF;
	v14 =	vld [tilespmem:s26+$0xFFFFFFFF]  }
0xcc: {  	(v2sf) =	vpush v16, $0x0;
	v16 =	vld [tilespmem:s26+$0x0];
	[tilespmem:$0x1FC30] =	vst v0;
	v0 =	vmov s5  }
0xcd: {  	v40 =	vsub.f32 v1, v24;
	v1 =	vsub.f32 v9, v0;
	_ =	sdelay $0x1  }
0xce: {  	[tilespmem:$0x1FC70] =	vst v1;
	v1 =	vsub.f32 v10, v0;
	_ =	sdelay $0x1  }
0xcf: {  	[tilespmem:$0x1FC80] =	vst v1;
	v1 =	vsub.f32 v13, v0;
	_ =	sdelay $0x1  }
0xd0: {  	[tilespmem:$0x1FC90] =	vst v1;
	v1 =	vsub.f32 v17, v0;
	_ =	sdelay $0x1  }
0xd1: {  	[tilespmem:$0x1FCA0] =	vst v1;
	v1 =	vsub.f32 v29, v0  }
0xd2: {  	s14 =	spop (v2sf)  }
0xd3: {  	v21 =	vsub.f32 v2, v24;
	s13 =	smul.f32 $7.812500000e-03, s14;
	[tilespmem:$0x1FCB0] =	vst v1;
	v1 =	vsub.f32 v28, v0  }
0xd4: {  	(v2sf) =	vpush v14, $0x0;
	v2 =	vsub.f32 v30, v0  }
0xd5: {  	s29 =	simm.s32 $0x500;
	(v2sf) =	vpush v16, $0x0;
	v16 =	vsub.f32 v4, v24;
	v4 =	vmov s13;
	[tilespmem:$0x1FCC0] =	vst v1  }
0xd6: {  	v1 =	vld [tilespmem:s29+$0x80];
	[tilespmem:$0x1FCD0] =	vst v2;
	v2 =	vsub.f32 v6, v4;
	_ =	sdelay $0x1  }
0xd7: {  	v42 =	vsub.f32 v56, v0;
	v0 =	vld [tilespmem:s29+$0x90];
	[tilespmem:$0x1FCF0] =	vst v2;
	v2 =	vsub.f32 v8, v4;
	_ =	sdelay $0x1  }
0xd8: {  	[tilespmem:$0x1FD00] =	vst v2;
	v2 =	vsub.f32 v11, v4  }
0xd9: {  	(v2sf) =	vpush v25, $0x0  }
0xda: {  	s2 =	spop (v2sf);
	v6 =	vld [tilespmem:s29+$0xA0];
	[tilespmem:$0x1FD10] =	vst v2;
	v2 =	vsub.f32 v15, v4  }
0xdb: {  	s14 =	spop (v2sf)  }
0xdc: {  	s21 =	spop (v2sf);
	[tilespmem:$0x1FD20] =	vst v2;
	v2 =	vsub.f32 v18, v4  }
0xdd: {  	s4 =	spop (v2sf)  }
0xde: {  	s26 =	spop (v2sf);
	[tilespmem:$0x1FD30] =	vst v2;
	v2 =	vsub.f32 v47, v4  }
0xdf: {  	p3 =	seq.s32 s26, $0x1  }
0xe0: {  	v19 =	vsub.f32 v5, v24;
	v5 =	vpsel p3, v58, v32;
	[tilespmem:$0x1FD40] =	vst v2;
	v2 =	vsub.f32 v43, v4  }
0xe1: {  	v41 =	vsub.f32 v3, v24;
	v8 =	vpsel p3, v60, v51;
	v36 =	vadd.f32 v5, v1  }
0xe2: {  	v3 =	vadd.f32 v8, v0;
	v7 =	vld [tilespmem:s29+$0xB0];
	[tilespmem:$0x1FD50] =	vst v2;
	v2 =	vsub.f32 v53, v4  }
0xe3: {  	v1 =	vld [tilespmem:s29+$0xC0]  }
0xe4: {  	v0 =	vpsel p3, v63, v57;
	v8 =	vmul.f32 v36, v36;
	v9 =	vmul.f32 v3, v3;
	[tilespmem:$0x1FD60] =	vst v2  }
0xe5: {  	v23 =	vsub.f32 v12, v24;
	v53 =	vadd.f32 v0, v6;
	v4 =	vld [tilespmem:s29+$0xD0]  }
0xe6: {  	s26 =	spop (v2sf);
	v10 =	vadd.f32 v3, v36;
	v8 =	vadd.f32 v9, v8;
	v0 =	vpsel p3, v52, v61;
	[tilespmem:$0x1FCE0] =	vst v3  }
0xe7: {  	s24 =	spop (v2sf);
	v9 =	vmul.f32 v53, v53;
	v13 =	vadd.f32 v7, v0;
	v0 =	vpsel p3, v33, v62;
	v7 =	vld [tilespmem:s29+$0xE0]  }
0xe8: {  	s25 =	spop (v2sf);
	v10 =	vadd.f32 v10, v53;
	v54 =	vadd.f32 v1, v0;
	v0 =	vld [tilespmem:s29+$0xF0]  }
0xe9: {  	p4 =	seq.s32 s25, $0x1;
	v11 =	vpsel p3, v34, v44;
	v8 =	vadd.f32 v8, v9;
	v1 =	vld [tilespmem:s29+$0xFFFFFF00];
	v12 =	vmul.f32 v13, v13  }
0xea: {  	v15 =	vpsel p4, v58, v32;
	v10 =	vadd.f32 v10, v13;
	v22 =	vadd.f32 v4, v11  }
0xeb: {  	v4 =	vld [tilespmem:s29+$0xFFFFFF10];
	v11 =	vpsel p3, v35, v46;
	v8 =	vadd.f32 v8, v12;
	v12 =	vmul.f32 v54, v54  }
0xec: {  	v17 =	vld [tilespmem:s29+$0xFFFFFF80];
	v10 =	vadd.f32 v10, v54;
	v56 =	vadd.f32 v7, v11;
	v7 =	vpsel p3, v45, v48  }
0xed: {  	v18 =	vld [tilespmem:s29+$0xFFFFFFA0];
	v8 =	vadd.f32 v8, v12;
	v9 =	vadd.f32 v0, v7;
	v0 =	vmul.f32 v22, v22  }
0xee: {  	v11 =	vld [tilespmem:s29+$0xFFFFFF90];
	v55 =	vadd.f32 v15, v1;
	v7 =	vadd.f32 v10, v22  }
0xef: {  	v1 =	vld [tilespmem:s29+$0x0];
	v12 =	vmul.f32 v56, v56;
	v0 =	vadd.f32 v8, v0;
	v8 =	vpsel p4, v60, v51  }
0xf0: {  	p5 =	seq.s32 s26, $0x1;
	v10 =	vld [tilespmem:s29+$0x10];
	v47 =	vadd.f32 v8, v4;
	v4 =	vadd.f32 v7, v56  }
0xf1: {  	v15 =	vld [tilespmem:s29+$0xFFFFFF20];
	[tilespmem:$0x1FB30] =	vst v32;
	v7 =	vpsel p5, v58, v32;
	v0 =	vadd.f32 v0, v12;
	v12 =	vmul.f32 v9, v9  }
0xf2: {  	[tilespmem:$0x1FB40] =	vst v58;
	v5 =	vadd.f32 v7, v17;
	v17 =	vpsel p5, v60, v51;
	v4 =	vadd.f32 v4, v9  }
0xf3: {  	p6 =	seq.s32 s24, $0x1;
	v59 =	vadd.f32 v17, v11;
	v17 =	vld [tilespmem:s29+$0x20];
	[tilespmem:$0x1FB50] =	vst v51;
	v0 =	vadd.f32 v0, v12  }
0xf4: {  	v11 =	vpsel p6, v58, v32;
	[tilespmem:$0x1FB60] =	vst v60;
	(xrf2) =	vadd.scan.msk.f32 $0xffff, v4  }
0xf5: {  	v12 =	vadd.f32 v11, v1;
	v1 =	vpsel p6, v60, v51;
	(xrf2) =	vadd.scan.msk.f32 $0xffff, v0;
	v0 =	vpsel p5, v63, v57  }
0xf6: {  	v11 =	vpsel p4, v63, v57;
	v8 =	vadd.f32 v1, v10;
	v58 =	vadd.f32 v0, v18;
	v0 =	vld [tilespmem:s29+$0xFFFFFFB0]  }
0xf7: {  	v24 =	vmul.f32 v5, v5;
	v1 =	vld [tilespmem:s29+$0xFFFFFF30];
	v25 =	vmul.f32 v59, v59;
	[tilespmem:$0x1FB70] =	vst v57;
	v18 =	vpsel p6, v63, v57  }
0xf8: {  	[tilespmem:$0x1FB80] =	vst v63;
	v26 =	vmul.f32 v8, v8;
	v51 =	vadd.f32 v18, v17;
	v17 =	vmul.f32 v12, v12  }
0xf9: {  	v7 =	vadd.f32 v11, v15;
	v11 =	vmul.f32 v55, v55;
	v15 =	vmul.f32 v47, v47;
	v18 =	vld [tilespmem:s29+$0x30];
	[tilespmem:$0x1FD70] =	vst v12  }
0xfa: {  	v24 =	vadd.f32 v25, v24;
	[tilespmem:$0x1FD80] =	vst v8;
	v25 =	vadd.f32 v26, v17;
	v26 =	vpsel p5, v52, v61  }
0xfb: {  	v60 =	vadd.f32 v0, v26;
	v0 =	vld [tilespmem:s29+$0xFFFFFF40]  }
0xfc: {  	v15 =	vadd.f32 v15, v11;
	v11 =	vpsel p4, v52, v61;
	v27 =	vmul.f32 v58, v58;
	v26 =	vld [tilespmem:s29+$0xFFFFFFC0];
	[tilespmem:$0x1FB90] =	vst v61  }
0xfd: {  	v17 =	vadd.f32 v1, v11;
	v1 =	vmul.f32 v7, v7;
	[tilespmem:$0x1FBA0] =	vst v52  }
0xfe: {  	v11 =	vpsel p6, v52, v61;
	v28 =	vmul.f32 v51, v51;
	v24 =	vadd.f32 v24, v27;
	[tilespmem:$0x1FD90] =	vst v51  }
0xff: {  	s17 =	smul.f32 s17, s17;
	v1 =	vadd.f32 v15, v1;
	v57 =	vadd.f32 v18, v11;
	v15 =	vld [tilespmem:s29+$0x40];
	v18, _, _ =	vpop (xrf2)  }
0x100: {  	s19 =	smul.f32 $7.812500000e-03, s19;
	v27 =	vmul.f32 v17, v17;
	(v2sf) =	vpush v18, $0xF;
	v18 =	vpsel p4, v33, v62  }
0x101: {  	v25 =	vadd.f32 v25, v28;
	v63 =	vadd.f32 v0, v18;
	v18 =	vpsel p5, v33, v62  }
0x102: {  	s17 =	ssub.f32 s19, s17;
	v28, _, _ =	vpop (xrf2);
	v18 =	vadd.f32 v26, v18;
	v26 =	vadd.f32 v1, v27;
	v1 =	vld [tilespmem:s29+$0xFFFFFFD0];
	v27 =	vmul.f32 v60, v60  }
0x103: {  	v30 =	vpsel p6, v33, v62;
	v31 =	vmul.f32 v57, v57;
	(v2sf) =	vpush v28, $0xF;
	v0 =	vld [tilespmem:s29+$0xFFFFFF50]  }
0x104: {  	v29 =	vld [tilespmem:s29+$0x50];
	v28 =	vmov s17;
	[tilespmem:$0x1FBB0] =	vst v62;
	v32 =	vadd.f32 v15, v30;
	v24 =	vadd.f32 v24, v27  }
0x105: {  	[tilespmem:$0x1FBC0] =	vst v33;
	v27 =	vmax.f32 v28, $0.0e+00;
	v28 =	vadd.f32 v25, v31;
	v31 =	vmul.f32 v63, v63  }
0x106: {  	v30 =	vpsel p5, v34, v44;
	v2 =	vld [tilespmem:s29+$0xFFFFFF60];
	v25 =	vpsel p4, v34, v44;
	v27 =	vadd.f32 $9.999999960e-13, v27  }
0x107: {  	v31 =	vadd.f32 v26, v31;
	v26 =	vmul.f32 v18, v18;
	v43 =	vadd.f32 v1, v30;
	v30 =	vld [tilespmem:s29+$0xFFFFFFE0];
	[tilespmem:$0x1FBD0] =	vst v44  }
0x108: {  	v25 =	vadd.f32 v0, v25;
	v27 =	vbroadcast v27, $0x0;
	[tilespmem:$0x1FBE0] =	vst v34;
	v44 =	vpsel p6, v34, v44  }
0x109: {  	v10 =	vmovc v5;
	v0 =	vmul.f32 v32, v32;
	v61 =	vadd.f32 v29, v44;
	v3 =	vld [tilespmem:s29+$0x60];
	v5 =	vadd.f32 v24, v26  }
0x10a: {  	v26 =	vpsel p4, v35, v46;
	v29 =	vshrl.u32 v27, $0x1;
	v27 =	vmul.f32 $5.000000000e-01, v27  }
0x10b: {  	v4 =	vadd.f32 v28, v0;
	v1 =	vmul.f32 v25, v25;
	v24 =	vsub.s32 $0x5F3759DF, v29  }
0x10c: {  	v28 =	vld [tilespmem:s29+$0xFFFFFF70];
	[tilespmem:$0x1FBF0] =	vst v46;
	v29 =	vadd.f32 v2, v26;
	v2 =	vpsel p5, v35, v46;
	v27 =	vmul.f32 v24, v27  }
0x10d: {  	[tilespmem:$0x1FC00] =	vst v35;
	v0 =	vpsel p6, v35, v46;
	v26 =	vadd.f32 v30, v2;
	v2 =	vadd.f32 v31, v1  }
0x10e: {  	v31 =	vmul.f32 v61, v61;
	v14 =	vadd.f32 v3, v0;
	v0 =	vmul.f32 v24, v27;
	v27 =	vld [tilespmem:s29+$0x70]  }
0x10f: {  	v3 =	vld [tilespmem:s29+$0xFFFFFFF0]  }
0x110: {  	v31 =	vadd.f32 v4, v31;
	v4 =	vpsel p4, v45, v48;
	v0 =	vsub.f32 $1.500000000e+00, v0  }
0x111: {  	v30 =	vmul.f32 v43, v43;
	v1 =	vadd.f32 v47, v55;
	v6 =	vadd.f32 v28, v4  }
0x112: {  	v4 =	vadd.f32 v59, v10;
	v24 =	vmul.f32 v24, v0;
	v0 =	vpsel p6, v45, v48  }
0x113: {  	v28 =	vpsel p5, v45, v48;
	v27 =	vadd.f32 v27, v0;
	v0 =	vmul.f32 v29, v29  }
0x114: {  	v5 =	vadd.f32 v5, v30;
	v30 =	vadd.f32 v3, v28  }
0x115: {  	v3 =	vadd.f32 v4, v58;
	v4 =	vadd.f32 v2, v0;
	v0 =	vmul.f32 v24, v23  }
0x116: {  	v1 =	vadd.f32 v1, v7  }
0x117: {  	[tilespmem:$0x1FDD0] =	vst v0;
	v0 =	vmul.f32 v26, v26  }
0x118: {  	v1 =	vadd.f32 v1, v17  }
0x119: {  	v5 =	vadd.f32 v5, v0;
	v0 =	vmul.f32 v24, v20  }
0x11a: {  	v1 =	vadd.f32 v1, v63  }
0x11b: {  	v3 =	vadd.f32 v3, v60;
	[tilespmem:$0x1FE20] =	vst v0;
	v0 =	vmul.f32 v24, v21  }
0x11c: {  	v1 =	vadd.f32 v1, v25  }
0x11d: {  	s2 =	smul.f32 $7.812500000e-03, s2;
	v3 =	vadd.f32 v3, v18;
	[tilespmem:$0x1FE30] =	vst v0;
	v0 =	vmul.f32 v24, v41  }
0x11e: {  	s19 =	smul.f32 $7.812500000e-03, s21;
	v2 =	vmul.f32 v24, v40;
	v1 =	vadd.f32 v1, v29  }
0x11f: {  	s21 =	smul.f32 s2, s2;
	v46 =	vadd.f32 v8, v12;
	v3 =	vadd.f32 v3, v43;
	[tilespmem:$0x1FE40] =	vst v0;
	v0 =	vmul.f32 v24, v16  }
0x120: {  	s4 =	smul.f32 $7.812500000e-03, s4;
	[tilespmem:$0x1FE10] =	vst v2;
	v1 =	vadd.f32 v1, v6  }
0x121: {  	s5 =	smul.f32 s5, s5;
	v2 =	vmul.f32 v24, v19;
	v41 =	vadd.f32 v46, v51;
	[tilespmem:$0x1FE50] =	vst v0;
	v0 =	vadd.f32 v3, v26  }
0x122: {  	s14 =	smul.f32 $7.812500000e-03, s14;
	s4 =	ssub.f32 s4, s21  }
0x123: {  	s13 =	smul.f32 s13, s13;
	[tilespmem:$0x1FE60] =	vst v2;
	v2 =	vld [tilespmem:$0x1FC30];
	(xrf2) =	vadd.scan.msk.f32 $0xffff, v1;
	v1 =	vadd.f32 v41, v57;
	v0 =	vadd.f32 v0, v30  }
0x124: {  	s5 =	ssub.f32 s14, s5;
	v52 =	vmov s4  }
0x125: {  	s13 =	ssub.f32 s19, s13;
	v1 =	vadd.f32 v1, v32;
	(xrf2) =	vadd.scan.msk.f32 $0xffff, v0;
	v0 =	vmax.f32 v52, $0.0e+00  }
0x126: {  	[tilespmem:$0x1FC10] =	vst v48;
	v0 =	vadd.f32 $9.999999960e-13, v0  }
0x127: {  	[tilespmem:$0x1FC20] =	vst v45;
	v45 =	vmov s5;
	v48 =	vmov s13;
	v1 =	vadd.f32 v1, v61  }
0x128: {  	v40 =	vmax.f32 v45, $0.0e+00;
	v2 =	vmul.f32 v24, v2;
	v0 =	vbroadcast v0, $0x0  }
0x129: {  	v44 =	vmax.f32 v48, $0.0e+00;
	v40 =	vadd.f32 $9.999999960e-13, v40;
	v1 =	vadd.f32 v1, v14  }
0x12a: {  	[tilespmem:$0x1FE70] =	vst v2;
	v34 =	vshrl.u32 v0, $0x1;
	v2 =	vmul.f32 $5.000000000e-01, v0;
	v0 =	vmul.f32 v6, v6  }
0x12b: {  	v62 =	vmul.f32 v14, v14;
	v44 =	vadd.f32 $9.999999960e-13, v44;
	v1 =	vadd.f32 v1, v27  }
0x12c: {  	v40 =	vbroadcast v40, $0x0;
	v3 =	vadd.f32 v4, v0  }
0x12d: {  	v31 =	vadd.f32 v31, v62;
	v44 =	vbroadcast v44, $0x0;
	(xrf2) =	vadd.scan.msk.f32 $0xffff, v1  }
0x12e: {  	v51 =	vshrl.u32 v40, $0x1;
	v40 =	vmul.f32 $5.000000000e-01, v40;
	v4 =	vmul.f32 v30, v30;
	(xrf2) =	vadd.scan.msk.f32 $0xffff, v3;
	v3 =	vld [tilespmem:$0x1FC60]  }
0x12f: {  	v35 =	vmul.f32 v27, v27;
	v33 =	vshrl.u32 v44, $0x1;
	v41 =	vsub.s32 $0x5F3759DF, v51  }
0x130: {  	v44 =	vmul.f32 $5.000000000e-01, v44;
	v40 =	vmul.f32 v41, v40;
	v0, _, _ =	vpop (xrf2);
	v4 =	vadd.f32 v5, v4  }
0x131: {  	v46 =	vsub.s32 $0x5F3759DF, v33;
	v5 =	vadd.f32 v31, v35;
	(v2sf) =	vpush v0, $0xF;
	v31, _, _ =	vpop (xrf2)  }
0x132: {  	s24 =	spop (v2sf);
	v40 =	vmul.f32 v41, v40;
	(v2sf) =	vpush v31, $0xF;
	v31 =	vmov s2  }
0x133: {  	v44 =	vmul.f32 v46, v44;
	v48 =	vsub.s32 $0x5F3759DF, v34;
	v45 =	vsub.f32 v3, v31;
	v3 =	vld [tilespmem:$0x1FC70]  }
0x134: {  	v40 =	vsub.f32 $1.500000000e+00, v40;
	v2 =	vmul.f32 v48, v2  }
0x135: {  	v1 =	vmul.f32 v46, v44;
	(xrf2) =	vadd.scan.msk.f32 $0xffff, v4  }
0x136: {  	v0 =	vmul.f32 v48, v2;
	v2 =	vmul.f32 v41, v40;
	(xrf2) =	vadd.scan.msk.f32 $0xffff, v5;
	v5 =	vld [tilespmem:$0x1FCF0]  }
0x137: {  	v1 =	vsub.f32 $1.500000000e+00, v1  }
0x138: {  	v19 =	vmul.f32 v2, v3;
	v3 =	vld [tilespmem:$0x1FC80]  }
0x139: {  	v1 =	vmul.f32 v46, v1;
	_ =	sdelay $0x1  }
0x13a: {  	v12 =	vmul.f32 v1, v5;
	v5 =	vld [tilespmem:$0x1FD00];
	_ =	sdelay $0x1  }
0x13b: {  	s4 =	smul.f32 $7.812500000e-03, s24;
	v15 =	vmul.f32 v2, v3;
	v3 =	vld [tilespmem:$0x1FC90];
	_ =	sdelay $0x1  }
0x13c: {  	v8 =	vld [tilespmem:$0x1FC40];
	v62 =	vmov s4  }
0x13d: {  	v34 =	vsub.f32 v13, v62;
	v13 =	vmul.f32 v1, v5;
	v5 =	vld [tilespmem:$0x1FD10];
	_ =	sdelay $0x1  }
0x13e: {  	v20 =	vmul.f32 v2, v3;
	v3 =	vld [tilespmem:$0x1FCA0];
	_ =	sdelay $0x1  }
0x13f: {  	v40 =	vsub.f32 v8, v31;
	v8 =	vld [tilespmem:$0x1FC50]  }
0x140: {  	v11 =	vmul.f32 v1, v5;
	v5 =	vld [tilespmem:$0x1FD20];
	_ =	sdelay $0x1  }
0x141: {  	v21 =	vmul.f32 v2, v3;
	v3 =	vld [tilespmem:$0x1FCB0];
	_ =	sdelay $0x2  }
0x142: {  	v44 =	vsub.f32 v8, v31;
	v8 =	vmul.f32 v1, v5;
	v5 =	vld [tilespmem:$0x1FD30]  }
0x143: {  	s25 =	spop (v2sf)  }
0x144: {  	s5 =	smul.f32 $7.812500000e-03, s25;
	v23 =	vmul.f32 v2, v3;
	v3 =	vld [tilespmem:$0x1FCC0]  }
0x145: {  	s26 =	smul.f32 s4, s4;
	v52, _, _ =	vpop (xrf2)  }
0x146: {  	v35 =	vsub.f32 v53, v62;
	(v2sf) =	vpush v52, $0xF;
	v53, _, _ =	vpop (xrf2)  }
0x147: {  	s13 =	ssub.f32 s5, s26;
	(v2sf) =	vpush v53, $0xF;
	v53 =	vmul.f32 v1, v5;
	v5 =	vld [tilespmem:$0x1FD40];
	_ =	sdelay $0x1  }
0x148: {  	v51 =	vmov s13;
	v3 =	vmul.f32 v2, v3  }
0x149: {  	v46 =	vsub.f32 v37, v31;
	v37 =	vmax.f32 v51, $0.0e+00  }
0x14a: {  	v37 =	vadd.f32 $9.999999960e-13, v37;
	[tilespmem:$0x1FE80] =	vst v3;
	v3 =	vld [tilespmem:$0x1FCD0]  }
0x14b: {  	v5 =	vmul.f32 v1, v5  }
0x14c: {  	v37 =	vbroadcast v37, $0x0  }
0x14d: {  	[tilespmem:$0x1FEA0] =	vst v5;
	v5 =	vld [tilespmem:$0x1FD50]  }
0x14e: {  	v52 =	vshrl.u32 v37, $0x1;
	v37 =	vmul.f32 $5.000000000e-01, v37  }
0x14f: {  	v16 =	vmul.f32 v2, v42;
	v42 =	vsub.s32 $0x5F3759DF, v52;
	v3 =	vmul.f32 v2, v3  }
0x150: {  	v22 =	vsub.f32 v22, v62;
	v0 =	vsub.f32 $1.500000000e+00, v0;
	v37 =	vmul.f32 v42, v37  }
0x151: {  	v49 =	vsub.f32 v49, v31;
	v4 =	vsub.f32 v50, v31;
	[tilespmem:$0x1FE90] =	vst v3;
	v3 =	vld [tilespmem:$0x1FCE0]  }
0x152: {  	v38 =	vsub.f32 v38, v31;
	v37 =	vmul.f32 v42, v37;
	v24 =	vmul.f32 v1, v5;
	v5 =	vld [tilespmem:$0x1FD60]  }
0x153: {  	v50 =	vsub.f32 v36, v62;
	v36 =	vsub.f32 v54, v62;
	v0 =	vmul.f32 v48, v0  }
0x154: {  	v31 =	vsub.f32 v39, v31;
	v54, _, _ =	vpop (xrf2);
	v37 =	vsub.f32 $1.500000000e+00, v37;
	s14 =	spop (v2sf)  }
0x155: {  	v38 =	vmul.f32 v0, v38;
	(v2sf) =	vpush v54, $0xF;
	s2 =	smul.f32 $7.812500000e-03, s14;
	v2 =	vsub.f32 v9, v62  }
0x156: {  	v39 =	vmul.f32 v0, v49;
	v41 =	vsub.f32 v3, v62;
	v3 =	vsub.f32 v56, v62;
	v56, _, _ =	vpop (xrf2)  }
0x157: {  	v9 =	vmul.f32 v1, v5;
	v62 =	vmov s2;
	(v2sf) =	vpush v56, $0xF  }
0x158: {  	v1 =	vmul.f32 v0, v46;
	v55 =	vsub.f32 v55, v62;
	v56 =	vsub.f32 v47, v62  }
0x159: {  	v54 =	vsub.f32 v7, v62;
	v51 =	vsub.f32 v17, v62;
	v17 =	vmul.f32 v42, v37  }
0x15a: {  	v52 =	vsub.f32 v63, v62;
	v33 =	vsub.f32 v29, v62;
	v29 =	vmul.f32 v0, v40  }
0x15b: {  	v25 =	vsub.f32 v25, v62;
	v40 =	vmul.f32 v0, v44;
	v63 =	vmul.f32 v0, v45  }
0x15c: {  	v48 =	vsub.f32 v6, v62;
	v62 =	vmul.f32 v0, v4;
	v0 =	vmul.f32 v0, v31;
	_ =	sdelay $0x1  }
0x15d: {  	[tilespmem:$0x1FEC0] =	vst v0;
	v0 =	vmul.f32 v17, v34;
	_ =	sdelay $0x1  }
0x15e: {  	s17 =	spop (v2sf);
	[tilespmem:$0x1FED0] =	vst v0;
	v0 =	vld [tilespmem:$0x1FD70]  }
0x15f: {  	s4 =	smul.f32 $7.812500000e-03, s17;
	s19 =	spop (v2sf)  }
0x160: {  	s5 =	smul.f32 $7.812500000e-03, s19  }
0x161: {  	v37 =	vmov s4  }
0x162: {  	v45 =	vsub.f32 v18, v37;
	v18 =	vmov s5  }
0x163: {  	v28 =	vsub.f32 v30, v37;
	v30 =	vsub.f32 v0, v18;
	v0 =	vmul.f32 v17, v22;
	_ =	sdelay $0x1  }
0x164: {  	[tilespmem:$0x1FEE0] =	vst v0;
	v0 =	vld [tilespmem:$0x1FD80];
	_ =	sdelay $0x4  }
0x165: {  	v46 =	vsub.f32 v58, v37;
	v58 =	vmul.f32 v17, v41;
	v41 =	vsub.f32 v0, v18;
	v0 =	vld [tilespmem:$0x1FD90];
	_ =	sdelay $0x1  }
0x166: {  	[tilespmem:$0x1FEB0] =	vst v1;
	v1 =	vsub.f32 v61, v18;
	_ =	sdelay $0x1  }
0x167: {  	[tilespmem:$0x1FDE0] =	vst v1;
	v1 =	vsub.f32 v14, v18  }
0x168: {  	v0 =	vsub.f32 v0, v18  }
0x169: {  	[tilespmem:$0x1FDF0] =	vst v1;
	v1 =	vsub.f32 v27, v18  }
0x16a: {  	[tilespmem:$0x1FDA0] =	vst v0;
	v0 =	vmul.f32 v17, v3  }
0x16b: {  	[tilespmem:$0x1FE00] =	vst v1;
	v1 =	vld [tilespmem:$0x1FE10]  }
0x16c: {  	v3 =	vld [tilespmem:$0x1FF00];
	[tilespmem:$0x1FEF0] =	vst v0;
	v0 =	vsub.f32 v57, v18;
	_ =	sdelay $0x1  }
0x16d: {  	v6 =	vld [tilespmem:$0x1FF70];
	[tilespmem:$0x1FDB0] =	vst v0;
	v0 =	vsub.f32 v32, v18  }
0x16e: {  	v22 =	vld [tilespmem:$0x1FF10]  }
0x16f: {  	[tilespmem:$0x1FDC0] =	vst v0;
	v0 =	vld [tilespmem:$0x1FDD0]  }
0x170: {  	v14 =	vmul.f32 v1, v3;
	v1 =	vld [tilespmem:$0x1FE20]  }
0x171: {  	v44 =	vsub.f32 v60, v37;
	v60 =	vld [tilespmem:$0x1FF90]  }
0x172: {  	v49 =	vsub.f32 v10, v37  }
0x173: {  	v42 =	vsub.f32 v26, v37;
	v10 =	vmul.f32 v17, v2;
	v26 =	vmul.f32 v17, v50  }
0x174: {  	v31 =	vmul.f32 v17, v35;
	v0 =	vmul.f32 v0, v6  }
0x175: {  	v34 =	vmul.f32 v17, v36;
	v17 =	vmul.f32 v1, v22;
	v1 =	vld [tilespmem:$0x1FF20]  }
0x176: {  	v4 =	vadd.f32 v0, v60;
	v0 =	vld [tilespmem:$0x1FE30];
	_ =	sdelay $0x1  }
0x177: {  	v5 =	vld [tilespmem:$0x1FE60]  }
0x178: {  	v7 =	vld [tilespmem:$0x1FF50]  }
0x179: {  	v2 =	vld [tilespmem:$0x1FE40]  }
0x17a: {  	v18 =	vmul.f32 v0, v1;
	v0 =	vld [tilespmem:$0x1FF30]  }
0x17b: {  	v47 =	vsub.f32 v59, v37;
	v43 =	vsub.f32 v43, v37;
	v37 =	vld [tilespmem:$0x1FFA0]  }
0x17c: {  	v59 =	vld [tilespmem:$0x1FF40]  }
0x17d: {  	v36 =	vld [tilespmem:$0x1FFC0]  }
0x17e: {  	v61 =	vld [tilespmem:$0x1FFD0]  }
0x17f: {  	v27 =	vmul.f32 v2, v0;
	v2 =	vld [tilespmem:$0x1FE50];
	[tilespmem:s6+$0xF0] =	vst v4  }
0x180: {  	v35 =	vld [tilespmem:$0x1FFB0];
	_ =	sdelay $0x3  }
0x181: {  	v14 =	vadd.f32 v14, v37  }
0x182: {  	v50 =	vld [tilespmem:$0x1FF60];
	v17 =	vadd.f32 v17, v35  }
0x183: {  	v4 =	vld [tilespmem:$0x1FE70];
	[tilespmem:s6+$0x80] =	vst v14  }
0x184: {  	[tilespmem:s6+$0x90] =	vst v17  }
0x185: {  	v17 =	vld [tilespmem:$0x1FFE0];
	_ =	sdelay $0x2  }
0x186: {  	v18 =	vadd.f32 v18, v36;
	v32 =	vmul.f32 v2, v59;
	_ =	sdelay $0x1  }
0x187: {  	v17 =	vadd.f32 v32, v17;
	v32 =	vld [tilespmem:$0x1FFE0];
	[tilespmem:s6+$0xA0] =	vst v18  }
0x188: {  	v57 =	vmul.f32 v5, v7;
	v21 =	vmul.f32 v21, v0;
	v5 =	vmov v0;
	v0 =	vld [tilespmem:$0x1FE80];
	_ =	sdelay $0x1  }
0x189: {  	v14 =	vadd.f32 v27, v61  }
0x18a: {  	v18 =	vld [tilespmem:$0x1FFF0]  }
0x18b: {  	v35 =	vld [tilespmem:$0x1FFF0];
	[tilespmem:s6+$0xB0] =	vst v14  }
0x18c: {  	v27 =	vmul.f32 v0, v7;
	v0 =	vld [tilespmem:$0x1FF80];
	_ =	sdelay $0x2  }
0x18d: {  	v4 =	vmul.f32 v4, v50  }
0x18e: {  	v18 =	vadd.f32 v57, v18  }
0x18f: {  	v2 =	vadd.f32 v4, v0;
	v4 =	vld [tilespmem:$0x1FE90];
	[tilespmem:s6+$0xC0] =	vst v17  }
0x190: {  	[tilespmem:s6+$0xD0] =	vst v18  }
0x191: {  	v19 =	vmul.f32 v19, v3;
	v18 =	vld [tilespmem:$0x1FFB0]  }
0x192: {  	v16 =	vmul.f32 v16, v6;
	v20 =	vmul.f32 v20, v1  }
0x193: {  	v23 =	vmul.f32 v23, v59;
	v15 =	vmul.f32 v15, v22;
	v17 =	vadd.f32 v19, v37;
	[tilespmem:s6+$0xE0] =	vst v2  }
0x194: {  	v13 =	vmul.f32 v13, v22;
	v2 =	vadd.f32 v20, v36;
	v14 =	vmul.f32 v4, v50;
	v4 =	vmovc v6;
	v6 =	vld [tilespmem:$0x1FEA0]  }
0x195: {  	v57 =	vmovc v50;
	v50 =	vmov v22;
	v22 =	vmul.f32 v8, v5;
	[tilespmem:s6+$0xFFFFFF00] =	vst v17;
	v8 =	vadd.f32 v21, v61  }
0x196: {  	[tilespmem:s6+$0xFFFFFF20] =	vst v2;
	v15 =	vadd.f32 v15, v18  }
0x197: {  	v18 =	vmul.f32 v9, v4;
	v9 =	vadd.f32 v23, v32;
	[tilespmem:s6+$0xFFFFFF30] =	vst v8  }
0x198: {  	[tilespmem:s6+$0xFFFFFF10] =	vst v15  }
0x199: {  	[tilespmem:s6+$0xFFFFFF40] =	vst v9;
	v20 =	vmul.f32 v6, v7;
	v6 =	vmul.f32 v10, v4;
	v10 =	vadd.f32 v27, v35  }
0x19a: {  	v14 =	vadd.f32 v14, v0;
	v0 =	vld [tilespmem:$0x1FEB0]  }
0x19b: {  	v12 =	vmul.f32 v12, v3;
	v15 =	vmul.f32 v38, v57;
	v38 =	vld [tilespmem:$0x1FFB0];
	v6 =	vadd.f32 v6, v60;
	[tilespmem:s6+$0xFFFFFF50] =	vst v10  }
0x19c: {  	v17 =	vmul.f32 v29, v3;
	v10 =	vmul.f32 v26, v3;
	v3 =	vld [tilespmem:$0x1FEC0];
	[tilespmem:s6+$0xFFFFFF60] =	vst v14  }
0x19d: {  	v11 =	vmul.f32 v11, v1;
	v19 =	vmul.f32 v53, v59;
	[tilespmem:s29+$0xF0] =	vst v6  }
0x19e: {  	v53 =	vmul.f32 v39, v1;
	v8 =	vmul.f32 v31, v1;
	v1 =	vld [tilespmem:$0x1FED0]  }
0x19f: {  	s21 =	spop (v2sf);
	v21 =	vmul.f32 v0, v7;
	v0 =	vadd.f32 v16, v60  }
0x1a0: {  	s13 =	smul.f32 $7.812500000e-03, s21;
	v9 =	vadd.f32 v12, v37  }
0x1a1: {  	s2 =	smul.f32 s2, s2;
	v23 =	vmul.f32 v63, v5;
	[tilespmem:s6+$0xFFFFFF70] =	vst v0  }
0x1a2: {  	s24 =	spop (v2sf);
	s4 =	smul.f32 s4, s4;
	v63 =	vmul.f32 v62, v59;
	v62 =	vmul.f32 v3, v4;
	v3 =	vld [tilespmem:$0x1FEE0];
	[tilespmem:s6+$0xFFFFFF80] =	vst v9  }
0x1a3: {  	s2 =	ssub.f32 s13, s2;
	s13 =	smul.f32 $7.812500000e-03, s24;
	v6 =	vmul.f32 v1, v5;
	v5 =	vld [tilespmem:$0x1FEF0]  }
0x1a4: {  	v24 =	vmul.f32 v24, v57;
	v2 =	vmul.f32 v40, v50  }
0x1a5: {  	s4 =	ssub.f32 s13, s4;
	v60 =	vmul.f32 v58, v50;
	v0 =	vadd.f32 v13, v38;
	v1 =	vmov s2  }
0x1a6: {  	s5 =	smul.f32 s5, s5;
	s25 =	spop (v2sf);
	v4 =	vmul.f32 v34, v59;
	v9 =	vadd.f32 v11, v36;
	v1 =	vmax.f32 v1, $0.0e+00  }
0x1a7: {  	s26 =	smul.f32 $7.812500000e-03, s25;
	v11 =	vmov s4;
	[tilespmem:s6+$0xFFFFFF90] =	vst v0;
	v0 =	vadd.f32 v19, v32;
	v1 =	vadd.f32 $9.999999960e-13, v1  }
0x1a8: {  	s13 =	simm.s32 $0x500;
	[tilespmem:s6+$0xFFFFFFA0] =	vst v9;
	v9 =	vmax.f32 v11, $0.0e+00;
	v3 =	vmul.f32 v3, v7;
	v50 =	vmul.f32 v5, v57  }
0x1a9: {  	s5 =	ssub.f32 s26, s5;
	s4 =	simm.s32 $0x1040A;
	s2 =	simm.s32 $0x4;
	v7 =	vadd.f32 v22, v61;
	v5 =	vbroadcast v1, $0x0;
	v1 =	vadd.f32 v20, v35  }
.LBB2_3:
0x1aa: {  	[tilespmem:$0x1FA70] =	vst v50;
	v50 =	vld [tilespmem:$0x1FF80]  }
0x1ab: {  	v11 =	vld [tilespmem:s4+$0x1]  }
0x1ac: {  	v16 =	vld [tilespmem:$0x1FF90];
	[tilespmem:s6+$0xFFFFFFB0] =	vst v7;
	v13 =	vshrl.u32 v5, $0x1;
	v5 =	vmul.f32 $5.000000000e-01, v5;
	v14 =	vmov s5  }
0x1ad: {  	v9 =	vadd.f32 $9.999999960e-13, v9;
	v12 =	vld [tilespmem:s4+$0xFFFFFFFF];
	v13 =	vsub.s32 $0x5F3759DF, v13;
	v14 =	vmax.f32 v14, $0.0e+00  }
0x1ae: {  	[tilespmem:s6+$0xFFFFFFC0] =	vst v0;
	v0 =	vld [tilespmem:s4+$0x0];
	v5 =	vmul.f32 v13, v5;
	v14 =	vadd.f32 $9.999999960e-13, v14  }
0x1af: {  	v17 =	vadd.f32 v17, v37;
	v9 =	vbroadcast v9, $0x0;
	v7 =	vadd.f32 v24, v50  }
0x1b0: {  	[tilespmem:s6+$0xFFFFFFD0] =	vst v1;
	v1 =	vld [tilespmem:s4+$0xFFFFFFFE];
	(v2sf) =	vpush v11, $0x0;
	v14 =	vbroadcast v14, $0x0;
	v5 =	vmul.f32 v13, v5  }
0x1b1: {  	[tilespmem:s6+$0xFFFFFFE0] =	vst v7;
	v7 =	vadd.f32 v18, v16;
	v18 =	vmovc v16;
	v16 =	vshrl.u32 v9, $0x1;
	v9 =	vmul.f32 $5.000000000e-01, v9  }
0x1b2: {  	(v2sf) =	vpush v12, $0x0;
	v5 =	vsub.f32 $1.500000000e+00, v5;
	v11 =	vsub.s32 $0x5F3759DF, v16  }
0x1b3: {  	v2 =	vadd.f32 v2, v38;
	(v2sf) =	vpush v0, $0x0;
	[tilespmem:s6+$0xFFFFFFF0] =	vst v7;
	v7 =	vmul.f32 v11, v9  }
0x1b4: {  	v22 =	vld [tilespmem:$0x1FB50];
	v0 =	vshrl.u32 v14, $0x1;
	v9 =	vmul.f32 $5.000000000e-01, v14;
	v5 =	vmul.f32 v13, v5  }
0x1b5: {  	v31 =	vld [tilespmem:$0x1FB70];
	(v2sf) =	vpush v1, $0x0;
	v0 =	vsub.s32 $0x5F3759DF, v0;
	v1 =	vmul.f32 v11, v7  }
0x1b6: {  	v57 =	vld [tilespmem:$0x1FB80];
	[tilespmem:s6+$0x10] =	vst v2;
	v2 =	vadd.f32 v23, v61;
	v7 =	vmul.f32 v0, v9;
	v58 =	vmul.f32 v5, v55  }
0x1b7: {  	s29 =	sadd.s32 $0x200, s29;
	v40 =	vld [tilespmem:$0x1FBB0];
	[tilespmem:s6+$0x0] =	vst v17;
	v9 =	vadd.f32 v53, v36;
	v55 =	vmul.f32 v5, v56;
	v54 =	vmul.f32 v5, v54  }
0x1b8: {  	v34 =	vld [tilespmem:s29+$0xFFFFFF10];
	[tilespmem:s6+$0x30] =	vst v2;
	v2 =	vmul.f32 v5, v33;
	v1 =	vsub.f32 $1.500000000e+00, v1;
	v7 =	vmul.f32 v0, v7  }
0x1b9: {  	v23 =	vld [tilespmem:$0x1FB60];
	v53 =	vmul.f32 v5, v51;
	v52 =	vmul.f32 v5, v52;
	[tilespmem:s6+$0x20] =	vst v9;
	v9 =	vadd.f32 v63, v32  }
0x1ba: {  	v16 =	vld [tilespmem:s29+$0xFFFFFF90];
	[tilespmem:$0x1FA80] =	vst v2;
	v1 =	vmul.f32 v11, v1;
	v11 =	vadd.f32 v21, v35;
	v7 =	vsub.f32 $1.500000000e+00, v7  }
0x1bb: {  	v14 =	vld [tilespmem:$0x1FB40];
	v56 =	vmul.f32 v5, v25;
	v48 =	vmul.f32 v5, v48;
	[tilespmem:s6+$0x40] =	vst v9;
	v9 =	vadd.f32 v15, v50  }
0x1bc: {  	v5 =	vadd.f32 v60, v38;
	v38 =	vld [tilespmem:$0x1FBD0];
	v12 =	vmul.f32 v0, v7;
	[tilespmem:s6+$0x50] =	vst v11;
	v0 =	vadd.f32 v62, v18  }
0x1bd: {  	[tilespmem:s6+$0x60] =	vst v9;
	v9 =	vld [tilespmem:s29+$0x80];
	v2 =	vmul.f32 v1, v45  }
0x1be: {  	v7 =	vadd.f32 v10, v37;
	v49 =	vmul.f32 v1, v49;
	v47 =	vmul.f32 v1, v47;
	v11 =	vld [tilespmem:s29+$0xFFFFFF00];
	[tilespmem:s6+$0x70] =	vst v0  }
0x1bf: {  	v46 =	vmul.f32 v1, v46;
	v44 =	vmul.f32 v1, v44;
	v10 =	vld [tilespmem:$0x1FB30];
	s6 =	smov.u32 s13;
	[tilespmem:$0x1FA90] =	vst v2  }
0x1c0: {  	v42 =	vmul.f32 v1, v42;
	v0 =	vld [tilespmem:s29+$0x90];
	v2 =	vmul.f32 v1, v43;
	[tilespmem:s6+$0x80] =	vst v7  }
0x1c1: {  	v37 =	vld [tilespmem:$0x1FBA0];
	v43 =	vmul.f32 v1, v28;
	v1 =	vmul.f32 v12, v30;
	[tilespmem:s6+$0x90] =	vst v5  }
0x1c2: {  	v30 =	vld [tilespmem:$0x1FBC0];
	v7 =	vadd.f32 v8, v36;
	[tilespmem:$0x1FAA0] =	vst v2  }
0x1c3: {  	v5 =	vadd.f32 v6, v61;
	s25 =	spop (v2sf);
	v36 =	vld [tilespmem:$0x1FBF0];
	[tilespmem:$0x1FAB0] =	vst v1  }
0x1c4: {  	v4 =	vadd.f32 v4, v32;
	v62 =	vmul.f32 v12, v41;
	v6 =	vld [tilespmem:s29+$0xA0];
	p5 =	seq.s32 s25, $0x1;
	[tilespmem:s6+$0xA0] =	vst v7;
	s26 =	spop (v2sf)  }
0x1c5: {  	v1 =	vadd.f32 v3, v35;
	v35 =	vld [tilespmem:$0x1FB90];
	[tilespmem:s6+$0xB0] =	vst v5;
	v3 =	vpsel p5, v14, v10;
	v5 =	vpsel p5, v23, v22;
	p2 =	seq.s32 s26, $0x1;
	s14 =	spop (v2sf)  }
0x1c6: {  	v8 =	vld [tilespmem:s29+$0xB0];
	[tilespmem:s6+$0xC0] =	vst v4;
	v63 =	vadd.f32 v3, v9;
	v13 =	vpsel p2, v14, v10;
	v45 =	vadd.f32 v5, v0;
	s17 =	spop (v2sf)  }
0x1c7: {  	v2 =	vld [tilespmem:$0x1FC00];
	[tilespmem:s6+$0xD0] =	vst v1;
	p3 =	seq.s32 s14, $0x1;
	v1 =	vpsel p2, v23, v22;
	v0 =	vpsel p5, v57, v31;
	v26 =	vpsel p2, v57, v31;
	p4 =	seq.s32 s17, $0x1  }
0x1c8: {  	v9 =	vld [tilespmem:s29+$0xC0];
	v32 =	vpsel p3, v14, v10;
	v59 =	vadd.f32 v1, v16;
	v14 =	vpsel p4, v14, v10  }
0x1c9: {  	v7 =	vld [tilespmem:$0x1FBE0];
	v61 =	vadd.f32 v0, v6;
	v6 =	vmul.f32 v63, v63;
	v15 =	vmul.f32 v45, v45  }
0x1ca: {  	v0 =	vadd.f32 v45, v63;
	v4 =	vpsel p5, v37, v35;
	v10 =	vld [tilespmem:s29+$0xD0];
	v17 =	vpsel p4, v23, v22  }
0x1cb: {  	v3 =	vld [tilespmem:$0x1FC20];
	v60 =	vadd.f32 v8, v4;
	v15 =	vadd.f32 v15, v6;
	v20 =	vmul.f32 v61, v61  }
0x1cc: {  	v19 =	vld [tilespmem:s29+$0xE0];
	v24 =	vpsel p4, v57, v31;
	v0 =	vadd.f32 v0, v61;
	v8 =	vpsel p5, v30, v40  }
0x1cd: {  	v5 =	vld [tilespmem:$0x1FC10];
	v6 =	vadd.f32 v9, v8;
	v15 =	vadd.f32 v15, v20;
	v20 =	vmul.f32 v60, v60  }
0x1ce: {  	v31 =	vpsel p3, v57, v31;
	v8 =	vpsel p5, v7, v38;
	v9 =	vld [tilespmem:s29+$0xF0];
	v0 =	vadd.f32 v0, v60  }
0x1cf: {  	v39 =	vld [tilespmem:s29+$0xFFFFFF80];
	v8 =	vadd.f32 v10, v8;
	v15 =	vadd.f32 v15, v20;
	v20 =	vmul.f32 v6, v6  }
0x1d0: {  	v18 =	vld [tilespmem:s29+$0x0];
	v51 =	vadd.f32 v14, v11;
	v10 =	vpsel p5, v2, v36;
	v0 =	vadd.f32 v0, v6  }
0x1d1: {  	v10 =	vadd.f32 v19, v10;
	v29 =	vmul.f32 v8, v8;
	v20 =	vadd.f32 v15, v20  }
0x1d2: {  	v25 =	vld [tilespmem:s29+$0xFFFFFFA0];
	v57 =	vadd.f32 v17, v34;
	v28 =	vpsel p5, v3, v5;
	v0 =	vadd.f32 v0, v8  }
0x1d3: {  	v21 =	vld [tilespmem:s29+$0x10];
	v15 =	vadd.f32 v9, v28;
	v11 =	vadd.f32 v20, v29;
	v20 =	vmul.f32 v10, v10  }
0x1d4: {  	v22 =	vpsel p3, v23, v22;
	v23 =	vld [tilespmem:s29+$0xFFFFFF20];
	v9 =	vadd.f32 v0, v10;
	v29 =	vadd.f32 v13, v39  }
0x1d5: {  	v27 =	vld [tilespmem:s29+$0x20];
	[tilespmem:$0x1FAF0] =	vst v59;
	v13 =	vmul.f32 v15, v15;
	v39 =	vadd.f32 v32, v18;
	v11 =	vadd.f32 v11, v20  }
0x1d6: {  	v41 =	vld [tilespmem:s29+$0xFFFFFFB0];
	[tilespmem:$0x1FAC0] =	vst v51;
	v28 =	vmul.f32 v57, v57;
	v0 =	vpsel p4, v37, v35;
	v9 =	vadd.f32 v9, v15  }
0x1d7: {  	[tilespmem:$0x1FAE0] =	vst v29;
	v20 =	vmul.f32 v51, v51;
	v33 =	vmul.f32 v39, v39;
	v1 =	vadd.f32 v11, v13  }
0x1d8: {  	v19 =	vld [tilespmem:s29+$0xFFFFFF30];
	(xrf2) =	vadd.scan.msk.f32 $0xffff, v9;
	v9 =	vadd.f32 v22, v21;
	v11 =	vadd.f32 v57, v51;
	v13 =	vmul.f32 v29, v29  }
0x1d9: {  	v17 =	vld [tilespmem:s29+$0xFFFFFF40];
	v22 =	vadd.f32 v59, v29;
	v29 =	vmul.f32 v59, v59;
	v51 =	vadd.f32 v24, v23;
	(xrf2) =	vadd.scan.msk.f32 $0xffff, v1  }
0x1da: {  	[tilespmem:$0x1FAD0] =	vst v57;
	v59 =	vadd.f32 v26, v25;
	v25 =	vpsel p2, v37, v35;
	v57 =	vadd.f32 v31, v27  }
0x1db: {  	v14 =	vld [tilespmem:s29+$0x30];
	v27 =	vpsel p3, v37, v35;
	v20 =	vadd.f32 v28, v20;
	v41 =	vadd.f32 v41, v25  }
0x1dc: {  	v25 =	vpsel p2, v30, v40;
	v34 =	vadd.f32 v9, v39;
	v24 =	vmul.f32 v9, v9  }
0x1dd: {  	v16 =	vld [tilespmem:s29+$0x40];
	[tilespmem:$0x1FB00] =	vst v39;
	v28 =	vadd.f32 v11, v51;
	v39 =	vadd.f32 v19, v0;
	v19 =	vpsel p4, v30, v40  }
0x1de: {  	v31 =	vmul.f32 v51, v51;
	v29 =	vadd.f32 v29, v13;
	v19 =	vadd.f32 v17, v19  }
0x1df: {  	v4 =	vld [tilespmem:s29+$0xFFFFFFC0];
	v37 =	vmul.f32 v59, v59;
	v24 =	vadd.f32 v24, v33;
	v33 =	vadd.f32 v34, v57  }
0x1e0: {  	v18 =	vld [tilespmem:s29+$0xFFFFFF50];
	[tilespmem:$0x1FB20] =	vst v57;
	v34 =	vmul.f32 v57, v57;
	v57 =	vadd.f32 v14, v27;
	v27 =	vpsel p3, v30, v40  }
0x1e1: {  	v21 =	vld [tilespmem:s29+$0xFFFFFFD0];
	v20 =	vadd.f32 v20, v31;
	v28 =	vadd.f32 v28, v39;
	v30 =	vmul.f32 v39, v39  }
0x1e2: {  	v32 =	vld [tilespmem:s29+$0x50];
	v29 =	vadd.f32 v29, v37;
	v40 =	vadd.f32 v16, v27;
	v14, _, _ =	vpop (xrf2)  }
0x1e3: {  	v17 =	vpsel p2, v7, v38;
	v30 =	vadd.f32 v20, v30;
	(v2sf) =	vpush v14, $0xF;
	v14, _, _ =	vpop (xrf2)  }
0x1e4: {  	v37 =	vpsel p4, v7, v38;
	v27 =	vadd.f32 v28, v19;
	(v2sf) =	vpush v14, $0xF  }
0x1e5: {  	v0 =	vld [tilespmem:s29+$0x70];
	v28 =	vmul.f32 v19, v19;
	v14 =	vadd.f32 v4, v25;
	v25 =	vadd.f32 v18, v37  }
0x1e6: {  	v16 =	vpsel p3, v7, v38;
	v20 =	vadd.f32 v21, v17  }
0x1e7: {  	v16 =	vadd.f32 v32, v16;
	v17 =	vadd.f32 v30, v28;
	v32 =	vmul.f32 v25, v25  }
0x1e8: {  	v26 =	vld [tilespmem:s29+$0xFFFFFFE0];
	v22 =	vadd.f32 v22, v59  }
0x1e9: {  	v1 =	vld [tilespmem:s29+$0xFFFFFFF0];
	v31 =	vmul.f32 v41, v41;
	v17 =	vadd.f32 v17, v32;
	v32 =	vpsel p3, v3, v5  }
0x1ea: {  	v22 =	vadd.f32 v22, v41;
	v13 =	vadd.f32 v0, v32;
	v0 =	vld [tilespmem:$0x1FDA0]  }
0x1eb: {  	v23 =	vld [tilespmem:s29+$0xFFFFFF60];
	v24 =	vadd.f32 v24, v34;
	v29 =	vadd.f32 v29, v31;
	v31 =	vmul.f32 v14, v14  }
0x1ec: {  	v34 =	vmul.f32 v57, v57;
	v33 =	vadd.f32 v33, v57;
	v21 =	vpsel p2, v2, v36  }
0x1ed: {  	v35 =	vld [tilespmem:s29+$0x60];
	v26 =	vadd.f32 v26, v21;
	v37 =	vmul.f32 v20, v20;
	v29 =	vadd.f32 v29, v31  }
0x1ee: {  	v21 =	vpsel p2, v3, v5;
	v24 =	vadd.f32 v24, v34;
	v34 =	vpsel p4, v2, v36  }
0x1ef: {  	v37 =	vadd.f32 v29, v37;
	v29 =	vadd.f32 v1, v21;
	v21 =	vmul.f32 v12, v0;
	v0 =	vld [tilespmem:$0x1FDB0]  }
0x1f0: {  	[tilespmem:$0x1FB10] =	vst v9;
	v9 =	vld [tilespmem:s29+$0xFFFFFF70];
	v28 =	vadd.f32 v23, v34;
	v22 =	vadd.f32 v22, v14  }
0x1f1: {  	v30 =	vpsel p3, v2, v36;
	v18 =	vadd.f32 v33, v40;
	v33 =	vmul.f32 v40, v40  }
0x1f2: {  	v31 =	vadd.f32 v22, v20;
	v22 =	vadd.f32 v35, v30;
	v35 =	vmul.f32 v28, v28  }
0x1f3: {  	v27 =	vadd.f32 v27, v25;
	v24 =	vadd.f32 v24, v33  }
0x1f4: {  	v33 =	vpsel p4, v3, v5;
	v17 =	vadd.f32 v17, v35;
	v35 =	vmul.f32 v12, v0;
	v0 =	vld [tilespmem:$0x1FDC0]  }
0x1f5: {  	v34 =	vadd.f32 v27, v28;
	v30 =	vadd.f32 v9, v33;
	_ =	sdelay $0x1  }
0x1f6: {  	v18 =	vadd.f32 v18, v16;
	v36 =	vadd.f32 v34, v30  }
0x1f7: {  	v31 =	vadd.f32 v31, v26  }
0x1f8: {  	v18 =	vadd.f32 v18, v22;
	(xrf2) =	vadd.scan.msk.f32 $0xffff, v36;
	v36 =	vmul.f32 v12, v0;
	v0 =	vld [tilespmem:$0x1FDE0]  }
0x1f9: {  	v31 =	vadd.f32 v31, v29  }
0x1fa: {  	v5 =	vld [tilespmem:$0x1FF00];
	v18 =	vadd.f32 v18, v13  }
0x1fb: {  	v27 =	vmul.f32 v26, v26;
	(xrf2) =	vadd.scan.msk.f32 $0xffff, v31  }
0x1fc: {  	(xrf2) =	vadd.scan.msk.f32 $0xffff, v18;
	v18 =	vld [tilespmem:$0x1FFA0]  }
0x1fd: {  	v27 =	vadd.f32 v37, v27;
	v37 =	vmul.f32 v12, v0;
	v0 =	vld [tilespmem:$0x1FDF0];
	_ =	sdelay $0x1  }
0x1fe: {  	v31 =	vmul.f32 v58, v5  }
0x1ff: {  	v11 =	vld [tilespmem:$0x1FF10];
	v38 =	vmul.f32 v29, v29  }
0x200: {  	v18 =	vadd.f32 v31, v18;
	v31 =	vld [tilespmem:$0x1FFB0]  }
0x201: {  	v27 =	vadd.f32 v27, v38;
	v38 =	vmul.f32 v12, v0;
	v0 =	vld [tilespmem:$0x1FE00];
	_ =	sdelay $0x2  }
0x202: {  	v2 =	vmul.f32 v55, v11;
	v33 =	vmul.f32 v30, v30  }
0x203: {  	v23 =	vmul.f32 v16, v16;
	s19 =	spop (v2sf)  }
0x204: {  	v17 =	vadd.f32 v17, v33;
	s5 =	smul.f32 $7.812500000e-03, s19;
	s14 =	spop (v2sf);
	v2 =	vadd.f32 v2, v31;
	v33 =	vmul.f32 v12, v0;
	v12 =	vld [tilespmem:$0x1FF20]  }
0x205: {  	s14 =	smul.f32 $7.812500000e-03, s14;
	v0 =	vld [tilespmem:$0x1FA70]  }
0x206: {  	v23 =	vadd.f32 v24, v23;
	v24 =	vmul.f32 v22, v22;
	s17 =	smul.f32 s5, s5;
	[tilespmem:s6+$0xFFFFFF10] =	vst v2;
	v2 =	vld [tilespmem:$0x1FFC0];
	_ =	sdelay $0x1  }
0x207: {  	v23 =	vadd.f32 v23, v24;
	v24 =	vmul.f32 v13, v13;
	s14 =	ssub.f32 s14, s17  }
0x208: {  	v9 =	vld [tilespmem:$0x1FF50];
	v32 =	vmul.f32 v54, v12  }
0x209: {  	v1 =	vld [tilespmem:$0x1FF40];
	v23 =	vadd.f32 v23, v24;
	v24 =	vmov s14;
	v58 =	vadd.f32 v0, v50  }
0x20a: {  	v24 =	vmax.f32 v24, $0.0e+00;
	v0 =	vld [tilespmem:$0x1FA80];
	v2 =	vadd.f32 v32, v2  }
0x20b: {  	v24 =	vadd.f32 $9.999999960e-13, v24;
	[tilespmem:s6+$0xE0] =	vst v58;
	v58 =	vld [tilespmem:$0x1FF60]  }
0x20c: {  	[tilespmem:s6+$0xFFFFFF20] =	vst v2;
	v2 =	vld [tilespmem:$0x1FFE0]  }
0x20d: {  	v7 =	vld [tilespmem:$0x1FF30];
	v24 =	vbroadcast v24, $0x0  }
0x20e: {  	v52 =	vmul.f32 v52, v1;
	[tilespmem:s6+$0xFFFFFF00] =	vst v18;
	v18, _, _ =	vpop (xrf2)  }
0x20f: {  	(v2sf) =	vpush v18, $0xF;
	v18 =	vld [tilespmem:$0x1FFD0];
	v31 =	vshrl.u32 v24, $0x1;
	v24 =	vmul.f32 $5.000000000e-01, v24  }
0x210: {  	v54 =	vmul.f32 v56, v9;
	v56 =	vsub.s32 $0x5F3759DF, v31;
	v55 =	vmul.f32 v0, v58;
	v0 =	vld [tilespmem:$0x1FF70]  }
0x211: {  	(xrf2) =	vadd.scan.msk.f32 $0xffff, v17;
	v17 =	vmul.f32 v56, v24;
	v52 =	vadd.f32 v52, v2;
	v2 =	vld [tilespmem:$0x1FAA0]  }
0x212: {  	v53 =	vmul.f32 v53, v7  }
0x213: {  	(xrf2) =	vadd.scan.msk.f32 $0xffff, v27;
	v17 =	vmul.f32 v56, v17  }
0x214: {  	v18 =	vadd.f32 v53, v18  }
0x215: {  	v31 =	vmul.f32 v44, v7;
	v53 =	vsub.f32 $1.500000000e+00, v17  }
0x216: {  	[tilespmem:s6+$0xFFFFFF30] =	vst v18;
	v18 =	vmul.f32 v43, v0;
	v43 =	vmov s5;
	v27 =	vmul.f32 v2, v9;
	v2 =	vld [tilespmem:$0x1FAB0]  }
0x217: {  	v44, _, _ =	vpop (xrf2);
	(xrf2) =	vadd.scan.msk.f32 $0xffff, v23;
	v23 =	vmul.f32 v56, v53;
	v56 =	vsub.f32 v63, v43;
	v15 =	vsub.f32 v15, v43  }
0x218: {  	v24 =	vmul.f32 v42, v58  }
0x219: {  	v15 =	vmul.f32 v23, v15;
	v42 =	vmul.f32 v23, v56;
	v56 =	vld [tilespmem:$0x1FF90]  }
0x21a: {  	(v2sf) =	vpush v44, $0xF  }
0x21b: {  	v6 =	vsub.f32 v6, v43;
	v17 =	vmul.f32 v2, v5;
	v2 =	vmul.f32 v62, v11;
	v62, _, _ =	vpop (xrf2)  }
0x21c: {  	v53 =	vmul.f32 v21, v12;
	v63 =	vmul.f32 v15, v0;
	(v2sf) =	vpush v62, $0xF;
	v21, _, _ =	vpop (xrf2)  }
0x21d: {  	v4 =	vsub.f32 v60, v43;
	v44 =	vmul.f32 v23, v6;
	(v2sf) =	vpush v21, $0xF;
	v15, _, _ =	vpop (xrf2)  }
0x21e: {  	v6 =	vadd.f32 v63, v56;
	(v2sf) =	vpush v15, $0xF;
	v15 =	vmul.f32 v38, v58;
	v38 =	vld [tilespmem:$0x1FFB0]  }
0x21f: {  	v48 =	vmul.f32 v48, v0;
	v62 =	vmul.f32 v33, v0;
	v0 =	vld [tilespmem:$0x1FAC0]  }
0x220: {  	s21 =	spop (v2sf);
	v4 =	vmul.f32 v23, v4;
	[tilespmem:s29+$0xF0] =	vst v6;
	v6 =	vadd.f32 v55, v50  }
0x221: {  	v47 =	vmul.f32 v47, v11;
	s5 =	smul.f32 $7.812500000e-03, s21;
	v21 =	vld [tilespmem:$0x1FFF0]  }
0x222: {  	[tilespmem:s6+$0xFFFFFF60] =	vst v6;
	v6 =	vmul.f32 v4, v7  }
0x223: {  	v3 =	vld [tilespmem:$0x1FA90];
	v4 =	vmul.f32 v44, v1;
	v44 =	vadd.f32 v47, v38;
	v47 =	vmov s5  }
0x224: {  	v55 =	vsub.f32 v0, v47;
	v0 =	vld [tilespmem:$0x1FAD0];
	_ =	sdelay $0x1  }
0x225: {  	v21 =	vadd.f32 v54, v21  }
0x226: {  	v8 =	vsub.f32 v8, v43;
	v56 =	vadd.f32 v48, v56  }
0x227: {  	v45 =	vsub.f32 v45, v43;
	[tilespmem:s6+$0xFFFFFF50] =	vst v21;
	v21 =	vmul.f32 v37, v9;
	v37 =	vld [tilespmem:$0x1FFA0]  }
0x228: {  	v34 =	vmul.f32 v3, v1;
	v3 =	vsub.f32 v61, v43;
	[tilespmem:s6+$0xFFFFFF70] =	vst v56;
	v56 =	vsub.f32 v0, v47;
	v0 =	vld [tilespmem:$0x1FAE0]  }
0x229: {  	v10 =	vsub.f32 v10, v43;
	s24 =	smul.f32 s5, s5;
	v43 =	vmul.f32 v23, v45;
	s25 =	spop (v2sf)  }
0x22a: {  	v3 =	vmul.f32 v23, v3;
	v45 =	vmul.f32 v23, v8;
	v8, _, _ =	vpop (xrf2);
	s5 =	smul.f32 $7.812500000e-03, s25  }
0x22b: {  	v49 =	vmul.f32 v49, v5;
	v60 =	vmul.f32 v43, v11;
	(v2sf) =	vpush v8, $0xF  }
0x22c: {  	v8 =	vmul.f32 v3, v12;
	v3 =	vmul.f32 v45, v9;
	v9 =	vmov s5  }
0x22d: {  	v54 =	vmul.f32 v23, v10;
	v43 =	vadd.f32 v49, v37;
	v49 =	vsub.f32 v0, v9;
	v0 =	vld [tilespmem:$0x1FAF0];
	_ =	sdelay $0x1  }
0x22e: {  	v50 =	vmul.f32 v54, v58;
	v54 =	vsub.f32 v51, v47  }
0x22f: {  	[tilespmem:s6+$0xFFFFFF40] =	vst v52;
	v51 =	vsub.f32 v39, v47;
	v52 =	vsub.f32 v19, v47  }
0x230: {  	v25 =	vsub.f32 v25, v47;
	v33 =	vsub.f32 v28, v47  }
0x231: {  	v48 =	vsub.f32 v30, v47;
	v47 =	vsub.f32 v0, v9;
	v0 =	vld [tilespmem:$0x1FB00]  }
0x232: {  	s26 =	smul.f32 s5, s5;
	s19 =	spop (v2sf)  }
0x233: {  	s5 =	smul.f32 $7.812500000e-03, s19;
	_ =	sdelay $0x1  }
0x234: {  	v10 =	vmul.f32 v42, v5;
	v5 =	vmov s5  }
0x235: {  	v30 =	vsub.f32 v0, v5;
	v0 =	vld [tilespmem:$0x1FB10];
	_ =	sdelay $0x4  }
0x236: {  	[tilespmem:s6+$0xFFFFFF90] =	vst v44;
	v44 =	vsub.f32 v41, v9;
	v41 =	vsub.f32 v0, v5;
	v0 =	vld [tilespmem:$0x1FB20];
	_ =	sdelay $0x4  }
0x237: {  	v0 =	vsub.f32 v0, v5  }
0x238: {  	v63 =	vmul.f32 v36, v1;
	v36 =	vld [tilespmem:$0x1FFC0]  }
0x239: {  	s21 =	spop (v2sf);
	s19 =	smul.f32 s5, s5;
	[tilespmem:$0x1FDA0] =	vst v0;
	v0 =	vsub.f32 v57, v5  }
0x23a: {  	s5 =	smul.f32 $7.812500000e-03, s21  }
0x23b: {  	v32 =	vmul.f32 v46, v12;
	[tilespmem:$0x1FDB0] =	vst v0;
	v0 =	vsub.f32 v40, v5  }
0x23c: {  	v61 =	vld [tilespmem:$0x1FFD0];
	s5 =	ssub.f32 s5, s24;
	s24 =	spop (v2sf)  }
0x23d: {  	s2 =	sadd.s32 $0x4, s2;
	v11 =	vadd.f32 v32, v36;
	v32 =	vld [tilespmem:$0x1FFE0];
	s14 =	smul.f32 $7.812500000e-03, s24;
	[tilespmem:$0x1FDC0] =	vst v0;
	v0 =	vsub.f32 v16, v5  }
0x23e: {  	p1 =	slt.u32 s2, $0x7C;
	v23 =	vmul.f32 v35, v7;
	v35 =	vld [tilespmem:$0x1FFF0];
	v46 =	vsub.f32 v59, v9;
	v45 =	vsub.f32 v14, v9  }
.Ltmp0:
0x23f: {  	v42 =	vsub.f32 v26, v9;
	v1 =	vmov s5;
	s25 =	ssub.f32 s14, s26;
	[tilespmem:$0x1FDE0] =	vst v0;
	v0 =	vsub.f32 v22, v5;
	(pc) =	sbr.rel @p1 .LBB2_3-.Ltmp0, $4  }
0x240: {  	v28 =	vsub.f32 v29, v9;
	[tilespmem:s6+$0xFFFFFF80] =	vst v43;
	v43 =	vsub.f32 v20, v9;
	v1 =	vmax.f32 v1, $0.0e+00;
	s26 =	spop (v2sf)  }
0x241: {  	v1 =	vadd.f32 $9.999999960e-13, v1;
	s14 =	smul.f32 $7.812500000e-03, s26;
	v9 =	vmov s25;
	[tilespmem:$0x1FDF0] =	vst v0;
	v0 =	vsub.f32 v13, v5  }
0x242: {  	v7 =	vadd.f32 v31, v61;
	[tilespmem:s6+$0xFFFFFFA0] =	vst v11;
	v9 =	vmax.f32 v9, $0.0e+00  }
0x243: {  	s4 =	sadd.s32 $0x4, s4;
	s13 =	smov.u32 s29;
	s5 =	ssub.f32 s14, s19;
	v5 =	vbroadcast v1, $0x0;
	v1 =	vadd.f32 v27, v35;
	[tilespmem:$0x1FE00] =	vst v0;
	v0 =	vadd.f32 v34, v32  }
0x244: {  	[tilespmem:s6+$0xFFFFFFB0] =	vst v7  }
0x245: {  	v14 =	vld [tilespmem:$0x1FF80];
	[tilespmem:s6+$0xFFFFFFC0] =	vst v0  }
0x246: {  	[tilespmem:s6+$0xFFFFFFD0] =	vst v1  }
0x247: {  	v16 =	vld [tilespmem:$0x1FF90];
	_ =	sdelay $0x2  }
0x248: {  	v9 =	vadd.f32 $9.999999960e-13, v9;
	v13 =	vadd.f32 v21, v35  }
0x249: {  	v10 =	vadd.f32 v10, v37  }
0x24a: {  	v0 =	vmov s5;
	v9 =	vbroadcast v9, $0x0;
	[tilespmem:s6+$0x50] =	vst v13;
	v1 =	vadd.f32 v18, v16  }
0x24b: {  	v0 =	vmax.f32 v0, $0.0e+00;
	[tilespmem:s13+$0x80] =	vst v10;
	v7 =	vadd.f32 v24, v14  }
0x24c: {  	[tilespmem:s6+$0xFFFFFFF0] =	vst v1;
	v1 =	vadd.f32 v2, v38;
	v2 =	vshrl.u32 v9, $0x1;
	v9 =	vmul.f32 $5.000000000e-01, v9  }
0x24d: {  	v0 =	vadd.f32 $9.999999960e-13, v0;
	[tilespmem:s6+$0xFFFFFFE0] =	vst v7;
	v7 =	vadd.f32 v17, v37;
	v2 =	vsub.s32 $0x5F3759DF, v2  }
0x24e: {  	[tilespmem:s6+$0x10] =	vst v1;
	v1 =	vadd.f32 v23, v61;
	v9 =	vmul.f32 v2, v9  }
0x24f: {  	v6 =	vadd.f32 v6, v61;
	v0 =	vbroadcast v0, $0x0;
	[tilespmem:s6+$0x0] =	vst v7;
	v7 =	vadd.f32 v53, v36  }
0x250: {  	v11 =	vshrl.u32 v5, $0x1;
	v5 =	vmul.f32 $5.000000000e-01, v5;
	[tilespmem:s6+$0x30] =	vst v1;
	v1 =	vmul.f32 v2, v9  }
0x251: {  	v11 =	vsub.s32 $0x5F3759DF, v11;
	v12 =	vshrl.u32 v0, $0x1;
	[tilespmem:s6+$0x20] =	vst v7;
	v7 =	vadd.f32 v63, v32  }
0x252: {  	[tilespmem:s13+$0xB0] =	vst v6;
	v9 =	vsub.s32 $0x5F3759DF, v12;
	v12 =	vadd.f32 v62, v16;
	v1 =	vsub.f32 $1.500000000e+00, v1  }
0x253: {  	v5 =	vmul.f32 v11, v5;
	[tilespmem:s6+$0x40] =	vst v7;
	v7 =	vadd.f32 v15, v14  }
0x254: {  	[tilespmem:s6+$0x70] =	vst v12;
	v1 =	vmul.f32 v2, v1;
	v2 =	vadd.f32 v8, v36  }
0x255: {  	v5 =	vmul.f32 v11, v5;
	[tilespmem:s6+$0x60] =	vst v7;
	v7 =	vadd.f32 v60, v38  }
0x256: {  	[tilespmem:s13+$0xA0] =	vst v2;
	v2 =	vadd.f32 v4, v32  }
0x257: {  	v5 =	vsub.f32 $1.500000000e+00, v5;
	[tilespmem:s13+$0x90] =	vst v7  }
0x258: {  	v12 =	vld [tilespmem:$0x1FF00];
	[tilespmem:s13+$0xC0] =	vst v2  }
0x259: {  	v5 =	vmul.f32 v11, v5;
	v13 =	vld [tilespmem:$0x1FF10];
	_ =	sdelay $0x1  }
0x25a: {  	v3 =	vadd.f32 v3, v35;
	v8 =	vmul.f32 v5, v55  }
0x25b: {  	v10 =	vmul.f32 v5, v56  }
0x25c: {  	v0 =	vmul.f32 $5.000000000e-01, v0;
	[tilespmem:s13+$0xD0] =	vst v3;
	v6 =	vmul.f32 v8, v12  }
0x25d: {  	v15 =	vld [tilespmem:$0x1FF20];
	v2 =	vmul.f32 v10, v13;
	v10 =	vadd.f32 v50, v14  }
0x25e: {  	v0 =	vmul.f32 v9, v0;
	v6 =	vadd.f32 v6, v37  }
0x25f: {  	v17 =	vld [tilespmem:$0x1FF30];
	v2 =	vadd.f32 v2, v38;
	[tilespmem:s13+$0xE0] =	vst v10  }
0x260: {  	v0 =	vmul.f32 v9, v0;
	v7 =	vmul.f32 v5, v54;
	v18 =	vld [tilespmem:$0x1FF40];
	[tilespmem:s13+$0xFFFFFF00] =	vst v6  }
0x261: {  	v11 =	vld [tilespmem:$0x1FF50];
	[tilespmem:s13+$0xFFFFFF10] =	vst v2  }
0x262: {  	v0 =	vsub.f32 $1.500000000e+00, v0;
	v3 =	vmul.f32 v7, v15;
	v10 =	vld [tilespmem:$0x1FF60];
	_ =	sdelay $0x1  }
0x263: {  	v0 =	vmul.f32 v9, v0;
	v3 =	vadd.f32 v3, v36  }
0x264: {  	v9 =	vmul.f32 v5, v33;
	v7 =	vmul.f32 v5, v25  }
0x265: {  	v4 =	vmul.f32 v5, v51;
	v8 =	vmul.f32 v5, v52;
	[tilespmem:s13+$0xFFFFFF20] =	vst v3  }
0x266: {  	v6 =	vmul.f32 v7, v11;
	v7 =	vmul.f32 v9, v10;
	v9 =	vld [tilespmem:$0x1FF70]  }
0x267: {  	v4 =	vmul.f32 v4, v17  }
0x268: {  	v8 =	vmul.f32 v8, v18  }
0x269: {  	v5 =	vmul.f32 v5, v48;
	v2 =	vadd.f32 v4, v61  }
0x26a: {  	v4 =	vmul.f32 v1, v49;
	v3 =	vadd.f32 v8, v32  }
0x26b: {  	v8 =	vmul.f32 v1, v47;
	[tilespmem:s13+$0xFFFFFF30] =	vst v2;
	v2 =	vadd.f32 v6, v35;
	v5 =	vmul.f32 v5, v9  }
0x26c: {  	v4 =	vmul.f32 v4, v12;
	v6 =	vmul.f32 v1, v46;
	[tilespmem:s13+$0xFFFFFF40] =	vst v3;
	v3 =	vadd.f32 v7, v14  }
0x26d: {  	v7 =	vmul.f32 v1, v44;
	v8 =	vmul.f32 v8, v13;
	[tilespmem:s13+$0xFFFFFF50] =	vst v2;
	v2 =	vadd.f32 v5, v16  }
0x26e: {  	v6 =	vmul.f32 v6, v15;
	[tilespmem:s13+$0xFFFFFF60] =	vst v3;
	v3 =	vadd.f32 v4, v37;
	v5 =	vmul.f32 v1, v45  }
0x26f: {  	v4 =	vmul.f32 v1, v43;
	v7 =	vmul.f32 v7, v17;
	[tilespmem:s13+$0xFFFFFF70] =	vst v2;
	v2 =	vadd.f32 v8, v38  }
0x270: {  	[tilespmem:s13+$0xFFFFFF80] =	vst v3;
	v3 =	vadd.f32 v6, v36;
	v8 =	vmul.f32 v1, v42;
	v5 =	vmul.f32 v5, v18  }
0x271: {  	v4 =	vmul.f32 v4, v11;
	v1 =	vmul.f32 v1, v28;
	[tilespmem:s13+$0xFFFFFF90] =	vst v2;
	v2 =	vadd.f32 v7, v61  }
0x272: {  	v6 =	vmul.f32 v0, v30;
	[tilespmem:s13+$0xFFFFFFA0] =	vst v3;
	v7 =	vmul.f32 v8, v10;
	v5 =	vadd.f32 v5, v32  }
0x273: {  	v4 =	vadd.f32 v4, v35;
	v1 =	vmul.f32 v1, v9;
	[tilespmem:s13+$0xFFFFFFB0] =	vst v2  }
0x274: {  	v3 =	vmul.f32 v0, v41;
	v6 =	vmul.f32 v6, v12;
	v7 =	vadd.f32 v7, v14;
	v2 =	vld [tilespmem:$0x1FDA0];
	[tilespmem:s13+$0xFFFFFFC0] =	vst v5  }
0x275: {  	v1 =	vadd.f32 v1, v16;
	v5 =	vld [tilespmem:$0x1FDB0];
	[tilespmem:s13+$0xFFFFFFD0] =	vst v4  }
0x276: {  	v3 =	vmul.f32 v3, v13;
	v6 =	vadd.f32 v6, v37;
	v4 =	vld [tilespmem:$0x1FDC0];
	[tilespmem:s13+$0xFFFFFFE0] =	vst v7  }
0x277: {  	v7 =	vld [tilespmem:$0x1FDE0];
	[tilespmem:s13+$0xFFFFFFF0] =	vst v1  }
0x278: {  	v1 =	vadd.f32 v3, v38;
	v3 =	vld [tilespmem:$0x1FDF0];
	[tilespmem:s13+$0x0] =	vst v6  }
0x279: {  	v2 =	vmul.f32 v0, v2;
	v6 =	vld [tilespmem:$0x1FE00]  }
0x27a: {  	v5 =	vmul.f32 v0, v5  }
0x27b: {  	v4 =	vmul.f32 v0, v4;
	v2 =	vmul.f32 v2, v15  }
0x27c: {  	v7 =	vmul.f32 v0, v7;
	v5 =	vmul.f32 v5, v17  }
0x27d: {  	v3 =	vmul.f32 v0, v3;
	v4 =	vmul.f32 v4, v18;
	v2 =	vadd.f32 v2, v36  }
0x27e: {  	[tilespmem:s13+$0x10] =	vst v1;
	v0 =	vmul.f32 v0, v6;
	v6 =	vmul.f32 v7, v11;
	v1 =	vadd.f32 v5, v61  }
0x27f: {  	v3 =	vmul.f32 v3, v10;
	[tilespmem:s13+$0x20] =	vst v2;
	v2 =	vadd.f32 v4, v32  }
0x280: {  	s2 =	sshll.u32 s1, $0x16;
	v0 =	vmul.f32 v0, v9;
	v4 =	vadd.f32 v6, v35;
	[tilespmem:s13+$0x30] =	vst v1  }
0x281: {  	s29 =	sand.u32 $0x400000, s2;
	s6 =	rddreg [dreg:$0x6];
	[tilespmem:s13+$0x40] =	vst v2;
	v1 =	vadd.f32 v3, v14  }
0x282: {  	s2 =	sadd.s32 s6, s29;
	[tilespmem:s13+$0x50] =	vst v4;
	v0 =	vadd.f32 v0, v16  }
0x283: {  	s2 =	sadd.s32 s8, s2;
	[tilespmem:s13+$0x60] =	vst v1  }
0x284: {  	s4 =	simm.s32 $0x200;
	s2 =	sadd.s32 s22, s2;
	[tilespmem:s13+$0x70] =	vst v0;
	s13 =	simm.s32 $0xB  }
0x285: {  	[hbm4b:s2+s30] =	stream.strided.scatter [tilespmem:s4], [sflag:$0x5], $0x4000, s16, s30, $0x38;
	[tilespmem:$0x10A00] =	vst v63  }
0x286: {  	_ =	swait.ge [sflag:s13], $0x80  }
0x287: {  	[sflag:s13] =	ssyncset.done $0x0  }
0x288: {  	s14 =	simm.s32 $0xF;
	[sflag:s13] =	ssyncadd.s32 $0xFFFFFF80  }
0x289: {  	_ =	swait.ge [sflag:s14], $0x80  }
0x28a: {  	[sflag:s14] =	ssyncset.done $0x0  }
0x28b: {  	s17 =	simm.s32 $0x13;
	[sflag:s14] =	ssyncadd.s32 $0xFFFFFF80  }
0x28c: {  	_ =	swait.ge [sflag:s17], $0x80  }
0x28d: {  	[sflag:s17] =	ssyncset.done $0x0  }
0x28e: {  	s2 =	simm.s32 @!p0 $0x7;
	[sflag:s17] =	ssyncadd.s32 $0xFFFFFF80  }
0x28f: {  	s6 =	sor.u32 $0x3, s31;
	_ =	swait.ge @!p0 [sflag:s2], $0x4000  }
0x290: {  	s21 =	sshll.u32 s6, $0x7;
	[sflag:s2] =	ssyncset.done @!p0 $0x0  }
0x291: {  	s19 =	simm.s32 $0x8200;
	[sflag:s2] =	ssyncadd.s32 @!p0 $0xFFFFC000;
	s2 =	sadd.s32 s11, s21  }
0x292: {  	[tilespmem:s19], [sflag:$0x3] =	stream.indirect.gather [hbm4b:s0+s30], $0x80, s23, s30, $0xb8;
	[tilespmem:$0x10A00] =	vst v63  }
0x293: {  	s2 =	sshrl.u32 s2, $0x3  }
0x294: {  	s24 =	simm.s32 $0x10380;
	s23 =	sadd.s32 s9, s2  }
0x295: {  	[tilespmem:s24], [sflag:$0xC] =	stream.linear.gather [hbm4b:s23+s7], $0x80, $0x38;
	[tilespmem:$0x10A00] =	vst v63  }
0x296: {  	s25 =	simm.s32 $0x10700;
	s2 =	sadd.s32 s10, s2  }
0x297: {  	[tilespmem:s25], [sflag:$0x10] =	stream.linear.gather [hbm4b:s2+s7], $0x80, $0x38;
	[tilespmem:$0x10A00] =	vst v63  }
0x298: {  	s26 =	simm.s32 $0x10980;
	s4 =	simm.s32 $0x2  }
0x299: {  	[tilespmem:s26], [sflag:$0x14] =	stream.linear.gather [hbm4b:s28+s7], $0x80, $0x38;
	[tilespmem:$0x10A00] =	vst v63  }
0x29a: {  	_ =	swait.ge [sflag:s4], $0x4000  }
0x29b: {  	[sflag:s4] =	ssyncset.done $0x0  }
0x29c: {  	[sflag:s4] =	ssyncadd.s32 $0xFFFFC000  }
0x29d: {  	v0 =	vld [tilespmem:$0x10880]  }
0x29e: {  	v1 =	vld [tilespmem:$0x0]  }
0x29f: {  	v2 =	vld [tilespmem:$0x10890]  }
0x2a0: {  	v3 =	vld [tilespmem:$0x10]  }
0x2a1: {  	v4 =	vld [tilespmem:$0x108A0]  }
0x2a2: {  	v5 =	vld [tilespmem:$0x20]  }
0x2a3: {  	v6 =	vld [tilespmem:$0x108B0]  }
0x2a4: {  	v7 =	vld [tilespmem:$0x30]  }
0x2a5: {  	v8 =	vld [tilespmem:$0x108C0]  }
0x2a6: {  	s5 =	simm.s32 $0x10502;
	v9 =	vld [tilespmem:$0x40]  }
0x2a7: {  	v10 =	vld [tilespmem:s5+$0x1]  }
0x2a8: {  	v11 =	vld [tilespmem:s5+$0xFFFFFFFF]  }
0x2a9: {  	v12 =	vld [tilespmem:s5+$0x0]  }
0x2aa: {  	v13 =	vld [tilespmem:s5+$0xFFFFFFFE]  }
0x2ab: {  	v14 =	vld [tilespmem:$0x108D0]  }
0x2ac: {  	v15 =	vld [tilespmem:$0x50];
	(v2sf) =	vpush v10, $0x0  }
0x2ad: {  	v16 =	vld [tilespmem:$0x80];
	(v2sf) =	vpush v11, $0x0  }
0x2ae: {  	v17 =	vld [tilespmem:$0x90]  }
0x2af: {  	v18 =	vld [tilespmem:$0xA0];
	(v2sf) =	vpush v12, $0x0  }
0x2b0: {  	v19 =	vld [tilespmem:$0xB0]  }
0x2b1: {  	v20 =	vld [tilespmem:$0xC0];
	(v2sf) =	vpush v13, $0x0  }
0x2b2: {  	v10 =	vld [tilespmem:$0x108E0]  }
0x2b3: {  	v32 =	vadd.f32 v1, v0;
	v1 =	vld [tilespmem:$0xD0]  }
0x2b4: {  	v51 =	vadd.f32 v3, v2;
	v3 =	vld [tilespmem:$0xE0]  }
0x2b5: {  	v57 =	vadd.f32 v5, v4;
	v5 =	vld [tilespmem:$0xF0]  }
0x2b6: {  	v11 =	vld [tilespmem:$0x60]  }
0x2b7: {  	v60 =	vadd.f32 v7, v6;
	v12 =	vld [tilespmem:$0x108F0]  }
0x2b8: {  	s28 =	simm.s32 $0x4300;
	v61 =	vadd.f32 v9, v8;
	v44 =	vadd.f32 v15, v14;
	v13 =	vld [tilespmem:$0x70]  }
0x2b9: {  	v7 =	vld [tilespmem:s28+$0x80];
	v58 =	vadd.f32 v16, v0;
	v62 =	vadd.f32 v17, v2  }
0x2ba: {  	v0 =	vld [tilespmem:s28+$0x90];
	v63 =	vadd.f32 v18, v4;
	v52 =	vadd.f32 v19, v6  }
0x2bb: {  	v33 =	vadd.f32 v20, v8;
	v2 =	vld [tilespmem:s28+$0xA0];
	v34 =	vadd.f32 v1, v14;
	s13 =	spop (v2sf)  }
0x2bc: {  	v21 =	vld [tilespmem:s28+$0xFFFFFF80];
	v35 =	vadd.f32 v3, v10;
	v46 =	vadd.f32 v11, v10;
	s14 =	spop (v2sf);
	p3 =	seq.s32 s13, $0x1  }
0x2bd: {  	v22 =	vld [tilespmem:s28+$0xFFFFFF90];
	v45 =	vadd.f32 v5, v12;
	v48 =	vadd.f32 v13, v12;
	p6 =	seq.s32 s14, $0x1;
	v1 =	vpsel p3, v58, v32  }
0x2be: {  	v4 =	vld [tilespmem:s28+$0xB0];
	s17 =	spop (v2sf);
	v3 =	vpsel p3, v62, v51;
	v6 =	vpsel p6, v58, v32;
	v1 =	vadd.f32 v1, v7  }
0x2bf: {  	v24 =	vld [tilespmem:s28+$0x0];
	p1 =	seq.s32 s17, $0x1;
	v0 =	vadd.f32 v3, v0;
	v8 =	vpsel p6, v62, v51;
	v3 =	vpsel p3, v63, v57  }
0x2c0: {  	v25 =	vld [tilespmem:s28+$0x10];
	s19 =	spop (v2sf);
	v23 =	vpsel p6, v63, v57;
	v11 =	vpsel p1, v58, v32;
	v2 =	vadd.f32 v3, v2  }
0x2c1: {  	v5 =	vld [tilespmem:s28+$0xC0];
	p2 =	seq.s32 s19, $0x1;
	v3 =	vpsel p3, v52, v60;
	v17 =	vpsel p1, v62, v51;
	v6 =	vadd.f32 v6, v21  }
0x2c2: {  	v15 =	vld [tilespmem:s28+$0xFFFFFF00];
	v8 =	vadd.f32 v8, v22;
	v9 =	vpsel p2, v58, v32;
	v7 =	vadd.f32 v0, v1  }
0x2c3: {  	v10 =	vld [tilespmem:s28+$0xD0];
	v12 =	vmul.f32 v1, v1;
	v13 =	vmul.f32 v0, v0;
	v3 =	vadd.f32 v4, v3  }
0x2c4: {  	v4 =	vpsel p3, v33, v61;
	v11 =	vadd.f32 v11, v24;
	v7 =	vadd.f32 v7, v2  }
0x2c5: {  	v16 =	vld [tilespmem:s28+$0xE0];
	v54 =	vadd.f32 v17, v25;
	v12 =	vadd.f32 v13, v12;
	v13 =	vmul.f32 v2, v2  }
0x2c6: {  	v4 =	vadd.f32 v5, v4;
	v5 =	vpsel p3, v34, v44;
	v7 =	vadd.f32 v7, v3  }
0x2c7: {  	v18 =	vld [tilespmem:s28+$0xF0];
	v9 =	vadd.f32 v9, v15;
	v12 =	vadd.f32 v12, v13;
	v13 =	vmul.f32 v3, v3  }
0x2c8: {  	v19 =	vld [tilespmem:s28+$0xFFFFFF10];
	v14 =	vpsel p2, v62, v51;
	v5 =	vadd.f32 v10, v5;
	v10 =	vadd.f32 v7, v4  }
0x2c9: {  	v7 =	vpsel p3, v35, v46;
	v12 =	vadd.f32 v12, v13;
	v13 =	vmul.f32 v4, v4  }
0x2ca: {  	v20 =	vpsel p2, v63, v57;
	v7 =	vadd.f32 v16, v7;
	v10 =	vadd.f32 v10, v5  }
0x2cb: {  	v21 =	vld [tilespmem:s28+$0x20];
	v25 =	vmul.f32 v6, v6;
	v16 =	vpsel p3, v45, v48;
	v13 =	vadd.f32 v12, v13  }
0x2cc: {  	v26 =	vmul.f32 v5, v5;
	v12 =	vadd.f32 v18, v16;
	v18 =	vadd.f32 v10, v7  }
0x2cd: {  	v27 =	vadd.f32 v8, v6;
	v28 =	vmul.f32 v8, v8;
	v10 =	vadd.f32 v14, v19;
	v14 =	vld [tilespmem:s28+$0xFFFFFF20]  }
0x2ce: {  	v30 =	vmul.f32 v11, v11;
	v13 =	vadd.f32 v13, v26;
	v26 =	vadd.f32 v18, v12;
	v18 =	vld [tilespmem:s28+$0xFFFFFFA0];
	[tilespmem:$0x1F7B0] =	vst v11  }
0x2cf: {  	v31 =	vadd.f32 v54, v11;
	v16 =	vpsel p1, v63, v57;
	v15 =	vmul.f32 v7, v7;
	[tilespmem:$0x1F7C0] =	vst v54  }
0x2d0: {  	v22 =	vmul.f32 v9, v9;
	v25 =	vadd.f32 v28, v25;
	v49 =	vadd.f32 v16, v21;
	v29 =	vld [tilespmem:s28+$0xFFFFFF30]  }
0x2d1: {  	v16 =	vpsel p1, v52, v60;
	v13 =	vadd.f32 v13, v15;
	v15 =	vmul.f32 v12, v12  }
0x2d2: {  	v19 =	vpsel p2, v52, v60;
	v31 =	vadd.f32 v31, v49;
	v56 =	vmul.f32 v49, v49  }
0x2d3: {  	v17 =	vmul.f32 v10, v10;
	v24 =	vadd.f32 v13, v15;
	v13 =	vadd.f32 v20, v14;
	v14 =	vld [tilespmem:s28+$0xFFFFFFB0]  }
0x2d4: {  	v15 =	vadd.f32 v10, v9;
	v11 =	vadd.f32 v23, v18;
	v18 =	vmul.f32 v54, v54;
	v23 =	vld [tilespmem:s28+$0x30]  }
0x2d5: {  	v21 =	vadd.f32 v17, v22;
	v55 =	vmul.f32 v13, v13;
	v17 =	vadd.f32 v29, v19;
	v19 =	vld [tilespmem:s28+$0xFFFFFFC0]  }
0x2d6: {  	v20 =	vpsel p6, v52, v60;
	v22 =	vadd.f32 v15, v13;
	v18 =	vadd.f32 v18, v30;
	v30 =	vld [tilespmem:s28+$0xFFFFFF40]  }
0x2d7: {  	v27 =	vadd.f32 v27, v11;
	v28 =	vmul.f32 v11, v11;
	v21 =	vadd.f32 v21, v55  }
0x2d8: {  	v29 =	vpsel p2, v33, v61;
	v15 =	vadd.f32 v14, v20;
	v20 =	vld [tilespmem:s28+$0x40];
	v22 =	vadd.f32 v22, v17  }
0x2d9: {  	v14 =	vpsel p6, v33, v61;
	v25 =	vadd.f32 v25, v28;
	v59 =	vadd.f32 v23, v16  }
0x2da: {  	v37 =	vadd.f32 v18, v56;
	v23 =	vmul.f32 v17, v17;
	v27 =	vadd.f32 v27, v15  }
0x2db: {  	v16 =	vpsel p1, v33, v61;
	v18 =	vadd.f32 v19, v14;
	[tilespmem:$0x1F7D0] =	vst v59;
	v29 =	vadd.f32 v30, v29  }
0x2dc: {  	v47 =	vmul.f32 v15, v15;
	v31 =	vadd.f32 v31, v59;
	v19 =	vadd.f32 v21, v23;
	v28 =	vld [tilespmem:s28+$0xFFFFFF50]  }
0x2dd: {  	v40 =	vmul.f32 v59, v59;
	v39 =	vld [tilespmem:s28+$0xFFFFFFD0];
	v50 =	vadd.f32 v20, v16;
	v20 =	vadd.f32 v22, v29  }
0x2de: {  	v54 =	vld [tilespmem:s28+$0x50];
	v22 =	vadd.f32 v25, v47;
	v25 =	vadd.f32 v27, v18  }
0x2df: {  	v23 =	vld [tilespmem:s28+$0xFFFFFF60];
	v27 =	vmul.f32 v18, v18;
	v30 =	vadd.f32 v37, v40;
	v56 =	vmul.f32 v50, v50  }
0x2e0: {  	v53 =	vpsel p2, v34, v44;
	v14 =	vpsel p6, v34, v44;
	v55 =	vld [tilespmem:s28+$0xFFFFFFE0];
	v31 =	vadd.f32 v31, v50  }
0x2e1: {  	v59 =	vld [tilespmem:s28+$0xFFFFFF70];
	v21 =	vmul.f32 v29, v29;
	v22 =	vadd.f32 v22, v27;
	v27 =	vadd.f32 v30, v56  }
0x2e2: {  	v16 =	vpsel p1, v34, v44;
	v28 =	vadd.f32 v28, v53;
	v47 =	vadd.f32 v39, v14  }
0x2e3: {  	v53 =	vpsel p2, v35, v46;
	v37 =	vadd.f32 v54, v16;
	v16 =	vadd.f32 v19, v21  }
0x2e4: {  	v19 =	vpsel p6, v35, v46;
	v30 =	vadd.f32 v23, v53;
	v20 =	vadd.f32 v20, v28  }
0x2e5: {  	(xrf2) =	vadd.scan.msk.f32 $0xffff, v26;
	v14 =	vld [tilespmem:s28+$0x60];
	v21 =	vpsel p1, v35, v46;
	v54 =	vpsel p2, v45, v48;
	v43 =	vadd.f32 v55, v19  }
0x2e6: {  	v23 =	vld [tilespmem:s28+$0xFFFFFFF0];
	v42 =	vadd.f32 v59, v54;
	v55 =	vmul.f32 v47, v47;
	v20 =	vadd.f32 v20, v30  }
0x2e7: {  	v19 =	vld [tilespmem:s28+$0x70];
	v25 =	vadd.f32 v25, v47;
	v31 =	vadd.f32 v31, v37;
	v56 =	vmul.f32 v37, v37  }
0x2e8: {  	v26 =	vmul.f32 v28, v28;
	v22 =	vadd.f32 v22, v55;
	v20 =	vadd.f32 v20, v42  }
0x2e9: {  	(xrf2) =	vadd.scan.msk.f32 $0xffff, v24;
	v24 =	vmul.f32 v30, v30;
	v25 =	vadd.f32 v25, v43;
	v27 =	vadd.f32 v27, v56  }
0x2ea: {  	v38 =	vadd.f32 v14, v21;
	v14 =	vadd.f32 v16, v26;
	v16 =	vpsel p6, v45, v48;
	(xrf2) =	vadd.scan.msk.f32 $0xffff, v20  }
0x2eb: {  	v21 =	vpsel p1, v45, v48;
	v26 =	vmul.f32 v43, v43;
	v59 =	vadd.f32 v23, v16  }
0x2ec: {  	v39 =	vadd.f32 v19, v21;
	v16 =	vadd.f32 v31, v38;
	v20 =	vmul.f32 v38, v38  }
0x2ed: {  	v19 =	vmul.f32 v42, v42;
	v14 =	vadd.f32 v14, v24;
	v21 =	vadd.f32 v25, v59  }
0x2ee: {  	v25 =	vmul.f32 v39, v39;
	v16 =	vadd.f32 v16, v39;
	v20 =	vadd.f32 v27, v20  }
0x2ef: {  	v22 =	vadd.f32 v22, v26;
	v24, _, _ =	vpop (xrf2);
	v23 =	vmul.f32 v59, v59;
	v14 =	vadd.f32 v14, v19;
	(xrf2) =	vadd.scan.msk.f32 $0xffff, v21  }
0x2f0: {  	(xrf2) =	vadd.scan.msk.f32 $0xffff, v16;
	v16 =	vadd.f32 v20, v25  }
0x2f1: {  	v19 =	vadd.f32 v22, v23  }
0x2f2: {  	(v2sf) =	vpush v24, $0xF;
	(xrf2) =	vadd.scan.msk.f32 $0xffff, v14  }
0x2f3: {  	(xrf2) =	vadd.scan.msk.f32 $0xffff, v19;
	v14, _, _ =	vpop (xrf2)  }
0x2f4: {  	(xrf2) =	vadd.scan.msk.f32 $0xffff, v16;
	(v2sf) =	vpush v14, $0xF;
	v16, _, _ =	vpop (xrf2)  }
0x2f5: {  	(v2sf) =	vpush v16, $0xF;
	_ =	sdelay $0xa  }
0x2f6: {  	v14, _, _ =	vpop (xrf2)  }
0x2f7: {  	s21 =	simm.s32 $0x10506;
	(v2sf) =	vpush v14, $0xF;
	v14, _, _ =	vpop (xrf2);
	s23 =	spop (v2sf)  }
0x2f8: {  	v16 =	vld [tilespmem:s21+$0x1];
	(v2sf) =	vpush v14, $0xF;
	v14, _, _ =	vpop (xrf2);
	s19 =	smul.f32 $7.812500000e-03, s23  }
0x2f9: {  	(v2sf) =	vpush v14, $0xF;
	v14, _, _ =	vpop (xrf2);
	s26 =	spop (v2sf)  }
0x2fa: {  	(v2sf) =	vpush v14, $0xF;
	v24 =	vmov s19;
	s24 =	spop (v2sf)  }
0x2fb: {  	v25 =	vld [tilespmem:s21+$0xFFFFFFFE];
	v14, _, _ =	vpop (xrf2);
	v20 =	vsub.f32 v0, v24;
	v0 =	vsub.f32 v7, v24;
	s5 =	smul.f32 $7.812500000e-03, s24  }
0x2fc: {  	(v2sf) =	vpush v14, $0xF;
	v14 =	vld [tilespmem:s21+$0xFFFFFFFF]  }
0x2fd: {  	(v2sf) =	vpush v16, $0x0;
	v16 =	vld [tilespmem:s21+$0x0];
	[tilespmem:$0x1F7A0] =	vst v0;
	v0 =	vmov s5  }
0x2fe: {  	v40 =	vsub.f32 v1, v24;
	v1 =	vsub.f32 v9, v0;
	_ =	sdelay $0x1  }
0x2ff: {  	[tilespmem:$0x1F7E0] =	vst v1;
	v1 =	vsub.f32 v10, v0;
	_ =	sdelay $0x1  }
0x300: {  	[tilespmem:$0x1F7F0] =	vst v1;
	v1 =	vsub.f32 v13, v0;
	_ =	sdelay $0x1  }
0x301: {  	[tilespmem:$0x1F800] =	vst v1;
	v1 =	vsub.f32 v17, v0;
	_ =	sdelay $0x1  }
0x302: {  	[tilespmem:$0x1F810] =	vst v1;
	v1 =	vsub.f32 v29, v0  }
0x303: {  	s25 =	spop (v2sf)  }
0x304: {  	v21 =	vsub.f32 v2, v24;
	s21 =	smul.f32 $7.812500000e-03, s25;
	[tilespmem:$0x1F820] =	vst v1;
	v1 =	vsub.f32 v28, v0  }
0x305: {  	(v2sf) =	vpush v14, $0x0;
	v2 =	vsub.f32 v30, v0  }
0x306: {  	s13 =	simm.s32 $0x4500;
	(v2sf) =	vpush v16, $0x0;
	v16 =	vsub.f32 v4, v24;
	v4 =	vmov s21;
	[tilespmem:$0x1F830] =	vst v1  }
0x307: {  	v1 =	vld [tilespmem:s13+$0x80];
	[tilespmem:$0x1F840] =	vst v2;
	v2 =	vsub.f32 v6, v4;
	_ =	sdelay $0x1  }
0x308: {  	v42 =	vsub.f32 v42, v0;
	v0 =	vld [tilespmem:s13+$0x90];
	[tilespmem:$0x1F860] =	vst v2;
	v2 =	vsub.f32 v8, v4;
	_ =	sdelay $0x1  }
0x309: {  	[tilespmem:$0x1F870] =	vst v2;
	v2 =	vsub.f32 v11, v4  }
0x30a: {  	(v2sf) =	vpush v25, $0x0  }
0x30b: {  	s2 =	spop (v2sf);
	v6 =	vld [tilespmem:s13+$0xA0];
	[tilespmem:$0x1F880] =	vst v2;
	v2 =	vsub.f32 v15, v4  }
0x30c: {  	s17 =	spop (v2sf)  }
0x30d: {  	s14 =	spop (v2sf);
	[tilespmem:$0x1F890] =	vst v2;
	v2 =	vsub.f32 v18, v4  }
0x30e: {  	s4 =	spop (v2sf)  }
0x30f: {  	s24 =	spop (v2sf);
	[tilespmem:$0x1F8A0] =	vst v2;
	v2 =	vsub.f32 v47, v4  }
0x310: {  	p3 =	seq.s32 s24, $0x1  }
0x311: {  	v19 =	vsub.f32 v5, v24;
	v5 =	vpsel p3, v58, v32;
	[tilespmem:$0x1F8B0] =	vst v2;
	v2 =	vsub.f32 v43, v4  }
0x312: {  	v41 =	vsub.f32 v3, v24;
	v8 =	vpsel p3, v62, v51;
	v36 =	vadd.f32 v5, v1  }
0x313: {  	v3 =	vadd.f32 v8, v0;
	v7 =	vld [tilespmem:s13+$0xB0];
	[tilespmem:$0x1F8C0] =	vst v2;
	v2 =	vsub.f32 v59, v4  }
0x314: {  	v1 =	vld [tilespmem:s13+$0xC0]  }
0x315: {  	v0 =	vpsel p3, v63, v57;
	v8 =	vmul.f32 v36, v36;
	v9 =	vmul.f32 v3, v3;
	[tilespmem:$0x1F8D0] =	vst v2  }
0x316: {  	v23 =	vsub.f32 v12, v24;
	v53 =	vadd.f32 v0, v6;
	v4 =	vld [tilespmem:s13+$0xD0]  }
0x317: {  	s24 =	spop (v2sf);
	v10 =	vadd.f32 v3, v36;
	v0 =	vpsel p3, v52, v60;
	v8 =	vadd.f32 v9, v8;
	[tilespmem:$0x1F850] =	vst v3  }
0x318: {  	s25 =	spop (v2sf);
	v9 =	vmul.f32 v53, v53;
	v13 =	vadd.f32 v7, v0;
	v0 =	vpsel p3, v33, v61;
	v7 =	vld [tilespmem:s13+$0xE0]  }
0x319: {  	s23 =	spop (v2sf);
	v10 =	vadd.f32 v10, v53;
	v54 =	vadd.f32 v1, v0;
	v0 =	vld [tilespmem:s13+$0xF0]  }
0x31a: {  	p4 =	seq.s32 s23, $0x1;
	v11 =	vpsel p3, v34, v44;
	v8 =	vadd.f32 v8, v9;
	v1 =	vld [tilespmem:s13+$0xFFFFFF00];
	v12 =	vmul.f32 v13, v13  }
0x31b: {  	v15 =	vpsel p4, v58, v32;
	v10 =	vadd.f32 v10, v13;
	v22 =	vadd.f32 v4, v11  }
0x31c: {  	v4 =	vld [tilespmem:s13+$0xFFFFFF10];
	v11 =	vpsel p3, v35, v46;
	v8 =	vadd.f32 v8, v12;
	v12 =	vmul.f32 v54, v54  }
0x31d: {  	v17 =	vld [tilespmem:s13+$0xFFFFFF80];
	v10 =	vadd.f32 v10, v54;
	v56 =	vadd.f32 v7, v11;
	v7 =	vpsel p3, v45, v48  }
0x31e: {  	v18 =	vld [tilespmem:s13+$0xFFFFFFA0];
	v8 =	vadd.f32 v8, v12;
	v9 =	vadd.f32 v0, v7;
	v0 =	vmul.f32 v22, v22  }
0x31f: {  	v11 =	vld [tilespmem:s13+$0xFFFFFF90];
	v55 =	vadd.f32 v15, v1;
	v7 =	vadd.f32 v10, v22  }
0x320: {  	v1 =	vld [tilespmem:s13+$0x0];
	v12 =	vmul.f32 v56, v56;
	v0 =	vadd.f32 v8, v0;
	v8 =	vpsel p4, v62, v51  }
0x321: {  	p5 =	seq.s32 s24, $0x1;
	v10 =	vld [tilespmem:s13+$0x10];
	v47 =	vadd.f32 v8, v4;
	v4 =	vadd.f32 v7, v56  }
0x322: {  	v15 =	vld [tilespmem:s13+$0xFFFFFF20];
	[tilespmem:$0x1F6A0] =	vst v32;
	v7 =	vpsel p5, v58, v32;
	v0 =	vadd.f32 v0, v12;
	v12 =	vmul.f32 v9, v9  }
0x323: {  	p6 =	seq.s32 s25, $0x1;
	[tilespmem:$0x1F6B0] =	vst v58;
	v5 =	vadd.f32 v7, v17;
	v17 =	vpsel p5, v62, v51;
	v4 =	vadd.f32 v4, v9  }
0x324: {  	v6 =	vadd.f32 v17, v11;
	v11 =	vpsel p6, v58, v32;
	v17 =	vld [tilespmem:s13+$0x20];
	[tilespmem:$0x1F6C0] =	vst v51;
	v0 =	vadd.f32 v0, v12  }
0x325: {  	[tilespmem:$0x1F6D0] =	vst v62;
	v12 =	vadd.f32 v11, v1;
	v1 =	vpsel p6, v62, v51;
	(xrf2) =	vadd.scan.msk.f32 $0xffff, v4  }
0x326: {  	v8 =	vadd.f32 v1, v10;
	v1 =	vld [tilespmem:s13+$0xFFFFFF30];
	(xrf2) =	vadd.scan.msk.f32 $0xffff, v0;
	v0 =	vpsel p5, v63, v57  }
0x327: {  	v11 =	vpsel p4, v63, v57;
	v58 =	vadd.f32 v0, v18;
	v0 =	vld [tilespmem:s13+$0xFFFFFFB0];
	[tilespmem:$0x1F6E0] =	vst v57  }
0x328: {  	v24 =	vmul.f32 v5, v5;
	v7 =	vadd.f32 v11, v15;
	v11 =	vmul.f32 v55, v55;
	[tilespmem:$0x1F6F0] =	vst v63  }
0x329: {  	v15 =	vmul.f32 v47, v47;
	v25 =	vmul.f32 v6, v6;
	v18 =	vpsel p6, v63, v57;
	[tilespmem:$0x1F8E0] =	vst v5  }
0x32a: {  	[tilespmem:$0x1F8F0] =	vst v6;
	v26 =	vmul.f32 v8, v8;
	v62 =	vadd.f32 v18, v17;
	v17 =	vmul.f32 v12, v12  }
0x32b: {  	v15 =	vadd.f32 v15, v11;
	v18 =	vld [tilespmem:s13+$0x30]  }
0x32c: {  	v24 =	vadd.f32 v25, v24;
	v25 =	vadd.f32 v26, v17;
	v26 =	vpsel p5, v52, v60  }
0x32d: {  	v11 =	vpsel p4, v52, v60;
	v27 =	vmul.f32 v58, v58;
	v57 =	vadd.f32 v0, v26;
	v0 =	vld [tilespmem:s13+$0xFFFFFF40]  }
0x32e: {  	v17 =	vadd.f32 v1, v11;
	v1 =	vmul.f32 v7, v7;
	v26 =	vld [tilespmem:s13+$0xFFFFFFC0];
	[tilespmem:$0x1F700] =	vst v60  }
0x32f: {  	v11 =	vpsel p6, v52, v60;
	v28 =	vmul.f32 v62, v62;
	v24 =	vadd.f32 v24, v27;
	[tilespmem:$0x1F710] =	vst v52  }
0x330: {  	s19 =	smul.f32 s19, s19;
	v1 =	vadd.f32 v15, v1;
	v59 =	vadd.f32 v18, v11;
	v15 =	vld [tilespmem:s13+$0x40];
	v18, _, _ =	vpop (xrf2)  }
0x331: {  	s26 =	smul.f32 $7.812500000e-03, s26;
	v27 =	vmul.f32 v17, v17;
	(v2sf) =	vpush v18, $0xF;
	v18 =	vpsel p4, v33, v61  }
0x332: {  	v25 =	vadd.f32 v25, v28;
	v63 =	vadd.f32 v0, v18;
	v18 =	vpsel p5, v33, v61  }
0x333: {  	s19 =	ssub.f32 s26, s19;
	v28, _, _ =	vpop (xrf2);
	v18 =	vadd.f32 v26, v18;
	v26 =	vadd.f32 v1, v27;
	v1 =	vld [tilespmem:s13+$0xFFFFFFD0];
	v27 =	vmul.f32 v57, v57  }
0x334: {  	v30 =	vpsel p6, v33, v61;
	v31 =	vmul.f32 v59, v59;
	(v2sf) =	vpush v28, $0xF;
	v0 =	vld [tilespmem:s13+$0xFFFFFF50]  }
0x335: {  	v29 =	vld [tilespmem:s13+$0x50];
	v28 =	vmov s19;
	[tilespmem:$0x1F720] =	vst v61;
	v32 =	vadd.f32 v15, v30;
	v24 =	vadd.f32 v24, v27  }
0x336: {  	[tilespmem:$0x1F730] =	vst v33;
	v27 =	vmax.f32 v28, $0.0e+00;
	v28 =	vadd.f32 v25, v31;
	v31 =	vmul.f32 v63, v63  }
0x337: {  	v30 =	vpsel p5, v34, v44;
	v2 =	vld [tilespmem:s13+$0xFFFFFF60];
	v25 =	vpsel p4, v34, v44;
	v27 =	vadd.f32 $9.999999960e-13, v27  }
0x338: {  	v31 =	vadd.f32 v26, v31;
	v26 =	vmul.f32 v18, v18;
	v43 =	vadd.f32 v1, v30;
	v30 =	vld [tilespmem:s13+$0xFFFFFFE0];
	[tilespmem:$0x1F740] =	vst v44  }
0x339: {  	v25 =	vadd.f32 v0, v25;
	v27 =	vbroadcast v27, $0x0;
	[tilespmem:$0x1F750] =	vst v34;
	v44 =	vpsel p6, v34, v44  }
0x33a: {  	v51 =	vmovc v5;
	v0 =	vmul.f32 v32, v32;
	v61 =	vadd.f32 v29, v44;
	v3 =	vld [tilespmem:s13+$0x60];
	v5 =	vadd.f32 v24, v26  }
0x33b: {  	v26 =	vpsel p4, v35, v46;
	v29 =	vshrl.u32 v27, $0x1;
	v27 =	vmul.f32 $5.000000000e-01, v27  }
0x33c: {  	v4 =	vadd.f32 v28, v0;
	v1 =	vmul.f32 v25, v25;
	v24 =	vsub.s32 $0x5F3759DF, v29  }
0x33d: {  	v28 =	vld [tilespmem:s13+$0xFFFFFF70];
	[tilespmem:$0x1F760] =	vst v46;
	v29 =	vadd.f32 v2, v26;
	v2 =	vpsel p5, v35, v46;
	v27 =	vmul.f32 v24, v27  }
0x33e: {  	[tilespmem:$0x1F770] =	vst v35;
	v0 =	vpsel p6, v35, v46;
	v26 =	vadd.f32 v30, v2;
	v2 =	vadd.f32 v31, v1  }
0x33f: {  	v31 =	vmul.f32 v61, v61;
	v14 =	vadd.f32 v3, v0;
	v0 =	vmul.f32 v24, v27;
	v27 =	vld [tilespmem:s13+$0x70]  }
0x340: {  	v3 =	vld [tilespmem:s13+$0xFFFFFFF0]  }
0x341: {  	v31 =	vadd.f32 v4, v31;
	v4 =	vpsel p4, v45, v48;
	v0 =	vsub.f32 $1.500000000e+00, v0  }
0x342: {  	v10 =	vmovc v6;
	v30 =	vmul.f32 v43, v43;
	v1 =	vadd.f32 v47, v55;
	v6 =	vadd.f32 v28, v4  }
0x343: {  	v4 =	vadd.f32 v10, v51;
	v24 =	vmul.f32 v24, v0;
	v0 =	vpsel p6, v45, v48  }
0x344: {  	v28 =	vpsel p5, v45, v48;
	v27 =	vadd.f32 v27, v0;
	v0 =	vmul.f32 v29, v29  }
0x345: {  	v5 =	vadd.f32 v5, v30;
	v30 =	vadd.f32 v3, v28  }
0x346: {  	v3 =	vadd.f32 v4, v58;
	v4 =	vadd.f32 v2, v0;
	v0 =	vmul.f32 v24, v23  }
0x347: {  	v1 =	vadd.f32 v1, v7  }
0x348: {  	[tilespmem:$0x1F930] =	vst v0;
	v0 =	vmul.f32 v26, v26  }
0x349: {  	v1 =	vadd.f32 v1, v17  }
0x34a: {  	v5 =	vadd.f32 v5, v0;
	v0 =	vmul.f32 v24, v20  }
0x34b: {  	v1 =	vadd.f32 v1, v63  }
0x34c: {  	v3 =	vadd.f32 v3, v57;
	[tilespmem:$0x1F980] =	vst v0;
	v0 =	vmul.f32 v24, v21  }
0x34d: {  	v1 =	vadd.f32 v1, v25  }
0x34e: {  	v3 =	vadd.f32 v3, v18;
	[tilespmem:$0x1F990] =	vst v0;
	v0 =	vmul.f32 v24, v41  }
0x34f: {  	s2 =	smul.f32 $7.812500000e-03, s2;
	v2 =	vmul.f32 v24, v40;
	v1 =	vadd.f32 v1, v29  }
0x350: {  	s4 =	smul.f32 $7.812500000e-03, s4;
	v46 =	vadd.f32 v8, v12;
	v3 =	vadd.f32 v3, v43;
	[tilespmem:$0x1F9A0] =	vst v0;
	v0 =	vmul.f32 v24, v16  }
0x351: {  	s23 =	smul.f32 s2, s2;
	[tilespmem:$0x1F970] =	vst v2;
	v1 =	vadd.f32 v1, v6  }
0x352: {  	v2 =	vmul.f32 v24, v19;
	v41 =	vadd.f32 v46, v62;
	[tilespmem:$0x1F9B0] =	vst v0;
	v0 =	vadd.f32 v3, v26  }
0x353: {  	s5 =	smul.f32 s5, s5;
	s4 =	ssub.f32 s4, s23  }
0x354: {  	s17 =	smul.f32 $7.812500000e-03, s17;
	[tilespmem:$0x1F9C0] =	vst v2;
	v2 =	vld [tilespmem:$0x1F7A0];
	(xrf2) =	vadd.scan.msk.f32 $0xffff, v1;
	v1 =	vadd.f32 v41, v59;
	v0 =	vadd.f32 v0, v30  }
0x355: {  	v52 =	vmov s4  }
0x356: {  	s5 =	ssub.f32 s17, s5;
	v1 =	vadd.f32 v1, v32;
	(xrf2) =	vadd.scan.msk.f32 $0xffff, v0;
	v0 =	vmax.f32 v52, $0.0e+00  }
0x357: {  	v0 =	vadd.f32 $9.999999960e-13, v0  }
0x358: {  	[tilespmem:$0x1F790] =	vst v45;
	v45 =	vmov s5;
	v1 =	vadd.f32 v1, v61  }
0x359: {  	v40 =	vmax.f32 v45, $0.0e+00;
	v2 =	vmul.f32 v24, v2;
	v0 =	vbroadcast v0, $0x0  }
0x35a: {  	v40 =	vadd.f32 $9.999999960e-13, v40;
	v1 =	vadd.f32 v1, v14  }
0x35b: {  	[tilespmem:$0x1F9D0] =	vst v2;
	v34 =	vshrl.u32 v0, $0x1;
	v2 =	vmul.f32 $5.000000000e-01, v0;
	v0 =	vmul.f32 v6, v6  }
0x35c: {  	s21 =	smul.f32 s21, s21;
	v60 =	vmul.f32 v14, v14;
	v1 =	vadd.f32 v1, v27  }
0x35d: {  	s14 =	smul.f32 $7.812500000e-03, s14;
	v40 =	vbroadcast v40, $0x0;
	v3 =	vadd.f32 v4, v0  }
0x35e: {  	v31 =	vadd.f32 v31, v60;
	(xrf2) =	vadd.scan.msk.f32 $0xffff, v1  }
0x35f: {  	s14 =	ssub.f32 s14, s21;
	v51 =	vshrl.u32 v40, $0x1;
	v40 =	vmul.f32 $5.000000000e-01, v40;
	v4 =	vmul.f32 v30, v30;
	(xrf2) =	vadd.scan.msk.f32 $0xffff, v3;
	v3 =	vld [tilespmem:$0x1F7D0]  }
0x360: {  	v35 =	vmul.f32 v27, v27;
	v41 =	vsub.s32 $0x5F3759DF, v51  }
0x361: {  	[tilespmem:$0x1F780] =	vst v48;
	v48 =	vmov s14;
	v40 =	vmul.f32 v41, v40;
	v0, _, _ =	vpop (xrf2);
	v4 =	vadd.f32 v5, v4  }
0x362: {  	v44 =	vmax.f32 v48, $0.0e+00;
	v5 =	vadd.f32 v31, v35;
	(v2sf) =	vpush v0, $0xF;
	v31, _, _ =	vpop (xrf2)  }
0x363: {  	s24 =	spop (v2sf);
	v40 =	vmul.f32 v41, v40;
	(v2sf) =	vpush v31, $0xF;
	v31 =	vmov s2  }
0x364: {  	v44 =	vadd.f32 $9.999999960e-13, v44;
	v48 =	vsub.s32 $0x5F3759DF, v34;
	v45 =	vsub.f32 v3, v31;
	v3 =	vld [tilespmem:$0x1F7E0]  }
0x365: {  	v40 =	vsub.f32 $1.500000000e+00, v40;
	v2 =	vmul.f32 v48, v2  }
0x366: {  	v44 =	vbroadcast v44, $0x0  }
0x367: {  	v0 =	vmul.f32 v48, v2;
	v2 =	vmul.f32 v41, v40  }
0x368: {  	v33 =	vshrl.u32 v44, $0x1;
	v44 =	vmul.f32 $5.000000000e-01, v44  }
0x369: {  	v46 =	vsub.s32 $0x5F3759DF, v33;
	v19 =	vmul.f32 v2, v3;
	v3 =	vld [tilespmem:$0x1F7F0]  }
0x36a: {  	v44 =	vmul.f32 v46, v44;
	_ =	sdelay $0x1  }
0x36b: {  	v1 =	vmul.f32 v46, v44;
	(xrf2) =	vadd.scan.msk.f32 $0xffff, v4  }
0x36c: {  	(xrf2) =	vadd.scan.msk.f32 $0xffff, v5;
	v5 =	vld [tilespmem:$0x1F860]  }
0x36d: {  	v1 =	vsub.f32 $1.500000000e+00, v1;
	v15 =	vmul.f32 v2, v3;
	v3 =	vld [tilespmem:$0x1F800];
	_ =	sdelay $0x1  }
0x36e: {  	v1 =	vmul.f32 v46, v1;
	_ =	sdelay $0x1  }
0x36f: {  	v10 =	vmov v12;
	v12 =	vmul.f32 v1, v5;
	v5 =	vld [tilespmem:$0x1F870]  }
0x370: {  	v20 =	vmul.f32 v2, v3;
	v3 =	vld [tilespmem:$0x1F810]  }
0x371: {  	s4 =	smul.f32 $7.812500000e-03, s24;
	_ =	sdelay $0x1  }
0x372: {  	v11 =	vmov v8;
	v8 =	vld [tilespmem:$0x1F7B0];
	v60 =	vmov s4  }
0x373: {  	v34 =	vsub.f32 v13, v60;
	v13 =	vmul.f32 v1, v5;
	v5 =	vld [tilespmem:$0x1F880]  }
0x374: {  	v21 =	vmul.f32 v2, v3;
	v3 =	vld [tilespmem:$0x1F820];
	_ =	sdelay $0x3  }
0x375: {  	v40 =	vsub.f32 v8, v31;
	v8 =	vld [tilespmem:$0x1F7C0];
	v5 =	vmul.f32 v1, v5  }
0x376: {  	v23 =	vmul.f32 v2, v3;
	v3 =	vld [tilespmem:$0x1F830]  }
0x377: {  	[tilespmem:$0x1FA00] =	vst v5;
	v5 =	vld [tilespmem:$0x1F890];
	_ =	sdelay $0x3  }
0x378: {  	v3 =	vmul.f32 v2, v3  }
0x379: {  	v44 =	vsub.f32 v8, v31;
	v8 =	vmul.f32 v1, v5;
	v5 =	vld [tilespmem:$0x1F8A0]  }
0x37a: {  	s25 =	spop (v2sf);
	[tilespmem:$0x1F9E0] =	vst v3;
	v3 =	vld [tilespmem:$0x1F840]  }
0x37b: {  	s5 =	smul.f32 $7.812500000e-03, s25  }
0x37c: {  	s26 =	smul.f32 s4, s4;
	_ =	sdelay $0x1  }
0x37d: {  	s5 =	ssub.f32 s5, s26;
	v16 =	vmul.f32 v2, v42  }
0x37e: {  	v3 =	vmul.f32 v2, v3;
	v2 =	vsub.f32 v9, v60;
	v9 =	vmul.f32 v1, v5;
	v5 =	vld [tilespmem:$0x1F8B0]  }
0x37f: {  	v51 =	vmov s5  }
0x380: {  	v46 =	vsub.f32 v37, v31;
	v37 =	vmax.f32 v51, $0.0e+00  }
0x381: {  	v37 =	vadd.f32 $9.999999960e-13, v37;
	v52, _, _ =	vpop (xrf2)  }
0x382: {  	v35 =	vsub.f32 v53, v60;
	(v2sf) =	vpush v52, $0xF;
	v53, _, _ =	vpop (xrf2)  }
0x383: {  	v37 =	vbroadcast v37, $0x0;
	(v2sf) =	vpush v53, $0xF;
	v53 =	vmul.f32 v1, v5;
	v5 =	vld [tilespmem:$0x1F8C0];
	_ =	sdelay $0x1  }
0x384: {  	v52 =	vshrl.u32 v37, $0x1;
	v37 =	vmul.f32 $5.000000000e-01, v37  }
0x385: {  	v42 =	vsub.s32 $0x5F3759DF, v52  }
0x386: {  	v22 =	vsub.f32 v22, v60;
	v37 =	vmul.f32 v42, v37;
	[tilespmem:$0x1F9F0] =	vst v3;
	v3 =	vld [tilespmem:$0x1F850]  }
0x387: {  	v0 =	vsub.f32 $1.500000000e+00, v0;
	v49 =	vsub.f32 v49, v31;
	v24 =	vmul.f32 v1, v5;
	v5 =	vld [tilespmem:$0x1F8D0]  }
0x388: {  	v4 =	vsub.f32 v50, v31;
	v38 =	vsub.f32 v38, v31;
	v37 =	vmul.f32 v42, v37  }
0x389: {  	v50 =	vsub.f32 v36, v60;
	v36 =	vsub.f32 v54, v60;
	s14 =	spop (v2sf)  }
0x38a: {  	v31 =	vsub.f32 v39, v31;
	v54, _, _ =	vpop (xrf2);
	v37 =	vsub.f32 $1.500000000e+00, v37;
	s2 =	smul.f32 $7.812500000e-03, s14  }
0x38b: {  	v0 =	vmul.f32 v48, v0;
	(v2sf) =	vpush v54, $0xF;
	v41 =	vsub.f32 v3, v60  }
0x38c: {  	v3 =	vsub.f32 v56, v60;
	v56, _, _ =	vpop (xrf2);
	v60 =	vmov s2;
	v1 =	vmul.f32 v1, v5  }
0x38d: {  	(v2sf) =	vpush v56, $0xF;
	v55 =	vsub.f32 v55, v60  }
0x38e: {  	v38 =	vmul.f32 v0, v38;
	v56 =	vsub.f32 v47, v60;
	v54 =	vsub.f32 v7, v60;
	[tilespmem:$0x1FA10] =	vst v1;
	v1 =	vld [tilespmem:$0x1F8E0]  }
0x38f: {  	v39 =	vmul.f32 v0, v49;
	s17 =	spop (v2sf);
	v51 =	vsub.f32 v17, v60;
	v52 =	vsub.f32 v63, v60  }
0x390: {  	s4 =	smul.f32 $7.812500000e-03, s17;
	v17 =	vmul.f32 v42, v37;
	v25 =	vsub.f32 v25, v60;
	v33 =	vsub.f32 v29, v60  }
0x391: {  	v48 =	vsub.f32 v6, v60;
	v29 =	vmul.f32 v0, v40;
	v40 =	vmul.f32 v0, v44  }
0x392: {  	v37 =	vmov s4;
	v63 =	vmul.f32 v0, v45;
	v60 =	vmul.f32 v0, v4  }
0x393: {  	v49 =	vsub.f32 v1, v37;
	v1 =	vmul.f32 v0, v46;
	v0 =	vmul.f32 v0, v31;
	_ =	sdelay $0x1  }
0x394: {  	s19 =	spop (v2sf);
	[tilespmem:$0x1FA30] =	vst v0;
	v0 =	vmul.f32 v17, v34  }
0x395: {  	s5 =	smul.f32 $7.812500000e-03, s19  }
0x396: {  	[tilespmem:$0x1FA40] =	vst v0;
	v0 =	vmul.f32 v17, v22  }
0x397: {  	v45 =	vsub.f32 v18, v37;
	v18 =	vmov s5  }
0x398: {  	[tilespmem:$0x1FA50] =	vst v0;
	v0 =	vsub.f32 v62, v18;
	_ =	sdelay $0x1  }
0x399: {  	[tilespmem:$0x1F900] =	vst v0;
	v0 =	vmul.f32 v17, v3;
	_ =	sdelay $0x1  }
0x39a: {  	[tilespmem:$0x1FA60] =	vst v0;
	v0 =	vsub.f32 v59, v18;
	_ =	sdelay $0x1  }
0x39b: {  	[tilespmem:$0x1F910] =	vst v0;
	v0 =	vsub.f32 v32, v18  }
0x39c: {  	v22 =	vld [tilespmem:$0x1FF70]  }
0x39d: {  	[tilespmem:$0x1F920] =	vst v0;
	v0 =	vld [tilespmem:$0x1F930];
	_ =	sdelay $0x4  }
0x39e: {  	v3 =	vmul.f32 v0, v22;
	v0 =	vsub.f32 v61, v18;
	_ =	sdelay $0x1  }
0x39f: {  	[tilespmem:$0x1F940] =	vst v0;
	v0 =	vsub.f32 v14, v18;
	_ =	sdelay $0x1  }
0x3a0: {  	[tilespmem:$0x1F950] =	vst v0;
	v0 =	vsub.f32 v27, v18  }
0x3a1: {  	v4 =	vld [tilespmem:$0x1FF00]  }
0x3a2: {  	[tilespmem:$0x1F960] =	vst v0;
	v0 =	vld [tilespmem:$0x1F970];
	_ =	sdelay $0x3  }
0x3a3: {  	v59 =	vld [tilespmem:$0x1FF10]  }
0x3a4: {  	v14 =	vmul.f32 v0, v4;
	v0 =	vld [tilespmem:$0x1F980];
	_ =	sdelay $0x2  }
0x3a5: {  	v42 =	vsub.f32 v26, v37;
	v6 =	vmul.f32 v17, v2;
	v26 =	vmul.f32 v17, v50  }
0x3a6: {  	v5 =	vld [tilespmem:$0x1FF20];
	v46 =	vsub.f32 v58, v37;
	v58 =	vmul.f32 v17, v41;
	v31 =	vmul.f32 v17, v35  }
0x3a7: {  	v34 =	vmul.f32 v17, v36;
	v17 =	vmul.f32 v0, v59;
	v0 =	vld [tilespmem:$0x1F990];
	_ =	sdelay $0x2  }
0x3a8: {  	v7 =	vld [tilespmem:$0x1FF30]  }
0x3a9: {  	v28 =	vsub.f32 v30, v37;
	[tilespmem:$0x1FA20] =	vst v1;
	v1 =	vld [tilespmem:$0x1F8F0]  }
0x3aa: {  	v30 =	vsub.f32 v10, v18;
	v41 =	vsub.f32 v11, v18;
	v18 =	vmul.f32 v0, v5;
	v0 =	vld [tilespmem:$0x1F9A0];
	_ =	sdelay $0x2  }
0x3ab: {  	v10 =	vld [tilespmem:$0x1FF90]  }
0x3ac: {  	v47 =	vsub.f32 v1, v37;
	v1 =	vld [tilespmem:$0x1F9B0]  }
0x3ad: {  	v27 =	vmul.f32 v0, v7;
	v0 =	vld [tilespmem:$0x1FF40]  }
0x3ae: {  	v36 =	vld [tilespmem:$0x1FFC0]  }
0x3af: {  	v44 =	vsub.f32 v57, v37;
	v62 =	vld [tilespmem:$0x1FF50]  }
0x3b0: {  	v43 =	vsub.f32 v43, v37;
	v37 =	vld [tilespmem:$0x1FFA0];
	v3 =	vadd.f32 v3, v10  }
0x3b1: {  	v61 =	vld [tilespmem:$0x1FFD0]  }
0x3b2: {  	v32 =	vmul.f32 v1, v0;
	v1 =	vld [tilespmem:$0x1F9C0];
	[tilespmem:s28+$0xF0] =	vst v3  }
0x3b3: {  	v35 =	vld [tilespmem:$0x1FFB0];
	_ =	sdelay $0x3  }
0x3b4: {  	v14 =	vadd.f32 v14, v37  }
0x3b5: {  	v50 =	vld [tilespmem:$0x1FF60];
	v17 =	vadd.f32 v17, v35  }
0x3b6: {  	v2 =	vld [tilespmem:$0x1F9D0];
	[tilespmem:s28+$0x80] =	vst v14  }
0x3b7: {  	[tilespmem:s28+$0x90] =	vst v17  }
0x3b8: {  	v17 =	vld [tilespmem:$0x1FFE0];
	_ =	sdelay $0x2  }
0x3b9: {  	v18 =	vadd.f32 v18, v36;
	_ =	sdelay $0x1  }
0x3ba: {  	v17 =	vadd.f32 v32, v17;
	v32 =	vld [tilespmem:$0x1FFE0];
	[tilespmem:s28+$0xA0] =	vst v18  }
0x3bb: {  	v18 =	vld [tilespmem:$0x1FFF0]  }
0x3bc: {  	v23 =	vmul.f32 v23, v0;
	v14 =	vadd.f32 v27, v61;
	v27 =	vmov v0;
	v0 =	vld [tilespmem:$0x1F9E0];
	_ =	sdelay $0x1  }
0x3bd: {  	v35 =	vld [tilespmem:$0x1FFF0];
	[tilespmem:s28+$0xB0] =	vst v14  }
0x3be: {  	v57 =	vmul.f32 v1, v62;
	v1 =	vld [tilespmem:$0x1F9F0];
	_ =	sdelay $0x1  }
0x3bf: {  	v18 =	vadd.f32 v57, v18;
	v11 =	vmul.f32 v0, v62;
	v0 =	vld [tilespmem:$0x1FF80]  }
0x3c0: {  	[tilespmem:s28+$0xC0] =	vst v17  }
0x3c1: {  	v19 =	vmul.f32 v19, v4;
	[tilespmem:s28+$0xD0] =	vst v18  }
0x3c2: {  	v3 =	vmul.f32 v2, v50;
	v14 =	vmul.f32 v1, v50;
	v1 =	vld [tilespmem:$0x1FA00]  }
0x3c3: {  	v17 =	vadd.f32 v19, v37  }
0x3c4: {  	v3 =	vadd.f32 v3, v0  }
0x3c5: {  	v18 =	vld [tilespmem:$0x1FFB0];
	[tilespmem:s28+$0xFFFFFF00] =	vst v17  }
0x3c6: {  	[tilespmem:s28+$0xE0] =	vst v3  }
0x3c7: {  	v2 =	vmul.f32 v21, v7;
	v19 =	vmul.f32 v1, v5;
	v1 =	vld [tilespmem:$0x1FA10]  }
0x3c8: {  	v20 =	vmul.f32 v20, v5  }
0x3c9: {  	v15 =	vmul.f32 v15, v59;
	v57 =	vmul.f32 v8, v7;
	v8 =	vadd.f32 v2, v61  }
0x3ca: {  	v3 =	vadd.f32 v20, v36  }
0x3cb: {  	v21 =	vmov v22;
	v15 =	vadd.f32 v15, v18;
	[tilespmem:s28+$0xFFFFFF30] =	vst v8  }
0x3cc: {  	[tilespmem:s28+$0xFFFFFF20] =	vst v3;
	v18 =	vmul.f32 v1, v21;
	v1 =	vadd.f32 v23, v32  }
0x3cd: {  	[tilespmem:s28+$0xFFFFFF10] =	vst v15  }
0x3ce: {  	[tilespmem:s28+$0xFFFFFF40] =	vst v1  }
0x3cf: {  	v1 =	vadd.f32 v14, v0;
	v0 =	vld [tilespmem:$0x1FA20];
	_ =	sdelay $0x1  }
0x3d0: {  	v3 =	vadd.f32 v11, v35  }
0x3d1: {  	v16 =	vmul.f32 v16, v22;
	v6 =	vmul.f32 v6, v21  }
0x3d2: {  	v20 =	vmul.f32 v9, v27;
	v9 =	vmov v62;
	v15 =	vmul.f32 v38, v50;
	v38 =	vld [tilespmem:$0x1FFB0];
	[tilespmem:s28+$0xFFFFFF50] =	vst v3  }
0x3d3: {  	v22 =	vmul.f32 v53, v62;
	v62 =	vmov v21;
	v21 =	vmul.f32 v0, v9;
	v0 =	vld [tilespmem:$0x1FA30]  }
0x3d4: {  	s21 =	spop (v2sf);
	v6 =	vadd.f32 v6, v10  }
0x3d5: {  	s14 =	smul.f32 $7.812500000e-03, s21  }
0x3d6: {  	s2 =	smul.f32 s2, s2;
	v12 =	vmul.f32 v12, v4;
	v3 =	vadd.f32 v16, v10;
	[tilespmem:s13+$0xF0] =	vst v6  }
0x3d7: {  	s23 =	spop (v2sf);
	s4 =	smul.f32 s4, s4;
	[tilespmem:s28+$0xFFFFFF60] =	vst v1  }
0x3d8: {  	s2 =	ssub.f32 s14, s2;
	s14 =	smul.f32 $7.812500000e-03, s23;
	v13 =	vmul.f32 v13, v59;
	v1 =	vld [tilespmem:$0x1FA40];
	[tilespmem:s28+$0xFFFFFF70] =	vst v3;
	v62 =	vmul.f32 v0, v62;
	v0 =	vadd.f32 v12, v37  }
0x3d9: {  	v24 =	vmul.f32 v24, v50;
	v53 =	vmul.f32 v39, v5;
	v3 =	vld [tilespmem:$0x1FA50]  }
0x3da: {  	s24 =	ssub.f32 s14, s4;
	v2 =	vmul.f32 v40, v59;
	v17 =	vmul.f32 v29, v4;
	[tilespmem:s28+$0xFFFFFF80] =	vst v0  }
0x3db: {  	v8 =	vmul.f32 v31, v5;
	v23 =	vmul.f32 v63, v7;
	v0 =	vld [tilespmem:$0x1FA60]  }
0x3dc: {  	v11 =	vmov s24;
	v63 =	vmul.f32 v60, v27;
	v60 =	vmul.f32 v58, v59  }
0x3dd: {  	v6 =	vmul.f32 v1, v7;
	v1 =	vmov s2;
	v7 =	vadd.f32 v13, v38  }
0x3de: {  	s5 =	smul.f32 s5, s5;
	s25 =	spop (v2sf);
	v3 =	vmul.f32 v3, v9;
	v1 =	vmax.f32 v1, $0.0e+00;
	v9 =	vadd.f32 v19, v36  }
0x3df: {  	s26 =	smul.f32 $7.812500000e-03, s25;
	v10 =	vmul.f32 v26, v4;
	v4 =	vmul.f32 v34, v27;
	v1 =	vadd.f32 $9.999999960e-13, v1;
	[tilespmem:s28+$0xFFFFFF90] =	vst v7  }
0x3e0: {  	s4 =	simm.s32 $0x4;
	v7 =	vadd.f32 v57, v61;
	[tilespmem:s28+$0xFFFFFFA0] =	vst v9;
	v9 =	vmax.f32 v11, $0.0e+00;
	v50 =	vmul.f32 v0, v50  }
0x3e1: {  	s14 =	ssub.f32 s26, s5;
	s5 =	simm.s32 $0x1050A;
	s2 =	simm.s32 $0x4500;
	v5 =	vbroadcast v1, $0x0;
	v1 =	vadd.f32 v22, v35;
	v0 =	vadd.f32 v20, v32  }
.LBB2_5:
0x3e2: {  	[tilespmem:$0x1F5E0] =	vst v50;
	v50 =	vld [tilespmem:$0x1FF80]  }
0x3e3: {  	v11 =	vld [tilespmem:s5+$0x1]  }
0x3e4: {  	v16 =	vld [tilespmem:$0x1FF90];
	[tilespmem:s28+$0xFFFFFFB0] =	vst v7;
	v13 =	vshrl.u32 v5, $0x1;
	v5 =	vmul.f32 $5.000000000e-01, v5;
	v14 =	vmov s14  }
0x3e5: {  	v9 =	vadd.f32 $9.999999960e-13, v9;
	v12 =	vld [tilespmem:s5+$0xFFFFFFFF];
	v13 =	vsub.s32 $0x5F3759DF, v13;
	v14 =	vmax.f32 v14, $0.0e+00  }
0x3e6: {  	[tilespmem:s28+$0xFFFFFFC0] =	vst v0;
	v0 =	vld [tilespmem:s5+$0x0];
	v5 =	vmul.f32 v13, v5;
	v14 =	vadd.f32 $9.999999960e-13, v14  }
0x3e7: {  	v17 =	vadd.f32 v17, v37;
	v9 =	vbroadcast v9, $0x0;
	v7 =	vadd.f32 v24, v50  }
0x3e8: {  	[tilespmem:s28+$0xFFFFFFD0] =	vst v1;
	v1 =	vld [tilespmem:s5+$0xFFFFFFFE];
	(v2sf) =	vpush v11, $0x0;
	v14 =	vbroadcast v14, $0x0;
	v5 =	vmul.f32 v13, v5  }
0x3e9: {  	[tilespmem:s28+$0xFFFFFFE0] =	vst v7;
	v7 =	vadd.f32 v18, v16;
	v18 =	vmovc v16;
	v16 =	vshrl.u32 v9, $0x1;
	v9 =	vmul.f32 $5.000000000e-01, v9  }
0x3ea: {  	(v2sf) =	vpush v12, $0x0;
	v5 =	vsub.f32 $1.500000000e+00, v5;
	v11 =	vsub.s32 $0x5F3759DF, v16  }
0x3eb: {  	v2 =	vadd.f32 v2, v38;
	(v2sf) =	vpush v0, $0x0;
	[tilespmem:s28+$0xFFFFFFF0] =	vst v7;
	v7 =	vmul.f32 v11, v9  }
0x3ec: {  	v22 =	vld [tilespmem:$0x1F6C0];
	v0 =	vshrl.u32 v14, $0x1;
	v9 =	vmul.f32 $5.000000000e-01, v14;
	v5 =	vmul.f32 v13, v5  }
0x3ed: {  	v31 =	vld [tilespmem:$0x1F6E0];
	(v2sf) =	vpush v1, $0x0;
	v0 =	vsub.s32 $0x5F3759DF, v0;
	v1 =	vmul.f32 v11, v7  }
0x3ee: {  	v57 =	vld [tilespmem:$0x1F6F0];
	[tilespmem:s28+$0x10] =	vst v2;
	v2 =	vadd.f32 v23, v61;
	v7 =	vmul.f32 v0, v9;
	v58 =	vmul.f32 v5, v55  }
0x3ef: {  	s13 =	sadd.s32 $0x200, s13;
	v40 =	vld [tilespmem:$0x1F720];
	[tilespmem:s28+$0x0] =	vst v17;
	v9 =	vadd.f32 v53, v36;
	v55 =	vmul.f32 v5, v56;
	v54 =	vmul.f32 v5, v54  }
0x3f0: {  	v34 =	vld [tilespmem:s13+$0xFFFFFF10];
	[tilespmem:s28+$0x30] =	vst v2;
	v2 =	vmul.f32 v5, v33;
	v1 =	vsub.f32 $1.500000000e+00, v1;
	v7 =	vmul.f32 v0, v7  }
0x3f1: {  	v23 =	vld [tilespmem:$0x1F6D0];
	v53 =	vmul.f32 v5, v51;
	v52 =	vmul.f32 v5, v52;
	[tilespmem:s28+$0x20] =	vst v9;
	v9 =	vadd.f32 v63, v32  }
0x3f2: {  	v16 =	vld [tilespmem:s13+$0xFFFFFF90];
	[tilespmem:$0x1F5F0] =	vst v2;
	v1 =	vmul.f32 v11, v1;
	v11 =	vadd.f32 v21, v35;
	v7 =	vsub.f32 $1.500000000e+00, v7  }
0x3f3: {  	v14 =	vld [tilespmem:$0x1F6B0];
	v56 =	vmul.f32 v5, v25;
	v48 =	vmul.f32 v5, v48;
	[tilespmem:s28+$0x40] =	vst v9;
	v9 =	vadd.f32 v15, v50  }
0x3f4: {  	v5 =	vadd.f32 v60, v38;
	v38 =	vld [tilespmem:$0x1F740];
	v12 =	vmul.f32 v0, v7;
	[tilespmem:s28+$0x50] =	vst v11;
	v0 =	vadd.f32 v62, v18  }
0x3f5: {  	[tilespmem:s28+$0x60] =	vst v9;
	v9 =	vld [tilespmem:s13+$0x80];
	v2 =	vmul.f32 v1, v45  }
0x3f6: {  	v7 =	vadd.f32 v10, v37;
	v49 =	vmul.f32 v1, v49;
	v47 =	vmul.f32 v1, v47;
	v11 =	vld [tilespmem:s13+$0xFFFFFF00];
	[tilespmem:s28+$0x70] =	vst v0  }
0x3f7: {  	v46 =	vmul.f32 v1, v46;
	v44 =	vmul.f32 v1, v44;
	v10 =	vld [tilespmem:$0x1F6A0];
	s28 =	smov.u32 s2;
	[tilespmem:$0x1F600] =	vst v2  }
0x3f8: {  	v42 =	vmul.f32 v1, v42;
	v0 =	vld [tilespmem:s13+$0x90];
	v2 =	vmul.f32 v1, v43;
	[tilespmem:s28+$0x80] =	vst v7  }
0x3f9: {  	v37 =	vld [tilespmem:$0x1F710];
	v43 =	vmul.f32 v1, v28;
	v1 =	vmul.f32 v12, v30;
	[tilespmem:s28+$0x90] =	vst v5  }
0x3fa: {  	v30 =	vld [tilespmem:$0x1F730];
	v7 =	vadd.f32 v8, v36;
	[tilespmem:$0x1F610] =	vst v2  }
0x3fb: {  	v5 =	vadd.f32 v6, v61;
	s25 =	spop (v2sf);
	v36 =	vld [tilespmem:$0x1F760];
	[tilespmem:$0x1F620] =	vst v1  }
0x3fc: {  	v4 =	vadd.f32 v4, v32;
	v62 =	vmul.f32 v12, v41;
	v6 =	vld [tilespmem:s13+$0xA0];
	p4 =	seq.s32 s25, $0x1;
	[tilespmem:s28+$0xA0] =	vst v7;
	s26 =	spop (v2sf)  }
0x3fd: {  	v1 =	vadd.f32 v3, v35;
	v35 =	vld [tilespmem:$0x1F700];
	[tilespmem:s28+$0xB0] =	vst v5;
	v3 =	vpsel p4, v14, v10;
	v5 =	vpsel p4, v23, v22;
	p1 =	seq.s32 s26, $0x1;
	s17 =	spop (v2sf)  }
0x3fe: {  	v8 =	vld [tilespmem:s13+$0xB0];
	[tilespmem:s28+$0xC0] =	vst v4;
	v63 =	vadd.f32 v3, v9;
	v13 =	vpsel p1, v14, v10;
	v45 =	vadd.f32 v5, v0;
	s19 =	spop (v2sf)  }
0x3ff: {  	v2 =	vld [tilespmem:$0x1F770];
	[tilespmem:s28+$0xD0] =	vst v1;
	p2 =	seq.s32 s17, $0x1;
	v1 =	vpsel p1, v23, v22;
	v0 =	vpsel p4, v57, v31;
	v26 =	vpsel p1, v57, v31;
	p3 =	seq.s32 s19, $0x1  }
0x400: {  	v9 =	vld [tilespmem:s13+$0xC0];
	v32 =	vpsel p2, v14, v10;
	v59 =	vadd.f32 v1, v16;
	v14 =	vpsel p3, v14, v10  }
0x401: {  	v7 =	vld [tilespmem:$0x1F750];
	v61 =	vadd.f32 v0, v6;
	v6 =	vmul.f32 v63, v63;
	v15 =	vmul.f32 v45, v45  }
0x402: {  	v0 =	vadd.f32 v45, v63;
	v4 =	vpsel p4, v37, v35;
	v10 =	vld [tilespmem:s13+$0xD0];
	v17 =	vpsel p3, v23, v22  }
0x403: {  	v3 =	vld [tilespmem:$0x1F790];
	v60 =	vadd.f32 v8, v4;
	v15 =	vadd.f32 v15, v6;
	v20 =	vmul.f32 v61, v61  }
0x404: {  	v19 =	vld [tilespmem:s13+$0xE0];
	v24 =	vpsel p3, v57, v31;
	v0 =	vadd.f32 v0, v61;
	v8 =	vpsel p4, v30, v40  }
0x405: {  	v5 =	vld [tilespmem:$0x1F780];
	v6 =	vadd.f32 v9, v8;
	v15 =	vadd.f32 v15, v20;
	v20 =	vmul.f32 v60, v60  }
0x406: {  	v31 =	vpsel p2, v57, v31;
	v8 =	vpsel p4, v7, v38;
	v9 =	vld [tilespmem:s13+$0xF0];
	v0 =	vadd.f32 v0, v60  }
0x407: {  	v39 =	vld [tilespmem:s13+$0xFFFFFF80];
	v8 =	vadd.f32 v10, v8;
	v15 =	vadd.f32 v15, v20;
	v20 =	vmul.f32 v6, v6  }
0x408: {  	v18 =	vld [tilespmem:s13+$0x0];
	v51 =	vadd.f32 v14, v11;
	v10 =	vpsel p4, v2, v36;
	v0 =	vadd.f32 v0, v6  }
0x409: {  	v10 =	vadd.f32 v19, v10;
	v29 =	vmul.f32 v8, v8;
	v20 =	vadd.f32 v15, v20  }
0x40a: {  	v25 =	vld [tilespmem:s13+$0xFFFFFFA0];
	v57 =	vadd.f32 v17, v34;
	v28 =	vpsel p4, v3, v5;
	v0 =	vadd.f32 v0, v8  }
0x40b: {  	v21 =	vld [tilespmem:s13+$0x10];
	v15 =	vadd.f32 v9, v28;
	v11 =	vadd.f32 v20, v29;
	v20 =	vmul.f32 v10, v10  }
0x40c: {  	v22 =	vpsel p2, v23, v22;
	v23 =	vld [tilespmem:s13+$0xFFFFFF20];
	v9 =	vadd.f32 v0, v10;
	v29 =	vadd.f32 v13, v39  }
0x40d: {  	v27 =	vld [tilespmem:s13+$0x20];
	[tilespmem:$0x1F660] =	vst v59;
	v13 =	vmul.f32 v15, v15;
	v39 =	vadd.f32 v32, v18;
	v11 =	vadd.f32 v11, v20  }
0x40e: {  	v41 =	vld [tilespmem:s13+$0xFFFFFFB0];
	[tilespmem:$0x1F630] =	vst v51;
	v28 =	vmul.f32 v57, v57;
	v0 =	vpsel p3, v37, v35;
	v9 =	vadd.f32 v9, v15  }
0x40f: {  	[tilespmem:$0x1F650] =	vst v29;
	v20 =	vmul.f32 v51, v51;
	v33 =	vmul.f32 v39, v39;
	v1 =	vadd.f32 v11, v13  }
0x410: {  	v19 =	vld [tilespmem:s13+$0xFFFFFF30];
	(xrf2) =	vadd.scan.msk.f32 $0xffff, v9;
	v9 =	vadd.f32 v22, v21;
	v11 =	vadd.f32 v57, v51;
	v13 =	vmul.f32 v29, v29  }
0x411: {  	v17 =	vld [tilespmem:s13+$0xFFFFFF40];
	v22 =	vadd.f32 v59, v29;
	v29 =	vmul.f32 v59, v59;
	v51 =	vadd.f32 v24, v23;
	(xrf2) =	vadd.scan.msk.f32 $0xffff, v1  }
0x412: {  	[tilespmem:$0x1F640] =	vst v57;
	v59 =	vadd.f32 v26, v25;
	v25 =	vpsel p1, v37, v35;
	v57 =	vadd.f32 v31, v27  }
0x413: {  	v14 =	vld [tilespmem:s13+$0x30];
	v27 =	vpsel p2, v37, v35;
	v20 =	vadd.f32 v28, v20;
	v41 =	vadd.f32 v41, v25  }
0x414: {  	v25 =	vpsel p1, v30, v40;
	v34 =	vadd.f32 v9, v39;
	v24 =	vmul.f32 v9, v9  }
0x415: {  	v16 =	vld [tilespmem:s13+$0x40];
	[tilespmem:$0x1F670] =	vst v39;
	v28 =	vadd.f32 v11, v51;
	v39 =	vadd.f32 v19, v0;
	v19 =	vpsel p3, v30, v40  }
0x416: {  	v31 =	vmul.f32 v51, v51;
	v29 =	vadd.f32 v29, v13;
	v19 =	vadd.f32 v17, v19  }
0x417: {  	v4 =	vld [tilespmem:s13+$0xFFFFFFC0];
	v37 =	vmul.f32 v59, v59;
	v24 =	vadd.f32 v24, v33;
	v33 =	vadd.f32 v34, v57  }
0x418: {  	v18 =	vld [tilespmem:s13+$0xFFFFFF50];
	[tilespmem:$0x1F690] =	vst v57;
	v34 =	vmul.f32 v57, v57;
	v57 =	vadd.f32 v14, v27;
	v27 =	vpsel p2, v30, v40  }
0x419: {  	v21 =	vld [tilespmem:s13+$0xFFFFFFD0];
	v20 =	vadd.f32 v20, v31;
	v28 =	vadd.f32 v28, v39;
	v30 =	vmul.f32 v39, v39  }
0x41a: {  	v32 =	vld [tilespmem:s13+$0x50];
	v29 =	vadd.f32 v29, v37;
	v40 =	vadd.f32 v16, v27;
	v14, _, _ =	vpop (xrf2)  }
0x41b: {  	v17 =	vpsel p1, v7, v38;
	v30 =	vadd.f32 v20, v30;
	(v2sf) =	vpush v14, $0xF;
	v14, _, _ =	vpop (xrf2)  }
0x41c: {  	v37 =	vpsel p3, v7, v38;
	v27 =	vadd.f32 v28, v19;
	(v2sf) =	vpush v14, $0xF  }
0x41d: {  	v0 =	vld [tilespmem:s13+$0x70];
	v28 =	vmul.f32 v19, v19;
	v14 =	vadd.f32 v4, v25;
	v25 =	vadd.f32 v18, v37  }
0x41e: {  	v16 =	vpsel p2, v7, v38;
	v20 =	vadd.f32 v21, v17  }
0x41f: {  	v16 =	vadd.f32 v32, v16;
	v17 =	vadd.f32 v30, v28;
	v32 =	vmul.f32 v25, v25  }
0x420: {  	v26 =	vld [tilespmem:s13+$0xFFFFFFE0];
	v22 =	vadd.f32 v22, v59  }
0x421: {  	v1 =	vld [tilespmem:s13+$0xFFFFFFF0];
	v31 =	vmul.f32 v41, v41;
	v17 =	vadd.f32 v17, v32;
	v32 =	vpsel p2, v3, v5  }
0x422: {  	v22 =	vadd.f32 v22, v41;
	v13 =	vadd.f32 v0, v32;
	v0 =	vld [tilespmem:$0x1F900]  }
0x423: {  	v23 =	vld [tilespmem:s13+$0xFFFFFF60];
	v24 =	vadd.f32 v24, v34;
	v29 =	vadd.f32 v29, v31;
	v31 =	vmul.f32 v14, v14  }
0x424: {  	v34 =	vmul.f32 v57, v57;
	v33 =	vadd.f32 v33, v57;
	v21 =	vpsel p1, v2, v36  }
0x425: {  	v35 =	vld [tilespmem:s13+$0x60];
	v26 =	vadd.f32 v26, v21;
	v37 =	vmul.f32 v20, v20;
	v29 =	vadd.f32 v29, v31  }
0x426: {  	v21 =	vpsel p1, v3, v5;
	v24 =	vadd.f32 v24, v34;
	v34 =	vpsel p3, v2, v36  }
0x427: {  	v37 =	vadd.f32 v29, v37;
	v29 =	vadd.f32 v1, v21;
	v21 =	vmul.f32 v12, v0;
	v0 =	vld [tilespmem:$0x1F910]  }
0x428: {  	[tilespmem:$0x1F680] =	vst v9;
	v9 =	vld [tilespmem:s13+$0xFFFFFF70];
	v28 =	vadd.f32 v23, v34;
	v22 =	vadd.f32 v22, v14  }
0x429: {  	v30 =	vpsel p2, v2, v36;
	v18 =	vadd.f32 v33, v40;
	v33 =	vmul.f32 v40, v40  }
0x42a: {  	v31 =	vadd.f32 v22, v20;
	v22 =	vadd.f32 v35, v30;
	v35 =	vmul.f32 v28, v28  }
0x42b: {  	v27 =	vadd.f32 v27, v25;
	v24 =	vadd.f32 v24, v33  }
0x42c: {  	v33 =	vpsel p3, v3, v5;
	v17 =	vadd.f32 v17, v35;
	v35 =	vmul.f32 v12, v0;
	v0 =	vld [tilespmem:$0x1F920]  }
0x42d: {  	v34 =	vadd.f32 v27, v28;
	v30 =	vadd.f32 v9, v33;
	_ =	sdelay $0x1  }
0x42e: {  	v18 =	vadd.f32 v18, v16;
	v36 =	vadd.f32 v34, v30  }
0x42f: {  	v31 =	vadd.f32 v31, v26  }
0x430: {  	v18 =	vadd.f32 v18, v22;
	(xrf2) =	vadd.scan.msk.f32 $0xffff, v36;
	v36 =	vmul.f32 v12, v0;
	v0 =	vld [tilespmem:$0x1F940]  }
0x431: {  	v31 =	vadd.f32 v31, v29  }
0x432: {  	v5 =	vld [tilespmem:$0x1FF00];
	v18 =	vadd.f32 v18, v13  }
0x433: {  	v27 =	vmul.f32 v26, v26;
	(xrf2) =	vadd.scan.msk.f32 $0xffff, v31  }
0x434: {  	(xrf2) =	vadd.scan.msk.f32 $0xffff, v18;
	v18 =	vld [tilespmem:$0x1FFA0]  }
0x435: {  	v27 =	vadd.f32 v37, v27;
	v37 =	vmul.f32 v12, v0;
	v0 =	vld [tilespmem:$0x1F950];
	_ =	sdelay $0x1  }
0x436: {  	v31 =	vmul.f32 v58, v5  }
0x437: {  	v11 =	vld [tilespmem:$0x1FF10];
	v38 =	vmul.f32 v29, v29  }
0x438: {  	v18 =	vadd.f32 v31, v18;
	v31 =	vld [tilespmem:$0x1FFB0]  }
0x439: {  	v27 =	vadd.f32 v27, v38;
	v38 =	vmul.f32 v12, v0;
	v0 =	vld [tilespmem:$0x1F960];
	_ =	sdelay $0x2  }
0x43a: {  	v2 =	vmul.f32 v55, v11;
	v33 =	vmul.f32 v30, v30  }
0x43b: {  	v23 =	vmul.f32 v16, v16;
	s21 =	spop (v2sf)  }
0x43c: {  	v17 =	vadd.f32 v17, v33;
	s14 =	smul.f32 $7.812500000e-03, s21;
	s17 =	spop (v2sf);
	v2 =	vadd.f32 v2, v31;
	v33 =	vmul.f32 v12, v0;
	v12 =	vld [tilespmem:$0x1FF20]  }
0x43d: {  	s17 =	smul.f32 $7.812500000e-03, s17;
	v0 =	vld [tilespmem:$0x1F5E0]  }
0x43e: {  	v23 =	vadd.f32 v24, v23;
	v24 =	vmul.f32 v22, v22;
	s19 =	smul.f32 s14, s14;
	[tilespmem:s28+$0xFFFFFF10] =	vst v2;
	v2 =	vld [tilespmem:$0x1FFC0];
	_ =	sdelay $0x1  }
0x43f: {  	v23 =	vadd.f32 v23, v24;
	v24 =	vmul.f32 v13, v13;
	s17 =	ssub.f32 s17, s19  }
0x440: {  	v9 =	vld [tilespmem:$0x1FF50];
	v32 =	vmul.f32 v54, v12  }
0x441: {  	v1 =	vld [tilespmem:$0x1FF40];
	v23 =	vadd.f32 v23, v24;
	v24 =	vmov s17;
	v58 =	vadd.f32 v0, v50  }
0x442: {  	v24 =	vmax.f32 v24, $0.0e+00;
	v0 =	vld [tilespmem:$0x1F5F0];
	v2 =	vadd.f32 v32, v2  }
0x443: {  	v24 =	vadd.f32 $9.999999960e-13, v24;
	[tilespmem:s28+$0xE0] =	vst v58;
	v58 =	vld [tilespmem:$0x1FF60]  }
0x444: {  	[tilespmem:s28+$0xFFFFFF20] =	vst v2;
	v2 =	vld [tilespmem:$0x1FFE0]  }
0x445: {  	v7 =	vld [tilespmem:$0x1FF30];
	v24 =	vbroadcast v24, $0x0  }
0x446: {  	v52 =	vmul.f32 v52, v1;
	[tilespmem:s28+$0xFFFFFF00] =	vst v18;
	v18, _, _ =	vpop (xrf2)  }
0x447: {  	(v2sf) =	vpush v18, $0xF;
	v18 =	vld [tilespmem:$0x1FFD0];
	v31 =	vshrl.u32 v24, $0x1;
	v24 =	vmul.f32 $5.000000000e-01, v24  }
0x448: {  	v54 =	vmul.f32 v56, v9;
	v56 =	vsub.s32 $0x5F3759DF, v31;
	v55 =	vmul.f32 v0, v58;
	v0 =	vld [tilespmem:$0x1FF70]  }
0x449: {  	(xrf2) =	vadd.scan.msk.f32 $0xffff, v17;
	v17 =	vmul.f32 v56, v24;
	v52 =	vadd.f32 v52, v2;
	v2 =	vld [tilespmem:$0x1F610]  }
0x44a: {  	v53 =	vmul.f32 v53, v7  }
0x44b: {  	(xrf2) =	vadd.scan.msk.f32 $0xffff, v27;
	v17 =	vmul.f32 v56, v17  }
0x44c: {  	v18 =	vadd.f32 v53, v18  }
0x44d: {  	v31 =	vmul.f32 v44, v7;
	v53 =	vsub.f32 $1.500000000e+00, v17  }
0x44e: {  	[tilespmem:s28+$0xFFFFFF30] =	vst v18;
	v18 =	vmul.f32 v43, v0;
	v43 =	vmov s14;
	v27 =	vmul.f32 v2, v9;
	v2 =	vld [tilespmem:$0x1F620]  }
0x44f: {  	v44, _, _ =	vpop (xrf2);
	(xrf2) =	vadd.scan.msk.f32 $0xffff, v23;
	v23 =	vmul.f32 v56, v53;
	v56 =	vsub.f32 v63, v43;
	v15 =	vsub.f32 v15, v43  }
0x450: {  	v24 =	vmul.f32 v42, v58  }
0x451: {  	v15 =	vmul.f32 v23, v15;
	v42 =	vmul.f32 v23, v56;
	v56 =	vld [tilespmem:$0x1FF90]  }
0x452: {  	(v2sf) =	vpush v44, $0xF  }
0x453: {  	v6 =	vsub.f32 v6, v43;
	v17 =	vmul.f32 v2, v5;
	v2 =	vmul.f32 v62, v11;
	v62, _, _ =	vpop (xrf2)  }
0x454: {  	v53 =	vmul.f32 v21, v12;
	v63 =	vmul.f32 v15, v0;
	(v2sf) =	vpush v62, $0xF;
	v21, _, _ =	vpop (xrf2)  }
0x455: {  	v4 =	vsub.f32 v60, v43;
	v44 =	vmul.f32 v23, v6;
	(v2sf) =	vpush v21, $0xF;
	v15, _, _ =	vpop (xrf2)  }
0x456: {  	v6 =	vadd.f32 v63, v56;
	(v2sf) =	vpush v15, $0xF;
	v15 =	vmul.f32 v38, v58;
	v38 =	vld [tilespmem:$0x1FFB0]  }
0x457: {  	v48 =	vmul.f32 v48, v0;
	v62 =	vmul.f32 v33, v0;
	v0 =	vld [tilespmem:$0x1F630]  }
0x458: {  	s23 =	spop (v2sf);
	v4 =	vmul.f32 v23, v4;
	[tilespmem:s13+$0xF0] =	vst v6;
	v6 =	vadd.f32 v55, v50  }
0x459: {  	v47 =	vmul.f32 v47, v11;
	s14 =	smul.f32 $7.812500000e-03, s23;
	v21 =	vld [tilespmem:$0x1FFF0]  }
0x45a: {  	[tilespmem:s28+$0xFFFFFF60] =	vst v6;
	v6 =	vmul.f32 v4, v7  }
0x45b: {  	v3 =	vld [tilespmem:$0x1F600];
	v4 =	vmul.f32 v44, v1;
	v44 =	vadd.f32 v47, v38;
	v47 =	vmov s14  }
0x45c: {  	v55 =	vsub.f32 v0, v47;
	v0 =	vld [tilespmem:$0x1F640];
	_ =	sdelay $0x1  }
0x45d: {  	v21 =	vadd.f32 v54, v21  }
0x45e: {  	v8 =	vsub.f32 v8, v43;
	v56 =	vadd.f32 v48, v56  }
0x45f: {  	v45 =	vsub.f32 v45, v43;
	[tilespmem:s28+$0xFFFFFF50] =	vst v21;
	v21 =	vmul.f32 v37, v9;
	v37 =	vld [tilespmem:$0x1FFA0]  }
0x460: {  	v34 =	vmul.f32 v3, v1;
	v3 =	vsub.f32 v61, v43;
	[tilespmem:s28+$0xFFFFFF70] =	vst v56;
	v56 =	vsub.f32 v0, v47;
	v0 =	vld [tilespmem:$0x1F650]  }
0x461: {  	v10 =	vsub.f32 v10, v43;
	s24 =	smul.f32 s14, s14;
	v43 =	vmul.f32 v23, v45;
	s25 =	spop (v2sf)  }
0x462: {  	v3 =	vmul.f32 v23, v3;
	v45 =	vmul.f32 v23, v8;
	v8, _, _ =	vpop (xrf2);
	s14 =	smul.f32 $7.812500000e-03, s25  }
0x463: {  	v49 =	vmul.f32 v49, v5;
	v60 =	vmul.f32 v43, v11;
	(v2sf) =	vpush v8, $0xF  }
0x464: {  	v8 =	vmul.f32 v3, v12;
	v3 =	vmul.f32 v45, v9;
	v9 =	vmov s14  }
0x465: {  	v54 =	vmul.f32 v23, v10;
	v43 =	vadd.f32 v49, v37;
	v49 =	vsub.f32 v0, v9;
	v0 =	vld [tilespmem:$0x1F660];
	_ =	sdelay $0x1  }
0x466: {  	v50 =	vmul.f32 v54, v58;
	v54 =	vsub.f32 v51, v47  }
0x467: {  	[tilespmem:s28+$0xFFFFFF40] =	vst v52;
	v51 =	vsub.f32 v39, v47;
	v52 =	vsub.f32 v19, v47  }
0x468: {  	v25 =	vsub.f32 v25, v47;
	v33 =	vsub.f32 v28, v47  }
0x469: {  	v48 =	vsub.f32 v30, v47;
	v47 =	vsub.f32 v0, v9;
	v0 =	vld [tilespmem:$0x1F670]  }
0x46a: {  	s26 =	smul.f32 s14, s14;
	s21 =	spop (v2sf)  }
0x46b: {  	s14 =	smul.f32 $7.812500000e-03, s21;
	_ =	sdelay $0x1  }
0x46c: {  	v10 =	vmul.f32 v42, v5;
	v5 =	vmov s14  }
0x46d: {  	v30 =	vsub.f32 v0, v5;
	v0 =	vld [tilespmem:$0x1F680];
	_ =	sdelay $0x4  }
0x46e: {  	[tilespmem:s28+$0xFFFFFF90] =	vst v44;
	v44 =	vsub.f32 v41, v9;
	v41 =	vsub.f32 v0, v5;
	v0 =	vld [tilespmem:$0x1F690];
	_ =	sdelay $0x4  }
0x46f: {  	v0 =	vsub.f32 v0, v5  }
0x470: {  	v63 =	vmul.f32 v36, v1;
	v36 =	vld [tilespmem:$0x1FFC0]  }
0x471: {  	s23 =	spop (v2sf);
	s21 =	smul.f32 s14, s14;
	[tilespmem:$0x1F900] =	vst v0;
	v0 =	vsub.f32 v57, v5  }
0x472: {  	s14 =	smul.f32 $7.812500000e-03, s23  }
0x473: {  	v32 =	vmul.f32 v46, v12;
	[tilespmem:$0x1F910] =	vst v0;
	v0 =	vsub.f32 v40, v5  }
0x474: {  	v61 =	vld [tilespmem:$0x1FFD0];
	s14 =	ssub.f32 s14, s24;
	s24 =	spop (v2sf)  }
0x475: {  	s4 =	sadd.s32 $0x4, s4;
	v11 =	vadd.f32 v32, v36;
	v32 =	vld [tilespmem:$0x1FFE0];
	s17 =	smul.f32 $7.812500000e-03, s24;
	[tilespmem:$0x1F920] =	vst v0;
	v0 =	vsub.f32 v16, v5  }
0x476: {  	p0 =	slt.u32 s4, $0x7C;
	v23 =	vmul.f32 v35, v7;
	v35 =	vld [tilespmem:$0x1FFF0];
	v46 =	vsub.f32 v59, v9;
	v45 =	vsub.f32 v14, v9  }
.Ltmp1:
0x477: {  	v42 =	vsub.f32 v26, v9;
	v1 =	vmov s14;
	s25 =	ssub.f32 s17, s26;
	[tilespmem:$0x1F940] =	vst v0;
	v0 =	vsub.f32 v22, v5;
	(pc) =	sbr.rel @p0 .LBB2_5-.Ltmp1, $4  }
0x478: {  	v28 =	vsub.f32 v29, v9;
	[tilespmem:s28+$0xFFFFFF80] =	vst v43;
	v43 =	vsub.f32 v20, v9;
	v1 =	vmax.f32 v1, $0.0e+00;
	s26 =	spop (v2sf)  }
0x479: {  	v1 =	vadd.f32 $9.999999960e-13, v1;
	s17 =	smul.f32 $7.812500000e-03, s26;
	v9 =	vmov s25;
	[tilespmem:$0x1F950] =	vst v0;
	v0 =	vsub.f32 v13, v5  }
0x47a: {  	v7 =	vadd.f32 v31, v61;
	[tilespmem:s28+$0xFFFFFFA0] =	vst v11;
	v9 =	vmax.f32 v9, $0.0e+00  }
0x47b: {  	s5 =	sadd.s32 $0x4, s5;
	s2 =	smov.u32 s13;
	s14 =	ssub.f32 s17, s21;
	v5 =	vbroadcast v1, $0x0;
	v1 =	vadd.f32 v27, v35;
	[tilespmem:$0x1F960] =	vst v0;
	v0 =	vadd.f32 v34, v32  }
0x47c: {  	[tilespmem:s28+$0xFFFFFFB0] =	vst v7  }
0x47d: {  	v17 =	vadd.f32 v17, v37;
	v19 =	vld [tilespmem:$0x1FF80];
	[tilespmem:s28+$0xFFFFFFC0] =	vst v0  }
0x47e: {  	v22 =	vadd.f32 v53, v36;
	[tilespmem:s28+$0xFFFFFFD0] =	vst v1  }
0x47f: {  	v23 =	vadd.f32 v23, v61;
	v14 =	vld [tilespmem:$0x1FF90];
	[tilespmem:s28+$0x0] =	vst v17  }
0x480: {  	v13 =	vadd.f32 v21, v35;
	[tilespmem:s28+$0x20] =	vst v22  }
0x481: {  	v10 =	vadd.f32 v10, v37;
	v11 =	vshrl.u32 v5, $0x1;
	v58 =	vmul.f32 $5.000000000e-01, v5;
	[tilespmem:s28+$0x30] =	vst v23  }
0x482: {  	v34 =	vadd.f32 v60, v38;
	v11 =	vsub.s32 $0x5F3759DF, v11;
	[tilespmem:s28+$0x50] =	vst v13  }
0x483: {  	v39 =	vadd.f32 v8, v36;
	[tilespmem:s2+$0x80] =	vst v10;
	v5 =	vmul.f32 v11, v58  }
0x484: {  	v6 =	vadd.f32 v6, v61;
	[tilespmem:s2+$0x90] =	vst v34  }
0x485: {  	[tilespmem:s2+$0xA0] =	vst v39;
	v5 =	vmul.f32 v11, v5;
	v57 =	vadd.f32 v24, v19  }
0x486: {  	[tilespmem:s2+$0xB0] =	vst v6;
	v24 =	vadd.f32 v63, v32  }
0x487: {  	v59 =	vmov s14;
	v27 =	vadd.f32 v15, v19;
	v5 =	vsub.f32 $1.500000000e+00, v5;
	[tilespmem:s28+$0xFFFFFFE0] =	vst v57  }
0x488: {  	v9 =	vadd.f32 $9.999999960e-13, v9;
	v0 =	vmax.f32 v59, $0.0e+00;
	v16 =	vadd.f32 v18, v14;
	[tilespmem:s28+$0x40] =	vst v24  }
0x489: {  	v0 =	vadd.f32 $9.999999960e-13, v0;
	v18 =	vadd.f32 v2, v38;
	[tilespmem:s28+$0x60] =	vst v27;
	v5 =	vmul.f32 v11, v5  }
0x48a: {  	v9 =	vbroadcast v9, $0x0;
	v31 =	vadd.f32 v62, v14;
	[tilespmem:s28+$0xFFFFFFF0] =	vst v16  }
0x48b: {  	v0 =	vbroadcast v0, $0x0;
	[tilespmem:s28+$0x10] =	vst v18;
	v53 =	vmul.f32 v5, v56;
	v56 =	vadd.f32 v4, v32  }
0x48c: {  	v3 =	vadd.f32 v3, v35;
	v20 =	vshrl.u32 v9, $0x1;
	v9 =	vmul.f32 $5.000000000e-01, v9;
	[tilespmem:s28+$0x70] =	vst v31  }
0x48d: {  	v2 =	vsub.s32 $0x5F3759DF, v20;
	v12 =	vshrl.u32 v0, $0x1;
	v0 =	vmul.f32 $5.000000000e-01, v0;
	v58 =	vld [tilespmem:$0x1FF00];
	[tilespmem:s2+$0xC0] =	vst v56  }
0x48e: {  	v9 =	vmul.f32 v2, v9;
	v29 =	vsub.s32 $0x5F3759DF, v12;
	v16 =	vld [tilespmem:$0x1FF10];
	[tilespmem:s2+$0xD0] =	vst v3  }
0x48f: {  	v0 =	vmul.f32 v29, v0;
	v13 =	vld [tilespmem:$0x1FF20]  }
0x490: {  	v63 =	vadd.f32 v50, v19;
	v26 =	vmul.f32 v2, v9;
	v40 =	vmul.f32 v5, v55  }
0x491: {  	v0 =	vmul.f32 v29, v0;
	v55 =	vmul.f32 v5, v54  }
0x492: {  	v57 =	vmul.f32 v5, v51;
	v59 =	vmul.f32 v40, v58;
	v12 =	vld [tilespmem:$0x1FF30];
	[tilespmem:s2+$0xE0] =	vst v63  }
0x493: {  	v60 =	vmul.f32 v5, v52;
	v1 =	vsub.f32 $1.500000000e+00, v26;
	v22 =	vld [tilespmem:$0x1FF40];
	v62 =	vmul.f32 v53, v16  }
0x494: {  	v0 =	vsub.f32 $1.500000000e+00, v0;
	v6 =	vadd.f32 v59, v37;
	v18 =	vmul.f32 v55, v13  }
0x495: {  	v20 =	vmul.f32 v5, v25;
	v1 =	vmul.f32 v2, v1;
	v2 =	vadd.f32 v62, v38  }
0x496: {  	v21 =	vmul.f32 v5, v33;
	v0 =	vmul.f32 v29, v0;
	[tilespmem:s2+$0xFFFFFF00] =	vst v6;
	v3 =	vadd.f32 v18, v36  }
0x497: {  	v39 =	vmul.f32 v1, v46;
	v4 =	vmul.f32 v57, v12;
	v23 =	vld [tilespmem:$0x1FF50];
	[tilespmem:s2+$0xFFFFFF10] =	vst v2  }
0x498: {  	v44 =	vmul.f32 v1, v44;
	v8 =	vmul.f32 v60, v22;
	v10 =	vld [tilespmem:$0x1FF60];
	[tilespmem:s2+$0xFFFFFF20] =	vst v3  }
0x499: {  	v26 =	vmul.f32 v1, v49;
	v6 =	vmul.f32 v39, v13;
	v25 =	vadd.f32 v4, v61;
	v33 =	vld [tilespmem:$0x1FF70]  }
0x49a: {  	v31 =	vmul.f32 v1, v47;
	v7 =	vmul.f32 v44, v12;
	v29 =	vadd.f32 v8, v32  }
0x49b: {  	v4 =	vmul.f32 v26, v58;
	v52 =	vadd.f32 v6, v36;
	[tilespmem:s2+$0xFFFFFF30] =	vst v25  }
0x49c: {  	v5 =	vmul.f32 v5, v48;
	v53 =	vadd.f32 v7, v61;
	v8 =	vmul.f32 v31, v16;
	[tilespmem:s2+$0xFFFFFF40] =	vst v29  }
0x49d: {  	v47 =	vmul.f32 v1, v45;
	v48 =	vadd.f32 v4, v37;
	v24 =	vmul.f32 v20, v23;
	[tilespmem:s2+$0xFFFFFFA0] =	vst v52  }
0x49e: {  	v50 =	vadd.f32 v8, v38;
	[tilespmem:s2+$0xFFFFFFB0] =	vst v53;
	v27 =	vmul.f32 v21, v10;
	v5 =	vmul.f32 v5, v33  }
0x49f: {  	v49 =	vmul.f32 v1, v43;
	v51 =	vmul.f32 v1, v42;
	[tilespmem:s2+$0xFFFFFF80] =	vst v48;
	v34 =	vadd.f32 v24, v35  }
0x4a0: {  	[tilespmem:s2+$0xFFFFFF90] =	vst v50;
	v40 =	vadd.f32 v27, v19;
	v46 =	vadd.f32 v5, v14;
	v5 =	vmul.f32 v47, v22  }
0x4a1: {  	v4 =	vmul.f32 v49, v23;
	[tilespmem:s2+$0xFFFFFF50] =	vst v34  }
0x4a2: {  	v55 =	vmul.f32 v51, v10;
	[tilespmem:s2+$0xFFFFFF60] =	vst v40;
	v5 =	vadd.f32 v5, v32  }
0x4a3: {  	v1 =	vmul.f32 v1, v28;
	v4 =	vadd.f32 v4, v35;
	[tilespmem:s2+$0xFFFFFF70] =	vst v46  }
0x4a4: {  	v54 =	vmul.f32 v0, v30;
	v7 =	vadd.f32 v55, v19;
	v2 =	vld [tilespmem:$0x1F900];
	[tilespmem:s2+$0xFFFFFFC0] =	vst v5  }
0x4a5: {  	v1 =	vmul.f32 v1, v33;
	v5 =	vld [tilespmem:$0x1F910];
	[tilespmem:s2+$0xFFFFFFD0] =	vst v4  }
0x4a6: {  	v6 =	vmul.f32 v54, v58;
	v4 =	vld [tilespmem:$0x1F920];
	[tilespmem:s2+$0xFFFFFFE0] =	vst v7  }
0x4a7: {  	v1 =	vadd.f32 v1, v14;
	v7 =	vld [tilespmem:$0x1F940]  }
0x4a8: {  	v56 =	vmul.f32 v0, v41;
	v6 =	vadd.f32 v6, v37  }
0x4a9: {  	[tilespmem:s2+$0xFFFFFFF0] =	vst v1;
	v2 =	vmul.f32 v0, v2  }
0x4aa: {  	v3 =	vmul.f32 v56, v16;
	v58 =	vld [tilespmem:$0x1F950];
	[tilespmem:s2+$0x0] =	vst v6;
	v5 =	vmul.f32 v0, v5  }
0x4ab: {  	v6 =	vld [tilespmem:$0x1F960];
	v2 =	vmul.f32 v2, v13;
	v4 =	vmul.f32 v0, v4  }
0x4ac: {  	v57 =	vadd.f32 v3, v38;
	v7 =	vmul.f32 v0, v7;
	v5 =	vmul.f32 v5, v12  }
0x4ad: {  	v2 =	vadd.f32 v2, v36;
	v4 =	vmul.f32 v4, v22  }
0x4ae: {  	[tilespmem:s2+$0x10] =	vst v57;
	v59 =	vmul.f32 v7, v23;
	v60 =	vadd.f32 v5, v61  }
0x4af: {  	v3 =	vmul.f32 v0, v58;
	[tilespmem:s2+$0x20] =	vst v2;
	v61 =	vadd.f32 v4, v32  }
0x4b0: {  	v0 =	vmul.f32 v0, v6;
	v62 =	vadd.f32 v59, v35;
	[tilespmem:s2+$0x30] =	vst v60  }
0x4b1: {  	v3 =	vmul.f32 v3, v10;
	[tilespmem:s2+$0x40] =	vst v61  }
0x4b2: {  	v0 =	vmul.f32 v0, v33;
	[tilespmem:s2+$0x50] =	vst v62  }
0x4b3: {  	v63 =	vadd.f32 v3, v19;
	s4 =	rddreg [dreg:$0xd]  }
0x4b4: {  	v0 =	vadd.f32 v0, v14;
	s4 =	sadd.s32 s29, s4  }
0x4b5: {  	[tilespmem:s2+$0x60] =	vst v63;
	s4 =	sadd.s32 s8, s4  }
0x4b6: {  	s26 =	simm.s32 $0x4200;
	s28 =	simm.s32 $0xC;
	[tilespmem:s2+$0x70] =	vst v0;
	s25 =	sadd.s32 s22, s4  }
0x4b7: {  	[hbm4b:s25+s30] =	stream.strided.scatter [tilespmem:s26], [sflag:$0x6], $0x4000, s16, s30, $0x38;
	[tilespmem:$0x10A00] =	vst v63  }
0x4b8: {  	_ =	swait.ge [sflag:s28], $0x80  }
0x4b9: {  	[sflag:s28] =	ssyncset.done $0x0  }
0x4ba: {  	s29 =	simm.s32 $0x10;
	[sflag:s28] =	ssyncadd.s32 $0xFFFFFF80  }
0x4bb: {  	p0 =	sne.s32 s1, $0x0;
	_ =	swait.ge [sflag:s29], $0x80  }
.Ltmp2:
0x4bc: {  	[sflag:s29] =	ssyncset.done $0x0;
	(pc) =	sbr.rel @!p0 .LBB2_7-.Ltmp2, $4  }
0x4bd: {  	[sflag:s29] =	ssyncadd.s32 $0xFFFFFF80  }
0x4be: {  	_ =	swait.ge [sflag:s3], $0x80  }
0x4bf: {  	[sflag:s3] =	ssyncset.done $0x0  }
0x4c0: {  	[sflag:s3] =	ssyncadd.s32 $0xFFFFFF80  }
0x4c1: {  	p1 =	seq.s32 s1, $0x1F  }
.Ltmp3:
0x4c2: {  	s2 =	simm.s32 $0x8;
	(pc) =	sbr.rel @p1 .LBB2_10-.Ltmp3, $4  }
.Ltmp4:
0x4c3: {  	_ =	swait.ge [sflag:s2], $0x4000;
	(pc) =	sbr.rel @!p1 .LBB2_9-.Ltmp4, $4  }
0x4c4: {  	s29 =	simm.s32 $0x10380;
	[sflag:s2] =	ssyncset.done $0x0  }
0x4c5: {  	s4 =	simm.s32 $0xC200;
	p0 =	por $0x1, $0x1;
	[sflag:s2] =	ssyncadd.s32 $0xFFFFC000  }
0x4c6: {  	[tilespmem:s4], [sflag:$0x4] =	stream.indirect.gather [hbm4b:s0+s30], $0x80, s29, s30, $0xb8;
	[tilespmem:$0x10A00] =	vst v63  }
0x4c7: {  	_ = 	snop  }
.LBB2_7:
0x4c8: {  	s2 =	simm.s32 $0x10380;
	s4 =	simm.s32 $0xC200  }
0x4c9: {  	[tilespmem:s4], [sflag:$0x4] =	stream.indirect.gather [hbm4b:s0+s30], $0x80, s2, s30, $0xb8;
	[tilespmem:$0x10A00] =	vst v63  }
.LBB2_9:
0x4ca: {  	s2 =	sadd.s32 $0x4, s31  }
0x4cb: {  	s4 =	sshll.u32 s2, $0x7  }
0x4cc: {  	s4 =	sadd.s32 s11, s4  }
0x4cd: {  	s13 =	simm.s32 $0x10200;
	s4 =	sshrl.u32 s4, $0x3  }
0x4ce: {  	s25 =	simm.s32 $0x10400;
	s24 =	sshrl.u32 s2, $0x3;
	s5 =	sadd.s32 s9, s4  }
0x4cf: {  	[tilespmem:s13], [sflag:$0x9] =	stream.linear.gather [hbm4b:s5+s7], $0x80, $0x38;
	[tilespmem:$0x10A00] =	vst v63  }
0x4d0: {  	s2 =	sshll.u32 s2, $0x1;
	s26 =	sadd.s32 s12, s24;
	s4 =	sadd.s32 s10, s4  }
0x4d1: {  	[tilespmem:s25], [sflag:$0xD] =	stream.linear.gather [hbm4b:s4+s7], $0x80, $0x38;
	[tilespmem:$0x10A00] =	vst v63  }
0x4d2: {  	s28 =	rddreg [dreg:$0x2];
	s2 =	sand.u32 $0x70, s2;
	s4 =	sshll.u32 s26, $0x4  }
0x4d3: {  	s2 =	sadd.s32 s28, s2;
	s4 =	sand.u32 $0xFFFFF80, s4  }
0x4d4: {  	s29 =	simm.s32 $0x10800;
	p0 =	por $0x0, $0x0;
	s2 =	sadd.s32 s4, s2  }
0x4d5: {  	[tilespmem:s29], [sflag:$0x11] =	stream.linear.gather [hbm4b:s2+s7], $0x80, $0x38;
	[tilespmem:$0x10A00] =	vst v63  }
.LBB2_10:
0x4d6: {  	_ =	swait.ge [sflag:s15], $0x4000  }
0x4d7: {  	[sflag:s15] =	ssyncset.done $0x0  }
0x4d8: {  	[sflag:s15] =	ssyncadd.s32 $0xFFFFC000  }
0x4d9: {  	v0 =	vld [tilespmem:$0x10900]  }
0x4da: {  	v1 =	vld [tilespmem:$0x0]  }
0x4db: {  	v2 =	vld [tilespmem:$0x10910]  }
0x4dc: {  	v3 =	vld [tilespmem:$0x10]  }
0x4dd: {  	v4 =	vld [tilespmem:$0x10920]  }
0x4de: {  	v5 =	vld [tilespmem:$0x20]  }
0x4df: {  	v6 =	vld [tilespmem:$0x10930]  }
0x4e0: {  	v7 =	vld [tilespmem:$0x30]  }
0x4e1: {  	v8 =	vld [tilespmem:$0x10940]  }
0x4e2: {  	s2 =	simm.s32 $0x10602;
	v9 =	vld [tilespmem:$0x40]  }
0x4e3: {  	v10 =	vld [tilespmem:s2+$0x1]  }
0x4e4: {  	v11 =	vld [tilespmem:s2+$0xFFFFFFFF]  }
0x4e5: {  	v12 =	vld [tilespmem:s2+$0x0]  }
0x4e6: {  	v13 =	vld [tilespmem:s2+$0xFFFFFFFE]  }
0x4e7: {  	v14 =	vld [tilespmem:$0x10950]  }
0x4e8: {  	v15 =	vld [tilespmem:$0x50];
	(v2sf) =	vpush v10, $0x0  }
0x4e9: {  	v16 =	vld [tilespmem:$0x80];
	(v2sf) =	vpush v11, $0x0  }
0x4ea: {  	v17 =	vld [tilespmem:$0x90]  }
0x4eb: {  	v18 =	vld [tilespmem:$0xA0];
	(v2sf) =	vpush v12, $0x0  }
0x4ec: {  	v19 =	vld [tilespmem:$0xB0]  }
0x4ed: {  	v20 =	vld [tilespmem:$0xC0];
	(v2sf) =	vpush v13, $0x0  }
0x4ee: {  	v10 =	vld [tilespmem:$0x10960]  }
0x4ef: {  	v32 =	vadd.f32 v1, v0;
	v1 =	vld [tilespmem:$0xD0]  }
0x4f0: {  	v57 =	vadd.f32 v3, v2;
	v3 =	vld [tilespmem:$0xE0]  }
0x4f1: {  	v59 =	vadd.f32 v5, v4;
	v5 =	vld [tilespmem:$0xF0]  }
0x4f2: {  	v11 =	vld [tilespmem:$0x60]  }
0x4f3: {  	v61 =	vadd.f32 v7, v6;
	v12 =	vld [tilespmem:$0x10970]  }
0x4f4: {  	s28 =	simm.s32 $0x8300;
	v46 =	vadd.f32 v9, v8;
	v48 =	vadd.f32 v15, v14;
	v13 =	vld [tilespmem:$0x70]  }
0x4f5: {  	v7 =	vld [tilespmem:s28+$0x80];
	v58 =	vadd.f32 v16, v0;
	v60 =	vadd.f32 v17, v2  }
0x4f6: {  	v0 =	vld [tilespmem:s28+$0x90];
	v62 =	vadd.f32 v18, v4;
	v63 =	vadd.f32 v19, v6  }
0x4f7: {  	v33 =	vadd.f32 v20, v8;
	v2 =	vld [tilespmem:s28+$0xA0];
	v34 =	vadd.f32 v1, v14;
	s14 =	spop (v2sf)  }
0x4f8: {  	v21 =	vld [tilespmem:s28+$0xFFFFFF80];
	v35 =	vadd.f32 v3, v10;
	v44 =	vadd.f32 v11, v10;
	s4 =	spop (v2sf);
	p4 =	seq.s32 s14, $0x1  }
0x4f9: {  	v22 =	vld [tilespmem:s28+$0xFFFFFF90];
	v45 =	vadd.f32 v5, v12;
	v52 =	vadd.f32 v13, v12;
	p1 =	seq.s32 s4, $0x1;
	v1 =	vpsel p4, v58, v32  }
0x4fa: {  	v4 =	vld [tilespmem:s28+$0xB0];
	s17 =	spop (v2sf);
	v3 =	vpsel p4, v60, v57;
	v6 =	vpsel p1, v58, v32;
	v1 =	vadd.f32 v1, v7  }
0x4fb: {  	v24 =	vld [tilespmem:s28+$0x0];
	p2 =	seq.s32 s17, $0x1;
	v0 =	vadd.f32 v3, v0;
	v8 =	vpsel p1, v60, v57;
	v3 =	vpsel p4, v62, v59  }
0x4fc: {  	v25 =	vld [tilespmem:s28+$0x10];
	s19 =	spop (v2sf);
	v23 =	vpsel p1, v62, v59;
	v11 =	vpsel p2, v58, v32;
	v2 =	vadd.f32 v3, v2  }
0x4fd: {  	v5 =	vld [tilespmem:s28+$0xC0];
	p3 =	seq.s32 s19, $0x1;
	v3 =	vpsel p4, v63, v61;
	v17 =	vpsel p2, v60, v57;
	v6 =	vadd.f32 v6, v21  }
0x4fe: {  	v15 =	vld [tilespmem:s28+$0xFFFFFF00];
	v8 =	vadd.f32 v8, v22;
	v9 =	vpsel p3, v58, v32;
	v7 =	vadd.f32 v0, v1  }
0x4ff: {  	v10 =	vld [tilespmem:s28+$0xD0];
	v12 =	vmul.f32 v1, v1;
	v13 =	vmul.f32 v0, v0;
	v3 =	vadd.f32 v4, v3  }
0x500: {  	v4 =	vpsel p4, v33, v46;
	v11 =	vadd.f32 v11, v24;
	v7 =	vadd.f32 v7, v2  }
0x501: {  	v16 =	vld [tilespmem:s28+$0xE0];
	v36 =	vadd.f32 v17, v25;
	v12 =	vadd.f32 v13, v12;
	v13 =	vmul.f32 v2, v2  }
0x502: {  	v4 =	vadd.f32 v5, v4;
	v5 =	vpsel p4, v34, v48;
	v7 =	vadd.f32 v7, v3  }
0x503: {  	v18 =	vld [tilespmem:s28+$0xF0];
	v9 =	vadd.f32 v9, v15;
	v12 =	vadd.f32 v12, v13;
	v13 =	vmul.f32 v3, v3  }
0x504: {  	v19 =	vld [tilespmem:s28+$0xFFFFFF10];
	v14 =	vpsel p3, v60, v57;
	v5 =	vadd.f32 v10, v5;
	v10 =	vadd.f32 v7, v4  }
0x505: {  	v7 =	vpsel p4, v35, v44;
	v12 =	vadd.f32 v12, v13;
	v13 =	vmul.f32 v4, v4  }
0x506: {  	v20 =	vpsel p3, v62, v59;
	v7 =	vadd.f32 v16, v7;
	v10 =	vadd.f32 v10, v5  }
0x507: {  	v21 =	vld [tilespmem:s28+$0x20];
	v25 =	vmul.f32 v6, v6;
	v16 =	vpsel p4, v45, v52;
	v13 =	vadd.f32 v12, v13  }
0x508: {  	v26 =	vmul.f32 v5, v5;
	v12 =	vadd.f32 v18, v16;
	v18 =	vadd.f32 v10, v7  }
0x509: {  	v27 =	vadd.f32 v8, v6;
	v28 =	vmul.f32 v8, v8;
	v10 =	vadd.f32 v14, v19;
	v14 =	vld [tilespmem:s28+$0xFFFFFF20]  }
0x50a: {  	v30 =	vmul.f32 v11, v11;
	v13 =	vadd.f32 v13, v26;
	v26 =	vadd.f32 v18, v12;
	v18 =	vld [tilespmem:s28+$0xFFFFFFA0];
	[tilespmem:$0x1F320] =	vst v11  }
0x50b: {  	v31 =	vadd.f32 v36, v11;
	v16 =	vpsel p2, v62, v59;
	v15 =	vmul.f32 v7, v7;
	[tilespmem:$0x1F330] =	vst v36  }
0x50c: {  	v22 =	vmul.f32 v9, v9;
	v25 =	vadd.f32 v28, v25;
	v49 =	vadd.f32 v16, v21;
	v29 =	vld [tilespmem:s28+$0xFFFFFF30]  }
0x50d: {  	v16 =	vpsel p2, v63, v61;
	v13 =	vadd.f32 v13, v15;
	v15 =	vmul.f32 v12, v12  }
0x50e: {  	v19 =	vpsel p3, v63, v61;
	v31 =	vadd.f32 v31, v49;
	v37 =	vmul.f32 v49, v49  }
0x50f: {  	v17 =	vmul.f32 v10, v10;
	v24 =	vadd.f32 v13, v15;
	v13 =	vadd.f32 v20, v14;
	v14 =	vld [tilespmem:s28+$0xFFFFFFB0]  }
0x510: {  	v15 =	vadd.f32 v10, v9;
	v11 =	vadd.f32 v23, v18;
	v18 =	vmul.f32 v36, v36;
	v23 =	vld [tilespmem:s28+$0x30]  }
0x511: {  	v21 =	vadd.f32 v17, v22;
	v54 =	vmul.f32 v13, v13;
	v17 =	vadd.f32 v29, v19;
	v19 =	vld [tilespmem:s28+$0xFFFFFFC0]  }
0x512: {  	v20 =	vpsel p1, v63, v61;
	v22 =	vadd.f32 v15, v13;
	v18 =	vadd.f32 v18, v30;
	v30 =	vld [tilespmem:s28+$0xFFFFFF40]  }
0x513: {  	v27 =	vadd.f32 v27, v11;
	v28 =	vmul.f32 v11, v11;
	v21 =	vadd.f32 v21, v54  }
0x514: {  	v29 =	vpsel p3, v33, v46;
	v15 =	vadd.f32 v14, v20;
	v20 =	vld [tilespmem:s28+$0x40];
	v22 =	vadd.f32 v22, v17  }
0x515: {  	v14 =	vpsel p1, v33, v46;
	v25 =	vadd.f32 v25, v28;
	v42 =	vadd.f32 v23, v16  }
0x516: {  	v37 =	vadd.f32 v18, v37;
	v23 =	vmul.f32 v17, v17;
	v27 =	vadd.f32 v27, v15  }
0x517: {  	v16 =	vpsel p2, v33, v46;
	v18 =	vadd.f32 v19, v14;
	[tilespmem:$0x1F340] =	vst v42;
	v29 =	vadd.f32 v30, v29  }
0x518: {  	v38 =	vmul.f32 v15, v15;
	v31 =	vadd.f32 v31, v42;
	v19 =	vadd.f32 v21, v23;
	v28 =	vld [tilespmem:s28+$0xFFFFFF50]  }
0x519: {  	v40 =	vmul.f32 v42, v42;
	v39 =	vld [tilespmem:s28+$0xFFFFFFD0];
	v50 =	vadd.f32 v20, v16;
	v20 =	vadd.f32 v22, v29  }
0x51a: {  	v55 =	vld [tilespmem:s28+$0x50];
	v22 =	vadd.f32 v25, v38;
	v25 =	vadd.f32 v27, v18  }
0x51b: {  	v23 =	vld [tilespmem:s28+$0xFFFFFF60];
	v27 =	vmul.f32 v18, v18;
	v30 =	vadd.f32 v37, v40;
	v51 =	vmul.f32 v50, v50  }
0x51c: {  	v41 =	vpsel p3, v34, v48;
	v14 =	vpsel p1, v34, v48;
	v53 =	vld [tilespmem:s28+$0xFFFFFF70];
	v31 =	vadd.f32 v31, v50  }
0x51d: {  	v56 =	vld [tilespmem:s28+$0xFFFFFFE0];
	v21 =	vmul.f32 v29, v29;
	v22 =	vadd.f32 v22, v27;
	v27 =	vadd.f32 v30, v51  }
0x51e: {  	v16 =	vpsel p2, v34, v48;
	v28 =	vadd.f32 v28, v41;
	v47 =	vadd.f32 v39, v14  }
0x51f: {  	v43 =	vpsel p3, v35, v44;
	v37 =	vadd.f32 v55, v16;
	v16 =	vadd.f32 v19, v21  }
0x520: {  	v54 =	vpsel p3, v45, v52;
	v30 =	vadd.f32 v23, v43;
	v20 =	vadd.f32 v20, v28  }
0x521: {  	(xrf2) =	vadd.scan.msk.f32 $0xffff, v26;
	v14 =	vld [tilespmem:s28+$0x60];
	v19 =	vpsel p1, v35, v44;
	v21 =	vpsel p2, v35, v44;
	v42 =	vadd.f32 v53, v54  }
0x522: {  	v23 =	vld [tilespmem:s28+$0xFFFFFFF0];
	v43 =	vadd.f32 v56, v19;
	v55 =	vmul.f32 v47, v47;
	v20 =	vadd.f32 v20, v30  }
0x523: {  	v19 =	vld [tilespmem:s28+$0x70];
	v25 =	vadd.f32 v25, v47;
	v31 =	vadd.f32 v31, v37;
	v56 =	vmul.f32 v37, v37  }
0x524: {  	v26 =	vmul.f32 v28, v28;
	v22 =	vadd.f32 v22, v55;
	v20 =	vadd.f32 v20, v42  }
0x525: {  	(xrf2) =	vadd.scan.msk.f32 $0xffff, v24;
	v24 =	vmul.f32 v30, v30;
	v25 =	vadd.f32 v25, v43;
	v27 =	vadd.f32 v27, v56  }
0x526: {  	v38 =	vadd.f32 v14, v21;
	v14 =	vadd.f32 v16, v26;
	v16 =	vpsel p1, v45, v52;
	(xrf2) =	vadd.scan.msk.f32 $0xffff, v20  }
0x527: {  	v21 =	vpsel p2, v45, v52;
	v26 =	vmul.f32 v43, v43;
	v53 =	vadd.f32 v23, v16  }
0x528: {  	v39 =	vadd.f32 v19, v21;
	v16 =	vadd.f32 v31, v38;
	v20 =	vmul.f32 v38, v38  }
0x529: {  	v19 =	vmul.f32 v42, v42;
	v14 =	vadd.f32 v14, v24;
	v21 =	vadd.f32 v25, v53  }
0x52a: {  	v25 =	vmul.f32 v39, v39;
	v16 =	vadd.f32 v16, v39;
	v20 =	vadd.f32 v27, v20  }
0x52b: {  	v22 =	vadd.f32 v22, v26;
	v24, _, _ =	vpop (xrf2);
	v23 =	vmul.f32 v53, v53;
	v14 =	vadd.f32 v14, v19;
	(xrf2) =	vadd.scan.msk.f32 $0xffff, v21  }
0x52c: {  	(xrf2) =	vadd.scan.msk.f32 $0xffff, v16;
	v16 =	vadd.f32 v20, v25  }
0x52d: {  	v19 =	vadd.f32 v22, v23  }
0x52e: {  	(v2sf) =	vpush v24, $0xF;
	(xrf2) =	vadd.scan.msk.f32 $0xffff, v14  }
0x52f: {  	(xrf2) =	vadd.scan.msk.f32 $0xffff, v19;
	v14, _, _ =	vpop (xrf2)  }
0x530: {  	(xrf2) =	vadd.scan.msk.f32 $0xffff, v16;
	(v2sf) =	vpush v14, $0xF;
	v16, _, _ =	vpop (xrf2)  }
0x531: {  	(v2sf) =	vpush v16, $0xF;
	_ =	sdelay $0xa  }
0x532: {  	v14, _, _ =	vpop (xrf2)  }
0x533: {  	s21 =	simm.s32 $0x10606;
	(v2sf) =	vpush v14, $0xF;
	v14, _, _ =	vpop (xrf2);
	s23 =	spop (v2sf)  }
0x534: {  	v16 =	vld [tilespmem:s21+$0x1];
	(v2sf) =	vpush v14, $0xF;
	v14, _, _ =	vpop (xrf2);
	s19 =	smul.f32 $7.812500000e-03, s23  }
0x535: {  	(v2sf) =	vpush v14, $0xF;
	v14, _, _ =	vpop (xrf2);
	s26 =	spop (v2sf)  }
0x536: {  	(v2sf) =	vpush v14, $0xF;
	v24 =	vmov s19;
	s24 =	spop (v2sf)  }
0x537: {  	v25 =	vld [tilespmem:s21+$0xFFFFFFFE];
	v14, _, _ =	vpop (xrf2);
	v20 =	vsub.f32 v0, v24;
	v0 =	vsub.f32 v7, v24;
	s5 =	smul.f32 $7.812500000e-03, s24  }
0x538: {  	(v2sf) =	vpush v14, $0xF;
	v14 =	vld [tilespmem:s21+$0xFFFFFFFF]  }
0x539: {  	(v2sf) =	vpush v16, $0x0;
	v16 =	vld [tilespmem:s21+$0x0];
	[tilespmem:$0x1F310] =	vst v0;
	v0 =	vmov s5  }
0x53a: {  	v40 =	vsub.f32 v1, v24;
	v1 =	vsub.f32 v9, v0;
	_ =	sdelay $0x1  }
0x53b: {  	[tilespmem:$0x1F350] =	vst v1;
	v1 =	vsub.f32 v10, v0;
	_ =	sdelay $0x1  }
0x53c: {  	[tilespmem:$0x1F360] =	vst v1;
	v1 =	vsub.f32 v13, v0;
	_ =	sdelay $0x1  }
0x53d: {  	[tilespmem:$0x1F370] =	vst v1;
	v1 =	vsub.f32 v17, v0;
	_ =	sdelay $0x1  }
0x53e: {  	[tilespmem:$0x1F380] =	vst v1;
	v1 =	vsub.f32 v29, v0  }
0x53f: {  	s25 =	spop (v2sf)  }
0x540: {  	v21 =	vsub.f32 v2, v24;
	s21 =	smul.f32 $7.812500000e-03, s25;
	[tilespmem:$0x1F390] =	vst v1;
	v1 =	vsub.f32 v28, v0  }
0x541: {  	(v2sf) =	vpush v14, $0x0;
	v2 =	vsub.f32 v30, v0  }
0x542: {  	s13 =	simm.s32 $0x8500;
	(v2sf) =	vpush v16, $0x0;
	v16 =	vsub.f32 v4, v24;
	v4 =	vmov s21;
	[tilespmem:$0x1F3A0] =	vst v1  }
0x543: {  	v1 =	vld [tilespmem:s13+$0x80];
	[tilespmem:$0x1F3B0] =	vst v2;
	v2 =	vsub.f32 v6, v4;
	_ =	sdelay $0x1  }
0x544: {  	v42 =	vsub.f32 v42, v0;
	v0 =	vld [tilespmem:s13+$0x90];
	[tilespmem:$0x1F3D0] =	vst v2;
	v2 =	vsub.f32 v8, v4;
	_ =	sdelay $0x1  }
0x545: {  	[tilespmem:$0x1F3E0] =	vst v2;
	v2 =	vsub.f32 v11, v4  }
0x546: {  	(v2sf) =	vpush v25, $0x0  }
0x547: {  	s2 =	spop (v2sf);
	v6 =	vld [tilespmem:s13+$0xA0];
	[tilespmem:$0x1F3F0] =	vst v2;
	v2 =	vsub.f32 v15, v4  }
0x548: {  	s17 =	spop (v2sf)  }
0x549: {  	s14 =	spop (v2sf);
	[tilespmem:$0x1F400] =	vst v2;
	v2 =	vsub.f32 v18, v4  }
0x54a: {  	s4 =	spop (v2sf)  }
0x54b: {  	s23 =	spop (v2sf);
	[tilespmem:$0x1F410] =	vst v2;
	v2 =	vsub.f32 v47, v4  }
0x54c: {  	p3 =	seq.s32 s23, $0x1  }
0x54d: {  	v19 =	vsub.f32 v5, v24;
	v5 =	vpsel p3, v58, v32;
	[tilespmem:$0x1F420] =	vst v2;
	v2 =	vsub.f32 v43, v4  }
0x54e: {  	v41 =	vsub.f32 v3, v24;
	v8 =	vpsel p3, v60, v57;
	v36 =	vadd.f32 v5, v1  }
0x54f: {  	v3 =	vadd.f32 v8, v0;
	v7 =	vld [tilespmem:s13+$0xB0];
	[tilespmem:$0x1F430] =	vst v2;
	v2 =	vsub.f32 v53, v4  }
0x550: {  	v1 =	vld [tilespmem:s13+$0xC0]  }
0x551: {  	v0 =	vpsel p3, v62, v59;
	v8 =	vmul.f32 v36, v36;
	v9 =	vmul.f32 v3, v3;
	[tilespmem:$0x1F440] =	vst v2  }
0x552: {  	v23 =	vsub.f32 v12, v24;
	v51 =	vadd.f32 v0, v6;
	v4 =	vld [tilespmem:s13+$0xD0]  }
0x553: {  	s23 =	spop (v2sf);
	v10 =	vadd.f32 v3, v36;
	v0 =	vpsel p3, v63, v61;
	v8 =	vadd.f32 v9, v8;
	[tilespmem:$0x1F3C0] =	vst v3  }
0x554: {  	s24 =	spop (v2sf);
	v9 =	vmul.f32 v51, v51;
	v13 =	vadd.f32 v7, v0;
	v0 =	vpsel p3, v33, v46;
	v7 =	vld [tilespmem:s13+$0xE0]  }
0x555: {  	s25 =	spop (v2sf);
	v10 =	vadd.f32 v10, v51;
	v54 =	vadd.f32 v1, v0;
	v0 =	vld [tilespmem:s13+$0xF0]  }
0x556: {  	p4 =	seq.s32 s25, $0x1;
	v11 =	vpsel p3, v34, v48;
	v8 =	vadd.f32 v8, v9;
	v1 =	vld [tilespmem:s13+$0xFFFFFF00];
	v12 =	vmul.f32 v13, v13  }
0x557: {  	v15 =	vpsel p4, v58, v32;
	v10 =	vadd.f32 v10, v13;
	v22 =	vadd.f32 v4, v11  }
0x558: {  	v4 =	vld [tilespmem:s13+$0xFFFFFF10];
	v11 =	vpsel p3, v35, v44;
	v8 =	vadd.f32 v8, v12;
	v12 =	vmul.f32 v54, v54  }
0x559: {  	v17 =	vld [tilespmem:s13+$0xFFFFFF80];
	v10 =	vadd.f32 v10, v54;
	v56 =	vadd.f32 v7, v11;
	v7 =	vpsel p3, v45, v52  }
0x55a: {  	v18 =	vld [tilespmem:s13+$0xFFFFFFA0];
	v8 =	vadd.f32 v8, v12;
	v9 =	vadd.f32 v0, v7;
	v0 =	vmul.f32 v22, v22  }
0x55b: {  	v11 =	vld [tilespmem:s13+$0xFFFFFF90];
	v55 =	vadd.f32 v15, v1;
	v7 =	vadd.f32 v10, v22  }
0x55c: {  	v1 =	vld [tilespmem:s13+$0x0];
	v12 =	vmul.f32 v56, v56;
	v0 =	vadd.f32 v8, v0;
	v8 =	vpsel p4, v60, v57  }
0x55d: {  	p5 =	seq.s32 s23, $0x1;
	v10 =	vld [tilespmem:s13+$0x10];
	v47 =	vadd.f32 v8, v4  }
0x55e: {  	v15 =	vld [tilespmem:s13+$0xFFFFFF20];
	[tilespmem:$0x1F210] =	vst v32;
	v4 =	vadd.f32 v7, v56;
	v7 =	vpsel p5, v58, v32;
	v0 =	vadd.f32 v0, v12  }
0x55f: {  	[tilespmem:$0x1F220] =	vst v58;
	v12 =	vmul.f32 v9, v9;
	v5 =	vadd.f32 v7, v17;
	v17 =	vpsel p5, v60, v57  }
0x560: {  	p6 =	seq.s32 s24, $0x1;
	v4 =	vadd.f32 v4, v9;
	v53 =	vadd.f32 v17, v11;
	v17 =	vld [tilespmem:s13+$0x20];
	[tilespmem:$0x1F230] =	vst v57  }
0x561: {  	v11 =	vpsel p6, v58, v32;
	[tilespmem:$0x1F240] =	vst v60;
	v0 =	vadd.f32 v0, v12  }
0x562: {  	v2 =	vadd.f32 v11, v1;
	v1 =	vpsel p6, v60, v57;
	v11 =	vpsel p4, v62, v59;
	(xrf2) =	vadd.scan.msk.f32 $0xffff, v4  }
0x563: {  	v24 =	vmul.f32 v5, v5;
	v8 =	vadd.f32 v1, v10;
	(xrf2) =	vadd.scan.msk.f32 $0xffff, v0;
	v0 =	vpsel p5, v62, v59  }
0x564: {  	v7 =	vadd.f32 v11, v15;
	v11 =	vmul.f32 v55, v55;
	v58 =	vadd.f32 v0, v18;
	v0 =	vld [tilespmem:s13+$0xFFFFFFB0]  }
0x565: {  	v1 =	vld [tilespmem:s13+$0xFFFFFF30];
	v15 =	vmul.f32 v47, v47;
	v25 =	vmul.f32 v53, v53;
	[tilespmem:$0x1F250] =	vst v59;
	v18 =	vpsel p6, v62, v59  }
0x566: {  	[tilespmem:$0x1F260] =	vst v62;
	v26 =	vmul.f32 v8, v8;
	v62 =	vadd.f32 v18, v17;
	v17 =	vmul.f32 v2, v2  }
0x567: {  	v15 =	vadd.f32 v15, v11;
	v18 =	vld [tilespmem:s13+$0x30];
	[tilespmem:$0x1F450] =	vst v2  }
0x568: {  	v24 =	vadd.f32 v25, v24;
	[tilespmem:$0x1F460] =	vst v8;
	v25 =	vadd.f32 v26, v17;
	v26 =	vpsel p5, v63, v61  }
0x569: {  	v11 =	vpsel p4, v63, v61;
	v27 =	vmul.f32 v58, v58;
	v60 =	vadd.f32 v0, v26;
	v0 =	vld [tilespmem:s13+$0xFFFFFF40]  }
0x56a: {  	v17 =	vadd.f32 v1, v11;
	v1 =	vmul.f32 v7, v7;
	v26 =	vld [tilespmem:s13+$0xFFFFFFC0];
	[tilespmem:$0x1F270] =	vst v61  }
0x56b: {  	v11 =	vpsel p6, v63, v61;
	v28 =	vmul.f32 v62, v62;
	v24 =	vadd.f32 v24, v27;
	[tilespmem:$0x1F280] =	vst v63  }
0x56c: {  	s19 =	smul.f32 s19, s19;
	v1 =	vadd.f32 v15, v1;
	v57 =	vadd.f32 v18, v11;
	v15 =	vld [tilespmem:s13+$0x40];
	v18, _, _ =	vpop (xrf2)  }
0x56d: {  	s26 =	smul.f32 $7.812500000e-03, s26;
	v27 =	vmul.f32 v17, v17;
	(v2sf) =	vpush v18, $0xF;
	v18 =	vpsel p4, v33, v46  }
0x56e: {  	v25 =	vadd.f32 v25, v28;
	v63 =	vadd.f32 v0, v18;
	v18 =	vpsel p5, v33, v46  }
0x56f: {  	s19 =	ssub.f32 s26, s19;
	v28, _, _ =	vpop (xrf2);
	v18 =	vadd.f32 v26, v18;
	v26 =	vadd.f32 v1, v27;
	v1 =	vld [tilespmem:s13+$0xFFFFFFD0];
	v27 =	vmul.f32 v60, v60  }
0x570: {  	v30 =	vpsel p6, v33, v46;
	v31 =	vmul.f32 v57, v57;
	(v2sf) =	vpush v28, $0xF;
	v0 =	vld [tilespmem:s13+$0xFFFFFF50]  }
0x571: {  	v29 =	vld [tilespmem:s13+$0x50];
	v28 =	vmov s19;
	[tilespmem:$0x1F290] =	vst v46;
	v32 =	vadd.f32 v15, v30;
	v24 =	vadd.f32 v24, v27  }
0x572: {  	[tilespmem:$0x1F2A0] =	vst v33;
	v27 =	vmax.f32 v28, $0.0e+00;
	v28 =	vadd.f32 v25, v31;
	v31 =	vmul.f32 v63, v63  }
0x573: {  	v10 =	vmovc v2;
	v30 =	vpsel p5, v34, v48;
	v2 =	vld [tilespmem:s13+$0xFFFFFF60];
	v25 =	vpsel p4, v34, v48;
	v27 =	vadd.f32 $9.999999960e-13, v27  }
0x574: {  	v31 =	vadd.f32 v26, v31;
	v26 =	vmul.f32 v18, v18;
	v43 =	vadd.f32 v1, v30;
	v30 =	vld [tilespmem:s13+$0xFFFFFFE0];
	[tilespmem:$0x1F2B0] =	vst v48  }
0x575: {  	v25 =	vadd.f32 v0, v25;
	v27 =	vbroadcast v27, $0x0;
	[tilespmem:$0x1F2C0] =	vst v34;
	v48 =	vpsel p6, v34, v48  }
0x576: {  	v59 =	vmovc v5;
	v0 =	vmul.f32 v32, v32;
	v61 =	vadd.f32 v29, v48;
	v3 =	vld [tilespmem:s13+$0x60];
	v5 =	vadd.f32 v24, v26  }
0x577: {  	v26 =	vpsel p4, v35, v44;
	v29 =	vshrl.u32 v27, $0x1;
	v27 =	vmul.f32 $5.000000000e-01, v27  }
0x578: {  	v4 =	vadd.f32 v28, v0;
	v1 =	vmul.f32 v25, v25;
	v24 =	vsub.s32 $0x5F3759DF, v29  }
0x579: {  	v28 =	vld [tilespmem:s13+$0xFFFFFF70];
	[tilespmem:$0x1F2D0] =	vst v44;
	v29 =	vadd.f32 v2, v26;
	v2 =	vpsel p5, v35, v44;
	v27 =	vmul.f32 v24, v27  }
0x57a: {  	[tilespmem:$0x1F2E0] =	vst v35;
	v0 =	vpsel p6, v35, v44;
	v26 =	vadd.f32 v30, v2;
	v2 =	vadd.f32 v31, v1  }
0x57b: {  	v31 =	vmul.f32 v61, v61;
	v14 =	vadd.f32 v3, v0;
	v0 =	vmul.f32 v24, v27;
	v27 =	vld [tilespmem:s13+$0x70]  }
0x57c: {  	v3 =	vld [tilespmem:s13+$0xFFFFFFF0]  }
0x57d: {  	v31 =	vadd.f32 v4, v31;
	v4 =	vpsel p4, v45, v52;
	v0 =	vsub.f32 $1.500000000e+00, v0  }
0x57e: {  	v30 =	vmul.f32 v43, v43;
	v1 =	vadd.f32 v47, v55;
	v6 =	vadd.f32 v28, v4  }
0x57f: {  	v4 =	vadd.f32 v53, v59;
	v24 =	vmul.f32 v24, v0;
	v0 =	vpsel p6, v45, v52  }
0x580: {  	v28 =	vpsel p5, v45, v52;
	v27 =	vadd.f32 v27, v0;
	v0 =	vmul.f32 v29, v29  }
0x581: {  	v5 =	vadd.f32 v5, v30;
	v30 =	vadd.f32 v3, v28  }
0x582: {  	v3 =	vadd.f32 v4, v58;
	v4 =	vadd.f32 v2, v0;
	v0 =	vmul.f32 v24, v23  }
0x583: {  	v1 =	vadd.f32 v1, v7  }
0x584: {  	[tilespmem:$0x1F4A0] =	vst v0;
	v0 =	vmul.f32 v26, v26  }
0x585: {  	v1 =	vadd.f32 v1, v17  }
0x586: {  	v5 =	vadd.f32 v5, v0;
	v0 =	vmul.f32 v24, v20  }
0x587: {  	v1 =	vadd.f32 v1, v63  }
0x588: {  	v3 =	vadd.f32 v3, v60;
	[tilespmem:$0x1F4F0] =	vst v0;
	v0 =	vmul.f32 v24, v21  }
0x589: {  	v1 =	vadd.f32 v1, v25  }
0x58a: {  	s2 =	smul.f32 $7.812500000e-03, s2;
	v3 =	vadd.f32 v3, v18;
	[tilespmem:$0x1F500] =	vst v0;
	v0 =	vmul.f32 v24, v41  }
0x58b: {  	s21 =	smul.f32 s21, s21;
	v2 =	vmul.f32 v24, v40;
	v1 =	vadd.f32 v1, v29  }
0x58c: {  	s4 =	smul.f32 $7.812500000e-03, s4;
	v33 =	vadd.f32 v8, v10;
	v3 =	vadd.f32 v3, v43;
	[tilespmem:$0x1F510] =	vst v0;
	v0 =	vmul.f32 v24, v16  }
0x58d: {  	s23 =	smul.f32 s2, s2;
	[tilespmem:$0x1F4E0] =	vst v2;
	v1 =	vadd.f32 v1, v6  }
0x58e: {  	s14 =	smul.f32 $7.812500000e-03, s14;
	v2 =	vmul.f32 v24, v19;
	v41 =	vadd.f32 v33, v62;
	[tilespmem:$0x1F520] =	vst v0;
	v0 =	vadd.f32 v3, v26  }
0x58f: {  	s5 =	smul.f32 s5, s5;
	s4 =	ssub.f32 s4, s23  }
0x590: {  	s17 =	smul.f32 $7.812500000e-03, s17;
	s14 =	ssub.f32 s14, s21;
	[tilespmem:$0x1F530] =	vst v2;
	v2 =	vld [tilespmem:$0x1F310];
	(xrf2) =	vadd.scan.msk.f32 $0xffff, v1;
	v1 =	vadd.f32 v41, v57;
	v0 =	vadd.f32 v0, v30  }
0x591: {  	v48 =	vmov s4  }
0x592: {  	s5 =	ssub.f32 s17, s5;
	v34 =	vmov s14;
	v1 =	vadd.f32 v1, v32;
	(xrf2) =	vadd.scan.msk.f32 $0xffff, v0;
	v0 =	vmax.f32 v48, $0.0e+00  }
0x593: {  	v44 =	vmax.f32 v34, $0.0e+00;
	v0 =	vadd.f32 $9.999999960e-13, v0  }
0x594: {  	v44 =	vadd.f32 $9.999999960e-13, v44;
	[tilespmem:$0x1F2F0] =	vst v52;
	v52 =	vmov s5;
	v1 =	vadd.f32 v1, v61  }
0x595: {  	v40 =	vmax.f32 v52, $0.0e+00;
	v2 =	vmul.f32 v24, v2;
	v0 =	vbroadcast v0, $0x0  }
0x596: {  	v40 =	vadd.f32 $9.999999960e-13, v40;
	v1 =	vadd.f32 v1, v14  }
0x597: {  	[tilespmem:$0x1F540] =	vst v2;
	v34 =	vshrl.u32 v0, $0x1;
	v2 =	vmul.f32 $5.000000000e-01, v0;
	v0 =	vmul.f32 v6, v6  }
0x598: {  	v52 =	vmul.f32 v14, v14;
	v40 =	vbroadcast v40, $0x0;
	v1 =	vadd.f32 v1, v27  }
0x599: {  	v44 =	vbroadcast v44, $0x0;
	v3 =	vadd.f32 v4, v0  }
0x59a: {  	v31 =	vadd.f32 v31, v52;
	v35 =	vshrl.u32 v40, $0x1;
	(xrf2) =	vadd.scan.msk.f32 $0xffff, v1  }
0x59b: {  	v40 =	vmul.f32 $5.000000000e-01, v40;
	v33 =	vshrl.u32 v44, $0x1;
	v4 =	vmul.f32 v30, v30;
	(xrf2) =	vadd.scan.msk.f32 $0xffff, v3;
	v3 =	vld [tilespmem:$0x1F340]  }
0x59c: {  	v44 =	vmul.f32 $5.000000000e-01, v44;
	v41 =	vsub.s32 $0x5F3759DF, v35;
	v35 =	vmul.f32 v27, v27  }
0x59d: {  	v46 =	vsub.s32 $0x5F3759DF, v33;
	v40 =	vmul.f32 v41, v40;
	v0, _, _ =	vpop (xrf2);
	v4 =	vadd.f32 v5, v4  }
0x59e: {  	v44 =	vmul.f32 v46, v44;
	v5 =	vadd.f32 v31, v35;
	(v2sf) =	vpush v0, $0xF;
	v31, _, _ =	vpop (xrf2)  }
0x59f: {  	s24 =	spop (v2sf);
	v40 =	vmul.f32 v41, v40;
	(v2sf) =	vpush v31, $0xF;
	v31 =	vmov s2  }
0x5a0: {  	[tilespmem:$0x1F300] =	vst v45;
	v48 =	vsub.s32 $0x5F3759DF, v34;
	v45 =	vsub.f32 v3, v31;
	v3 =	vld [tilespmem:$0x1F350]  }
0x5a1: {  	v8 =	vld [tilespmem:$0x1F320];
	v40 =	vsub.f32 $1.500000000e+00, v40;
	v1 =	vmul.f32 v46, v44;
	v2 =	vmul.f32 v48, v2;
	(xrf2) =	vadd.scan.msk.f32 $0xffff, v4  }
0x5a2: {  	(xrf2) =	vadd.scan.msk.f32 $0xffff, v5;
	v5 =	vld [tilespmem:$0x1F3D0]  }
0x5a3: {  	v1 =	vsub.f32 $1.500000000e+00, v1;
	v0 =	vmul.f32 v48, v2;
	v2 =	vmul.f32 v41, v40;
	_ =	sdelay $0x1  }
0x5a4: {  	v1 =	vmul.f32 v46, v1;
	v19 =	vmul.f32 v2, v3;
	v3 =	vld [tilespmem:$0x1F360]  }
0x5a5: {  	v40 =	vsub.f32 v8, v31;
	v8 =	vld [tilespmem:$0x1F330]  }
0x5a6: {  	v12 =	vmul.f32 v1, v5;
	v5 =	vld [tilespmem:$0x1F3E0];
	_ =	sdelay $0x1  }
0x5a7: {  	s4 =	smul.f32 $7.812500000e-03, s24;
	v49 =	vsub.f32 v49, v31;
	v4 =	vsub.f32 v50, v31  }
0x5a8: {  	v46 =	vsub.f32 v37, v31;
	v38 =	vsub.f32 v38, v31;
	v15 =	vmul.f32 v2, v3;
	v3 =	vld [tilespmem:$0x1F370]  }
0x5a9: {  	v44 =	vsub.f32 v8, v31;
	v31 =	vsub.f32 v39, v31;
	v39 =	vmov s4  }
0x5aa: {  	v34 =	vsub.f32 v13, v39;
	v13 =	vmul.f32 v1, v5;
	v5 =	vld [tilespmem:$0x1F3F0];
	_ =	sdelay $0x2  }
0x5ab: {  	v20 =	vmul.f32 v2, v3;
	v3 =	vld [tilespmem:$0x1F380];
	_ =	sdelay $0x1  }
0x5ac: {  	v11 =	vmul.f32 v1, v5;
	v5 =	vld [tilespmem:$0x1F400];
	_ =	sdelay $0x2  }
0x5ad: {  	v21 =	vmul.f32 v2, v3;
	v3 =	vld [tilespmem:$0x1F390];
	_ =	sdelay $0x1  }
0x5ae: {  	v8 =	vmul.f32 v1, v5;
	v5 =	vld [tilespmem:$0x1F410];
	_ =	sdelay $0x2  }
0x5af: {  	s25 =	spop (v2sf);
	v23 =	vmul.f32 v2, v3;
	v3 =	vld [tilespmem:$0x1F3A0]  }
0x5b0: {  	s5 =	smul.f32 $7.812500000e-03, s25  }
0x5b1: {  	s26 =	smul.f32 s4, s4;
	v5 =	vmul.f32 v1, v5;
	_ =	sdelay $0x1  }
0x5b2: {  	s14 =	ssub.f32 s5, s26;
	v0 =	vsub.f32 $1.500000000e+00, v0;
	[tilespmem:$0x1F570] =	vst v5;
	v5 =	vld [tilespmem:$0x1F420]  }
0x5b3: {  	v3 =	vmul.f32 v2, v3  }
0x5b4: {  	v0 =	vmul.f32 v48, v0;
	v48 =	vmov s14  }
0x5b5: {  	v37 =	vmax.f32 v48, $0.0e+00;
	[tilespmem:$0x1F550] =	vst v3;
	v3 =	vld [tilespmem:$0x1F3B0]  }
0x5b6: {  	v37 =	vadd.f32 $9.999999960e-13, v37  }
0x5b7: {  	v5 =	vmul.f32 v1, v5  }
0x5b8: {  	v37 =	vbroadcast v37, $0x0  }
0x5b9: {  	[tilespmem:$0x1F580] =	vst v5;
	v5 =	vld [tilespmem:$0x1F430]  }
0x5ba: {  	v52 =	vshrl.u32 v37, $0x1;
	v37 =	vmul.f32 $5.000000000e-01, v37;
	v3 =	vmul.f32 v2, v3  }
0x5bb: {  	v16 =	vmul.f32 v2, v42;
	v42 =	vsub.s32 $0x5F3759DF, v52  }
0x5bc: {  	v50, _, _ =	vpop (xrf2);
	v37 =	vmul.f32 v42, v37;
	[tilespmem:$0x1F560] =	vst v3;
	v3 =	vld [tilespmem:$0x1F3C0]  }
0x5bd: {  	(v2sf) =	vpush v50, $0xF;
	v50 =	vsub.f32 v36, v39  }
0x5be: {  	v35 =	vsub.f32 v51, v39;
	v37 =	vmul.f32 v42, v37;
	v24 =	vmul.f32 v1, v5;
	v5 =	vld [tilespmem:$0x1F440]  }
0x5bf: {  	v36 =	vsub.f32 v54, v39;
	v22 =	vsub.f32 v22, v39;
	s17 =	spop (v2sf)  }
0x5c0: {  	s2 =	smul.f32 $7.812500000e-03, s17;
	v37 =	vsub.f32 $1.500000000e+00, v37;
	v2 =	vsub.f32 v9, v39  }
0x5c1: {  	v38 =	vmul.f32 v0, v38;
	v41 =	vsub.f32 v3, v39;
	v3 =	vsub.f32 v56, v39;
	v56, _, _ =	vpop (xrf2)  }
0x5c2: {  	v9 =	vmul.f32 v0, v4;
	v39 =	vmov s2;
	(v2sf) =	vpush v56, $0xF  }
0x5c3: {  	v10 =	vmul.f32 v1, v5;
	v55 =	vsub.f32 v55, v39;
	v56 =	vsub.f32 v47, v39  }
0x5c4: {  	v1 =	vmul.f32 v0, v46;
	v54 =	vsub.f32 v7, v39;
	v51 =	vsub.f32 v17, v39  }
0x5c5: {  	v33, _, _ =	vpop (xrf2);
	v17 =	vmul.f32 v42, v37;
	v52 =	vsub.f32 v63, v39;
	v25 =	vsub.f32 v25, v39  }
0x5c6: {  	v7 =	vmul.f32 v0, v40;
	v40 =	vmul.f32 v0, v44;
	(v2sf) =	vpush v33, $0xF;
	v48, _, _ =	vpop (xrf2)  }
0x5c7: {  	v63 =	vmul.f32 v0, v45;
	v33 =	vsub.f32 v29, v39;
	(v2sf) =	vpush v48, $0xF  }
0x5c8: {  	v48 =	vsub.f32 v6, v39;
	v39 =	vmul.f32 v0, v49;
	v0 =	vmul.f32 v0, v31;
	_ =	sdelay $0x1  }
0x5c9: {  	[tilespmem:$0x1F5A0] =	vst v0;
	v0 =	vmul.f32 v17, v34;
	_ =	sdelay $0x1  }
0x5ca: {  	s19 =	spop (v2sf);
	[tilespmem:$0x1F5B0] =	vst v0;
	v0 =	vld [tilespmem:$0x1F450]  }
0x5cb: {  	s4 =	smul.f32 $7.812500000e-03, s19;
	s21 =	spop (v2sf)  }
0x5cc: {  	s5 =	smul.f32 $7.812500000e-03, s21  }
0x5cd: {  	v37 =	vmov s4  }
0x5ce: {  	v45 =	vsub.f32 v18, v37;
	v18 =	vmov s5  }
0x5cf: {  	v28 =	vsub.f32 v30, v37;
	v30 =	vsub.f32 v0, v18;
	v0 =	vmul.f32 v17, v22;
	_ =	sdelay $0x1  }
0x5d0: {  	[tilespmem:$0x1F5C0] =	vst v0;
	v0 =	vld [tilespmem:$0x1F460];
	_ =	sdelay $0x4  }
0x5d1: {  	v29 =	vsub.f32 v0, v18;
	v0 =	vsub.f32 v62, v18;
	_ =	sdelay $0x1  }
0x5d2: {  	[tilespmem:$0x1F470] =	vst v0;
	v0 =	vmul.f32 v17, v3;
	_ =	sdelay $0x1  }
0x5d3: {  	[tilespmem:$0x1F5D0] =	vst v0;
	v0 =	vsub.f32 v57, v18;
	_ =	sdelay $0x1  }
0x5d4: {  	[tilespmem:$0x1F480] =	vst v0;
	v0 =	vsub.f32 v32, v18  }
0x5d5: {  	v62 =	vld [tilespmem:$0x1FF70]  }
0x5d6: {  	[tilespmem:$0x1F490] =	vst v0;
	v0 =	vld [tilespmem:$0x1F4A0];
	_ =	sdelay $0x4  }
0x5d7: {  	v3 =	vmul.f32 v0, v62;
	v0 =	vsub.f32 v61, v18;
	_ =	sdelay $0x1  }
0x5d8: {  	[tilespmem:$0x1F4B0] =	vst v0;
	v0 =	vsub.f32 v14, v18;
	_ =	sdelay $0x1  }
0x5d9: {  	[tilespmem:$0x1F4C0] =	vst v0;
	v0 =	vsub.f32 v27, v18  }
0x5da: {  	v46 =	vsub.f32 v58, v37;
	v58 =	vld [tilespmem:$0x1FF00]  }
0x5db: {  	[tilespmem:$0x1F4D0] =	vst v0;
	v0 =	vld [tilespmem:$0x1F4E0];
	_ =	sdelay $0x2  }
0x5dc: {  	[tilespmem:$0x1F590] =	vst v1;
	v1 =	vld [tilespmem:$0x1F4F0]  }
0x5dd: {  	v44 =	vsub.f32 v60, v37;
	v60 =	vld [tilespmem:$0x1FF90]  }
0x5de: {  	v14 =	vmul.f32 v0, v58;
	v0 =	vld [tilespmem:$0x1FF10];
	_ =	sdelay $0x1  }
0x5df: {  	v42 =	vsub.f32 v26, v37  }
0x5e0: {  	v49 =	vsub.f32 v59, v37;
	v2 =	vmul.f32 v17, v2;
	v26 =	vmul.f32 v17, v50  }
0x5e1: {  	v59 =	vmul.f32 v17, v41;
	v31 =	vmul.f32 v17, v35;
	v50 =	vadd.f32 v3, v60;
	v3 =	vld [tilespmem:$0x1FF20]  }
0x5e2: {  	v34 =	vmul.f32 v17, v36;
	v17 =	vmul.f32 v1, v0;
	v1 =	vld [tilespmem:$0x1F500];
	_ =	sdelay $0x3  }
0x5e3: {  	v4 =	vld [tilespmem:$0x1F510]  }
0x5e4: {  	v18 =	vmul.f32 v1, v3;
	v1 =	vld [tilespmem:$0x1FF30];
	_ =	sdelay $0x3  }
0x5e5: {  	v5 =	vld [tilespmem:$0x1F520]  }
0x5e6: {  	v27 =	vmul.f32 v4, v1;
	v4 =	vld [tilespmem:$0x1FF40];
	_ =	sdelay $0x2  }
0x5e7: {  	v47 =	vsub.f32 v53, v37;
	v43 =	vsub.f32 v43, v37;
	v37 =	vld [tilespmem:$0x1FFA0]  }
0x5e8: {  	v41 =	vld [tilespmem:$0x1FF50]  }
0x5e9: {  	v32 =	vmul.f32 v5, v4;
	v5 =	vld [tilespmem:$0x1F530]  }
0x5ea: {  	[tilespmem:s28+$0xF0] =	vst v50  }
0x5eb: {  	v6 =	vld [tilespmem:$0x1F540]  }
0x5ec: {  	v14 =	vadd.f32 v14, v37;
	v35 =	vld [tilespmem:$0x1FFB0]  }
0x5ed: {  	v36 =	vld [tilespmem:$0x1FFC0]  }
0x5ee: {  	v57 =	vmul.f32 v5, v41;
	v5 =	vld [tilespmem:$0x1FF60];
	[tilespmem:s28+$0x80] =	vst v14  }
0x5ef: {  	v61 =	vld [tilespmem:$0x1FFD0];
	_ =	sdelay $0x1  }
0x5f0: {  	v17 =	vadd.f32 v17, v35;
	_ =	sdelay $0x1  }
0x5f1: {  	[tilespmem:s28+$0x90] =	vst v17  }
0x5f2: {  	v14 =	vadd.f32 v27, v61;
	v27 =	vld [tilespmem:$0x1FFE0]  }
0x5f3: {  	v18 =	vadd.f32 v18, v36;
	_ =	sdelay $0x1  }
0x5f4: {  	[tilespmem:s28+$0xA0] =	vst v18  }
0x5f5: {  	v53 =	vmul.f32 v6, v5;
	v6 =	vld [tilespmem:$0x1F550]  }
0x5f6: {  	v17 =	vadd.f32 v32, v27;
	v32 =	vmov v27;
	v27 =	vld [tilespmem:$0x1FFF0];
	_ =	sdelay $0x3  }
0x5f7: {  	[tilespmem:s28+$0xB0] =	vst v14  }
0x5f8: {  	v18 =	vadd.f32 v57, v27;
	v57 =	vmov v27;
	v27 =	vmul.f32 v6, v41;
	v6 =	vld [tilespmem:$0x1FF80];
	_ =	sdelay $0x4  }
0x5f9: {  	v14 =	vld [tilespmem:$0x1F560];
	[tilespmem:s28+$0xC0] =	vst v17;
	v50 =	vadd.f32 v53, v6  }
0x5fa: {  	[tilespmem:s28+$0xD0] =	vst v18  }
0x5fb: {  	[tilespmem:s28+$0xE0] =	vst v50  }
0x5fc: {  	v22 =	vmul.f32 v8, v1;
	v8 =	vld [tilespmem:$0x1F570];
	_ =	sdelay $0x2  }
0x5fd: {  	v19 =	vmul.f32 v19, v58;
	_ =	sdelay $0x1  }
0x5fe: {  	v15 =	vmul.f32 v15, v0;
	v17 =	vadd.f32 v19, v37;
	v19 =	vmul.f32 v8, v4;
	v8 =	vld [tilespmem:$0x1F580]  }
0x5ff: {  	v20 =	vmul.f32 v20, v3  }
0x600: {  	v23 =	vmul.f32 v23, v4;
	v15 =	vadd.f32 v15, v35  }
0x601: {  	v21 =	vmul.f32 v21, v1;
	v53 =	vadd.f32 v20, v36;
	[tilespmem:s28+$0xFFFFFF00] =	vst v17  }
0x602: {  	v18 =	vmul.f32 v10, v62;
	v10 =	vadd.f32 v23, v32;
	[tilespmem:s28+$0xFFFFFF10] =	vst v15  }
0x603: {  	[tilespmem:s28+$0xFFFFFF20] =	vst v53;
	v20 =	vmul.f32 v8, v41;
	v8 =	vadd.f32 v21, v61  }
0x604: {  	v14 =	vmul.f32 v14, v5;
	[tilespmem:s28+$0xFFFFFF40] =	vst v10  }
0x605: {  	[tilespmem:s28+$0xFFFFFF30] =	vst v8  }
0x606: {  	v23 =	vmul.f32 v63, v1;
	v63 =	vmul.f32 v9, v4;
	v9 =	vadd.f32 v14, v6;
	v6 =	vld [tilespmem:$0x1F590]  }
0x607: {  	v17 =	vmul.f32 v7, v58;
	v7 =	vmul.f32 v2, v62  }
0x608: {  	v27 =	vadd.f32 v27, v57  }
0x609: {  	v7 =	vadd.f32 v7, v60  }
0x60a: {  	[tilespmem:s28+$0xFFFFFF50] =	vst v27  }
0x60b: {  	v21 =	vmul.f32 v6, v41;
	v6 =	vld [tilespmem:$0x1F5A0];
	[tilespmem:s13+$0xF0] =	vst v7  }
0x60c: {  	v16 =	vmul.f32 v16, v62;
	v11 =	vmul.f32 v11, v3;
	[tilespmem:s28+$0xFFFFFF60] =	vst v9  }
0x60d: {  	v53 =	vmul.f32 v39, v3;
	v8 =	vmul.f32 v31, v3;
	v3 =	vld [tilespmem:$0x1F5B0]  }
0x60e: {  	v12 =	vmul.f32 v12, v58  }
0x60f: {  	v13 =	vmul.f32 v13, v0;
	v14 =	vadd.f32 v16, v60  }
0x610: {  	s2 =	smul.f32 s2, s2;
	s23 =	spop (v2sf);
	v2 =	vmul.f32 v40, v0;
	v60 =	vmul.f32 v59, v0;
	v0 =	vadd.f32 v12, v37  }
0x611: {  	s14 =	smul.f32 $7.812500000e-03, s23;
	[tilespmem:s28+$0xFFFFFF70] =	vst v14  }
0x612: {  	s4 =	smul.f32 s4, s4;
	s24 =	spop (v2sf);
	v62 =	vmul.f32 v6, v62;
	v6 =	vmul.f32 v3, v1;
	v3 =	vld [tilespmem:$0x1F5C0];
	[tilespmem:s28+$0xFFFFFF80] =	vst v0  }
0x613: {  	s2 =	ssub.f32 s14, s2;
	s14 =	smul.f32 $7.812500000e-03, s24;
	v0 =	vld [tilespmem:$0x1F5D0]  }
0x614: {  	v24 =	vmul.f32 v24, v5;
	v15 =	vmul.f32 v38, v5  }
0x615: {  	s4 =	ssub.f32 s14, s4;
	v10 =	vmul.f32 v26, v58;
	v7 =	vadd.f32 v13, v35;
	v1 =	vmov s2  }
0x616: {  	s5 =	smul.f32 s5, s5;
	s25 =	spop (v2sf);
	v4 =	vmul.f32 v34, v4;
	v9 =	vadd.f32 v11, v36;
	v1 =	vmax.f32 v1, $0.0e+00  }
0x617: {  	s26 =	smul.f32 $7.812500000e-03, s25;
	v11 =	vmov s4;
	[tilespmem:s28+$0xFFFFFF90] =	vst v7;
	v7 =	vadd.f32 v22, v61;
	v1 =	vadd.f32 $9.999999960e-13, v1  }
0x618: {  	s29 =	simm.s32 $0x8500;
	[tilespmem:s28+$0xFFFFFFA0] =	vst v9;
	v9 =	vmax.f32 v11, $0.0e+00;
	v3 =	vmul.f32 v3, v41;
	v50 =	vmul.f32 v0, v5  }
0x619: {  	s5 =	ssub.f32 s26, s5;
	v38 =	vmovc v35;
	s4 =	simm.s32 $0x1060A;
	s2 =	simm.s32 $0x4;
	v0 =	vadd.f32 v19, v32;
	v5 =	vbroadcast v1, $0x0;
	v1 =	vadd.f32 v20, v57  }
.LBB2_11:
0x61a: {  	[tilespmem:$0x1F150] =	vst v50;
	v50 =	vld [tilespmem:$0x1FF80]  }
0x61b: {  	v11 =	vld [tilespmem:s4+$0x1]  }
0x61c: {  	v16 =	vld [tilespmem:$0x1FF90];
	[tilespmem:s28+$0xFFFFFFB0] =	vst v7;
	v13 =	vshrl.u32 v5, $0x1;
	v5 =	vmul.f32 $5.000000000e-01, v5;
	v14 =	vmov s5  }
0x61d: {  	v9 =	vadd.f32 $9.999999960e-13, v9;
	v12 =	vld [tilespmem:s4+$0xFFFFFFFF];
	v13 =	vsub.s32 $0x5F3759DF, v13;
	v14 =	vmax.f32 v14, $0.0e+00  }
0x61e: {  	[tilespmem:s28+$0xFFFFFFC0] =	vst v0;
	v0 =	vld [tilespmem:s4+$0x0];
	v5 =	vmul.f32 v13, v5;
	v14 =	vadd.f32 $9.999999960e-13, v14  }
0x61f: {  	v17 =	vadd.f32 v17, v37;
	v9 =	vbroadcast v9, $0x0;
	v7 =	vadd.f32 v24, v50  }
0x620: {  	[tilespmem:s28+$0xFFFFFFD0] =	vst v1;
	v1 =	vld [tilespmem:s4+$0xFFFFFFFE];
	(v2sf) =	vpush v11, $0x0;
	v14 =	vbroadcast v14, $0x0;
	v5 =	vmul.f32 v13, v5  }
0x621: {  	[tilespmem:s28+$0xFFFFFFE0] =	vst v7;
	v7 =	vadd.f32 v18, v16;
	v18 =	vmovc v16;
	v16 =	vshrl.u32 v9, $0x1;
	v9 =	vmul.f32 $5.000000000e-01, v9  }
0x622: {  	(v2sf) =	vpush v12, $0x0;
	v5 =	vsub.f32 $1.500000000e+00, v5;
	v11 =	vsub.s32 $0x5F3759DF, v16  }
0x623: {  	v2 =	vadd.f32 v2, v38;
	(v2sf) =	vpush v0, $0x0;
	[tilespmem:s28+$0xFFFFFFF0] =	vst v7;
	v7 =	vmul.f32 v11, v9  }
0x624: {  	v22 =	vld [tilespmem:$0x1F230];
	v0 =	vshrl.u32 v14, $0x1;
	v9 =	vmul.f32 $5.000000000e-01, v14;
	v5 =	vmul.f32 v13, v5  }
0x625: {  	v31 =	vld [tilespmem:$0x1F250];
	(v2sf) =	vpush v1, $0x0;
	v0 =	vsub.s32 $0x5F3759DF, v0;
	v1 =	vmul.f32 v11, v7  }
0x626: {  	v35 =	vld [tilespmem:$0x1F270];
	[tilespmem:s28+$0x10] =	vst v2;
	v2 =	vadd.f32 v23, v61;
	v7 =	vmul.f32 v0, v9;
	v58 =	vmul.f32 v5, v55  }
0x627: {  	s13 =	sadd.s32 $0x200, s13;
	v40 =	vld [tilespmem:$0x1F290];
	[tilespmem:s28+$0x0] =	vst v17;
	v9 =	vadd.f32 v53, v36;
	v55 =	vmul.f32 v5, v56;
	v54 =	vmul.f32 v5, v54  }
0x628: {  	v34 =	vld [tilespmem:s13+$0xFFFFFF10];
	[tilespmem:s28+$0x30] =	vst v2;
	v2 =	vmul.f32 v5, v33;
	v1 =	vsub.f32 $1.500000000e+00, v1;
	v7 =	vmul.f32 v0, v7  }
0x629: {  	v23 =	vld [tilespmem:$0x1F240];
	v53 =	vmul.f32 v5, v51;
	v52 =	vmul.f32 v5, v52;
	[tilespmem:s28+$0x20] =	vst v9;
	v9 =	vadd.f32 v63, v32  }
0x62a: {  	v16 =	vld [tilespmem:s13+$0xFFFFFF90];
	[tilespmem:$0x1F160] =	vst v2;
	v1 =	vmul.f32 v11, v1;
	v11 =	vadd.f32 v21, v57;
	v7 =	vsub.f32 $1.500000000e+00, v7  }
0x62b: {  	v14 =	vld [tilespmem:$0x1F220];
	v56 =	vmul.f32 v5, v25;
	v48 =	vmul.f32 v5, v48;
	[tilespmem:s28+$0x40] =	vst v9;
	v9 =	vadd.f32 v15, v50  }
0x62c: {  	v5 =	vadd.f32 v60, v38;
	v38 =	vld [tilespmem:$0x1F2B0];
	v12 =	vmul.f32 v0, v7;
	[tilespmem:s28+$0x50] =	vst v11;
	v0 =	vadd.f32 v62, v18  }
0x62d: {  	[tilespmem:s28+$0x60] =	vst v9;
	v9 =	vld [tilespmem:s13+$0x80];
	v2 =	vmul.f32 v1, v45  }
0x62e: {  	v7 =	vadd.f32 v10, v37;
	v49 =	vmul.f32 v1, v49;
	v47 =	vmul.f32 v1, v47;
	v11 =	vld [tilespmem:s13+$0xFFFFFF00];
	[tilespmem:s28+$0x70] =	vst v0  }
0x62f: {  	v46 =	vmul.f32 v1, v46;
	v44 =	vmul.f32 v1, v44;
	v10 =	vld [tilespmem:$0x1F210];
	s28 =	smov.u32 s29;
	[tilespmem:$0x1F170] =	vst v2  }
0x630: {  	v42 =	vmul.f32 v1, v42;
	v0 =	vld [tilespmem:s13+$0x90];
	v2 =	vmul.f32 v1, v43;
	[tilespmem:s28+$0x80] =	vst v7  }
0x631: {  	v37 =	vld [tilespmem:$0x1F280];
	v43 =	vmul.f32 v1, v28;
	v1 =	vmul.f32 v12, v30;
	[tilespmem:s28+$0x90] =	vst v5  }
0x632: {  	v30 =	vld [tilespmem:$0x1F2A0];
	v7 =	vadd.f32 v8, v36;
	[tilespmem:$0x1F180] =	vst v2  }
0x633: {  	v5 =	vadd.f32 v6, v61;
	s26 =	spop (v2sf);
	[tilespmem:$0x1F190] =	vst v1;
	v1 =	vadd.f32 v3, v57;
	v57 =	vld [tilespmem:$0x1F260]  }
0x634: {  	v4 =	vadd.f32 v4, v32;
	v6 =	vld [tilespmem:s13+$0xA0];
	p5 =	seq.s32 s26, $0x1;
	[tilespmem:s28+$0xA0] =	vst v7;
	s14 =	spop (v2sf)  }
0x635: {  	v62 =	vmul.f32 v12, v29;
	v36 =	vld [tilespmem:$0x1F2D0];
	[tilespmem:s28+$0xB0] =	vst v5;
	v3 =	vpsel p5, v14, v10;
	v5 =	vpsel p5, v23, v22;
	p2 =	seq.s32 s14, $0x1;
	s17 =	spop (v2sf)  }
0x636: {  	v8 =	vld [tilespmem:s13+$0xB0];
	[tilespmem:s28+$0xC0] =	vst v4;
	v63 =	vadd.f32 v3, v9;
	v4 =	vpsel p5, v37, v35;
	v13 =	vpsel p2, v14, v10;
	p3 =	seq.s32 s17, $0x1;
	s19 =	spop (v2sf)  }
0x637: {  	v2 =	vld [tilespmem:$0x1F2E0];
	[tilespmem:s28+$0xD0] =	vst v1;
	v45 =	vadd.f32 v5, v0;
	v1 =	vpsel p2, v23, v22;
	p4 =	seq.s32 s19, $0x1;
	v32 =	vpsel p3, v14, v10  }
0x638: {  	v9 =	vld [tilespmem:s13+$0xC0];
	v59 =	vadd.f32 v1, v16;
	v0 =	vpsel p5, v57, v31;
	v14 =	vpsel p4, v14, v10  }
0x639: {  	v7 =	vld [tilespmem:$0x1F2C0];
	v15 =	vmul.f32 v45, v45;
	v61 =	vadd.f32 v0, v6;
	v6 =	vmul.f32 v63, v63  }
0x63a: {  	v10 =	vld [tilespmem:s13+$0xD0];
	v17 =	vpsel p4, v23, v22;
	v24 =	vpsel p4, v57, v31;
	v0 =	vadd.f32 v45, v63  }
0x63b: {  	v3 =	vld [tilespmem:$0x1F300];
	v60 =	vadd.f32 v8, v4;
	v15 =	vadd.f32 v15, v6;
	v20 =	vmul.f32 v61, v61  }
0x63c: {  	v19 =	vld [tilespmem:s13+$0xE0];
	v26 =	vpsel p2, v57, v31;
	v8 =	vpsel p5, v30, v40;
	v0 =	vadd.f32 v0, v61  }
0x63d: {  	v5 =	vld [tilespmem:$0x1F2F0];
	v6 =	vadd.f32 v9, v8;
	v15 =	vadd.f32 v15, v20;
	v20 =	vmul.f32 v60, v60  }
0x63e: {  	v31 =	vpsel p3, v57, v31;
	v8 =	vpsel p5, v7, v38;
	v9 =	vld [tilespmem:s13+$0xF0];
	v0 =	vadd.f32 v0, v60  }
0x63f: {  	v39 =	vld [tilespmem:s13+$0xFFFFFF80];
	v8 =	vadd.f32 v10, v8;
	v15 =	vadd.f32 v15, v20;
	v20 =	vmul.f32 v6, v6  }
0x640: {  	v18 =	vld [tilespmem:s13+$0x0];
	v51 =	vadd.f32 v14, v11;
	v10 =	vpsel p5, v2, v36;
	v0 =	vadd.f32 v0, v6  }
0x641: {  	v10 =	vadd.f32 v19, v10;
	v29 =	vmul.f32 v8, v8;
	v20 =	vadd.f32 v15, v20  }
0x642: {  	v25 =	vld [tilespmem:s13+$0xFFFFFFA0];
	v57 =	vadd.f32 v17, v34;
	v28 =	vpsel p5, v3, v5;
	v0 =	vadd.f32 v0, v8  }
0x643: {  	v21 =	vld [tilespmem:s13+$0x10];
	v15 =	vadd.f32 v9, v28;
	v11 =	vadd.f32 v20, v29;
	v20 =	vmul.f32 v10, v10  }
0x644: {  	v22 =	vpsel p3, v23, v22;
	v23 =	vld [tilespmem:s13+$0xFFFFFF20];
	v9 =	vadd.f32 v0, v10;
	v29 =	vadd.f32 v13, v39  }
0x645: {  	v27 =	vld [tilespmem:s13+$0x20];
	[tilespmem:$0x1F1D0] =	vst v59;
	v13 =	vmul.f32 v15, v15;
	v39 =	vadd.f32 v32, v18;
	v11 =	vadd.f32 v11, v20  }
0x646: {  	v41 =	vld [tilespmem:s13+$0xFFFFFFB0];
	[tilespmem:$0x1F1A0] =	vst v51;
	v28 =	vmul.f32 v57, v57;
	v0 =	vpsel p4, v37, v35;
	v9 =	vadd.f32 v9, v15  }
0x647: {  	[tilespmem:$0x1F1C0] =	vst v29;
	v20 =	vmul.f32 v51, v51;
	v33 =	vmul.f32 v39, v39;
	v1 =	vadd.f32 v11, v13  }
0x648: {  	v19 =	vld [tilespmem:s13+$0xFFFFFF30];
	(xrf2) =	vadd.scan.msk.f32 $0xffff, v9;
	v9 =	vadd.f32 v22, v21;
	v11 =	vadd.f32 v57, v51;
	v13 =	vmul.f32 v29, v29  }
0x649: {  	v17 =	vld [tilespmem:s13+$0xFFFFFF40];
	v22 =	vadd.f32 v59, v29;
	v29 =	vmul.f32 v59, v59;
	v51 =	vadd.f32 v24, v23;
	(xrf2) =	vadd.scan.msk.f32 $0xffff, v1  }
0x64a: {  	[tilespmem:$0x1F1B0] =	vst v57;
	v57 =	vadd.f32 v26, v25;
	v25 =	vpsel p2, v37, v35;
	v59 =	vadd.f32 v31, v27  }
0x64b: {  	v14 =	vld [tilespmem:s13+$0x30];
	v27 =	vpsel p3, v37, v35;
	v20 =	vadd.f32 v28, v20;
	v41 =	vadd.f32 v41, v25  }
0x64c: {  	v25 =	vpsel p2, v30, v40;
	v34 =	vadd.f32 v9, v39;
	v24 =	vmul.f32 v9, v9  }
0x64d: {  	v16 =	vld [tilespmem:s13+$0x40];
	[tilespmem:$0x1F1E0] =	vst v39;
	v28 =	vadd.f32 v11, v51;
	v39 =	vadd.f32 v19, v0;
	v19 =	vpsel p4, v30, v40  }
0x64e: {  	v31 =	vmul.f32 v51, v51;
	v29 =	vadd.f32 v29, v13;
	v19 =	vadd.f32 v17, v19  }
0x64f: {  	v4 =	vld [tilespmem:s13+$0xFFFFFFC0];
	v37 =	vmul.f32 v57, v57;
	v24 =	vadd.f32 v24, v33;
	v33 =	vadd.f32 v34, v59  }
0x650: {  	v18 =	vld [tilespmem:s13+$0xFFFFFF50];
	[tilespmem:$0x1F200] =	vst v59;
	v34 =	vmul.f32 v59, v59;
	v59 =	vadd.f32 v14, v27;
	v27 =	vpsel p3, v30, v40  }
0x651: {  	v21 =	vld [tilespmem:s13+$0xFFFFFFD0];
	v20 =	vadd.f32 v20, v31;
	v28 =	vadd.f32 v28, v39;
	v30 =	vmul.f32 v39, v39  }
0x652: {  	v32 =	vld [tilespmem:s13+$0x50];
	v29 =	vadd.f32 v29, v37;
	v40 =	vadd.f32 v16, v27;
	v14, _, _ =	vpop (xrf2)  }
0x653: {  	v17 =	vpsel p2, v7, v38;
	v30 =	vadd.f32 v20, v30;
	(v2sf) =	vpush v14, $0xF;
	v14, _, _ =	vpop (xrf2)  }
0x654: {  	v37 =	vpsel p4, v7, v38;
	v27 =	vadd.f32 v28, v19;
	(v2sf) =	vpush v14, $0xF  }
0x655: {  	v0 =	vld [tilespmem:s13+$0x70];
	v28 =	vmul.f32 v19, v19;
	v14 =	vadd.f32 v4, v25;
	v25 =	vadd.f32 v18, v37  }
0x656: {  	v16 =	vpsel p3, v7, v38;
	v20 =	vadd.f32 v21, v17  }
0x657: {  	v16 =	vadd.f32 v32, v16;
	v17 =	vadd.f32 v30, v28;
	v32 =	vmul.f32 v25, v25  }
0x658: {  	v26 =	vld [tilespmem:s13+$0xFFFFFFE0];
	v22 =	vadd.f32 v22, v57  }
0x659: {  	v1 =	vld [tilespmem:s13+$0xFFFFFFF0];
	v31 =	vmul.f32 v41, v41;
	v17 =	vadd.f32 v17, v32;
	v32 =	vpsel p3, v3, v5  }
0x65a: {  	v22 =	vadd.f32 v22, v41;
	v13 =	vadd.f32 v0, v32;
	v0 =	vld [tilespmem:$0x1F470]  }
0x65b: {  	v23 =	vld [tilespmem:s13+$0xFFFFFF60];
	v24 =	vadd.f32 v24, v34;
	v29 =	vadd.f32 v29, v31;
	v31 =	vmul.f32 v14, v14  }
0x65c: {  	v34 =	vmul.f32 v59, v59;
	v33 =	vadd.f32 v33, v59;
	v21 =	vpsel p2, v2, v36  }
0x65d: {  	v35 =	vld [tilespmem:s13+$0x60];
	v26 =	vadd.f32 v26, v21;
	v37 =	vmul.f32 v20, v20;
	v29 =	vadd.f32 v29, v31  }
0x65e: {  	v21 =	vpsel p2, v3, v5;
	v24 =	vadd.f32 v24, v34;
	v34 =	vpsel p4, v2, v36  }
0x65f: {  	v37 =	vadd.f32 v29, v37;
	v29 =	vadd.f32 v1, v21;
	v21 =	vmul.f32 v12, v0;
	v0 =	vld [tilespmem:$0x1F480]  }
0x660: {  	[tilespmem:$0x1F1F0] =	vst v9;
	v9 =	vld [tilespmem:s13+$0xFFFFFF70];
	v28 =	vadd.f32 v23, v34;
	v22 =	vadd.f32 v22, v14  }
0x661: {  	v30 =	vpsel p3, v2, v36;
	v18 =	vadd.f32 v33, v40;
	v33 =	vmul.f32 v40, v40  }
0x662: {  	v31 =	vadd.f32 v22, v20;
	v22 =	vadd.f32 v35, v30;
	v35 =	vmul.f32 v28, v28  }
0x663: {  	v27 =	vadd.f32 v27, v25;
	v24 =	vadd.f32 v24, v33  }
0x664: {  	v33 =	vpsel p4, v3, v5;
	v17 =	vadd.f32 v17, v35;
	v35 =	vmul.f32 v12, v0;
	v0 =	vld [tilespmem:$0x1F490]  }
0x665: {  	v34 =	vadd.f32 v27, v28;
	v30 =	vadd.f32 v9, v33;
	_ =	sdelay $0x1  }
0x666: {  	v36 =	vadd.f32 v34, v30;
	_ =	sdelay $0x1  }
0x667: {  	(xrf2) =	vadd.scan.msk.f32 $0xffff, v36;
	v36 =	vmul.f32 v12, v0;
	v0 =	vld [tilespmem:$0x1F4B0];
	_ =	sdelay $0x2  }
0x668: {  	v27 =	vmul.f32 v26, v26;
	_ =	sdelay $0x1  }
0x669: {  	v27 =	vadd.f32 v37, v27;
	v37 =	vmul.f32 v12, v0;
	v0 =	vld [tilespmem:$0x1F4C0]  }
0x66a: {  	v18 =	vadd.f32 v18, v16  }
0x66b: {  	v31 =	vadd.f32 v31, v26  }
0x66c: {  	v18 =	vadd.f32 v18, v22;
	v38 =	vmul.f32 v29, v29  }
0x66d: {  	v5 =	vld [tilespmem:$0x1FF00];
	v31 =	vadd.f32 v31, v29  }
0x66e: {  	v18 =	vadd.f32 v18, v13;
	v27 =	vadd.f32 v27, v38;
	v38 =	vmul.f32 v12, v0;
	v0 =	vld [tilespmem:$0x1F4D0]  }
0x66f: {  	(xrf2) =	vadd.scan.msk.f32 $0xffff, v31  }
0x670: {  	(xrf2) =	vadd.scan.msk.f32 $0xffff, v18;
	v18 =	vld [tilespmem:$0x1FFA0]  }
0x671: {  	v33 =	vmul.f32 v30, v30;
	_ =	sdelay $0x1  }
0x672: {  	v17 =	vadd.f32 v17, v33;
	v31 =	vmul.f32 v58, v5;
	v33 =	vmul.f32 v12, v0;
	v12 =	vld [tilespmem:$0x1FF10];
	_ =	sdelay $0x1  }
0x673: {  	v18 =	vadd.f32 v31, v18;
	v31 =	vld [tilespmem:$0x1FFB0];
	_ =	sdelay $0x2  }
0x674: {  	v2 =	vmul.f32 v55, v12;
	_ =	sdelay $0x1  }
0x675: {  	v9 =	vld [tilespmem:$0x1FF20];
	v2 =	vadd.f32 v2, v31;
	_ =	sdelay $0x1  }
0x676: {  	s21 =	spop (v2sf);
	[tilespmem:s28+$0xFFFFFF10] =	vst v2;
	v2 =	vld [tilespmem:$0x1FFC0]  }
0x677: {  	v23 =	vmul.f32 v16, v16;
	s5 =	smul.f32 $7.812500000e-03, s21;
	s14 =	spop (v2sf)  }
0x678: {  	s14 =	smul.f32 $7.812500000e-03, s14  }
0x679: {  	v23 =	vadd.f32 v24, v23;
	v24 =	vmul.f32 v22, v22;
	v32 =	vmul.f32 v54, v9;
	s17 =	smul.f32 s5, s5;
	_ =	sdelay $0x1  }
0x67a: {  	v1 =	vld [tilespmem:$0x1FF40];
	v23 =	vadd.f32 v23, v24;
	v24 =	vmul.f32 v13, v13;
	s14 =	ssub.f32 s14, s17;
	v2 =	vadd.f32 v32, v2;
	_ =	sdelay $0x1  }
0x67b: {  	v23 =	vadd.f32 v23, v24;
	v24 =	vmov s14;
	[tilespmem:s28+$0xFFFFFF20] =	vst v2;
	v2 =	vld [tilespmem:$0x1FFE0]  }
0x67c: {  	v24 =	vmax.f32 v24, $0.0e+00;
	v0 =	vld [tilespmem:$0x1F150]  }
0x67d: {  	v11 =	vld [tilespmem:$0x1FF50];
	v24 =	vadd.f32 $9.999999960e-13, v24  }
0x67e: {  	v52 =	vmul.f32 v52, v1  }
0x67f: {  	v7 =	vld [tilespmem:$0x1FF30];
	[tilespmem:s28+$0xFFFFFF00] =	vst v18;
	v18, _, _ =	vpop (xrf2);
	v24 =	vbroadcast v24, $0x0  }
0x680: {  	(v2sf) =	vpush v18, $0xF;
	v52 =	vadd.f32 v52, v2;
	v2 =	vld [tilespmem:$0x1F180]  }
0x681: {  	(xrf2) =	vadd.scan.msk.f32 $0xffff, v17;
	v18 =	vld [tilespmem:$0x1FFD0];
	v58 =	vadd.f32 v0, v50;
	v31 =	vshrl.u32 v24, $0x1;
	v24 =	vmul.f32 $5.000000000e-01, v24  }
0x682: {  	v54 =	vmul.f32 v56, v11;
	v56 =	vsub.s32 $0x5F3759DF, v31  }
0x683: {  	[tilespmem:s28+$0xE0] =	vst v58;
	v58 =	vld [tilespmem:$0x1FF70];
	v17 =	vmul.f32 v56, v24  }
0x684: {  	v53 =	vmul.f32 v53, v7;
	v0 =	vld [tilespmem:$0x1FF60]  }
0x685: {  	(xrf2) =	vadd.scan.msk.f32 $0xffff, v27;
	v17 =	vmul.f32 v56, v17;
	v27 =	vmul.f32 v2, v11;
	v2 =	vld [tilespmem:$0x1F190]  }
0x686: {  	v18 =	vadd.f32 v53, v18  }
0x687: {  	v31 =	vmul.f32 v44, v7;
	v44, _, _ =	vpop (xrf2);
	v53 =	vsub.f32 $1.500000000e+00, v17  }
0x688: {  	[tilespmem:s28+$0xFFFFFF30] =	vst v18;
	(v2sf) =	vpush v44, $0xF;
	v18 =	vmul.f32 v43, v58;
	v43 =	vmov s5  }
0x689: {  	(xrf2) =	vadd.scan.msk.f32 $0xffff, v23;
	v24 =	vmul.f32 v42, v0;
	v23 =	vmul.f32 v56, v53;
	v56 =	vsub.f32 v63, v43  }
0x68a: {  	v3 =	vld [tilespmem:$0x1F160];
	v15 =	vsub.f32 v15, v43;
	v17 =	vmul.f32 v2, v5;
	v2 =	vmul.f32 v62, v12;
	v62, _, _ =	vpop (xrf2)  }
0x68b: {  	v53 =	vmul.f32 v21, v9;
	v42 =	vmul.f32 v23, v56;
	v56 =	vld [tilespmem:$0x1FF90];
	(v2sf) =	vpush v62, $0xF;
	v21, _, _ =	vpop (xrf2)  }
0x68c: {  	(v2sf) =	vpush v21, $0xF;
	v21 =	vld [tilespmem:$0x1FFF0]  }
0x68d: {  	v15 =	vmul.f32 v23, v15  }
0x68e: {  	v6 =	vsub.f32 v6, v43  }
0x68f: {  	v10 =	vsub.f32 v10, v43;
	v63 =	vmul.f32 v15, v58  }
0x690: {  	v55 =	vmul.f32 v3, v0;
	v44 =	vmul.f32 v23, v6  }
0x691: {  	v6 =	vadd.f32 v63, v56;
	v15, _, _ =	vpop (xrf2);
	v21 =	vadd.f32 v54, v21;
	v54 =	vmul.f32 v23, v10  }
0x692: {  	v4 =	vsub.f32 v60, v43;
	(v2sf) =	vpush v15, $0xF;
	v15 =	vmul.f32 v38, v0;
	v38 =	vld [tilespmem:$0x1FFB0]  }
0x693: {  	[tilespmem:s13+$0xF0] =	vst v6;
	v6 =	vadd.f32 v55, v50;
	v50 =	vmul.f32 v54, v0;
	v0 =	vld [tilespmem:$0x1F1A0]  }
0x694: {  	s23 =	spop (v2sf);
	v4 =	vmul.f32 v23, v4  }
0x695: {  	v47 =	vmul.f32 v47, v12;
	s5 =	smul.f32 $7.812500000e-03, s23  }
0x696: {  	[tilespmem:s28+$0xFFFFFF60] =	vst v6;
	v6 =	vmul.f32 v4, v7  }
0x697: {  	v3 =	vld [tilespmem:$0x1F170];
	v4 =	vmul.f32 v44, v1;
	v44 =	vadd.f32 v47, v38;
	v47 =	vmov s5  }
0x698: {  	v55 =	vsub.f32 v0, v47;
	v0 =	vld [tilespmem:$0x1F1B0]  }
0x699: {  	v48 =	vmul.f32 v48, v58;
	_ =	sdelay $0x1  }
0x69a: {  	v56 =	vadd.f32 v48, v56  }
0x69b: {  	v8 =	vsub.f32 v8, v43;
	[tilespmem:s28+$0xFFFFFF50] =	vst v21;
	v21 =	vmul.f32 v37, v11;
	v37 =	vld [tilespmem:$0x1FFA0]  }
0x69c: {  	v34 =	vmul.f32 v3, v1;
	v3 =	vsub.f32 v61, v43;
	[tilespmem:s28+$0xFFFFFF70] =	vst v56;
	v56 =	vsub.f32 v0, v47;
	v0 =	vld [tilespmem:$0x1F1C0]  }
0x69d: {  	v49 =	vmul.f32 v49, v5;
	v45 =	vsub.f32 v45, v43;
	s24 =	smul.f32 s5, s5;
	s25 =	spop (v2sf)  }
0x69e: {  	v32 =	vmul.f32 v46, v9;
	v3 =	vmul.f32 v23, v3;
	s5 =	smul.f32 $7.812500000e-03, s25  }
0x69f: {  	v43 =	vmul.f32 v23, v45;
	v45 =	vmul.f32 v23, v8;
	v8, _, _ =	vpop (xrf2)  }
0x6a0: {  	(v2sf) =	vpush v8, $0xF;
	v8 =	vmul.f32 v3, v9;
	v9 =	vmov s5  }
0x6a1: {  	v60 =	vmul.f32 v43, v12;
	v43 =	vadd.f32 v49, v37;
	v49 =	vsub.f32 v0, v9;
	v0 =	vld [tilespmem:$0x1F1D0];
	_ =	sdelay $0x1  }
0x6a2: {  	v54 =	vsub.f32 v51, v47  }
0x6a3: {  	[tilespmem:s28+$0xFFFFFF40] =	vst v52;
	v51 =	vsub.f32 v39, v47;
	v52 =	vsub.f32 v19, v47  }
0x6a4: {  	v62 =	vmul.f32 v33, v58;
	v25 =	vsub.f32 v25, v47;
	v33 =	vsub.f32 v28, v47  }
0x6a5: {  	v48 =	vsub.f32 v30, v47;
	v47 =	vsub.f32 v0, v9;
	v0 =	vld [tilespmem:$0x1F1E0]  }
0x6a6: {  	s26 =	smul.f32 s5, s5;
	s21 =	spop (v2sf)  }
0x6a7: {  	s5 =	smul.f32 $7.812500000e-03, s21;
	_ =	sdelay $0x1  }
0x6a8: {  	v10 =	vmul.f32 v42, v5;
	v5 =	vmov s5  }
0x6a9: {  	v30 =	vsub.f32 v0, v5;
	v0 =	vld [tilespmem:$0x1F1F0];
	_ =	sdelay $0x4  }
0x6aa: {  	v28 =	vsub.f32 v29, v9;
	v29 =	vsub.f32 v0, v5;
	v0 =	vld [tilespmem:$0x1F200];
	_ =	sdelay $0x4  }
0x6ab: {  	v0 =	vsub.f32 v0, v5  }
0x6ac: {  	v63 =	vmul.f32 v36, v1;
	v36 =	vld [tilespmem:$0x1FFC0]  }
0x6ad: {  	s23 =	spop (v2sf);
	s19 =	smul.f32 s5, s5;
	[tilespmem:$0x1F470] =	vst v0;
	v0 =	vsub.f32 v59, v5  }
0x6ae: {  	s5 =	smul.f32 $7.812500000e-03, s23  }
0x6af: {  	[tilespmem:$0x1F480] =	vst v0;
	v0 =	vsub.f32 v40, v5  }
0x6b0: {  	v61 =	vld [tilespmem:$0x1FFD0];
	s5 =	ssub.f32 s5, s24;
	s24 =	spop (v2sf)  }
0x6b1: {  	s2 =	sadd.s32 $0x4, s2;
	v3 =	vmul.f32 v45, v11;
	v11 =	vadd.f32 v32, v36;
	v32 =	vld [tilespmem:$0x1FFE0];
	s14 =	smul.f32 $7.812500000e-03, s24;
	[tilespmem:$0x1F490] =	vst v0;
	v0 =	vsub.f32 v16, v5  }
0x6b2: {  	p1 =	slt.u32 s2, $0x7C;
	[tilespmem:s28+$0xFFFFFF90] =	vst v44;
	v46 =	vsub.f32 v57, v9;
	v44 =	vsub.f32 v41, v9;
	v57 =	vld [tilespmem:$0x1FFF0]  }
.Ltmp5:
0x6b3: {  	v45 =	vsub.f32 v14, v9;
	v1 =	vmov s5;
	s25 =	ssub.f32 s14, s26;
	[tilespmem:$0x1F4B0] =	vst v0;
	v0 =	vsub.f32 v22, v5;
	(pc) =	sbr.rel @p1 .LBB2_11-.Ltmp5, $4  }
0x6b4: {  	v42 =	vsub.f32 v26, v9;
	[tilespmem:s28+$0xFFFFFF80] =	vst v43;
	v43 =	vsub.f32 v20, v9;
	v1 =	vmax.f32 v1, $0.0e+00;
	s26 =	spop (v2sf)  }
0x6b5: {  	v1 =	vadd.f32 $9.999999960e-13, v1;
	s14 =	smul.f32 $7.812500000e-03, s26;
	v9 =	vmov s25;
	[tilespmem:$0x1F4C0] =	vst v0;
	v0 =	vsub.f32 v13, v5  }
0x6b6: {  	v23 =	vmul.f32 v35, v7;
	v7 =	vadd.f32 v31, v61;
	[tilespmem:s28+$0xFFFFFFA0] =	vst v11;
	v9 =	vmax.f32 v9, $0.0e+00  }
0x6b7: {  	s4 =	sadd.s32 $0x4, s4;
	s29 =	smov.u32 s13;
	s5 =	ssub.f32 s14, s19;
	v5 =	vbroadcast v1, $0x0;
	v1 =	vadd.f32 v27, v57;
	[tilespmem:$0x1F4D0] =	vst v0;
	v0 =	vadd.f32 v34, v32  }
0x6b8: {  	[tilespmem:s28+$0xFFFFFFB0] =	vst v7  }
0x6b9: {  	v14 =	vld [tilespmem:$0x1FF80];
	[tilespmem:s28+$0xFFFFFFC0] =	vst v0  }
0x6ba: {  	[tilespmem:s28+$0xFFFFFFD0] =	vst v1  }
0x6bb: {  	v16 =	vld [tilespmem:$0x1FF90];
	_ =	sdelay $0x2  }
0x6bc: {  	v9 =	vadd.f32 $9.999999960e-13, v9;
	v13 =	vadd.f32 v21, v57  }
0x6bd: {  	v10 =	vadd.f32 v10, v37  }
0x6be: {  	v0 =	vmov s5;
	v9 =	vbroadcast v9, $0x0;
	[tilespmem:s28+$0x50] =	vst v13;
	v1 =	vadd.f32 v18, v16  }
0x6bf: {  	v0 =	vmax.f32 v0, $0.0e+00;
	[tilespmem:s29+$0x80] =	vst v10;
	v7 =	vadd.f32 v24, v14  }
0x6c0: {  	[tilespmem:s28+$0xFFFFFFF0] =	vst v1;
	v1 =	vadd.f32 v2, v38;
	v2 =	vshrl.u32 v9, $0x1;
	v9 =	vmul.f32 $5.000000000e-01, v9  }
0x6c1: {  	v0 =	vadd.f32 $9.999999960e-13, v0;
	[tilespmem:s28+$0xFFFFFFE0] =	vst v7;
	v7 =	vadd.f32 v17, v37;
	v2 =	vsub.s32 $0x5F3759DF, v2  }
0x6c2: {  	[tilespmem:s28+$0x10] =	vst v1;
	v1 =	vadd.f32 v23, v61;
	v9 =	vmul.f32 v2, v9  }
0x6c3: {  	v6 =	vadd.f32 v6, v61;
	v0 =	vbroadcast v0, $0x0;
	[tilespmem:s28+$0x0] =	vst v7;
	v7 =	vadd.f32 v53, v36  }
0x6c4: {  	v11 =	vshrl.u32 v5, $0x1;
	v5 =	vmul.f32 $5.000000000e-01, v5;
	[tilespmem:s28+$0x30] =	vst v1;
	v1 =	vmul.f32 v2, v9  }
0x6c5: {  	v11 =	vsub.s32 $0x5F3759DF, v11;
	v12 =	vshrl.u32 v0, $0x1;
	[tilespmem:s28+$0x20] =	vst v7;
	v7 =	vadd.f32 v63, v32  }
0x6c6: {  	[tilespmem:s29+$0xB0] =	vst v6;
	v9 =	vsub.s32 $0x5F3759DF, v12;
	v12 =	vadd.f32 v62, v16;
	v1 =	vsub.f32 $1.500000000e+00, v1  }
0x6c7: {  	v5 =	vmul.f32 v11, v5;
	[tilespmem:s28+$0x40] =	vst v7;
	v7 =	vadd.f32 v15, v14  }
0x6c8: {  	[tilespmem:s28+$0x70] =	vst v12;
	v1 =	vmul.f32 v2, v1;
	v2 =	vadd.f32 v8, v36  }
0x6c9: {  	v5 =	vmul.f32 v11, v5;
	[tilespmem:s28+$0x60] =	vst v7;
	v7 =	vadd.f32 v60, v38  }
0x6ca: {  	[tilespmem:s29+$0xA0] =	vst v2;
	v2 =	vadd.f32 v4, v32  }
0x6cb: {  	v5 =	vsub.f32 $1.500000000e+00, v5;
	[tilespmem:s29+$0x90] =	vst v7  }
0x6cc: {  	v12 =	vld [tilespmem:$0x1FF00];
	[tilespmem:s29+$0xC0] =	vst v2  }
0x6cd: {  	v5 =	vmul.f32 v11, v5;
	v11 =	vld [tilespmem:$0x1FF10];
	_ =	sdelay $0x1  }
0x6ce: {  	v3 =	vadd.f32 v3, v57;
	v8 =	vmul.f32 v5, v55  }
0x6cf: {  	v10 =	vmul.f32 v5, v56  }
0x6d0: {  	v0 =	vmul.f32 $5.000000000e-01, v0;
	[tilespmem:s29+$0xD0] =	vst v3;
	v6 =	vmul.f32 v8, v12  }
0x6d1: {  	v13 =	vld [tilespmem:$0x1FF20];
	v2 =	vmul.f32 v10, v11;
	v10 =	vadd.f32 v50, v14  }
0x6d2: {  	v0 =	vmul.f32 v9, v0;
	v6 =	vadd.f32 v6, v37  }
0x6d3: {  	v15 =	vld [tilespmem:$0x1FF30];
	v2 =	vadd.f32 v2, v38;
	[tilespmem:s29+$0xE0] =	vst v10  }
0x6d4: {  	v0 =	vmul.f32 v9, v0;
	v7 =	vmul.f32 v5, v54;
	v17 =	vld [tilespmem:$0x1FF40];
	[tilespmem:s29+$0xFFFFFF00] =	vst v6  }
0x6d5: {  	v18 =	vld [tilespmem:$0x1FF50];
	[tilespmem:s29+$0xFFFFFF10] =	vst v2  }
0x6d6: {  	v0 =	vsub.f32 $1.500000000e+00, v0;
	v3 =	vmul.f32 v7, v13;
	v10 =	vld [tilespmem:$0x1FF60];
	_ =	sdelay $0x1  }
0x6d7: {  	v0 =	vmul.f32 v9, v0;
	v3 =	vadd.f32 v3, v36  }
0x6d8: {  	v9 =	vmul.f32 v5, v33;
	v7 =	vmul.f32 v5, v25  }
0x6d9: {  	v4 =	vmul.f32 v5, v51;
	v8 =	vmul.f32 v5, v52;
	[tilespmem:s29+$0xFFFFFF20] =	vst v3  }
0x6da: {  	v6 =	vmul.f32 v7, v18;
	v7 =	vmul.f32 v9, v10;
	v9 =	vld [tilespmem:$0x1FF70]  }
0x6db: {  	v4 =	vmul.f32 v4, v15  }
0x6dc: {  	v8 =	vmul.f32 v8, v17  }
0x6dd: {  	v5 =	vmul.f32 v5, v48;
	v2 =	vadd.f32 v4, v61  }
0x6de: {  	v4 =	vmul.f32 v1, v49;
	v3 =	vadd.f32 v8, v32  }
0x6df: {  	v8 =	vmul.f32 v1, v47;
	[tilespmem:s29+$0xFFFFFF30] =	vst v2;
	v2 =	vadd.f32 v6, v57;
	v5 =	vmul.f32 v5, v9  }
0x6e0: {  	v4 =	vmul.f32 v4, v12;
	v6 =	vmul.f32 v1, v46;
	[tilespmem:s29+$0xFFFFFF40] =	vst v3;
	v3 =	vadd.f32 v7, v14  }
0x6e1: {  	v7 =	vmul.f32 v1, v44;
	v8 =	vmul.f32 v8, v11;
	[tilespmem:s29+$0xFFFFFF50] =	vst v2;
	v2 =	vadd.f32 v5, v16  }
0x6e2: {  	v6 =	vmul.f32 v6, v13;
	[tilespmem:s29+$0xFFFFFF60] =	vst v3;
	v3 =	vadd.f32 v4, v37;
	v5 =	vmul.f32 v1, v45  }
0x6e3: {  	v4 =	vmul.f32 v1, v43;
	v7 =	vmul.f32 v7, v15;
	[tilespmem:s29+$0xFFFFFF70] =	vst v2;
	v2 =	vadd.f32 v8, v38  }
0x6e4: {  	[tilespmem:s29+$0xFFFFFF80] =	vst v3;
	v3 =	vadd.f32 v6, v36;
	v8 =	vmul.f32 v1, v42;
	v5 =	vmul.f32 v5, v17  }
0x6e5: {  	v4 =	vmul.f32 v4, v18;
	v1 =	vmul.f32 v1, v28;
	[tilespmem:s29+$0xFFFFFF90] =	vst v2;
	v2 =	vadd.f32 v7, v61  }
0x6e6: {  	v6 =	vmul.f32 v0, v30;
	[tilespmem:s29+$0xFFFFFFA0] =	vst v3;
	v7 =	vmul.f32 v8, v10;
	v5 =	vadd.f32 v5, v32  }
0x6e7: {  	v4 =	vadd.f32 v4, v57;
	v1 =	vmul.f32 v1, v9;
	[tilespmem:s29+$0xFFFFFFB0] =	vst v2  }
0x6e8: {  	v3 =	vmul.f32 v0, v29;
	v6 =	vmul.f32 v6, v12;
	v7 =	vadd.f32 v7, v14;
	v2 =	vld [tilespmem:$0x1F470];
	[tilespmem:s29+$0xFFFFFFC0] =	vst v5  }
0x6e9: {  	v1 =	vadd.f32 v1, v16;
	v5 =	vld [tilespmem:$0x1F480];
	[tilespmem:s29+$0xFFFFFFD0] =	vst v4  }
0x6ea: {  	v3 =	vmul.f32 v3, v11;
	v6 =	vadd.f32 v6, v37;
	v4 =	vld [tilespmem:$0x1F490];
	[tilespmem:s29+$0xFFFFFFE0] =	vst v7  }
0x6eb: {  	v7 =	vld [tilespmem:$0x1F4B0];
	[tilespmem:s29+$0xFFFFFFF0] =	vst v1  }
0x6ec: {  	v1 =	vadd.f32 v3, v38;
	v3 =	vld [tilespmem:$0x1F4C0];
	[tilespmem:s29+$0x0] =	vst v6  }
0x6ed: {  	v2 =	vmul.f32 v0, v2;
	v6 =	vld [tilespmem:$0x1F4D0]  }
0x6ee: {  	v5 =	vmul.f32 v0, v5  }
0x6ef: {  	v4 =	vmul.f32 v0, v4;
	v2 =	vmul.f32 v2, v13  }
0x6f0: {  	v7 =	vmul.f32 v0, v7;
	v5 =	vmul.f32 v5, v15  }
0x6f1: {  	v3 =	vmul.f32 v0, v3;
	v4 =	vmul.f32 v4, v17;
	v2 =	vadd.f32 v2, v36  }
0x6f2: {  	[tilespmem:s29+$0x10] =	vst v1;
	v0 =	vmul.f32 v0, v6;
	v6 =	vmul.f32 v7, v18;
	v1 =	vadd.f32 v5, v61  }
0x6f3: {  	v3 =	vmul.f32 v3, v10;
	[tilespmem:s29+$0x20] =	vst v2;
	v2 =	vadd.f32 v4, v32  }
0x6f4: {  	v0 =	vmul.f32 v0, v9;
	v4 =	vadd.f32 v6, v57;
	[tilespmem:s29+$0x30] =	vst v1  }
0x6f5: {  	s4 =	rddreg [dreg:$0x6];
	[tilespmem:s29+$0x40] =	vst v2;
	v1 =	vadd.f32 v3, v14  }
0x6f6: {  	s2 =	sshll.u32 s18, $0x14;
	s4 =	sadd.s32 s4, s8;
	[tilespmem:s29+$0x50] =	vst v4;
	v0 =	vadd.f32 v0, v16  }
0x6f7: {  	s2 =	sand.u32 $0x600000, s2;
	s8 =	sadd.s32 s22, s4;
	[tilespmem:s29+$0x60] =	vst v1  }
0x6f8: {  	s22 =	simm.s32 $0x8200;
	s2 =	sadd.s32 s2, s8;
	[tilespmem:s29+$0x70] =	vst v0  }
0x6f9: {  	[hbm4b:s2+s30] =	stream.strided.scatter [tilespmem:s22], [sflag:$0x7], $0x4000, s16, s30, $0x38;
	[tilespmem:$0x10A00] =	vst v63  }
0x6fa: {  	s2 =	simm.s32 @!p0 $0x9  }
0x6fb: {  	_ =	swait.ge @!p0 [sflag:s2], $0x80  }
0x6fc: {  	[sflag:s2] =	ssyncset.done @!p0 $0x0  }
0x6fd: {  	[sflag:s2] =	ssyncadd.s32 @!p0 $0xFFFFFF80;
	s2 =	simm.s32 @!p0 $0xD  }
0x6fe: {  	_ =	swait.ge @!p0 [sflag:s2], $0x80  }
0x6ff: {  	[sflag:s2] =	ssyncset.done @!p0 $0x0  }
0x700: {  	[sflag:s2] =	ssyncadd.s32 @!p0 $0xFFFFFF80;
	s2 =	simm.s32 @!p0 $0x11  }
0x701: {  	_ =	swait.ge @!p0 [sflag:s2], $0x80  }
0x702: {  	[sflag:s2] =	ssyncset.done @!p0 $0x0  }
0x703: {  	[sflag:s2] =	ssyncadd.s32 @!p0 $0xFFFFFF80;
	s2 =	simm.s32 @!p0 $0x5  }
0x704: {  	_ =	swait.ge @!p0 [sflag:s2], $0x4000  }
0x705: {  	s5 =	simm.s32 @!p0 $0x200;
	[sflag:s2] =	ssyncset.done @!p0 $0x0  }
0x706: {  	s4 =	simm.s32 @!p0 $0x10200;
	[sflag:s2] =	ssyncadd.s32 @!p0 $0xFFFFC000;
	s2 =	simm.s32 @!p0 $0x80  }
0x707: {  	[tilespmem:s5], [sflag:$0x1] =	stream.indirect.gather @!p0 [hbm4b:s0+s2], $0x80, s4, s2, $0xb8;
	[tilespmem:$0x10A00] =	vst v63  }
0x708: {  	s2 =	sadd.s32 @!p0 $0x5, s31  }
0x709: {  	s4 =	sshll.u32 @!p0 s2, $0x7  }
0x70a: {  	s4 =	sadd.s32 @!p0 s11, s4  }
0x70b: {  	s4 =	sshrl.u32 @!p0 s4, $0x3  }
0x70c: {  	s13 =	simm.s32 @!p0 $0x0;
	s14 =	simm.s32 @!p0 $0x10280;
	s5 =	sadd.s32 @!p0 s9, s4  }
0x70d: {  	[tilespmem:s14], [sflag:$0xA] =	stream.linear.gather @!p0 [hbm4b:s5+s13], $0x80, $0x38;
	[tilespmem:$0x10A00] =	vst v63  }
0x70e: {  	s4 =	sadd.s32 @!p0 s10, s4;
	s5 =	sshrl.u32 @!p0 s2, $0x3;
	s14 =	simm.s32 @!p0 $0x10500  }
0x70f: {  	[tilespmem:s14], [sflag:$0xE] =	stream.linear.gather @!p0 [hbm4b:s4+s13], $0x80, $0x38;
	[tilespmem:$0x10A00] =	vst v63  }
0x710: {  	s2 =	sshll.u32 @!p0 s2, $0x1;
	s4 =	sadd.s32 @!p0 s12, s5  }
0x711: {  	s2 =	sand.u32 @!p0 $0x70, s2;
	s5 =	rddreg [dreg:$0x2];
	s4 =	sshll.u32 @!p0 s4, $0x4  }
0x712: {  	s2 =	sadd.s32 @!p0 s5, s2;
	s4 =	sand.u32 @!p0 $0xFFFFF80, s4  }
0x713: {  	s2 =	sadd.s32 @!p0 s4, s2;
	s4 =	simm.s32 @!p0 $0x10880  }
0x714: {  	[tilespmem:s4], [sflag:$0x12] =	stream.linear.gather @!p0 [hbm4b:s2+s13], $0x80, $0x38;
	[tilespmem:$0x10A00] =	vst v63  }
0x715: {  	_ =	swait.ge [sflag:s20], $0x4000  }
0x716: {  	[sflag:s20] =	ssyncset.done $0x0  }
0x717: {  	[sflag:s20] =	ssyncadd.s32 $0xFFFFC000  }
0x718: {  	v0 =	vld [tilespmem:$0x10980]  }
0x719: {  	v1 =	vld [tilespmem:$0x0]  }
0x71a: {  	v2 =	vld [tilespmem:$0x10990]  }
0x71b: {  	v3 =	vld [tilespmem:$0x10]  }
0x71c: {  	v4 =	vld [tilespmem:$0x109A0]  }
0x71d: {  	v5 =	vld [tilespmem:$0x20]  }
0x71e: {  	v6 =	vld [tilespmem:$0x109B0]  }
0x71f: {  	v7 =	vld [tilespmem:$0x30]  }
0x720: {  	v8 =	vld [tilespmem:$0x109C0]  }
0x721: {  	s23 =	simm.s32 $0x10702;
	v9 =	vld [tilespmem:$0x40]  }
0x722: {  	v10 =	vld [tilespmem:s23+$0x1]  }
0x723: {  	v11 =	vld [tilespmem:s23+$0xFFFFFFFF]  }
0x724: {  	v12 =	vld [tilespmem:s23+$0x0]  }
0x725: {  	v13 =	vld [tilespmem:s23+$0xFFFFFFFE]  }
0x726: {  	v14 =	vld [tilespmem:$0x109D0]  }
0x727: {  	v15 =	vld [tilespmem:$0x50];
	(v2sf) =	vpush v10, $0x0  }
0x728: {  	v16 =	vld [tilespmem:$0x80];
	(v2sf) =	vpush v11, $0x0  }
0x729: {  	v17 =	vld [tilespmem:$0x90]  }
0x72a: {  	v18 =	vld [tilespmem:$0xA0];
	(v2sf) =	vpush v12, $0x0  }
0x72b: {  	v19 =	vld [tilespmem:$0xB0]  }
0x72c: {  	v20 =	vld [tilespmem:$0xC0];
	(v2sf) =	vpush v13, $0x0  }
0x72d: {  	v10 =	vld [tilespmem:$0x109E0]  }
0x72e: {  	v32 =	vadd.f32 v1, v0;
	v1 =	vld [tilespmem:$0xD0]  }
0x72f: {  	v51 =	vadd.f32 v3, v2;
	v3 =	vld [tilespmem:$0xE0]  }
0x730: {  	v52 =	vadd.f32 v5, v4;
	v5 =	vld [tilespmem:$0xF0]  }
0x731: {  	v11 =	vld [tilespmem:$0x60]  }
0x732: {  	v57 =	vadd.f32 v7, v6;
	v12 =	vld [tilespmem:$0x109F0]  }
0x733: {  	s18 =	simm.s32 $0xC300;
	v60 =	vadd.f32 v9, v8;
	v61 =	vadd.f32 v15, v14;
	v13 =	vld [tilespmem:$0x70]  }
0x734: {  	v7 =	vld [tilespmem:s18+$0x80];
	v58 =	vadd.f32 v16, v0;
	v62 =	vadd.f32 v17, v2  }
0x735: {  	v0 =	vld [tilespmem:s18+$0x90];
	v63 =	vadd.f32 v18, v4;
	v44 =	vadd.f32 v19, v6  }
0x736: {  	v33 =	vadd.f32 v20, v8;
	v2 =	vld [tilespmem:s18+$0xA0];
	v34 =	vadd.f32 v1, v14;
	s24 =	spop (v2sf)  }
0x737: {  	v21 =	vld [tilespmem:s18+$0xFFFFFF80];
	v35 =	vadd.f32 v3, v10;
	v46 =	vadd.f32 v11, v10;
	s25 =	spop (v2sf);
	p3 =	seq.s32 s24, $0x1  }
0x738: {  	v22 =	vld [tilespmem:s18+$0xFFFFFF90];
	v45 =	vadd.f32 v5, v12;
	v48 =	vadd.f32 v13, v12;
	p6 =	seq.s32 s25, $0x1;
	v1 =	vpsel p3, v58, v32  }
0x739: {  	v4 =	vld [tilespmem:s18+$0xB0];
	s26 =	spop (v2sf);
	v3 =	vpsel p3, v62, v51;
	v6 =	vpsel p6, v58, v32;
	v1 =	vadd.f32 v1, v7  }
0x73a: {  	v24 =	vld [tilespmem:s18+$0x0];
	p1 =	seq.s32 s26, $0x1;
	v0 =	vadd.f32 v3, v0;
	v8 =	vpsel p6, v62, v51;
	v3 =	vpsel p3, v63, v52  }
0x73b: {  	v25 =	vld [tilespmem:s18+$0x10];
	s28 =	spop (v2sf);
	v23 =	vpsel p6, v63, v52;
	v11 =	vpsel p1, v58, v32;
	v2 =	vadd.f32 v3, v2  }
0x73c: {  	v5 =	vld [tilespmem:s18+$0xC0];
	p2 =	seq.s32 s28, $0x1;
	v3 =	vpsel p3, v44, v57;
	v17 =	vpsel p1, v62, v51;
	v6 =	vadd.f32 v6, v21  }
0x73d: {  	v15 =	vld [tilespmem:s18+$0xFFFFFF00];
	v8 =	vadd.f32 v8, v22;
	v9 =	vpsel p2, v58, v32;
	v7 =	vadd.f32 v0, v1  }
0x73e: {  	v10 =	vld [tilespmem:s18+$0xD0];
	v12 =	vmul.f32 v1, v1;
	v13 =	vmul.f32 v0, v0;
	v3 =	vadd.f32 v4, v3  }
0x73f: {  	v4 =	vpsel p3, v33, v60;
	v11 =	vadd.f32 v11, v24;
	v7 =	vadd.f32 v7, v2  }
0x740: {  	v16 =	vld [tilespmem:s18+$0xE0];
	v56 =	vadd.f32 v17, v25;
	v12 =	vadd.f32 v13, v12;
	v13 =	vmul.f32 v2, v2  }
0x741: {  	v4 =	vadd.f32 v5, v4;
	v5 =	vpsel p3, v34, v61;
	v7 =	vadd.f32 v7, v3  }
0x742: {  	v18 =	vld [tilespmem:s18+$0xF0];
	v9 =	vadd.f32 v9, v15;
	v12 =	vadd.f32 v12, v13;
	v13 =	vmul.f32 v3, v3  }
0x743: {  	v19 =	vld [tilespmem:s18+$0xFFFFFF10];
	v14 =	vpsel p2, v62, v51;
	v5 =	vadd.f32 v10, v5;
	v10 =	vadd.f32 v7, v4  }
0x744: {  	v7 =	vpsel p3, v35, v46;
	v12 =	vadd.f32 v12, v13;
	v13 =	vmul.f32 v4, v4  }
0x745: {  	v20 =	vpsel p2, v63, v52;
	v7 =	vadd.f32 v16, v7;
	v10 =	vadd.f32 v10, v5  }
0x746: {  	v21 =	vld [tilespmem:s18+$0x20];
	v25 =	vmul.f32 v6, v6;
	v16 =	vpsel p3, v45, v48;
	v13 =	vadd.f32 v12, v13  }
0x747: {  	v26 =	vmul.f32 v5, v5;
	v12 =	vadd.f32 v18, v16;
	v18 =	vadd.f32 v10, v7  }
0x748: {  	v27 =	vadd.f32 v8, v6;
	v28 =	vmul.f32 v8, v8;
	v10 =	vadd.f32 v14, v19;
	v14 =	vld [tilespmem:s18+$0xFFFFFF20]  }
0x749: {  	v30 =	vmul.f32 v11, v11;
	v13 =	vadd.f32 v13, v26;
	v26 =	vadd.f32 v18, v12;
	v18 =	vld [tilespmem:s18+$0xFFFFFFA0];
	[tilespmem:$0x1EE90] =	vst v11  }
0x74a: {  	v31 =	vadd.f32 v56, v11;
	v16 =	vpsel p1, v63, v52;
	v15 =	vmul.f32 v7, v7;
	[tilespmem:$0x1EEA0] =	vst v56  }
0x74b: {  	v22 =	vmul.f32 v9, v9;
	v25 =	vadd.f32 v28, v25;
	v49 =	vadd.f32 v16, v21;
	v29 =	vld [tilespmem:s18+$0xFFFFFF30]  }
0x74c: {  	v16 =	vpsel p1, v44, v57;
	v13 =	vadd.f32 v13, v15;
	v15 =	vmul.f32 v12, v12  }
0x74d: {  	v19 =	vpsel p2, v44, v57;
	v31 =	vadd.f32 v31, v49;
	v47 =	vmul.f32 v49, v49  }
0x74e: {  	v17 =	vmul.f32 v10, v10;
	v24 =	vadd.f32 v13, v15;
	v13 =	vadd.f32 v20, v14;
	v14 =	vld [tilespmem:s18+$0xFFFFFFB0]  }
0x74f: {  	v15 =	vadd.f32 v10, v9;
	v11 =	vadd.f32 v23, v18;
	v18 =	vmul.f32 v56, v56;
	v23 =	vld [tilespmem:s18+$0x30]  }
0x750: {  	v21 =	vadd.f32 v17, v22;
	v59 =	vmul.f32 v13, v13;
	v17 =	vadd.f32 v29, v19;
	v19 =	vld [tilespmem:s18+$0xFFFFFFC0]  }
0x751: {  	v20 =	vpsel p6, v44, v57;
	v22 =	vadd.f32 v15, v13;
	v18 =	vadd.f32 v18, v30;
	v30 =	vld [tilespmem:s18+$0xFFFFFF40]  }
0x752: {  	v27 =	vadd.f32 v27, v11;
	v28 =	vmul.f32 v11, v11;
	v21 =	vadd.f32 v21, v59  }
0x753: {  	v29 =	vpsel p2, v33, v60;
	v15 =	vadd.f32 v14, v20;
	v20 =	vld [tilespmem:s18+$0x40];
	v22 =	vadd.f32 v22, v17  }
0x754: {  	v14 =	vpsel p6, v33, v60;
	v25 =	vadd.f32 v25, v28;
	v50 =	vadd.f32 v23, v16  }
0x755: {  	v37 =	vadd.f32 v18, v47;
	v23 =	vmul.f32 v17, v17;
	v27 =	vadd.f32 v27, v15  }
0x756: {  	v16 =	vpsel p1, v33, v60;
	v18 =	vadd.f32 v19, v14;
	[tilespmem:$0x1EEB0] =	vst v50;
	v29 =	vadd.f32 v30, v29  }
0x757: {  	v53 =	vmul.f32 v15, v15;
	v31 =	vadd.f32 v31, v50;
	v19 =	vadd.f32 v21, v23;
	v28 =	vld [tilespmem:s18+$0xFFFFFF50]  }
0x758: {  	v40 =	vmul.f32 v50, v50;
	v39 =	vld [tilespmem:s18+$0xFFFFFFD0];
	v50 =	vadd.f32 v20, v16;
	v20 =	vadd.f32 v22, v29  }
0x759: {  	v54 =	vld [tilespmem:s18+$0x50];
	v22 =	vadd.f32 v25, v53;
	v25 =	vadd.f32 v27, v18  }
0x75a: {  	v23 =	vld [tilespmem:s18+$0xFFFFFF60];
	v27 =	vmul.f32 v18, v18;
	v30 =	vadd.f32 v37, v40;
	v56 =	vmul.f32 v50, v50  }
0x75b: {  	v41 =	vpsel p2, v34, v61;
	v14 =	vpsel p6, v34, v61;
	v55 =	vld [tilespmem:s18+$0xFFFFFFE0];
	v31 =	vadd.f32 v31, v50  }
0x75c: {  	v59 =	vld [tilespmem:s18+$0xFFFFFF70];
	v21 =	vmul.f32 v29, v29;
	v22 =	vadd.f32 v22, v27;
	v27 =	vadd.f32 v30, v56  }
0x75d: {  	v16 =	vpsel p1, v34, v61;
	v28 =	vadd.f32 v28, v41;
	v47 =	vadd.f32 v39, v14  }
0x75e: {  	v53 =	vpsel p2, v35, v46;
	v37 =	vadd.f32 v54, v16;
	v16 =	vadd.f32 v19, v21  }
0x75f: {  	v19 =	vpsel p6, v35, v46;
	v30 =	vadd.f32 v23, v53;
	v20 =	vadd.f32 v20, v28  }
0x760: {  	(xrf2) =	vadd.scan.msk.f32 $0xffff, v26;
	v14 =	vld [tilespmem:s18+$0x60];
	v21 =	vpsel p1, v35, v46;
	v54 =	vpsel p2, v45, v48;
	v43 =	vadd.f32 v55, v19  }
0x761: {  	v23 =	vld [tilespmem:s18+$0xFFFFFFF0];
	v42 =	vadd.f32 v59, v54;
	v55 =	vmul.f32 v47, v47;
	v20 =	vadd.f32 v20, v30  }
0x762: {  	v19 =	vld [tilespmem:s18+$0x70];
	v25 =	vadd.f32 v25, v47;
	v31 =	vadd.f32 v31, v37;
	v56 =	vmul.f32 v37, v37  }
0x763: {  	v26 =	vmul.f32 v28, v28;
	v22 =	vadd.f32 v22, v55;
	v20 =	vadd.f32 v20, v42  }
0x764: {  	(xrf2) =	vadd.scan.msk.f32 $0xffff, v24;
	v24 =	vmul.f32 v30, v30;
	v25 =	vadd.f32 v25, v43;
	v27 =	vadd.f32 v27, v56  }
0x765: {  	v38 =	vadd.f32 v14, v21;
	v14 =	vadd.f32 v16, v26;
	v16 =	vpsel p6, v45, v48;
	(xrf2) =	vadd.scan.msk.f32 $0xffff, v20  }
0x766: {  	v21 =	vpsel p1, v45, v48;
	v26 =	vmul.f32 v43, v43;
	v59 =	vadd.f32 v23, v16  }
0x767: {  	v39 =	vadd.f32 v19, v21;
	v16 =	vadd.f32 v31, v38;
	v20 =	vmul.f32 v38, v38  }
0x768: {  	v19 =	vmul.f32 v42, v42;
	v14 =	vadd.f32 v14, v24;
	v21 =	vadd.f32 v25, v59  }
0x769: {  	v25 =	vmul.f32 v39, v39;
	v16 =	vadd.f32 v16, v39;
	v20 =	vadd.f32 v27, v20  }
0x76a: {  	v22 =	vadd.f32 v22, v26;
	v24, _, _ =	vpop (xrf2);
	v23 =	vmul.f32 v59, v59;
	v14 =	vadd.f32 v14, v19;
	(xrf2) =	vadd.scan.msk.f32 $0xffff, v21  }
0x76b: {  	(xrf2) =	vadd.scan.msk.f32 $0xffff, v16;
	v16 =	vadd.f32 v20, v25  }
0x76c: {  	v19 =	vadd.f32 v22, v23  }
0x76d: {  	(v2sf) =	vpush v24, $0xF;
	(xrf2) =	vadd.scan.msk.f32 $0xffff, v14  }
0x76e: {  	(xrf2) =	vadd.scan.msk.f32 $0xffff, v19;
	v14, _, _ =	vpop (xrf2)  }
0x76f: {  	(xrf2) =	vadd.scan.msk.f32 $0xffff, v16;
	(v2sf) =	vpush v14, $0xF;
	v16, _, _ =	vpop (xrf2)  }
0x770: {  	(v2sf) =	vpush v16, $0xF;
	_ =	sdelay $0xa  }
0x771: {  	v14, _, _ =	vpop (xrf2)  }
0x772: {  	s29 =	simm.s32 $0x10706;
	(v2sf) =	vpush v14, $0xF;
	v14, _, _ =	vpop (xrf2);
	s31 =	spop (v2sf)  }
0x773: {  	v16 =	vld [tilespmem:s29+$0x1];
	(v2sf) =	vpush v14, $0xF;
	v14, _, _ =	vpop (xrf2);
	s19 =	smul.f32 $7.812500000e-03, s31  }
0x774: {  	(v2sf) =	vpush v14, $0xF;
	v14, _, _ =	vpop (xrf2);
	s5 =	spop (v2sf)  }
0x775: {  	(v2sf) =	vpush v14, $0xF;
	v24 =	vmov s19;
	s13 =	spop (v2sf)  }
0x776: {  	v25 =	vld [tilespmem:s29+$0xFFFFFFFE];
	v14, _, _ =	vpop (xrf2);
	v20 =	vsub.f32 v0, v24;
	v0 =	vsub.f32 v7, v24;
	s14 =	smul.f32 $7.812500000e-03, s13  }
0x777: {  	(v2sf) =	vpush v14, $0xF;
	v14 =	vld [tilespmem:s29+$0xFFFFFFFF]  }
0x778: {  	(v2sf) =	vpush v16, $0x0;
	v16 =	vld [tilespmem:s29+$0x0];
	[tilespmem:$0x1EE80] =	vst v0;
	v0 =	vmov s14  }
0x779: {  	v40 =	vsub.f32 v1, v24;
	v1 =	vsub.f32 v9, v0;
	_ =	sdelay $0x1  }
0x77a: {  	[tilespmem:$0x1EEC0] =	vst v1;
	v1 =	vsub.f32 v10, v0;
	_ =	sdelay $0x1  }
0x77b: {  	[tilespmem:$0x1EED0] =	vst v1;
	v1 =	vsub.f32 v13, v0;
	_ =	sdelay $0x1  }
0x77c: {  	[tilespmem:$0x1EEE0] =	vst v1;
	v1 =	vsub.f32 v17, v0;
	_ =	sdelay $0x1  }
0x77d: {  	[tilespmem:$0x1EEF0] =	vst v1;
	v1 =	vsub.f32 v29, v0  }
0x77e: {  	s29 =	spop (v2sf)  }
0x77f: {  	v21 =	vsub.f32 v2, v24;
	s21 =	smul.f32 $7.812500000e-03, s29;
	[tilespmem:$0x1EF00] =	vst v1;
	v1 =	vsub.f32 v28, v0  }
0x780: {  	(v2sf) =	vpush v14, $0x0;
	v2 =	vsub.f32 v30, v0  }
0x781: {  	(v2sf) =	vpush v16, $0x0;
	v16 =	vsub.f32 v4, v24;
	s13 =	simm.s32 $0xC500;
	v4 =	vmov s21;
	[tilespmem:$0x1EF10] =	vst v1  }
0x782: {  	v1 =	vld [tilespmem:s13+$0x80];
	[tilespmem:$0x1EF20] =	vst v2;
	v2 =	vsub.f32 v6, v4;
	_ =	sdelay $0x1  }
0x783: {  	v42 =	vsub.f32 v42, v0;
	v0 =	vld [tilespmem:s13+$0x90];
	[tilespmem:$0x1EF40] =	vst v2;
	v2 =	vsub.f32 v8, v4;
	_ =	sdelay $0x1  }
0x784: {  	[tilespmem:$0x1EF50] =	vst v2;
	v2 =	vsub.f32 v11, v4  }
0x785: {  	(v2sf) =	vpush v25, $0x0  }
0x786: {  	s31 =	spop (v2sf);
	v6 =	vld [tilespmem:s13+$0xA0];
	[tilespmem:$0x1EF60] =	vst v2;
	v2 =	vsub.f32 v15, v4  }
0x787: {  	s17 =	spop (v2sf)  }
0x788: {  	s4 =	spop (v2sf);
	[tilespmem:$0x1EF70] =	vst v2;
	v2 =	vsub.f32 v18, v4  }
0x789: {  	s26 =	spop (v2sf)  }
0x78a: {  	s23 =	spop (v2sf);
	[tilespmem:$0x1EF80] =	vst v2;
	v2 =	vsub.f32 v47, v4  }
0x78b: {  	p3 =	seq.s32 s23, $0x1  }
0x78c: {  	v19 =	vsub.f32 v5, v24;
	v5 =	vpsel p3, v58, v32;
	[tilespmem:$0x1EF90] =	vst v2;
	v2 =	vsub.f32 v43, v4  }
0x78d: {  	v41 =	vsub.f32 v3, v24;
	v8 =	vpsel p3, v62, v51;
	v36 =	vadd.f32 v5, v1  }
0x78e: {  	v3 =	vadd.f32 v8, v0;
	v7 =	vld [tilespmem:s13+$0xB0];
	[tilespmem:$0x1EFA0] =	vst v2;
	v2 =	vsub.f32 v59, v4  }
0x78f: {  	v1 =	vld [tilespmem:s13+$0xC0]  }
0x790: {  	v0 =	vpsel p3, v63, v52;
	v8 =	vmul.f32 v36, v36;
	v9 =	vmul.f32 v3, v3;
	[tilespmem:$0x1EFB0] =	vst v2  }
0x791: {  	v23 =	vsub.f32 v12, v24;
	v53 =	vadd.f32 v0, v6;
	v4 =	vld [tilespmem:s13+$0xD0]  }
0x792: {  	s28 =	spop (v2sf);
	v10 =	vadd.f32 v3, v36;
	v0 =	vpsel p3, v44, v57;
	v8 =	vadd.f32 v9, v8;
	[tilespmem:$0x1EF30] =	vst v3  }
0x793: {  	s24 =	spop (v2sf);
	v9 =	vmul.f32 v53, v53;
	v13 =	vadd.f32 v7, v0;
	v0 =	vpsel p3, v33, v60;
	v7 =	vld [tilespmem:s13+$0xE0]  }
0x794: {  	s25 =	spop (v2sf);
	v10 =	vadd.f32 v10, v53;
	v54 =	vadd.f32 v1, v0;
	v0 =	vld [tilespmem:s13+$0xF0]  }
0x795: {  	p4 =	seq.s32 s25, $0x1;
	v11 =	vpsel p3, v34, v61;
	v8 =	vadd.f32 v8, v9;
	v1 =	vld [tilespmem:s13+$0xFFFFFF00];
	v12 =	vmul.f32 v13, v13  }
0x796: {  	v15 =	vpsel p4, v58, v32;
	v10 =	vadd.f32 v10, v13;
	v22 =	vadd.f32 v4, v11  }
0x797: {  	v4 =	vld [tilespmem:s13+$0xFFFFFF10];
	v11 =	vpsel p3, v35, v46;
	v8 =	vadd.f32 v8, v12;
	v12 =	vmul.f32 v54, v54  }
0x798: {  	v17 =	vld [tilespmem:s13+$0xFFFFFF80];
	v10 =	vadd.f32 v10, v54;
	v56 =	vadd.f32 v7, v11;
	v7 =	vpsel p3, v45, v48  }
0x799: {  	v18 =	vld [tilespmem:s13+$0xFFFFFFA0];
	v8 =	vadd.f32 v8, v12;
	v9 =	vadd.f32 v0, v7;
	v0 =	vmul.f32 v22, v22  }
0x79a: {  	v11 =	vld [tilespmem:s13+$0xFFFFFF90];
	v55 =	vadd.f32 v15, v1;
	v7 =	vadd.f32 v10, v22  }
0x79b: {  	v1 =	vld [tilespmem:s13+$0x0];
	v12 =	vmul.f32 v56, v56;
	v0 =	vadd.f32 v8, v0;
	v8 =	vpsel p4, v62, v51  }
0x79c: {  	p5 =	seq.s32 s28, $0x1;
	v10 =	vld [tilespmem:s13+$0x10];
	v47 =	vadd.f32 v8, v4;
	v4 =	vadd.f32 v7, v56  }
0x79d: {  	v15 =	vld [tilespmem:s13+$0xFFFFFF20];
	[tilespmem:$0x1ED80] =	vst v32;
	v7 =	vpsel p5, v58, v32;
	v0 =	vadd.f32 v0, v12;
	v12 =	vmul.f32 v9, v9  }
0x79e: {  	p6 =	seq.s32 s24, $0x1;
	[tilespmem:$0x1ED90] =	vst v58;
	v3 =	vadd.f32 v7, v17;
	v17 =	vpsel p5, v62, v51;
	v4 =	vadd.f32 v4, v9  }
0x79f: {  	v5 =	vadd.f32 v17, v11;
	v11 =	vpsel p6, v58, v32;
	v17 =	vld [tilespmem:s13+$0x20];
	[tilespmem:$0x1EDA0] =	vst v51;
	v0 =	vadd.f32 v0, v12  }
0x7a0: {  	[tilespmem:$0x1EDB0] =	vst v62;
	v59 =	vadd.f32 v11, v1;
	v1 =	vpsel p6, v62, v51;
	(xrf2) =	vadd.scan.msk.f32 $0xffff, v4  }
0x7a1: {  	v8 =	vadd.f32 v1, v10;
	v1 =	vld [tilespmem:s13+$0xFFFFFF30];
	(xrf2) =	vadd.scan.msk.f32 $0xffff, v0;
	v0 =	vpsel p5, v63, v52  }
0x7a2: {  	v11 =	vpsel p4, v63, v52;
	v58 =	vadd.f32 v0, v18;
	v0 =	vld [tilespmem:s13+$0xFFFFFFB0];
	[tilespmem:$0x1EDC0] =	vst v52  }
0x7a3: {  	v24 =	vmul.f32 v3, v3;
	v7 =	vadd.f32 v11, v15;
	v11 =	vmul.f32 v55, v55;
	[tilespmem:$0x1EDD0] =	vst v63  }
0x7a4: {  	v15 =	vmul.f32 v47, v47;
	v25 =	vmul.f32 v5, v5;
	v18 =	vpsel p6, v63, v52;
	[tilespmem:$0x1EFC0] =	vst v3  }
0x7a5: {  	[tilespmem:$0x1EFD0] =	vst v5;
	v26 =	vmul.f32 v8, v8;
	v62 =	vadd.f32 v18, v17;
	v17 =	vmul.f32 v59, v59  }
0x7a6: {  	v15 =	vadd.f32 v15, v11;
	v18 =	vld [tilespmem:s13+$0x30]  }
0x7a7: {  	v24 =	vadd.f32 v25, v24;
	[tilespmem:$0x1EFE0] =	vst v8;
	v25 =	vadd.f32 v26, v17;
	v26 =	vpsel p5, v44, v57  }
0x7a8: {  	v11 =	vpsel p4, v44, v57;
	v27 =	vmul.f32 v58, v58;
	v51 =	vadd.f32 v0, v26;
	v0 =	vld [tilespmem:s13+$0xFFFFFF40]  }
0x7a9: {  	v17 =	vadd.f32 v1, v11;
	v1 =	vmul.f32 v7, v7;
	v26 =	vld [tilespmem:s13+$0xFFFFFFC0];
	[tilespmem:$0x1EDE0] =	vst v57  }
0x7aa: {  	v11 =	vpsel p6, v44, v57;
	v28 =	vmul.f32 v62, v62;
	v24 =	vadd.f32 v24, v27;
	[tilespmem:$0x1EDF0] =	vst v44  }
0x7ab: {  	s19 =	smul.f32 s19, s19;
	v1 =	vadd.f32 v15, v1;
	v57 =	vadd.f32 v18, v11;
	v15 =	vld [tilespmem:s13+$0x40];
	v18, _, _ =	vpop (xrf2)  }
0x7ac: {  	s22 =	smul.f32 $7.812500000e-03, s5;
	v27 =	vmul.f32 v17, v17;
	(v2sf) =	vpush v18, $0xF;
	v18 =	vpsel p4, v33, v60  }
0x7ad: {  	v25 =	vadd.f32 v25, v28;
	v63 =	vadd.f32 v0, v18;
	v18 =	vpsel p5, v33, v60  }
0x7ae: {  	s19 =	ssub.f32 s22, s19;
	v28, _, _ =	vpop (xrf2);
	v18 =	vadd.f32 v26, v18;
	v26 =	vadd.f32 v1, v27;
	v1 =	vld [tilespmem:s13+$0xFFFFFFD0];
	v27 =	vmul.f32 v51, v51  }
0x7af: {  	v30 =	vpsel p6, v33, v60;
	v31 =	vmul.f32 v57, v57;
	(v2sf) =	vpush v28, $0xF;
	v0 =	vld [tilespmem:s13+$0xFFFFFF50]  }
0x7b0: {  	v29 =	vld [tilespmem:s13+$0x50];
	v28 =	vmov s19;
	[tilespmem:$0x1EE00] =	vst v60;
	v32 =	vadd.f32 v15, v30;
	v24 =	vadd.f32 v24, v27  }
0x7b1: {  	[tilespmem:$0x1EE10] =	vst v33;
	v27 =	vmax.f32 v28, $0.0e+00;
	v28 =	vadd.f32 v25, v31;
	v31 =	vmul.f32 v63, v63  }
0x7b2: {  	v30 =	vpsel p5, v34, v61;
	v2 =	vld [tilespmem:s13+$0xFFFFFF60];
	v25 =	vpsel p4, v34, v61;
	v27 =	vadd.f32 $9.999999960e-13, v27  }
0x7b3: {  	v31 =	vadd.f32 v26, v31;
	v26 =	vmul.f32 v18, v18;
	v43 =	vadd.f32 v1, v30;
	v30 =	vld [tilespmem:s13+$0xFFFFFFE0];
	[tilespmem:$0x1EE20] =	vst v61  }
0x7b4: {  	v10 =	vmovc v5;
	v25 =	vadd.f32 v0, v25;
	v27 =	vbroadcast v27, $0x0;
	[tilespmem:$0x1EE30] =	vst v34;
	v61 =	vpsel p6, v34, v61  }
0x7b5: {  	v12 =	vmovc v3;
	v0 =	vmul.f32 v32, v32;
	v52 =	vadd.f32 v29, v61;
	v3 =	vld [tilespmem:s13+$0x60];
	v5 =	vadd.f32 v24, v26  }
0x7b6: {  	v26 =	vpsel p4, v35, v46;
	v29 =	vshrl.u32 v27, $0x1;
	v27 =	vmul.f32 $5.000000000e-01, v27  }
0x7b7: {  	v4 =	vadd.f32 v28, v0;
	v1 =	vmul.f32 v25, v25;
	v24 =	vsub.s32 $0x5F3759DF, v29  }
0x7b8: {  	v28 =	vld [tilespmem:s13+$0xFFFFFF70];
	[tilespmem:$0x1EE40] =	vst v46;
	v29 =	vadd.f32 v2, v26;
	v2 =	vpsel p5, v35, v46;
	v27 =	vmul.f32 v24, v27  }
0x7b9: {  	[tilespmem:$0x1EE50] =	vst v35;
	v0 =	vpsel p6, v35, v46;
	v26 =	vadd.f32 v30, v2;
	v2 =	vadd.f32 v31, v1  }
0x7ba: {  	v31 =	vmul.f32 v52, v52;
	v14 =	vadd.f32 v3, v0;
	v0 =	vmul.f32 v24, v27;
	v27 =	vld [tilespmem:s13+$0x70]  }
0x7bb: {  	v3 =	vld [tilespmem:s13+$0xFFFFFFF0]  }
0x7bc: {  	v31 =	vadd.f32 v4, v31;
	v4 =	vpsel p4, v45, v48;
	v0 =	vsub.f32 $1.500000000e+00, v0  }
0x7bd: {  	v30 =	vmul.f32 v43, v43;
	v1 =	vadd.f32 v47, v55;
	v6 =	vadd.f32 v28, v4  }
0x7be: {  	v4 =	vadd.f32 v10, v12;
	v24 =	vmul.f32 v24, v0;
	v0 =	vpsel p6, v45, v48  }
0x7bf: {  	v28 =	vpsel p5, v45, v48;
	v27 =	vadd.f32 v27, v0;
	v0 =	vmul.f32 v29, v29  }
0x7c0: {  	v5 =	vadd.f32 v5, v30;
	v30 =	vadd.f32 v3, v28  }
0x7c1: {  	v3 =	vadd.f32 v4, v58;
	v4 =	vadd.f32 v2, v0;
	v0 =	vmul.f32 v24, v23  }
0x7c2: {  	v1 =	vadd.f32 v1, v7  }
0x7c3: {  	[tilespmem:$0x1F020] =	vst v0;
	v0 =	vmul.f32 v26, v26  }
0x7c4: {  	v1 =	vadd.f32 v1, v17  }
0x7c5: {  	v5 =	vadd.f32 v5, v0;
	v0 =	vmul.f32 v24, v20  }
0x7c6: {  	v1 =	vadd.f32 v1, v63  }
0x7c7: {  	v3 =	vadd.f32 v3, v51;
	[tilespmem:$0x1F070] =	vst v0;
	v0 =	vmul.f32 v24, v21  }
0x7c8: {  	s5 =	smul.f32 s14, s14;
	v1 =	vadd.f32 v1, v25  }
0x7c9: {  	s2 =	smul.f32 $7.812500000e-03, s31;
	v3 =	vadd.f32 v3, v18;
	[tilespmem:$0x1F080] =	vst v0;
	v0 =	vmul.f32 v24, v41  }
0x7ca: {  	s14 =	smul.f32 $7.812500000e-03, s4;
	v2 =	vmul.f32 v24, v40;
	v1 =	vadd.f32 v1, v29  }
0x7cb: {  	s31 =	smul.f32 s2, s2;
	v34 =	vadd.f32 v8, v59;
	v3 =	vadd.f32 v3, v43;
	[tilespmem:$0x1F090] =	vst v0;
	v0 =	vmul.f32 v24, v16  }
0x7cc: {  	s4 =	smul.f32 $7.812500000e-03, s26;
	[tilespmem:$0x1F060] =	vst v2;
	v1 =	vadd.f32 v1, v6  }
0x7cd: {  	v2 =	vmul.f32 v24, v19;
	v41 =	vadd.f32 v34, v62;
	[tilespmem:$0x1F0A0] =	vst v0;
	v0 =	vadd.f32 v3, v26  }
0x7ce: {  	s4 =	ssub.f32 s4, s31  }
0x7cf: {  	s17 =	smul.f32 $7.812500000e-03, s17;
	[tilespmem:$0x1F0B0] =	vst v2;
	v2 =	vld [tilespmem:$0x1EE80];
	(xrf2) =	vadd.scan.msk.f32 $0xffff, v1;
	v1 =	vadd.f32 v41, v57;
	v0 =	vadd.f32 v0, v30  }
0x7d0: {  	v60 =	vmov s4  }
0x7d1: {  	s5 =	ssub.f32 s17, s5;
	v1 =	vadd.f32 v1, v32;
	(xrf2) =	vadd.scan.msk.f32 $0xffff, v0;
	v0 =	vmax.f32 v60, $0.0e+00  }
0x7d2: {  	v0 =	vadd.f32 $9.999999960e-13, v0  }
0x7d3: {  	v33 =	vmov s5;
	v1 =	vadd.f32 v1, v52  }
0x7d4: {  	v40 =	vmax.f32 v33, $0.0e+00;
	v2 =	vmul.f32 v24, v2;
	v0 =	vbroadcast v0, $0x0  }
0x7d5: {  	s29 =	smul.f32 s21, s21;
	v40 =	vadd.f32 $9.999999960e-13, v40;
	v1 =	vadd.f32 v1, v14  }
0x7d6: {  	[tilespmem:$0x1F0C0] =	vst v2;
	v34 =	vshrl.u32 v0, $0x1;
	v2 =	vmul.f32 $5.000000000e-01, v0;
	v0 =	vmul.f32 v6, v6  }
0x7d7: {  	s14 =	ssub.f32 s14, s29;
	v61 =	vmul.f32 v14, v14;
	v1 =	vadd.f32 v1, v27  }
0x7d8: {  	v40 =	vbroadcast v40, $0x0;
	v3 =	vadd.f32 v4, v0  }
0x7d9: {  	v35 =	vmov s14;
	[tilespmem:$0x1EE60] =	vst v48;
	v31 =	vadd.f32 v31, v61;
	(xrf2) =	vadd.scan.msk.f32 $0xffff, v1  }
0x7da: {  	v48 =	vshrl.u32 v40, $0x1;
	v40 =	vmul.f32 $5.000000000e-01, v40;
	v4 =	vmul.f32 v30, v30;
	(xrf2) =	vadd.scan.msk.f32 $0xffff, v3;
	v3 =	vld [tilespmem:$0x1EEB0]  }
0x7db: {  	v44 =	vmax.f32 v35, $0.0e+00;
	v35 =	vmul.f32 v27, v27;
	v41 =	vsub.s32 $0x5F3759DF, v48  }
0x7dc: {  	v40 =	vmul.f32 v41, v40;
	v0, _, _ =	vpop (xrf2);
	v4 =	vadd.f32 v5, v4  }
0x7dd: {  	v5 =	vadd.f32 v31, v35;
	(v2sf) =	vpush v0, $0xF;
	v31, _, _ =	vpop (xrf2)  }
0x7de: {  	s14 =	spop (v2sf);
	v40 =	vmul.f32 v41, v40;
	(v2sf) =	vpush v31, $0xF;
	v31 =	vmov s2  }
0x7df: {  	[tilespmem:$0x1EE70] =	vst v45;
	v48 =	vsub.s32 $0x5F3759DF, v34;
	v45 =	vsub.f32 v3, v31;
	v3 =	vld [tilespmem:$0x1EEC0]  }
0x7e0: {  	v40 =	vsub.f32 $1.500000000e+00, v40;
	v2 =	vmul.f32 v48, v2  }
0x7e1: {  	v8 =	vld [tilespmem:$0x1EE90]  }
0x7e2: {  	v44 =	vadd.f32 $9.999999960e-13, v44;
	v0 =	vmul.f32 v48, v2;
	v2 =	vmul.f32 v41, v40;
	_ =	sdelay $0x1  }
0x7e3: {  	v44 =	vbroadcast v44, $0x0;
	v19 =	vmul.f32 v2, v3;
	v3 =	vld [tilespmem:$0x1EED0];
	_ =	sdelay $0x1  }
0x7e4: {  	v33 =	vshrl.u32 v44, $0x1;
	v44 =	vmul.f32 $5.000000000e-01, v44;
	v10 =	vsub.f32 v8, v31;
	v8 =	vld [tilespmem:$0x1EEA0]  }
0x7e5: {  	v46 =	vsub.s32 $0x5F3759DF, v33  }
0x7e6: {  	v44 =	vmul.f32 v46, v44  }
0x7e7: {  	v15 =	vmul.f32 v2, v3;
	v3 =	vld [tilespmem:$0x1EEE0]  }
0x7e8: {  	v1 =	vmul.f32 v46, v44  }
0x7e9: {  	v44 =	vsub.f32 v8, v31;
	v8 =	vld [tilespmem:$0x1EF40]  }
0x7ea: {  	v1 =	vsub.f32 $1.500000000e+00, v1;
	_ =	sdelay $0x1  }
0x7eb: {  	v1 =	vmul.f32 v46, v1;
	v20 =	vmul.f32 v2, v3;
	v3 =	vld [tilespmem:$0x1EEF0];
	_ =	sdelay $0x1  }
0x7ec: {  	v12 =	vmul.f32 v1, v8;
	v8 =	vld [tilespmem:$0x1EF50];
	_ =	sdelay $0x1  }
0x7ed: {  	s4 =	smul.f32 $7.812500000e-03, s14  }
0x7ee: {  	v21 =	vmul.f32 v2, v3;
	v3 =	vld [tilespmem:$0x1EF00]  }
0x7ef: {  	v61 =	vmov s4  }
0x7f0: {  	v34 =	vsub.f32 v13, v61;
	v13 =	vmul.f32 v1, v8;
	v8 =	vld [tilespmem:$0x1EF60];
	_ =	sdelay $0x2  }
0x7f1: {  	v23 =	vmul.f32 v2, v3;
	v3 =	vld [tilespmem:$0x1EF10];
	_ =	sdelay $0x1  }
0x7f2: {  	v11 =	vmul.f32 v1, v8;
	v8 =	vld [tilespmem:$0x1EF70];
	_ =	sdelay $0x1  }
0x7f3: {  	(xrf2) =	vadd.scan.msk.f32 $0xffff, v4  }
0x7f4: {  	s17 =	spop (v2sf);
	(xrf2) =	vadd.scan.msk.f32 $0xffff, v5;
	v60, _, _ =	vpop (xrf2);
	v5 =	vmul.f32 v2, v3;
	v3 =	vld [tilespmem:$0x1EF20]  }
0x7f5: {  	s5 =	smul.f32 $7.812500000e-03, s17;
	(v2sf) =	vpush v60, $0xF;
	v60, _, _ =	vpop (xrf2)  }
0x7f6: {  	s19 =	smul.f32 s4, s4;
	(v2sf) =	vpush v60, $0xF;
	v60 =	vmul.f32 v1, v8;
	v8 =	vld [tilespmem:$0x1EF80];
	_ =	sdelay $0x1  }
0x7f7: {  	s21 =	ssub.f32 s5, s19  }
0x7f8: {  	v16 =	vmul.f32 v2, v42;
	v3 =	vmul.f32 v2, v3;
	v2 =	vsub.f32 v9, v61;
	v9 =	vld [tilespmem:$0x1EFA0]  }
0x7f9: {  	v4 =	vsub.f32 v50, v31;
	v50 =	vmov s21  }
0x7fa: {  	v46 =	vsub.f32 v37, v31;
	v37 =	vmax.f32 v50, $0.0e+00;
	v8 =	vmul.f32 v1, v8  }
0x7fb: {  	v37 =	vadd.f32 $9.999999960e-13, v37  }
0x7fc: {  	[tilespmem:$0x1F0E0] =	vst v8;
	v8 =	vld [tilespmem:$0x1EF90]  }
0x7fd: {  	v0 =	vsub.f32 $1.500000000e+00, v0;
	v37 =	vbroadcast v37, $0x0;
	v24 =	vmul.f32 v1, v9;
	v9 =	vld [tilespmem:$0x1EFB0];
	_ =	sdelay $0x1  }
0x7fe: {  	v0 =	vmul.f32 v48, v0;
	v48 =	vshrl.u32 v37, $0x1;
	v37 =	vmul.f32 $5.000000000e-01, v37  }
0x7ff: {  	v42 =	vsub.s32 $0x5F3759DF, v48  }
0x800: {  	v37 =	vmul.f32 v42, v37  }
0x801: {  	v22 =	vsub.f32 v22, v61;
	v8 =	vmul.f32 v1, v8;
	v1 =	vmul.f32 v1, v9  }
0x802: {  	v35 =	vsub.f32 v53, v61;
	v49 =	vsub.f32 v49, v31;
	[tilespmem:$0x1F0D0] =	vst v3  }
0x803: {  	v38 =	vsub.f32 v38, v31;
	v37 =	vmul.f32 v42, v37;
	s22 =	spop (v2sf);
	v3 =	vld [tilespmem:$0x1EF30];
	[tilespmem:$0x1F0F0] =	vst v1;
	v1 =	vmul.f32 v0, v4  }
0x804: {  	v50 =	vsub.f32 v36, v61;
	v36 =	vsub.f32 v54, v61;
	s2 =	smul.f32 $7.812500000e-03, s22  }
0x805: {  	v10 =	vmul.f32 v0, v10;
	v38 =	vmul.f32 v0, v38;
	v37 =	vsub.f32 $1.500000000e+00, v37;
	s23 =	spop (v2sf);
	[tilespmem:$0x1F100] =	vst v1;
	v1 =	vld [tilespmem:$0x1EFC0]  }
0x806: {  	v31 =	vsub.f32 v39, v31;
	v39 =	vmul.f32 v0, v49;
	s4 =	smul.f32 $7.812500000e-03, s23;
	v48 =	vmov s2  }
0x807: {  	v53 =	vsub.f32 v17, v48;
	v17 =	vmul.f32 v42, v37;
	v40 =	vsub.f32 v63, v48  }
0x808: {  	v37 =	vmov s4;
	v41 =	vsub.f32 v3, v61;
	v3 =	vsub.f32 v56, v61;
	v61, _, _ =	vpop (xrf2)  }
0x809: {  	v63 =	vmul.f32 v0, v45;
	(v2sf) =	vpush v61, $0xF;
	v61 =	vmul.f32 v0, v44  }
0x80a: {  	v49 =	vsub.f32 v1, v37;
	v1 =	vmul.f32 v0, v46;
	v0 =	vmul.f32 v0, v31;
	_ =	sdelay $0x1  }
0x80b: {  	[tilespmem:$0x1F120] =	vst v0;
	v0 =	vmul.f32 v17, v34;
	_ =	sdelay $0x1  }
0x80c: {  	[tilespmem:$0x1F130] =	vst v0;
	v0 =	vmul.f32 v17, v22;
	_ =	sdelay $0x1  }
0x80d: {  	s24 =	spop (v2sf);
	[tilespmem:$0x1F140] =	vst v0;
	v0 =	vld [tilespmem:$0x1EFE0]  }
0x80e: {  	s5 =	smul.f32 $7.812500000e-03, s24;
	_ =	sdelay $0x1  }
0x80f: {  	v45 =	vsub.f32 v18, v37;
	v18 =	vmov s5  }
0x810: {  	v28 =	vsub.f32 v30, v37;
	v30 =	vsub.f32 v59, v18  }
0x811: {  	v59 =	vsub.f32 v0, v18;
	v0 =	vsub.f32 v62, v18  }
0x812: {  	v55 =	vsub.f32 v55, v48  }
0x813: {  	v54 =	vsub.f32 v7, v48;
	[tilespmem:$0x1EFF0] =	vst v0;
	v0 =	vsub.f32 v57, v18  }
0x814: {  	v25 =	vsub.f32 v25, v48;
	v56 =	vsub.f32 v47, v48;
	v33, _, _ =	vpop (xrf2)  }
0x815: {  	(v2sf) =	vpush v33, $0xF;
	[tilespmem:$0x1F000] =	vst v0;
	v0 =	vsub.f32 v32, v18  }
0x816: {  	v33 =	vsub.f32 v29, v48;
	v48 =	vsub.f32 v6, v48;
	v6 =	vmul.f32 v17, v2;
	v2 =	vld [tilespmem:$0x1FF70]  }
0x817: {  	[tilespmem:$0x1F010] =	vst v0;
	v0 =	vld [tilespmem:$0x1F020];
	_ =	sdelay $0x3  }
0x818: {  	v44 =	vsub.f32 v51, v37;
	v51 =	vmul.f32 v17, v41  }
0x819: {  	v41 =	vmul.f32 v17, v3;
	v3 =	vmul.f32 v0, v2;
	v0 =	vsub.f32 v52, v18;
	_ =	sdelay $0x1  }
0x81a: {  	[tilespmem:$0x1F030] =	vst v0;
	v0 =	vsub.f32 v14, v18;
	_ =	sdelay $0x1  }
0x81b: {  	[tilespmem:$0x1F040] =	vst v0;
	v0 =	vsub.f32 v27, v18  }
0x81c: {  	v62 =	vld [tilespmem:$0x1FF00]  }
0x81d: {  	[tilespmem:$0x1F050] =	vst v0;
	v0 =	vld [tilespmem:$0x1F060];
	_ =	sdelay $0x2  }
0x81e: {  	v9 =	vmul.f32 v17, v50;
	v50 =	vld [tilespmem:$0x1FF10]  }
0x81f: {  	[tilespmem:$0x1F110] =	vst v1;
	v1 =	vld [tilespmem:$0x1EFD0]  }
0x820: {  	v14 =	vmul.f32 v0, v62;
	v0 =	vld [tilespmem:$0x1F070];
	_ =	sdelay $0x3  }
0x821: {  	v31 =	vmul.f32 v17, v35;
	v47 =	vsub.f32 v1, v37;
	v1 =	vld [tilespmem:$0x1F080]  }
0x822: {  	v34 =	vmul.f32 v17, v36;
	v17 =	vmul.f32 v0, v50;
	v0 =	vld [tilespmem:$0x1FF20];
	_ =	sdelay $0x3  }
0x823: {  	v29 =	vld [tilespmem:$0x1FF30]  }
0x824: {  	v18 =	vmul.f32 v1, v0;
	v1 =	vld [tilespmem:$0x1F090];
	_ =	sdelay $0x2  }
0x825: {  	v7 =	vld [tilespmem:$0x1FF90]  }
0x826: {  	v42 =	vsub.f32 v26, v37;
	v26 =	vld [tilespmem:$0x1FF40]  }
0x827: {  	v27 =	vmul.f32 v1, v29;
	v1 =	vld [tilespmem:$0x1F0A0]  }
0x828: {  	v46 =	vsub.f32 v58, v37;
	v58 =	vld [tilespmem:$0x1FFD0]  }
0x829: {  	v36 =	vld [tilespmem:$0x1FFC0]  }
0x82a: {  	v22 =	vld [tilespmem:$0x1FF50];
	v3 =	vadd.f32 v3, v7  }
0x82b: {  	v43 =	vsub.f32 v43, v37;
	v37 =	vld [tilespmem:$0x1FFA0]  }
0x82c: {  	v32 =	vmul.f32 v1, v26;
	v1 =	vld [tilespmem:$0x1F0B0];
	[tilespmem:s18+$0xF0] =	vst v3  }
0x82d: {  	v52 =	vld [tilespmem:$0x1FFB0];
	_ =	sdelay $0x3  }
0x82e: {  	v14 =	vadd.f32 v14, v37  }
0x82f: {  	v3 =	vld [tilespmem:$0x1F0C0];
	v17 =	vadd.f32 v17, v52  }
0x830: {  	v57 =	vmul.f32 v1, v22;
	v1 =	vld [tilespmem:$0x1FF60];
	[tilespmem:s18+$0x80] =	vst v14  }
0x831: {  	[tilespmem:s18+$0x90] =	vst v17  }
0x832: {  	v17 =	vld [tilespmem:$0x1FFE0];
	_ =	sdelay $0x2  }
0x833: {  	v18 =	vadd.f32 v18, v36;
	_ =	sdelay $0x1  }
0x834: {  	v14 =	vadd.f32 v27, v58;
	v17 =	vadd.f32 v32, v17;
	v32 =	vld [tilespmem:$0x1FFE0];
	[tilespmem:s18+$0xA0] =	vst v18  }
0x835: {  	v18 =	vld [tilespmem:$0x1FFF0]  }
0x836: {  	v35 =	vld [tilespmem:$0x1FFF0];
	[tilespmem:s18+$0xB0] =	vst v14  }
0x837: {  	v4 =	vld [tilespmem:$0x1FF80];
	_ =	sdelay $0x2  }
0x838: {  	v27 =	vmul.f32 v5, v22;
	v3 =	vmul.f32 v3, v1;
	v5 =	vld [tilespmem:$0x1F0D0]  }
0x839: {  	v19 =	vmul.f32 v19, v62;
	v18 =	vadd.f32 v57, v18  }
0x83a: {  	v21 =	vmul.f32 v21, v29;
	[tilespmem:s18+$0xC0] =	vst v17;
	v3 =	vadd.f32 v3, v4  }
0x83b: {  	v17 =	vadd.f32 v19, v37;
	[tilespmem:s18+$0xD0] =	vst v18  }
0x83c: {  	v20 =	vmul.f32 v20, v0;
	v18 =	vld [tilespmem:$0x1FFB0];
	[tilespmem:s18+$0xE0] =	vst v3  }
0x83d: {  	v16 =	vmul.f32 v16, v2;
	v14 =	vmul.f32 v5, v1;
	v5 =	vmovc v1;
	v1 =	vmov v2;
	v2 =	vld [tilespmem:$0x1F0E0];
	[tilespmem:s18+$0xFFFFFF00] =	vst v17  }
0x83e: {  	v3 =	vadd.f32 v20, v36;
	v20 =	vmul.f32 v8, v22;
	v8 =	vadd.f32 v21, v58;
	v21 =	vmovc v1;
	v1 =	vld [tilespmem:$0x1F0F0];
	_ =	sdelay $0x1  }
0x83f: {  	v15 =	vmul.f32 v15, v50  }
0x840: {  	v23 =	vmul.f32 v23, v26  }
0x841: {  	[tilespmem:s18+$0xFFFFFF20] =	vst v3;
	v15 =	vadd.f32 v15, v18  }
0x842: {  	v6 =	vmul.f32 v6, v21;
	[tilespmem:s18+$0xFFFFFF30] =	vst v8;
	v18 =	vmul.f32 v1, v21;
	v1 =	vadd.f32 v23, v32  }
0x843: {  	[tilespmem:s18+$0xFFFFFF10] =	vst v15  }
0x844: {  	v6 =	vadd.f32 v6, v7;
	v8 =	vmov v7;
	v7 =	vld [tilespmem:$0x1F100];
	[tilespmem:s18+$0xFFFFFF40] =	vst v1  }
0x845: {  	v1 =	vadd.f32 v14, v4;
	v4 =	vld [tilespmem:$0x1F110];
	_ =	sdelay $0x1  }
0x846: {  	s2 =	smul.f32 s2, s2;
	s25 =	spop (v2sf);
	v3 =	vadd.f32 v27, v35  }
0x847: {  	s14 =	smul.f32 $7.812500000e-03, s25  }
0x848: {  	s4 =	smul.f32 s4, s4;
	s26 =	spop (v2sf);
	v15 =	vmul.f32 v38, v5;
	v38 =	vld [tilespmem:$0x1FFB0];
	[tilespmem:s18+$0xFFFFFF50] =	vst v3  }
0x849: {  	s2 =	ssub.f32 s14, s2;
	s14 =	smul.f32 $7.812500000e-03, s26;
	v52 =	vmovc v29;
	v29 =	vmul.f32 v60, v29;
	v60 =	vmov v21;
	v21 =	vmul.f32 v4, v22;
	v4 =	vld [tilespmem:$0x1F120];
	[tilespmem:s13+$0xF0] =	vst v6  }
0x84a: {  	v13 =	vmul.f32 v13, v50;
	v12 =	vmul.f32 v12, v62;
	[tilespmem:s18+$0xFFFFFF60] =	vst v1  }
0x84b: {  	s28 =	ssub.f32 s14, s4;
	v11 =	vmul.f32 v11, v0;
	v57 =	vmov v52;
	v52 =	vmul.f32 v39, v0;
	v1 =	vld [tilespmem:$0x1F130]  }
0x84c: {  	v24 =	vmul.f32 v24, v5;
	v17 =	vmul.f32 v10, v62;
	v3 =	vadd.f32 v16, v8  }
0x84d: {  	v10 =	vmul.f32 v9, v62;
	v9 =	vadd.f32 v11, v36;
	v11 =	vmov s28  }
0x84e: {  	v19 =	vmul.f32 v2, v26;
	v8 =	vmul.f32 v31, v0;
	v0 =	vadd.f32 v12, v37;
	[tilespmem:s18+$0xFFFFFF70] =	vst v3  }
0x84f: {  	v23 =	vmul.f32 v63, v57;
	v63 =	vmul.f32 v7, v26;
	v7 =	vadd.f32 v13, v38;
	v3 =	vld [tilespmem:$0x1F140]  }
0x850: {  	v2 =	vmul.f32 v61, v50;
	[tilespmem:s18+$0xFFFFFF80] =	vst v0;
	v6 =	vmul.f32 v1, v57;
	v1 =	vmov s2  }
0x851: {  	s5 =	smul.f32 s5, s5;
	s29 =	spop (v2sf);
	[tilespmem:s18+$0xFFFFFF90] =	vst v7;
	v7 =	vadd.f32 v29, v58;
	v0 =	vadd.f32 v19, v32;
	v1 =	vmax.f32 v1, $0.0e+00  }
0x852: {  	s31 =	smul.f32 $7.812500000e-03, s29;
	v62 =	vmul.f32 v4, v60;
	v60 =	vmul.f32 v51, v50;
	v1 =	vadd.f32 $9.999999960e-13, v1  }
0x853: {  	s4 =	simm.s32 $0x4;
	[tilespmem:s18+$0xFFFFFFA0] =	vst v9;
	v9 =	vmax.f32 v11, $0.0e+00;
	v4 =	vmul.f32 v34, v26;
	v50 =	vmul.f32 v41, v5  }
0x854: {  	s14 =	ssub.f32 s31, s5;
	s5 =	simm.s32 $0x1070A;
	s2 =	simm.s32 $0xC500;
	v3 =	vmul.f32 v3, v22;
	v5 =	vbroadcast v1, $0x0;
	v1 =	vadd.f32 v20, v35  }
.LBB2_13:
0x855: {  	[tilespmem:$0x1ECA0] =	vst v50;
	v50 =	vld [tilespmem:$0x1FF80]  }
0x856: {  	v11 =	vld [tilespmem:s5+$0x1]  }
0x857: {  	v9 =	vadd.f32 $9.999999960e-13, v9;
	v16 =	vld [tilespmem:$0x1FF90];
	[tilespmem:s18+$0xFFFFFFB0] =	vst v7  }
0x858: {  	v13 =	vshrl.u32 v5, $0x1;
	v5 =	vmul.f32 $5.000000000e-01, v5;
	v14 =	vmov s14;
	v12 =	vld [tilespmem:s5+$0xFFFFFFFF]  }
0x859: {  	v17 =	vadd.f32 v17, v37;
	[tilespmem:s18+$0xFFFFFFC0] =	vst v0;
	v0 =	vld [tilespmem:s5+$0x0];
	v13 =	vsub.s32 $0x5F3759DF, v13;
	v14 =	vmax.f32 v14, $0.0e+00  }
0x85a: {  	v5 =	vmul.f32 v13, v5;
	v14 =	vadd.f32 $9.999999960e-13, v14;
	v7 =	vadd.f32 v24, v50  }
0x85b: {  	v2 =	vadd.f32 v2, v38;
	v9 =	vbroadcast v9, $0x0;
	[tilespmem:s18+$0xFFFFFFD0] =	vst v1;
	(v2sf) =	vpush v11, $0x0  }
0x85c: {  	v1 =	vld [tilespmem:s5+$0xFFFFFFFE];
	v14 =	vbroadcast v14, $0x0;
	v5 =	vmul.f32 v13, v5;
	[tilespmem:s18+$0xFFFFFFE0] =	vst v7;
	v7 =	vadd.f32 v18, v16  }
0x85d: {  	v18 =	vmovc v16;
	v16 =	vshrl.u32 v9, $0x1;
	v9 =	vmul.f32 $5.000000000e-01, v9;
	(v2sf) =	vpush v12, $0x0  }
0x85e: {  	v5 =	vsub.f32 $1.500000000e+00, v5;
	v11 =	vsub.s32 $0x5F3759DF, v16;
	(v2sf) =	vpush v0, $0x0  }
0x85f: {  	v22 =	vld [tilespmem:$0x1EDA0];
	v0 =	vshrl.u32 v14, $0x1;
	[tilespmem:s18+$0xFFFFFFF0] =	vst v7;
	v7 =	vmul.f32 v11, v9;
	v9 =	vmul.f32 $5.000000000e-01, v14  }
0x860: {  	v31 =	vld [tilespmem:$0x1EDC0];
	[tilespmem:s18+$0x10] =	vst v2;
	v2 =	vadd.f32 v23, v58;
	v0 =	vsub.s32 $0x5F3759DF, v0;
	v5 =	vmul.f32 v13, v5  }
0x861: {  	v51 =	vld [tilespmem:$0x1EDD0];
	(v2sf) =	vpush v1, $0x0;
	v1 =	vmul.f32 v11, v7;
	v7 =	vmul.f32 v0, v9  }
0x862: {  	s13 =	sadd.s32 $0x200, s13;
	v39 =	vld [tilespmem:$0x1EE00];
	[tilespmem:s18+$0x0] =	vst v17;
	v9 =	vadd.f32 v52, v36;
	v52 =	vmul.f32 v5, v55;
	v55 =	vmul.f32 v5, v56  }
0x863: {  	v34 =	vld [tilespmem:s13+$0xFFFFFF10];
	[tilespmem:s18+$0x30] =	vst v2;
	v54 =	vmul.f32 v5, v54;
	v2 =	vmul.f32 v5, v40  }
0x864: {  	v23 =	vld [tilespmem:$0x1EDB0];
	v1 =	vsub.f32 $1.500000000e+00, v1;
	v7 =	vmul.f32 v0, v7;
	[tilespmem:s18+$0x20] =	vst v9;
	v9 =	vadd.f32 v63, v32  }
0x865: {  	v16 =	vld [tilespmem:s13+$0xFFFFFF90];
	v53 =	vmul.f32 v5, v53;
	[tilespmem:$0x1ECB0] =	vst v2;
	v2 =	vmul.f32 v5, v33  }
0x866: {  	v14 =	vld [tilespmem:$0x1ED90];
	v1 =	vmul.f32 v11, v1;
	v11 =	vadd.f32 v21, v35;
	v7 =	vsub.f32 $1.500000000e+00, v7;
	[tilespmem:s18+$0x40] =	vst v9  }
0x867: {  	v56 =	vmul.f32 v5, v25;
	v48 =	vmul.f32 v5, v48;
	v25 =	vld [tilespmem:s13+$0xFFFFFFA0];
	v9 =	vadd.f32 v15, v50;
	[tilespmem:$0x1ECC0] =	vst v2  }
0x868: {  	v5 =	vadd.f32 v60, v38;
	v38 =	vld [tilespmem:$0x1EE40];
	v12 =	vmul.f32 v0, v7;
	[tilespmem:s18+$0x50] =	vst v11;
	v0 =	vadd.f32 v62, v18  }
0x869: {  	[tilespmem:s18+$0x60] =	vst v9;
	v9 =	vld [tilespmem:s13+$0x80];
	v2 =	vmul.f32 v1, v45  }
0x86a: {  	v7 =	vadd.f32 v10, v37;
	v49 =	vmul.f32 v1, v49;
	v47 =	vmul.f32 v1, v47;
	v11 =	vld [tilespmem:s13+$0xFFFFFF00];
	[tilespmem:s18+$0x70] =	vst v0  }
0x86b: {  	v46 =	vmul.f32 v1, v46;
	v44 =	vmul.f32 v1, v44;
	v10 =	vld [tilespmem:$0x1ED80];
	s18 =	smov.u32 s2;
	[tilespmem:$0x1ECD0] =	vst v2  }
0x86c: {  	v42 =	vmul.f32 v1, v42;
	v0 =	vld [tilespmem:s13+$0x90];
	v2 =	vmul.f32 v1, v43;
	[tilespmem:s18+$0x80] =	vst v7  }
0x86d: {  	v37 =	vld [tilespmem:$0x1EDF0];
	v43 =	vmul.f32 v1, v28;
	v1 =	vmul.f32 v12, v30;
	[tilespmem:s18+$0x90] =	vst v5  }
0x86e: {  	v7 =	vadd.f32 v8, v36;
	v5 =	vadd.f32 v6, v58;
	s28 =	spop (v2sf);
	v58 =	vld [tilespmem:$0x1EE20];
	[tilespmem:$0x1ECE0] =	vst v2  }
0x86f: {  	v4 =	vadd.f32 v4, v32;
	v6 =	vld [tilespmem:s13+$0xA0];
	p4 =	seq.s32 s28, $0x1;
	[tilespmem:$0x1ECF0] =	vst v1;
	s29 =	spop (v2sf)  }
0x870: {  	v1 =	vadd.f32 v3, v35;
	v2 =	vmul.f32 v12, v59;
	v35 =	vld [tilespmem:$0x1EDE0];
	[tilespmem:s18+$0xA0] =	vst v7;
	v3 =	vpsel p4, v14, v10;
	p1 =	seq.s32 s29, $0x1  }
0x871: {  	v36 =	vld [tilespmem:$0x1EE60];
	[tilespmem:s18+$0xB0] =	vst v5;
	v5 =	vpsel p4, v23, v22;
	s31 =	spop (v2sf);
	v63 =	vadd.f32 v3, v9;
	v13 =	vpsel p1, v14, v10  }
0x872: {  	v8 =	vld [tilespmem:s13+$0xB0];
	[tilespmem:s18+$0xD0] =	vst v1;
	p2 =	seq.s32 s31, $0x1;
	v45 =	vadd.f32 v5, v0;
	s17 =	spop (v2sf);
	v1 =	vpsel p1, v23, v22;
	v0 =	vpsel p4, v51, v31  }
0x873: {  	v7 =	vld [tilespmem:$0x1EE30];
	v26 =	vpsel p1, v51, v31;
	p3 =	seq.s32 s17, $0x1;
	v33 =	vpsel p2, v14, v10;
	v61 =	vadd.f32 v1, v16  }
0x874: {  	[tilespmem:s18+$0xC0] =	vst v4;
	v5 =	vld [tilespmem:$0x1EE10];
	v59 =	vadd.f32 v26, v25;
	v14 =	vpsel p3, v14, v10;
	v62 =	vadd.f32 v0, v6  }
0x875: {  	v9 =	vld [tilespmem:s13+$0xC0];
	v0 =	vadd.f32 v45, v63;
	v4 =	vpsel p4, v37, v35;
	v6 =	vmul.f32 v63, v63  }
0x876: {  	[tilespmem:$0x1ED00] =	vst v2;
	v2 =	vld [tilespmem:$0x1EE50];
	v15 =	vmul.f32 v45, v45;
	v17 =	vpsel p3, v23, v22;
	v24 =	vpsel p3, v51, v31  }
0x877: {  	v10 =	vld [tilespmem:s13+$0xD0];
	v31 =	vpsel p2, v51, v31;
	v41 =	vadd.f32 v14, v11;
	v51 =	vadd.f32 v17, v34  }
0x878: {  	v3 =	vld [tilespmem:$0x1EE70];
	v60 =	vadd.f32 v8, v4;
	v0 =	vadd.f32 v0, v62  }
0x879: {  	v19 =	vld [tilespmem:s13+$0xE0];
	v15 =	vadd.f32 v15, v6;
	v20 =	vmul.f32 v62, v62;
	v8 =	vpsel p4, v5, v39  }
0x87a: {  	v22 =	vpsel p2, v23, v22;
	v23 =	vld [tilespmem:s13+$0xFFFFFF20];
	v6 =	vadd.f32 v9, v8;
	v0 =	vadd.f32 v0, v60  }
0x87b: {  	v8 =	vpsel p4, v7, v58;
	v9 =	vld [tilespmem:s13+$0xF0];
	v15 =	vadd.f32 v15, v20;
	v20 =	vmul.f32 v60, v60  }
0x87c: {  	v40 =	vld [tilespmem:s13+$0xFFFFFF80];
	v8 =	vadd.f32 v10, v8;
	v0 =	vadd.f32 v0, v6  }
0x87d: {  	v18 =	vld [tilespmem:s13+$0x0];
	v10 =	vpsel p4, v2, v38;
	v15 =	vadd.f32 v15, v20;
	v20 =	vmul.f32 v6, v6  }
0x87e: {  	v28 =	vpsel p4, v3, v36;
	v10 =	vadd.f32 v19, v10;
	v0 =	vadd.f32 v0, v8  }
0x87f: {  	v21 =	vld [tilespmem:s13+$0x10];
	v57 =	vadd.f32 v24, v23;
	v29 =	vmul.f32 v8, v8;
	v20 =	vadd.f32 v15, v20  }
0x880: {  	v25 =	vpsel p1, v37, v35;
	v15 =	vadd.f32 v9, v28;
	v9 =	vadd.f32 v0, v10  }
0x881: {  	v27 =	vld [tilespmem:s13+$0x20];
	v11 =	vadd.f32 v20, v29;
	v20 =	vmul.f32 v10, v10;
	v29 =	vadd.f32 v13, v40  }
0x882: {  	v28 =	vmul.f32 v51, v51;
	v40 =	vadd.f32 v33, v18;
	v9 =	vadd.f32 v9, v15  }
0x883: {  	v14 =	vld [tilespmem:s13+$0x30];
	v0 =	vpsel p3, v37, v35;
	v13 =	vmul.f32 v15, v15;
	v11 =	vadd.f32 v11, v20  }
0x884: {  	v32 =	vld [tilespmem:s13+$0x50];
	v20 =	vmul.f32 v41, v41;
	v33 =	vmul.f32 v40, v40;
	(xrf2) =	vadd.scan.msk.f32 $0xffff, v9;
	v9 =	vadd.f32 v22, v21  }
0x885: {  	[tilespmem:$0x1ED20] =	vst v51;
	v19 =	vld [tilespmem:s13+$0xFFFFFF30];
	v1 =	vadd.f32 v11, v13;
	v11 =	vadd.f32 v51, v41;
	v13 =	vmul.f32 v29, v29  }
0x886: {  	v16 =	vld [tilespmem:s13+$0x40];
	[tilespmem:$0x1ED30] =	vst v29;
	v22 =	vadd.f32 v61, v29;
	v29 =	vmul.f32 v61, v61;
	v51 =	vadd.f32 v31, v27  }
0x887: {  	v17 =	vld [tilespmem:s13+$0xFFFFFF40];
	[tilespmem:$0x1ED40] =	vst v61;
	v27 =	vpsel p2, v37, v35;
	v20 =	vadd.f32 v28, v20;
	v31 =	vmul.f32 v57, v57  }
0x888: {  	v61 =	vadd.f32 v14, v27;
	v27 =	vpsel p2, v5, v39;
	v34 =	vadd.f32 v9, v40;
	(xrf2) =	vadd.scan.msk.f32 $0xffff, v1  }
0x889: {  	v30 =	vld [tilespmem:s13+$0xFFFFFFB0];
	v24 =	vmul.f32 v9, v9;
	v28 =	vadd.f32 v11, v57;
	v29 =	vadd.f32 v29, v13  }
0x88a: {  	v4 =	vld [tilespmem:s13+$0xFFFFFFC0];
	[tilespmem:$0x1ED50] =	vst v40;
	v22 =	vadd.f32 v22, v59;
	v40 =	vadd.f32 v19, v0;
	v19 =	vpsel p3, v5, v39  }
0x88b: {  	[tilespmem:$0x1ED10] =	vst v41;
	v18 =	vld [tilespmem:s13+$0xFFFFFF50];
	v20 =	vadd.f32 v20, v31;
	v41 =	vadd.f32 v16, v27;
	v16 =	vpsel p2, v7, v58  }
0x88c: {  	v37 =	vmul.f32 v59, v59;
	v19 =	vadd.f32 v17, v19;
	v16 =	vadd.f32 v32, v16  }
0x88d: {  	v17 =	vpsel p1, v7, v58;
	v24 =	vadd.f32 v24, v33;
	v33 =	vadd.f32 v34, v51  }
0x88e: {  	[tilespmem:$0x1ED70] =	vst v51;
	v0 =	vld [tilespmem:s13+$0x70];
	v34 =	vmul.f32 v51, v51;
	v51 =	vadd.f32 v30, v25;
	v25 =	vpsel p1, v5, v39  }
0x88f: {  	v21 =	vld [tilespmem:s13+$0xFFFFFFD0];
	v28 =	vadd.f32 v28, v40;
	v29 =	vadd.f32 v29, v37;
	v37 =	vpsel p3, v7, v58  }
0x890: {  	v30 =	vmul.f32 v40, v40;
	v39 =	vadd.f32 v4, v25;
	v25 =	vadd.f32 v18, v37  }
0x891: {  	v26 =	vld [tilespmem:s13+$0xFFFFFFE0];
	v32 =	vpsel p2, v3, v36;
	v22 =	vadd.f32 v22, v51;
	v24 =	vadd.f32 v24, v34;
	v14, _, _ =	vpop (xrf2)  }
0x892: {  	v1 =	vld [tilespmem:s13+$0xFFFFFFF0];
	v31 =	vmul.f32 v51, v51;
	v30 =	vadd.f32 v20, v30;
	(v2sf) =	vpush v14, $0xF;
	v14, _, _ =	vpop (xrf2)  }
0x893: {  	v34 =	vmul.f32 v61, v61;
	(v2sf) =	vpush v14, $0xF;
	v14 =	vadd.f32 v0, v32;
	v0 =	vld [tilespmem:$0x1EFF0]  }
0x894: {  	v20 =	vadd.f32 v21, v17;
	v29 =	vadd.f32 v29, v31;
	v31 =	vmul.f32 v39, v39  }
0x895: {  	v33 =	vadd.f32 v33, v61;
	v27 =	vadd.f32 v28, v19;
	v28 =	vmul.f32 v19, v19  }
0x896: {  	v23 =	vld [tilespmem:s13+$0xFFFFFF60];
	v21 =	vpsel p1, v2, v38;
	v37 =	vmul.f32 v20, v20;
	v29 =	vadd.f32 v29, v31  }
0x897: {  	v35 =	vld [tilespmem:s13+$0x60];
	v26 =	vadd.f32 v26, v21;
	v21 =	vpsel p1, v3, v36;
	v22 =	vadd.f32 v22, v39  }
0x898: {  	v37 =	vadd.f32 v29, v37;
	v29 =	vadd.f32 v1, v21;
	v21 =	vmul.f32 v12, v0;
	v0 =	vld [tilespmem:$0x1F000]  }
0x899: {  	[tilespmem:$0x1ED60] =	vst v9;
	v9 =	vld [tilespmem:s13+$0xFFFFFF70];
	v24 =	vadd.f32 v24, v34;
	v18 =	vadd.f32 v33, v41  }
0x89a: {  	v33 =	vmul.f32 v41, v41;
	v34 =	vpsel p3, v2, v38;
	v17 =	vadd.f32 v30, v28  }
0x89b: {  	v27 =	vadd.f32 v27, v25;
	v28 =	vadd.f32 v23, v34  }
0x89c: {  	v30 =	vpsel p2, v2, v38;
	v31 =	vadd.f32 v22, v20;
	v24 =	vadd.f32 v24, v33  }
0x89d: {  	v33 =	vpsel p3, v3, v36;
	v22 =	vadd.f32 v35, v30;
	v35 =	vmul.f32 v12, v0;
	v0 =	vld [tilespmem:$0x1F010]  }
0x89e: {  	v34 =	vadd.f32 v27, v28;
	v30 =	vadd.f32 v9, v33;
	_ =	sdelay $0x1  }
0x89f: {  	v36 =	vadd.f32 v34, v30;
	_ =	sdelay $0x1  }
0x8a0: {  	(xrf2) =	vadd.scan.msk.f32 $0xffff, v36;
	v36 =	vmul.f32 v12, v0;
	v0 =	vld [tilespmem:$0x1F030];
	_ =	sdelay $0x2  }
0x8a1: {  	v27 =	vmul.f32 v26, v26;
	_ =	sdelay $0x1  }
0x8a2: {  	v27 =	vadd.f32 v37, v27;
	v37 =	vmul.f32 v12, v0;
	v0 =	vld [tilespmem:$0x1F040]  }
0x8a3: {  	v18 =	vadd.f32 v18, v16  }
0x8a4: {  	v31 =	vadd.f32 v31, v26  }
0x8a5: {  	v18 =	vadd.f32 v18, v22;
	v38 =	vmul.f32 v29, v29  }
0x8a6: {  	v31 =	vadd.f32 v31, v29  }
0x8a7: {  	v18 =	vadd.f32 v18, v14;
	v27 =	vadd.f32 v27, v38;
	v38 =	vmul.f32 v12, v0;
	v0 =	vld [tilespmem:$0x1FF00]  }
0x8a8: {  	(xrf2) =	vadd.scan.msk.f32 $0xffff, v31  }
0x8a9: {  	(xrf2) =	vadd.scan.msk.f32 $0xffff, v18;
	v18 =	vld [tilespmem:$0x1FFA0];
	_ =	sdelay $0x2  }
0x8aa: {  	v7 =	vld [tilespmem:$0x1FF10];
	s19 =	spop (v2sf);
	v31 =	vmul.f32 v52, v0  }
0x8ab: {  	v23 =	vmul.f32 v16, v16;
	s14 =	smul.f32 $7.812500000e-03, s19;
	s17 =	spop (v2sf)  }
0x8ac: {  	v58 =	vmul.f32 v25, v25;
	s17 =	smul.f32 $7.812500000e-03, s17;
	v18 =	vadd.f32 v31, v18;
	v31 =	vld [tilespmem:$0x1FFB0]  }
0x8ad: {  	v23 =	vadd.f32 v24, v23;
	v24 =	vmul.f32 v22, v22;
	v1 =	vld [tilespmem:$0x1F050];
	s19 =	smul.f32 s14, s14  }
0x8ae: {  	v17 =	vadd.f32 v17, v58;
	v58 =	vmul.f32 v28, v28  }
0x8af: {  	v2 =	vmul.f32 v55, v7;
	v23 =	vadd.f32 v23, v24;
	v24 =	vmul.f32 v14, v14;
	s17 =	ssub.f32 s17, s19  }
0x8b0: {  	v17 =	vadd.f32 v17, v58;
	v33 =	vmul.f32 v30, v30  }
0x8b1: {  	v9 =	vld [tilespmem:$0x1FF20];
	v23 =	vadd.f32 v23, v24;
	v24 =	vmov s17;
	v2 =	vadd.f32 v2, v31  }
0x8b2: {  	v17 =	vadd.f32 v17, v33;
	v33 =	vmul.f32 v12, v1;
	v1 =	vld [tilespmem:$0x1ECA0];
	v24 =	vmax.f32 v24, $0.0e+00  }
0x8b3: {  	v24 =	vadd.f32 $9.999999960e-13, v24;
	[tilespmem:s18+$0xFFFFFF10] =	vst v2;
	v2 =	vld [tilespmem:$0x1FFC0]  }
0x8b4: {  	v11 =	vld [tilespmem:$0x1FF50]  }
0x8b5: {  	v5 =	vld [tilespmem:$0x1FF30];
	v24 =	vbroadcast v24, $0x0  }
0x8b6: {  	v3 =	vld [tilespmem:$0x1ECB0];
	v32 =	vmul.f32 v54, v9  }
0x8b7: {  	v13 =	vmov v50;
	v50 =	vadd.f32 v1, v50;
	v1 =	vld [tilespmem:$0x1FF40];
	[tilespmem:s18+$0xFFFFFF00] =	vst v18;
	v18, _, _ =	vpop (xrf2);
	v31 =	vshrl.u32 v24, $0x1  }
0x8b8: {  	(xrf2) =	vadd.scan.msk.f32 $0xffff, v17;
	v24 =	vmul.f32 $5.000000000e-01, v24;
	(v2sf) =	vpush v18, $0xF;
	v18 =	vld [tilespmem:$0x1FFD0];
	v2 =	vadd.f32 v32, v2  }
0x8b9: {  	v58 =	vld [tilespmem:$0x1FF70];
	v54 =	vmul.f32 v56, v11;
	v56 =	vsub.s32 $0x5F3759DF, v31  }
0x8ba: {  	v17 =	vmul.f32 v56, v24;
	[tilespmem:s18+$0xFFFFFF20] =	vst v2;
	v2 =	vld [tilespmem:$0x1FFE0]  }
0x8bb: {  	v53 =	vmul.f32 v53, v5  }
0x8bc: {  	(xrf2) =	vadd.scan.msk.f32 $0xffff, v27;
	v17 =	vmul.f32 v56, v17  }
0x8bd: {  	v52 =	vmul.f32 v3, v1;
	v18 =	vadd.f32 v53, v18  }
0x8be: {  	[tilespmem:s18+$0xE0] =	vst v50;
	v50 =	vld [tilespmem:$0x1FF60];
	v53 =	vsub.f32 $1.500000000e+00, v17  }
0x8bf: {  	[tilespmem:s18+$0xFFFFFF30] =	vst v18;
	v18 =	vmul.f32 v43, v58;
	v43 =	vmov s14;
	v52 =	vadd.f32 v52, v2;
	v2 =	vld [tilespmem:$0x1ECE0]  }
0x8c0: {  	v31 =	vmul.f32 v44, v5;
	v44, _, _ =	vpop (xrf2);
	(xrf2) =	vadd.scan.msk.f32 $0xffff, v23;
	v23 =	vmul.f32 v56, v53;
	v15 =	vsub.f32 v15, v43  }
0x8c1: {  	v3 =	vld [tilespmem:$0x1ECC0];
	(v2sf) =	vpush v44, $0xF;
	v56, _, _ =	vpop (xrf2)  }
0x8c2: {  	v12 =	vld [tilespmem:$0x1FF90];
	(v2sf) =	vpush v56, $0xF;
	v15 =	vmul.f32 v23, v15;
	[tilespmem:s18+$0xFFFFFF40] =	vst v52;
	v52 =	vmul.f32 v21, v9;
	v21, _, _ =	vpop (xrf2)  }
0x8c3: {  	v49 =	vmul.f32 v49, v0;
	v63 =	vsub.f32 v63, v43;
	(v2sf) =	vpush v21, $0xF;
	v21 =	vld [tilespmem:$0x1FFF0]  }
0x8c4: {  	v24 =	vmul.f32 v42, v50;
	v27 =	vmul.f32 v2, v11;
	v2 =	vld [tilespmem:$0x1ECF0]  }
0x8c5: {  	v6 =	vsub.f32 v6, v43;
	v42 =	vmul.f32 v23, v63;
	v63 =	vmul.f32 v15, v58  }
0x8c6: {  	v55 =	vmul.f32 v3, v50;
	v4 =	vsub.f32 v60, v43;
	v10 =	vsub.f32 v10, v43;
	v15, _, _ =	vpop (xrf2)  }
0x8c7: {  	v44 =	vmul.f32 v23, v6;
	v6 =	vadd.f32 v63, v12;
	(v2sf) =	vpush v15, $0xF  }
0x8c8: {  	v15 =	vmul.f32 v38, v50;
	v38 =	vld [tilespmem:$0x1FFB0];
	v21 =	vadd.f32 v54, v21;
	v54 =	vmul.f32 v23, v10  }
0x8c9: {  	v10 =	vmul.f32 v42, v0;
	v17 =	vmul.f32 v2, v0;
	v0 =	vld [tilespmem:$0x1ED10]  }
0x8ca: {  	v4 =	vmul.f32 v23, v4;
	s21 =	spop (v2sf);
	[tilespmem:s13+$0xF0] =	vst v6;
	v6 =	vadd.f32 v55, v13  }
0x8cb: {  	v47 =	vmul.f32 v47, v7;
	s14 =	smul.f32 $7.812500000e-03, s21  }
0x8cc: {  	[tilespmem:s18+$0xFFFFFF60] =	vst v6;
	v6 =	vmul.f32 v4, v5  }
0x8cd: {  	v3 =	vld [tilespmem:$0x1ECD0];
	v4 =	vmul.f32 v44, v1;
	v44 =	vadd.f32 v47, v38;
	v47 =	vmov s14  }
0x8ce: {  	v55 =	vsub.f32 v0, v47;
	v0 =	vld [tilespmem:$0x1ED20]  }
0x8cf: {  	v48 =	vmul.f32 v48, v58;
	_ =	sdelay $0x1  }
0x8d0: {  	v56 =	vadd.f32 v48, v12  }
0x8d1: {  	v8 =	vsub.f32 v8, v43;
	[tilespmem:s18+$0xFFFFFF50] =	vst v21;
	v21 =	vmul.f32 v37, v11;
	v37 =	vld [tilespmem:$0x1FFA0]  }
0x8d2: {  	v34 =	vmul.f32 v3, v1;
	v3 =	vsub.f32 v62, v43;
	[tilespmem:s18+$0xFFFFFF70] =	vst v56;
	v56 =	vsub.f32 v0, v47;
	v0 =	vld [tilespmem:$0x1ED30]  }
0x8d3: {  	v45 =	vsub.f32 v45, v43;
	s23 =	spop (v2sf);
	s22 =	smul.f32 s14, s14  }
0x8d4: {  	v32 =	vmul.f32 v46, v9;
	v3 =	vmul.f32 v23, v3;
	s14 =	smul.f32 $7.812500000e-03, s23  }
0x8d5: {  	v43 =	vmul.f32 v23, v45;
	v53 =	vmul.f32 v23, v8;
	v8, _, _ =	vpop (xrf2)  }
0x8d6: {  	(v2sf) =	vpush v8, $0xF;
	v8 =	vmul.f32 v3, v9;
	v9 =	vmov s14  }
0x8d7: {  	v60 =	vmul.f32 v43, v7;
	v43 =	vadd.f32 v49, v37;
	v49 =	vsub.f32 v0, v9;
	v0 =	vld [tilespmem:$0x1ED40];
	_ =	sdelay $0x1  }
0x8d8: {  	v50 =	vmul.f32 v54, v50;
	v54 =	vsub.f32 v57, v47  }
0x8d9: {  	v3 =	vmul.f32 v53, v11;
	v53 =	vsub.f32 v40, v47;
	v40 =	vsub.f32 v19, v47  }
0x8da: {  	v62 =	vmul.f32 v33, v58;
	v25 =	vsub.f32 v25, v47;
	v33 =	vsub.f32 v28, v47  }
0x8db: {  	v48 =	vsub.f32 v30, v47;
	v47 =	vsub.f32 v0, v9;
	v0 =	vld [tilespmem:$0x1ED50]  }
0x8dc: {  	s25 =	spop (v2sf);
	s24 =	smul.f32 s14, s14  }
0x8dd: {  	s14 =	smul.f32 $7.812500000e-03, s25;
	_ =	sdelay $0x1  }
0x8de: {  	v23 =	vmul.f32 v35, v5;
	v5 =	vmov s14  }
0x8df: {  	v30 =	vsub.f32 v0, v5;
	v0 =	vld [tilespmem:$0x1ED60];
	_ =	sdelay $0x4  }
0x8e0: {  	v46 =	vsub.f32 v59, v9;
	v59 =	vsub.f32 v0, v5;
	v0 =	vld [tilespmem:$0x1ED70];
	_ =	sdelay $0x4  }
0x8e1: {  	v0 =	vsub.f32 v0, v5  }
0x8e2: {  	v63 =	vmul.f32 v36, v1;
	v36 =	vld [tilespmem:$0x1FFC0]  }
0x8e3: {  	[tilespmem:$0x1EFF0] =	vst v0;
	v0 =	vsub.f32 v61, v5  }
0x8e4: {  	s21 =	smul.f32 s14, s14;
	s26 =	spop (v2sf)  }
0x8e5: {  	v58 =	vld [tilespmem:$0x1FFD0];
	s14 =	smul.f32 $7.812500000e-03, s26;
	[tilespmem:$0x1F000] =	vst v0;
	v0 =	vsub.f32 v41, v5  }
0x8e6: {  	v35 =	vld [tilespmem:$0x1FFF0];
	s28 =	spop (v2sf)  }
0x8e7: {  	s4 =	sadd.s32 $0x4, s4;
	v2 =	vld [tilespmem:$0x1ED00];
	v11 =	vadd.f32 v32, v36;
	s17 =	smul.f32 $7.812500000e-03, s28;
	s14 =	ssub.f32 s14, s22;
	[tilespmem:$0x1F010] =	vst v0;
	v0 =	vsub.f32 v16, v5  }
0x8e8: {  	p0 =	slt.u32 s4, $0x7C;
	v32 =	vld [tilespmem:$0x1FFE0];
	[tilespmem:s18+$0xFFFFFF90] =	vst v44;
	v44 =	vsub.f32 v51, v9;
	v45 =	vsub.f32 v39, v9  }
.Ltmp6:
0x8e9: {  	v42 =	vsub.f32 v26, v9;
	s29 =	ssub.f32 s17, s24;
	v1 =	vmov s14;
	[tilespmem:$0x1F030] =	vst v0;
	v0 =	vsub.f32 v22, v5;
	(pc) =	sbr.rel @p0 .LBB2_13-.Ltmp6, $4  }
0x8ea: {  	v28 =	vsub.f32 v29, v9;
	[tilespmem:s18+$0xFFFFFF80] =	vst v43;
	v43 =	vsub.f32 v20, v9;
	s31 =	spop (v2sf);
	v1 =	vmax.f32 v1, $0.0e+00  }
0x8eb: {  	s17 =	smul.f32 $7.812500000e-03, s31;
	v1 =	vadd.f32 $9.999999960e-13, v1;
	v9 =	vmov s29;
	[tilespmem:$0x1F040] =	vst v0;
	v0 =	vsub.f32 v14, v5  }
0x8ec: {  	[tilespmem:s18+$0xFFFFFFA0] =	vst v11;
	v2 =	vmul.f32 v2, v7;
	v7 =	vadd.f32 v31, v58;
	v9 =	vmax.f32 v9, $0.0e+00  }
0x8ed: {  	s5 =	sadd.s32 $0x4, s5;
	s2 =	smov.u32 s13;
	s14 =	ssub.f32 s17, s21;
	v5 =	vbroadcast v1, $0x0;
	v1 =	vadd.f32 v27, v35;
	[tilespmem:$0x1F050] =	vst v0;
	v0 =	vadd.f32 v34, v32  }
0x8ee: {  	[tilespmem:s18+$0xFFFFFFB0] =	vst v7  }
0x8ef: {  	v17 =	vadd.f32 v17, v37;
	v19 =	vld [tilespmem:$0x1FF80];
	[tilespmem:s18+$0xFFFFFFC0] =	vst v0  }
0x8f0: {  	v22 =	vadd.f32 v52, v36;
	[tilespmem:s18+$0xFFFFFFD0] =	vst v1  }
0x8f1: {  	v26 =	vadd.f32 v63, v32;
	v14 =	vld [tilespmem:$0x1FF90];
	[tilespmem:s18+$0x0] =	vst v17  }
0x8f2: {  	v13 =	vadd.f32 v21, v35;
	[tilespmem:s18+$0x20] =	vst v22  }
0x8f3: {  	v10 =	vadd.f32 v10, v37;
	v11 =	vshrl.u32 v5, $0x1;
	v57 =	vmul.f32 $5.000000000e-01, v5;
	[tilespmem:s18+$0x40] =	vst v26  }
0x8f4: {  	v39 =	vadd.f32 v60, v38;
	v11 =	vsub.s32 $0x5F3759DF, v11;
	[tilespmem:s18+$0x50] =	vst v13  }
0x8f5: {  	v41 =	vadd.f32 v8, v36;
	[tilespmem:s2+$0x80] =	vst v10;
	v5 =	vmul.f32 v11, v57  }
0x8f6: {  	v6 =	vadd.f32 v6, v58;
	[tilespmem:s2+$0x90] =	vst v39  }
0x8f7: {  	[tilespmem:s2+$0xA0] =	vst v41;
	v5 =	vmul.f32 v11, v5;
	v51 =	vadd.f32 v24, v19  }
0x8f8: {  	v9 =	vadd.f32 $9.999999960e-13, v9;
	v61 =	vmov s14;
	[tilespmem:s2+$0xB0] =	vst v6;
	v24 =	vadd.f32 v23, v58  }
0x8f9: {  	v0 =	vmax.f32 v61, $0.0e+00;
	v29 =	vadd.f32 v15, v19;
	v5 =	vsub.f32 $1.500000000e+00, v5;
	[tilespmem:s18+$0xFFFFFFE0] =	vst v51  }
0x8fa: {  	v0 =	vadd.f32 $9.999999960e-13, v0;
	v16 =	vadd.f32 v18, v14;
	[tilespmem:s18+$0x30] =	vst v24  }
0x8fb: {  	v9 =	vbroadcast v9, $0x0;
	v18 =	vadd.f32 v2, v38;
	[tilespmem:s18+$0x60] =	vst v29;
	v5 =	vmul.f32 v11, v5  }
0x8fc: {  	v3 =	vadd.f32 v3, v35;
	v0 =	vbroadcast v0, $0x0;
	v34 =	vadd.f32 v62, v14;
	[tilespmem:s18+$0xFFFFFFF0] =	vst v16  }
0x8fd: {  	v20 =	vshrl.u32 v9, $0x1;
	[tilespmem:s18+$0x10] =	vst v18;
	v51 =	vmul.f32 v5, v55;
	v55 =	vadd.f32 v4, v32  }
0x8fe: {  	v9 =	vmul.f32 $5.000000000e-01, v9;
	v12 =	vshrl.u32 v0, $0x1;
	v0 =	vmul.f32 $5.000000000e-01, v0;
	[tilespmem:s18+$0x70] =	vst v34  }
0x8ff: {  	v2 =	vsub.s32 $0x5F3759DF, v20;
	v31 =	vsub.s32 $0x5F3759DF, v12;
	v57 =	vld [tilespmem:$0x1FF00];
	[tilespmem:s2+$0xC0] =	vst v55  }
0x900: {  	v9 =	vmul.f32 v2, v9;
	v0 =	vmul.f32 v31, v0;
	v12 =	vld [tilespmem:$0x1FF10];
	[tilespmem:s2+$0xD0] =	vst v3  }
0x901: {  	v13 =	vld [tilespmem:$0x1FF20]  }
0x902: {  	v63 =	vadd.f32 v50, v19;
	v27 =	vmul.f32 v2, v9;
	v0 =	vmul.f32 v31, v0  }
0x903: {  	v52 =	vmul.f32 v5, v56;
	v54 =	vmul.f32 v5, v54  }
0x904: {  	v56 =	vmul.f32 v5, v53;
	v60 =	vmul.f32 v51, v57;
	v21 =	vld [tilespmem:$0x1FF30];
	[tilespmem:s2+$0xE0] =	vst v63  }
0x905: {  	v61 =	vmul.f32 v5, v40;
	v1 =	vsub.f32 $1.500000000e+00, v27;
	v10 =	vld [tilespmem:$0x1FF40];
	v62 =	vmul.f32 v52, v12  }
0x906: {  	v0 =	vsub.f32 $1.500000000e+00, v0;
	v6 =	vadd.f32 v60, v37;
	v18 =	vmul.f32 v54, v13  }
0x907: {  	v20 =	vmul.f32 v5, v25;
	v1 =	vmul.f32 v2, v1;
	v2 =	vadd.f32 v62, v38  }
0x908: {  	v22 =	vmul.f32 v5, v33;
	v0 =	vmul.f32 v31, v0;
	[tilespmem:s2+$0xFFFFFF00] =	vst v6;
	v3 =	vadd.f32 v18, v36  }
0x909: {  	v39 =	vmul.f32 v1, v46;
	v4 =	vmul.f32 v56, v21;
	v23 =	vld [tilespmem:$0x1FF50];
	[tilespmem:s2+$0xFFFFFF10] =	vst v2  }
0x90a: {  	v41 =	vmul.f32 v1, v44;
	v8 =	vmul.f32 v61, v10;
	v16 =	vld [tilespmem:$0x1FF60];
	[tilespmem:s2+$0xFFFFFF20] =	vst v3  }
0x90b: {  	v26 =	vmul.f32 v1, v49;
	v6 =	vmul.f32 v39, v13;
	v25 =	vadd.f32 v4, v58;
	v33 =	vld [tilespmem:$0x1FF70]  }
0x90c: {  	v31 =	vmul.f32 v1, v47;
	v7 =	vmul.f32 v41, v21;
	v29 =	vadd.f32 v8, v32  }
0x90d: {  	v4 =	vmul.f32 v26, v57;
	v51 =	vadd.f32 v6, v36;
	[tilespmem:s2+$0xFFFFFF30] =	vst v25  }
0x90e: {  	v5 =	vmul.f32 v5, v48;
	v52 =	vadd.f32 v7, v58;
	v8 =	vmul.f32 v31, v12;
	[tilespmem:s2+$0xFFFFFF40] =	vst v29  }
0x90f: {  	v46 =	vmul.f32 v1, v45;
	v47 =	vadd.f32 v4, v37;
	v24 =	vmul.f32 v20, v23;
	[tilespmem:s2+$0xFFFFFFA0] =	vst v51  }
0x910: {  	v49 =	vadd.f32 v8, v38;
	[tilespmem:s2+$0xFFFFFFB0] =	vst v52;
	v27 =	vmul.f32 v22, v16;
	v5 =	vmul.f32 v5, v33  }
0x911: {  	v48 =	vmul.f32 v1, v43;
	v50 =	vmul.f32 v1, v42;
	[tilespmem:s2+$0xFFFFFF80] =	vst v47;
	v34 =	vadd.f32 v24, v35  }
0x912: {  	[tilespmem:s2+$0xFFFFFF90] =	vst v49;
	v40 =	vadd.f32 v27, v19;
	v44 =	vadd.f32 v5, v14;
	v5 =	vmul.f32 v46, v10  }
0x913: {  	v1 =	vmul.f32 v1, v28;
	v4 =	vmul.f32 v48, v23;
	[tilespmem:s2+$0xFFFFFF50] =	vst v34  }
0x914: {  	v53 =	vmul.f32 v0, v30;
	v54 =	vmul.f32 v50, v16;
	[tilespmem:s2+$0xFFFFFF60] =	vst v40;
	v5 =	vadd.f32 v5, v32  }
0x915: {  	v4 =	vadd.f32 v4, v35;
	v1 =	vmul.f32 v1, v33;
	[tilespmem:s2+$0xFFFFFF70] =	vst v44  }
0x916: {  	v6 =	vmul.f32 v53, v57;
	v7 =	vadd.f32 v54, v19;
	v2 =	vld [tilespmem:$0x1EFF0];
	[tilespmem:s2+$0xFFFFFFC0] =	vst v5  }
0x917: {  	v1 =	vadd.f32 v1, v14;
	v5 =	vld [tilespmem:$0x1F000];
	[tilespmem:s2+$0xFFFFFFD0] =	vst v4  }
0x918: {  	v6 =	vadd.f32 v6, v37;
	v4 =	vld [tilespmem:$0x1F010];
	[tilespmem:s2+$0xFFFFFFE0] =	vst v7  }
0x919: {  	v7 =	vld [tilespmem:$0x1F030];
	[tilespmem:s2+$0xFFFFFFF0] =	vst v1  }
0x91a: {  	v55 =	vmul.f32 v0, v59;
	v57 =	vld [tilespmem:$0x1F040];
	[tilespmem:s2+$0x0] =	vst v6  }
0x91b: {  	v2 =	vmul.f32 v0, v2;
	v6 =	vld [tilespmem:$0x1F050]  }
0x91c: {  	v3 =	vmul.f32 v55, v12;
	v5 =	vmul.f32 v0, v5  }
0x91d: {  	v2 =	vmul.f32 v2, v13;
	v4 =	vmul.f32 v0, v4  }
0x91e: {  	v56 =	vadd.f32 v3, v38;
	v7 =	vmul.f32 v0, v7;
	v5 =	vmul.f32 v5, v21  }
0x91f: {  	v2 =	vadd.f32 v2, v36;
	v3 =	vmul.f32 v0, v57;
	v4 =	vmul.f32 v4, v10  }
0x920: {  	[tilespmem:s2+$0x10] =	vst v56;
	v0 =	vmul.f32 v0, v6;
	v59 =	vmul.f32 v7, v23;
	v60 =	vadd.f32 v5, v58  }
0x921: {  	s1 =	sadd.s32 $0x1, s1;
	[tilespmem:s2+$0x20] =	vst v2;
	v3 =	vmul.f32 v3, v16;
	v61 =	vadd.f32 v4, v32  }
0x922: {  	p0 =	sne.s32 s1, $0x20;
	v0 =	vmul.f32 v0, v33;
	v62 =	vadd.f32 v59, v35;
	[tilespmem:s2+$0x30] =	vst v60  }
.Ltmp7:
0x923: {  	[tilespmem:s2+$0x40] =	vst v61;
	v63 =	vadd.f32 v3, v19;
	(pc) =	sbr.rel @p0 .LBB2_2-.Ltmp7, $4  }
0x924: {  	s4 =	sshll.u32 s6, $0x14;
	[tilespmem:s2+$0x50] =	vst v62;
	v0 =	vadd.f32 v0, v14  }
0x925: {  	s4 =	sand.u32 $0x700000, s4;
	[tilespmem:s2+$0x60] =	vst v63  }
0x926: {  	s31 =	simm.s32 $0xC200;
	s23 =	simm.s32 $0x10300;
	s29 =	sadd.s32 s4, s8;
	[tilespmem:s2+$0x70] =	vst v0  }
0x927: {  	[hbm4b:s29+s30] =	stream.strided.scatter [tilespmem:s31], [sflag:$0x8], $0x4000, s16, s30, $0x38;
	[tilespmem:$0x10A00] =	vst v63  }
0x928: {  	s1 =	simm.s32 $0x5  }
0x929: {  	_ =	swait.ge [sflag:s1], $0x4000  }
0x92a: {  	[sflag:s1] =	ssyncset.done $0x0  }
0x92b: {  	s28 =	simm.s32 $0x6;
	[sflag:s1] =	ssyncadd.s32 $0xFFFFC000  }
0x92c: {  	_ =	swait.ge [sflag:s28], $0x4000  }
0x92d: {  	[sflag:s28] =	ssyncset.done $0x0  }
0x92e: {  	s29 =	simm.s32 $0x7;
	[sflag:s28] =	ssyncadd.s32 $0xFFFFC000  }
0x92f: {  	_ =	swait.ge [sflag:s29], $0x4000  }
0x930: {  	[sflag:s29] =	ssyncset.done $0x0  }
0x931: {  	s2 =	simm.s32 $0x8;
	[sflag:s29] =	ssyncadd.s32 $0xFFFFC000  }
0x932: {  	_ =	swait.ge [sflag:s2], $0x4000  }
0x933: {  	s4 =	rddreg [dreg:$0xf]  }
0x934: {  	s31 =	rddreg [dreg:$0xe];
	s4 =	sadd.s32 $0x1, s4  }
0x935: {  	p0 =	sne.s32 s4, s31  }
.Ltmp8:
0x936: {  	_ = 	snop;
	(pc) =	sbr.rel @p0 .LBB2_1-.Ltmp8, $3  }
0x937: {  	_ =	sdelay $0x1  }
0x938: {  	[sflag:s2] =	ssyncset.done $0x0  }
0x939: {  	[sflag:s2] =	ssyncadd.s32 $0xFFFFC000  }
0x93a: {  	_ =	sfence.sel $0x180000  }
0x93b: {  	[bflag:$0x0] =	sbarrier.arrive $0xFFFF  }
0x93c: {  	_ =	strace $0x90000047  }
0x93d: {  	s0 =	stileid.u32;
	[bflag:$0x2] =	sbarrier.arrive $0xFFFF  }
0x93e: {  	p0 =	sne.s32 s0, $0x0;
	s0 =	rddreg [dreg:$0x7]  }
0x93f: {  	s0 =	sadd.s32 @!p0 $0x100000, s0  }
0x940: {  	[sflag:s0] =	ssyncadd.tile.s32 @!p0 $0x1;
	_ =	shalt  }
.Lfunc_end2:
_tile_overlayer_lowered:
.L_overlay_start_2:
0x941: {  	(tag) =	ssettag $0x2  }
0x942: {  	s0 =	rddreg [dreg:$0x0];
	s2 =	stileid.u32  }
0x943: {  	s1 =	rddreg [dreg:$0x1];
	p0 =	sne.s32 s2, $0x0  }
0x944: {  	s3 =	rddreg [dreg:$0x2];
	[bflag:$0x3] =	sbarrier.arrive $0xFFFF;
	s2 =	simm.s32 @!p0 $0x1C15  }
0x945: {  	[timem:s3], [sflag:s2] =	dma.local @!p0 [hbm:s0], s1  }
0x946: {  	s0 =	simm.s32 @!p0 $0x15  }
0x947: {  	_ =	swait.ge @!p0 [sflag:s0], s1  }
0x948: {  	s1 =	ssub.s32 @!p0 $0x0, s1;
	[sflag:s0] =	ssyncset.done @!p0 $0x0  }
0x949: {  	[sflag:s0] =	ssyncadd.s32 @!p0 s1  }
0x94a: {  	[bflag:$0x3] =	sbarrier.arrive $0xFFFF  }
0x94b: {  	_ =	shalt  }

</sc_bundles>
